<compile_context>
chip_gen: v7x
topology: tpu7x:2x2x1
jax: 0.10.2.dev20260603
libtpu: 0.0.44.dev20260713+nightly
codegen_flags: <defaults>
</compile_context>

<pallas_src>
import numpy as np
import jax
import jax.numpy as jnp
from jax import lax
from jax.experimental import pallas as pl
from jax.experimental.pallas import tpu as pltpu
from jax.experimental.pallas import tpu_sc as plsc

_N_NODES = 10000
_N_EDGES = 320000
_NU = 64
_NB = 16

_NC = 2
_NS = 16
_NW = _NC * _NS
_CHUNK = 256
_NCHUNKS = _N_EDGES // _CHUNK
_NT_HI = (_NCHUNKS + _NW - 1) // _NW
_NT_LO = _NCHUNKS // _NW
_NREM = _NCHUNKS - _NT_LO * _NW
_N_PAD = 10240
_ROWS_PER_TILE = _N_PAD // _NS

_BLK = 1000
_GRID = _N_NODES // _BLK

_SGN = np.ones((1, 64), np.float32)
for _i in range(16):
    _SGN[0, 3 * _i + 1] = -1.0
_MASK = np.zeros((1, 64), np.float32)
_MASK[0, 48:] = -1e30
_G = np.zeros((64, 64), np.float32)
for _i in range(16):
    _G[3 * _i:3 * _i + 3, 3 * _i:3 * _i + 3] = 1.0
_ESELN = np.zeros((64, 32), np.float32)
_OSEL = np.zeros((64, 32), np.float32)
_PE = np.zeros((32, 64), np.float32)
_PO = np.zeros((32, 64), np.float32)
_PADW = np.zeros((16, 128), np.float32)
for _j in range(16):
    _PADW[_j, _j] = 1.0
for _j in range(32):
    _ESELN[2 * _j, _j] = -1.0
    _OSEL[2 * _j + 1, _j] = 1.0
    _PE[_j, 2 * _j] = 1.0
    _PO[_j, 2 * _j + 1] = 1.0


def _unary_body(x_ref, w_ref, sgn_ref, msk_ref, g_ref, en_ref, os_ref,
                u_ref, a_ref, b_ref):
    x = x_ref[...]
    cm = x * sgn_ref[...] + msk_ref[...]
    m = jnp.max(cm, axis=1, keepdims=True)
    e = jnp.exp(cm - m)
    s = jnp.dot(e, g_ref[...], preferred_element_type=jnp.float32)
    r = e / (s + 1e-30)
    u = x + sgn_ref[...] * r * w_ref[...]
    u_ref[...] = u
    a_ref[...] = jnp.exp(jnp.dot(u, en_ref[...], preferred_element_type=jnp.float32))
    b_ref[...] = jnp.exp(jnp.dot(u, os_ref[...], preferred_element_type=jnp.float32))


def _stage_a(unary, wcol):
    const_spec = lambda shape: pl.BlockSpec(shape, lambda i: (0, 0))
    return pl.pallas_call(
        _unary_body,
        grid=(_GRID,),
        in_specs=[
            pl.BlockSpec((_BLK, 64), lambda i: (i, 0)),
            const_spec((1, 64)), const_spec((1, 64)), const_spec((1, 64)),
            const_spec((64, 64)), const_spec((64, 32)), const_spec((64, 32)),
        ],
        out_specs=[
            pl.BlockSpec((_BLK, 64), lambda i: (i, 0)),
            pl.BlockSpec((_BLK, 32), lambda i: (i, 0)),
            pl.BlockSpec((_BLK, 32), lambda i: (i, 0)),
        ],
        out_shape=[
            jax.ShapeDtypeStruct((_N_NODES, 64), jnp.float32),
            jax.ShapeDtypeStruct((_N_NODES, 32), jnp.float32),
            jax.ShapeDtypeStruct((_N_NODES, 32), jnp.float32),
        ],
    )(unary, wcol, jnp.asarray(_SGN), jnp.asarray(_MASK), jnp.asarray(_G),
      jnp.asarray(_ESELN), jnp.asarray(_OSEL))


def _sc_body(a_hbm, b_hbm, bin_hbm, i1_hbm, i2_hbm, w_hbm,
             acce_hbm, acco_hbm, bout_hbm,
             i1_v, i2_v, i1all, i2all, ga, gb, bin_v, w_v, zbuf,
             acce_s, acco_s,
             sga, sgb, sbi, sca, scb, sbo):
    cid = lax.axis_index("c")
    sid = lax.axis_index("s")
    wid = sid * _NC + cid

    zeros16 = jnp.zeros((16,), jnp.float32)

    def zrow(i, _):
        zbuf[i, 0:16] = zeros16
        zbuf[i, 16:32] = zeros16
        return 0

    lax.fori_loop(0, _ROWS_PER_TILE, zrow, 0)
    pltpu.sync_copy(zbuf, acce_s.at[pl.ds(sid * _ROWS_PER_TILE, _ROWS_PER_TILE)])
    pltpu.sync_copy(zbuf, acco_s.at[pl.ds(sid * _ROWS_PER_TILE, _ROWS_PER_TILE)])
    pltpu.sync_copy(w_hbm, w_v)
    plsc.subcore_barrier()

    wlo = w_v[0:16]
    whi = w_v[16:32]

    n_t = jnp.where(wid < _NREM, _NT_HI, _NT_LO)
    start = jnp.where(wid < _NREM, _NT_HI * wid, _NT_LO * wid + _NREM)
    roff = jnp.where(wid < _NREM, 0, 1)
    pltpu.sync_copy(i1_hbm.at[pl.ds((start - roff) * _CHUNK, _NT_HI * _CHUNK)], i1all)
    pltpu.sync_copy(i2_hbm.at[pl.ds((start - roff) * _CHUNK, _NT_HI * _CHUNK)], i2all)

    def chunk_base(t):
        return (start + t) * _CHUNK

    def inputs_start(t, b):
        base = chunk_base(t)
        off = (roff + t) * _CHUNK
        for h in range(2):
            for k in range(8):
                i1_v[b, h, k * 16:(k + 1) * 16] = i1all[pl.ds(off + h * 128 + k * 16, 16)]
                i2_v[b, h, k * 16:(k + 1) * 16] = i2all[pl.ds(off + h * 128 + k * 16, 16)]
        for h in range(2):
            pltpu.async_copy(a_hbm.at[i1_v.at[b, h]], ga.at[b, pl.ds(h * 128, 128)],
                             sga.at[b])
            pltpu.async_copy(b_hbm.at[i2_v.at[b, h]], gb.at[b, pl.ds(h * 128, 128)],
                             sgb.at[b])
        pltpu.async_copy(bin_hbm.at[pl.ds(base, _CHUNK), pl.ds(0, 16)],
                         bin_v.at[b], sbi.at[b])

    def inputs_wait(b):
        for h in range(2):
            pltpu.make_async_copy(a_hbm.at[i1_v.at[b, h]],
                                  ga.at[b, pl.ds(h * 128, 128)], sga.at[b]).wait()
            pltpu.make_async_copy(b_hbm.at[i2_v.at[b, h]],
                                  gb.at[b, pl.ds(h * 128, 128)], sgb.at[b]).wait()
        pltpu.make_async_copy(bin_hbm.at[pl.ds(0, _CHUNK), pl.ds(0, 16)],
                              bin_v.at[b], sbi.at[b]).wait()

    def outputs_start(t, b):
        base = chunk_base(t)
        for h in range(2):
            pltpu.async_copy(ga.at[b, pl.ds(h * 128, 128)],
                             acce_s.at[i1_v.at[b, h]], sca.at[b], add=True)
            pltpu.async_copy(gb.at[b, pl.ds(h * 128, 128)],
                             acco_s.at[i2_v.at[b, h]], scb.at[b], add=True)
        pltpu.async_copy(bin_v.at[b], bout_hbm.at[pl.ds(base, _CHUNK), pl.ds(0, 16)],
                         sbo.at[b])

    def outputs_wait(b):
        for h in range(2):
            pltpu.make_async_copy(ga.at[b, pl.ds(h * 128, 128)],
                                  acce_s.at[i1_v.at[b, h]], sca.at[b]).wait()
            pltpu.make_async_copy(gb.at[b, pl.ds(h * 128, 128)],
                                  acco_s.at[i2_v.at[b, h]], scb.at[b]).wait()
        pltpu.make_async_copy(bin_v.at[b], bout_hbm.at[pl.ds(0, _CHUNK), pl.ds(0, 16)],
                              sbo.at[b]).wait()

    inputs_start(0, 0)

    def chunk(t, _):
        b = t & 1
        nb = 1 - b
        have_next = (t + 1) < n_t

        @pl.when((t >= 1) & have_next)
        def _():
            outputs_wait(nb)

        @pl.when(have_next)
        def _():
            inputs_start(t + 1, nb)

        inputs_wait(b)

        @plsc.parallel_loop(0, _CHUNK, 1, unroll=4)
        def edge(ei):
            ea0 = ga[b, ei, 0:16]
            ea1 = ga[b, ei, 16:32]
            eb0 = gb[b, ei, 0:16]
            eb1 = gb[b, ei, 16:32]
            c = bin_v[b, ei, 0:16]
            ec = jnp.exp(c)
            inv0 = 1.0 / (ea0 + eb0 + ec)
            inv1 = 1.0 / (ea1 + eb1 + ec)
            ga[b, ei, 0:16] = -(wlo * ea0) * inv0
            ga[b, ei, 16:32] = -(whi * ea1) * inv1
            gb[b, ei, 0:16] = (wlo * eb0) * inv0
            gb[b, ei, 16:32] = (whi * eb1) * inv1
            bin_v[b, ei, 0:16] = c + (wlo * ec) * inv0 + (whi * ec) * inv1

        outputs_start(t, b)
        return 0

    lax.fori_loop(0, n_t, chunk, 0)
    outputs_wait(0)
    outputs_wait(1)
    plsc.subcore_barrier()

    rbase = sid * _ROWS_PER_TILE
    obase = cid * _N_PAD + sid * _ROWS_PER_TILE
    pltpu.sync_copy(acce_s.at[pl.ds(rbase, _ROWS_PER_TILE)],
                    acce_hbm.at[pl.ds(obase, _ROWS_PER_TILE)])
    pltpu.sync_copy(acco_s.at[pl.ds(rbase, _ROWS_PER_TILE)],
                    acco_hbm.at[pl.ds(obase, _ROWS_PER_TILE)])


def _stage_b(a_tab, b_tab, binary, index1, index2, bcw):
    mesh = plsc.VectorSubcoreMesh(core_axis_name="c", subcore_axis_name="s",
                                  num_cores=_NC, num_subcores=_NS)
    fn = pl.kernel(
        _sc_body,
        out_type=(
            jax.ShapeDtypeStruct((_NC * _N_PAD, 32), jnp.float32),
            jax.ShapeDtypeStruct((_NC * _N_PAD, 32), jnp.float32),
            jax.ShapeDtypeStruct((_N_EDGES, 128), jnp.float32),
        ),
        mesh=mesh,
        compiler_params=pltpu.CompilerParams(use_tc_tiling_on_sc=False),
        scratch_types=[
            pltpu.VMEM((2, 2, 128), jnp.int32),
            pltpu.VMEM((2, 2, 128), jnp.int32),
            pltpu.VMEM((_NT_HI * _CHUNK,), jnp.int32),
            pltpu.VMEM((_NT_HI * _CHUNK,), jnp.int32),
            pltpu.VMEM((2, _CHUNK, 32), jnp.float32),
            pltpu.VMEM((2, _CHUNK, 32), jnp.float32),
            pltpu.VMEM((2, _CHUNK, 16), jnp.float32),
            pltpu.VMEM((32,), jnp.float32),
            pltpu.VMEM((_ROWS_PER_TILE, 32), jnp.float32),
            pltpu.VMEM_SHARED((_N_PAD, 32), jnp.float32),
            pltpu.VMEM_SHARED((_N_PAD, 32), jnp.float32),
            pltpu.SemaphoreType.DMA((2,)),
            pltpu.SemaphoreType.DMA((2,)),
            pltpu.SemaphoreType.DMA((2,)),
            pltpu.SemaphoreType.DMA((2,)),
            pltpu.SemaphoreType.DMA((2,)),
            pltpu.SemaphoreType.DMA((2,)),
        ],
    )
    return fn(a_tab, b_tab, binary, index1, index2, bcw)


def _final_body(u_ref, e0_ref, e1_ref, o0_ref, o1_ref, pe_ref, po_ref, out_ref):
    es = e0_ref[...] + e1_ref[...]
    osum = o0_ref[...] + o1_ref[...]
    out_ref[...] = (u_ref[...]
                    + jnp.dot(es, pe_ref[...], preferred_element_type=jnp.float32)
                    + jnp.dot(osum, po_ref[...], preferred_element_type=jnp.float32))


def _stage_c(u, acce, acco):
    spec32 = pl.BlockSpec((_BLK, 32), lambda i: (i, 0))
    const_spec = pl.BlockSpec((32, 64), lambda i: (0, 0))
    e0, e1 = acce[0:_N_NODES], acce[_N_PAD:_N_PAD + _N_NODES]
    o0, o1 = acco[0:_N_NODES], acco[_N_PAD:_N_PAD + _N_NODES]
    return pl.pallas_call(
        _final_body,
        grid=(_GRID,),
        in_specs=[pl.BlockSpec((_BLK, 64), lambda i: (i, 0)),
                  spec32, spec32, spec32, spec32, const_spec, const_spec],
        out_specs=pl.BlockSpec((_BLK, 64), lambda i: (i, 0)),
        out_shape=jax.ShapeDtypeStruct((_N_NODES, 64), jnp.float32),
    )(u, e0, e1, o0, o1, jnp.asarray(_PE), jnp.asarray(_PO))


def kernel(unary, binary, index1, index2, unary_clause_weights, binary_clause_weights):
    wcol = jnp.concatenate([jnp.repeat(unary_clause_weights, 3),
                            jnp.zeros((16,), jnp.float32)]).reshape(1, 64)
    u, a_tab, b_tab = _stage_a(unary, wcol)
    binp = jnp.dot(binary, jnp.asarray(_PADW), preferred_element_type=jnp.float32)
    acce, acco, boutp = _stage_b(a_tab, b_tab, binp, index1, index2,
                                 binary_clause_weights)
    out1 = _stage_c(u, acce, acco)
    out2 = boutp[:, 0:_NB]
    return (out1, out2)

# --- scband reference (transcript-rebuilt; emitter-appended) ---
"""Pipeline reference for scband-relational-kenn-10041633538584 (READ-ONLY COPY).

The authoritative reference and input builder live on the scoring server;
editing this copy changes nothing except your own understanding.
"""

import jax, jax.numpy as jnp
import numpy as np

N_NODES = 10000
N_EDGES = 320000
N_UNARY = 64
N_BINARY = 16

UNARY_PREDS = ["U%d" % i for i in range(N_UNARY)]
BINARY_PREDS = (["U%dx" % i for i in range(N_UNARY)]
                + ["U%dy" % i for i in range(N_UNARY)]
                + ["B%d" % i for i in range(N_BINARY)])
UNARY_CLAUSES = ["_:U%d,nU%d,U%d" % (3 * i, 3 * i + 1, 3 * i + 2) for i in range(16)]
BINARY_CLAUSES = ["_:nU%dx,U%dy,B%d" % (2 * i, 2 * i + 1, i % 16) for i in range(32)]
INITIAL_CLAUSE_WEIGHT = 0.5


def parse_clauses(clauses, predicates):
    pred_to_idx = {p: j for j, p in enumerate(predicates)}
    idx_list, sign_list = [], []
    for c in clauses:
        body = c.split(':')[1]
        idxs, signs = [], []
        for lit in body.split(','):
            if lit.startswith('n'):
                signs.append(-1.0)
                idxs.append(pred_to_idx[lit[1:]])
            else:
                signs.append(1.0)
                idxs.append(pred_to_idx[lit])
        idx_list.append(np.array(idxs, dtype=np.int32))
        sign_list.append(np.array(signs, dtype=np.float32))
    return idx_list, sign_list


U_IDX, U_SIGNS = parse_clauses(UNARY_CLAUSES, UNARY_PREDS)
B_IDX, B_SIGNS = parse_clauses(BINARY_CLAUSES, BINARY_PREDS)


def knowledge_enhancer(ground_atoms, idx_list, sign_list, clause_weights):
    # KENN ClauseEnhancer with t-conorm boost: delta = w * signs * softmax(signs * gathered)
    deltas = jnp.zeros_like(ground_atoms)
    for ci in range(len(idx_list)):
        idx = idx_list[ci]
        signs = jnp.asarray(sign_list[ci])
        clause_matrix = ground_atoms[:, idx] * signs
        delta = signs * jax.nn.softmax(clause_matrix, axis=1) * clause_weights[ci]
        deltas = deltas.at[:, idx].add(delta)
    return deltas


def setup_inputs(seed: int = 0):
    key = jax.random.key(seed)
    k1, k2, k3, k4 = jax.random.split(key, 4)
    unary = jax.random.normal(k1, (N_NODES, N_UNARY), dtype=jnp.float32)
    binary = jax.random.normal(k2, (N_EDGES, N_BINARY), dtype=jnp.float32)
    index1 = jax.random.randint(k3, (N_EDGES,), 0, N_NODES, dtype=jnp.int32)
    index2 = jax.random.randint(k4, (N_EDGES,), 0, N_NODES, dtype=jnp.int32)
    unary_clause_weights = jnp.full((len(UNARY_CLAUSES),), INITIAL_CLAUSE_WEIGHT, dtype=jnp.float32)
    binary_clause_weights = jnp.full((len(BINARY_CLAUSES),), INITIAL_CLAUSE_WEIGHT, dtype=jnp.float32)
    return {"unary": unary, "binary": binary, "index1": index1, "index2": index2,
            "unary_clause_weights": unary_clause_weights,
            "binary_clause_weights": binary_clause_weights}


def reference(unary, binary, index1, index2, unary_clause_weights, binary_clause_weights):
    # unary KE
    du = knowledge_enhancer(unary, U_IDX, U_SIGNS, unary_clause_weights)
    u = unary + du
    # Join: [u[index1], u[index2], binary]
    joined = jnp.concatenate([u[index1], u[index2], binary], axis=1)
    # binary KE on joined matrix
    deltas = knowledge_enhancer(joined, B_IDX, B_SIGNS, binary_clause_weights)
    # GroupBy: split and scatter-add back to nodes
    delta1 = deltas[:, :N_UNARY]
    delta2 = deltas[:, N_UNARY:2 * N_UNARY]
    delta_bp = deltas[:, 2 * N_UNARY:]
    delta_up = (jnp.zeros_like(u).at[index1].add(delta1)
                + jnp.zeros_like(u).at[index2].add(delta2))
    # implication clauses empty; activation = identity
    return (u + delta_up, binary + delta_bp)

if __name__ == "__main__":
    import jax
    _d = setup_inputs()
    print(jax.jit(kernel)(*tuple(_d.values())))

</pallas_src>

<mosaic_0001>
#map = affine_map<(d0, d1) -> (0, 0)>
#map1 = affine_map<(d0, d1) -> (0)>
module attributes {stable_mosaic.version = 14 : i64} {
  func.func @_sc_body(%arg0: i32, %arg1: i32, %arg2: memref<10000x32xf32, #tpu.memory_space<hbm>>, %arg3: memref<10000x32xf32, #tpu.memory_space<hbm>>, %arg4: memref<320000x128xf32, #tpu.memory_space<hbm>>, %arg5: memref<320000xi32, #tpu.memory_space<hbm>>, %arg6: memref<320000xi32, #tpu.memory_space<hbm>>, %arg7: memref<32xf32, #tpu.memory_space<hbm>>, %arg8: memref<20480x32xf32, #tpu.memory_space<hbm>>, %arg9: memref<20480x32xf32, #tpu.memory_space<hbm>>, %arg10: memref<320000x128xf32, #tpu.memory_space<hbm>>, %arg11: memref<2x2x128xi32, #tpu.memory_space<vmem>>, %arg12: memref<2x2x128xi32, #tpu.memory_space<vmem>>, %arg13: memref<10240xi32, #tpu.memory_space<vmem>>, %arg14: memref<10240xi32, #tpu.memory_space<vmem>>, %arg15: memref<2x256x32xf32, #tpu.memory_space<vmem>>, %arg16: memref<2x256x32xf32, #tpu.memory_space<vmem>>, %arg17: memref<2x256x16xf32, #tpu.memory_space<vmem>>, %arg18: memref<32xf32, #tpu.memory_space<vmem>>, %arg19: memref<640x32xf32, #tpu.memory_space<vmem>>, %arg20: memref<10240x32xf32, #tpu.memory_space<vmem_shared>>, %arg21: memref<10240x32xf32, #tpu.memory_space<vmem_shared>>, %arg22: memref<2x!tpu.dma_semaphore, #tpu.memory_space<semaphore_mem>>, %arg23: memref<2x!tpu.dma_semaphore, #tpu.memory_space<semaphore_mem>>, %arg24: memref<2x!tpu.dma_semaphore, #tpu.memory_space<semaphore_mem>>, %arg25: memref<2x!tpu.dma_semaphore, #tpu.memory_space<semaphore_mem>>, %arg26: memref<2x!tpu.dma_semaphore, #tpu.memory_space<semaphore_mem>>, %arg27: memref<2x!tpu.dma_semaphore, #tpu.memory_space<semaphore_mem>>) attributes {dimension_semantics = [#tpu.dimension_semantics<core_parallel>, #tpu.dimension_semantics<subcore_parallel>], iteration_bounds = array<i64: 2, 16>, scalar_prefetch = 0 : i64, scratch_operands = 17 : i64, tpu.core_type = #tpu.core_type<sc_vector_subcore>, window_params = [{transform_indices = #map}, {transform_indices = #map}, {transform_indices = #map}, {transform_indices = #map1}, {transform_indices = #map1}, {transform_indices = #map1}, {transform_indices = #map}, {transform_indices = #map}, {transform_indices = #map}]} {
    %mul3A = arith.constant 2 : i32
    %mul3A_0 = arith.muli %arg1, %mul3A : i32
    %add3A = arith.addi %mul3A_0, %arg0 : i32
    %broadcast_in_dim3A = arith.constant 0.000000e+00 : f32
    %broadcast_in_dim3A_1 = vector.broadcast %broadcast_in_dim3A : f32 to vector<16xf32>
    %scan3A = arith.constant 0 : i32
    %scan3A_2 = arith.constant 0 : i32
    %scan3A_3 = arith.constant 640 : i32
    %scan3A_4 = arith.addi %scan3A_2, %scan3A_3 : i32
    %scan3A_5 = arith.constant 1 : i32
    %scan3A_6 = scf.for %scan3A_786 = %scan3A_2 to %scan3A_4 step %scan3A_5 iter_args(%scan3A_787 = %scan3A) -> (i32)  : i32 {
      %swap3A_788 = arith.index_cast %scan3A_786 : i32 to index
      %swap3A_789 = arith.constant 0 : index
      %swap3A_790 = tpu.vector_load %arg19[%swap3A_788, %swap3A_789] {strides = array<i32>} : memref<640x32xf32, #tpu.memory_space<vmem>>, vector<1x16xf32>,
      %swap3A_791 = vector.shape_cast %swap3A_790 : vector<1x16xf32> to vector<16xf32>
      %swap3A_792 = vector.shape_cast %broadcast_in_dim3A_1 : vector<16xf32> to vector<1x16xf32>
      tpu.vector_store %arg19[%swap3A_788, %swap3A_789], %swap3A_792 {strides = array<i32>} : memref<640x32xf32, #tpu.memory_space<vmem>>, vector<1x16xf32>,
      %swap3A_793 = arith.index_cast %scan3A_786 : i32 to index
      %swap3A_794 = arith.constant 16 : index
      %swap3A_795 = tpu.vector_load %arg19[%swap3A_793, %swap3A_794] {strides = array<i32>} : memref<640x32xf32, #tpu.memory_space<vmem>>, vector<1x16xf32>,
      %swap3A_796 = vector.shape_cast %swap3A_795 : vector<1x16xf32> to vector<16xf32>
      %swap3A_797 = vector.shape_cast %broadcast_in_dim3A_1 : vector<16xf32> to vector<1x16xf32>
      tpu.vector_store %arg19[%swap3A_793, %swap3A_794], %swap3A_797 {strides = array<i32>} : memref<640x32xf32, #tpu.memory_space<vmem>>, vector<1x16xf32>,
      %scan3A_798 = arith.constant 0 : i32
      scf.yield %scan3A_798 : i32
    }
    %scan3A_7 = arith.constant 640 : i32
    %mul3A_8 = arith.constant 640 : i32
    %mul3A_9 = arith.muli %arg1, %mul3A_8 : i32
    "tpu.region"() ({
      %run_scoped3A = tpu.sem_alloc : memref<!tpu.dma_semaphore, #tpu.memory_space<semaphore_mem>>
      %dma_start3A_786 = arith.constant 0 : i32
      %dma_start3A_787 = tpu.memref_slice %arg20[%mul3A_9, %dma_start3A_786] : memref<10240x32xf32, #tpu.memory_space<vmem_shared>> -> memref<640x32xf32, #tpu.memory_space<vmem_shared>>
      %dma_start3A_788 = arith.constant 0 : i32
      %dma_start3A_789 = tpu.memref_slice %arg20[%mul3A_9, %dma_start3A_788] : memref<10240x32xf32, #tpu.memory_space<vmem_shared>> -> memref<640x32xf32, #tpu.memory_space<vmem_shared>>
      tpu.enqueue_dma source(%arg19 : memref<640x32xf32, #tpu.memory_space<vmem>>) target(%dma_start3A_789 : memref<640x32xf32, #tpu.memory_space<vmem_shared>>) target_semaphore(%run_scoped3A : memref<!tpu.dma_semaphore, #tpu.memory_space<semaphore_mem>>)
      %dma_wait3A_790 = arith.constant 0 : i32
      %dma_wait3A_791 = tpu.memref_slice %arg20[%mul3A_9, %dma_wait3A_790] : memref<10240x32xf32, #tpu.memory_space<vmem_shared>> -> memref<640x32xf32, #tpu.memory_space<vmem_shared>>
      %dma_wait3A_792 = arith.constant 0 : i32
      %dma_wait3A_793 = tpu.memref_slice %arg20[%mul3A_9, %dma_wait3A_792] : memref<10240x32xf32, #tpu.memory_space<vmem_shared>> -> memref<640x32xf32, #tpu.memory_space<vmem_shared>>
      tpu.wait_dma2 semaphore(%run_scoped3A : memref<!tpu.dma_semaphore, #tpu.memory_space<semaphore_mem>>) src(%arg19 : memref<640x32xf32, #tpu.memory_space<vmem>>) dst(%dma_wait3A_793 : memref<640x32xf32, #tpu.memory_space<vmem_shared>>)
      tpu.yield
    }) : () -> ()
    %mul3A_10 = arith.constant 640 : i32
    %mul3A_11 = arith.muli %arg1, %mul3A_10 : i32
    "tpu.region"() ({
      %run_scoped3A = tpu.sem_alloc : memref<!tpu.dma_semaphore, #tpu.memory_space<semaphore_mem>>
      %dma_start3A_786 = arith.constant 0 : i32
      %dma_start3A_787 = tpu.memref_slice %arg21[%mul3A_11, %dma_start3A_786] : memref<10240x32xf32, #tpu.memory_space<vmem_shared>> -> memref<640x32xf32, #tpu.memory_space<vmem_shared>>
      %dma_start3A_788 = arith.constant 0 : i32
      %dma_start3A_789 = tpu.memref_slice %arg21[%mul3A_11, %dma_start3A_788] : memref<10240x32xf32, #tpu.memory_space<vmem_shared>> -> memref<640x32xf32, #tpu.memory_space<vmem_shared>>
      tpu.enqueue_dma source(%arg19 : memref<640x32xf32, #tpu.memory_space<vmem>>) target(%dma_start3A_789 : memref<640x32xf32, #tpu.memory_space<vmem_shared>>) target_semaphore(%run_scoped3A : memref<!tpu.dma_semaphore, #tpu.memory_space<semaphore_mem>>)
      %dma_wait3A_790 = arith.constant 0 : i32
      %dma_wait3A_791 = tpu.memref_slice %arg21[%mul3A_11, %dma_wait3A_790] : memref<10240x32xf32, #tpu.memory_space<vmem_shared>> -> memref<640x32xf32, #tpu.memory_space<vmem_shared>>
      %dma_wait3A_792 = arith.constant 0 : i32
      %dma_wait3A_793 = tpu.memref_slice %arg21[%mul3A_11, %dma_wait3A_792] : memref<10240x32xf32, #tpu.memory_space<vmem_shared>> -> memref<640x32xf32, #tpu.memory_space<vmem_shared>>
      tpu.wait_dma2 semaphore(%run_scoped3A : memref<!tpu.dma_semaphore, #tpu.memory_space<semaphore_mem>>) src(%arg19 : memref<640x32xf32, #tpu.memory_space<vmem>>) dst(%dma_wait3A_793 : memref<640x32xf32, #tpu.memory_space<vmem_shared>>)
      tpu.yield
    }) : () -> ()
    "tpu.region"() ({
      %run_scoped3A = tpu.sem_alloc : memref<!tpu.dma_semaphore, #tpu.memory_space<semaphore_mem>>
      tpu.enqueue_dma source(%arg7 : memref<32xf32, #tpu.memory_space<hbm>>) target(%arg18 : memref<32xf32, #tpu.memory_space<vmem>>) target_semaphore(%run_scoped3A : memref<!tpu.dma_semaphore, #tpu.memory_space<semaphore_mem>>)
      tpu.wait_dma2 semaphore(%run_scoped3A : memref<!tpu.dma_semaphore, #tpu.memory_space<semaphore_mem>>) src(%arg7 : memref<32xf32, #tpu.memory_space<hbm>>) dst(%arg18 : memref<32xf32, #tpu.memory_space<vmem>>)
      tpu.yield
    }) : () -> ()
    %barrier3A = arith.constant 0 : index
    tpu.barrier barrier_id(%barrier3A)
    %get3A = arith.constant 0 : index
    %get3A_12 = tpu.vector_load %arg18[%get3A] {strides = array<i32>} : memref<32xf32, #tpu.memory_space<vmem>>, vector<16xf32>,
    %get3A_13 = vector.shape_cast %get3A_12 : vector<16xf32> to vector<16xf32>
    %get3A_14 = arith.constant 16 : index
    %get3A_15 = tpu.vector_load %arg18[%get3A_14] {strides = array<i32>} : memref<32xf32, #tpu.memory_space<vmem>>, vector<16xf32>,
    %get3A_16 = vector.shape_cast %get3A_15 : vector<16xf32> to vector<16xf32>
    %lt3A = arith.constant 2 : i32
    %lt3A_17 = arith.cmpi slt, %add3A, %lt3A : i32
    %jit3A = arith.constant 40 : i32
    %jit3A_18 = arith.constant 39 : i32
    %select_n3A = arith.select %lt3A_17, %jit3A, %jit3A_18 : i32
    %lt3A_19 = arith.constant 2 : i32
    %lt3A_20 = arith.cmpi slt, %add3A, %lt3A_19 : i32
    %mul3A_21 = arith.constant 40 : i32
    %mul3A_22 = arith.muli %mul3A_21, %add3A : i32
    %mul3A_23 = arith.constant 39 : i32
    %mul3A_24 = arith.muli %mul3A_23, %add3A : i32
    %add3A_25 = arith.constant 2 : i32
    %add3A_26 = arith.addi %mul3A_24, %add3A_25 : i32
    %select_n3A_27 = arith.select %lt3A_20, %mul3A_22, %add3A_26 : i32
    %lt3A_28 = arith.constant 2 : i32
    %lt3A_29 = arith.cmpi slt, %add3A, %lt3A_28 : i32
    %jit3A_30 = arith.constant 0 : i32
    %jit3A_31 = arith.constant 1 : i32
    %select_n3A_32 = arith.select %lt3A_29, %jit3A_30, %jit3A_31 : i32
    %sub3A = arith.subi %select_n3A_27, %select_n3A_32 : i32
    %mul3A_33 = arith.constant 256 : i32
    %mul3A_34 = arith.muli %sub3A, %mul3A_33 : i32
    "tpu.region"() ({
      %run_scoped3A = tpu.sem_alloc : memref<!tpu.dma_semaphore, #tpu.memory_space<semaphore_mem>>
      %dma_start3A_786 = tpu.memref_slice %arg5[%mul3A_34] : memref<320000xi32, #tpu.memory_space<hbm>> -> memref<10240xi32, #tpu.memory_space<hbm>>
      %dma_start3A_787 = tpu.memref_slice %arg5[%mul3A_34] : memref<320000xi32, #tpu.memory_space<hbm>> -> memref<10240xi32, #tpu.memory_space<hbm>>
      tpu.enqueue_dma source(%dma_start3A_787 : memref<10240xi32, #tpu.memory_space<hbm>>) target(%arg13 : memref<10240xi32, #tpu.memory_space<vmem>>) target_semaphore(%run_scoped3A : memref<!tpu.dma_semaphore, #tpu.memory_space<semaphore_mem>>)
      %dma_wait3A_788 = tpu.memref_slice %arg5[%mul3A_34] : memref<320000xi32, #tpu.memory_space<hbm>> -> memref<10240xi32, #tpu.memory_space<hbm>>
      %dma_wait3A_789 = tpu.memref_slice %arg5[%mul3A_34] : memref<320000xi32, #tpu.memory_space<hbm>> -> memref<10240xi32, #tpu.memory_space<hbm>>
      tpu.wait_dma2 semaphore(%run_scoped3A : memref<!tpu.dma_semaphore, #tpu.memory_space<semaphore_mem>>) src(%dma_wait3A_789 : memref<10240xi32, #tpu.memory_space<hbm>>) dst(%arg13 : memref<10240xi32, #tpu.memory_space<vmem>>)
      tpu.yield
    }) : () -> ()
    %sub3A_35 = arith.subi %select_n3A_27, %select_n3A_32 : i32
    %mul3A_36 = arith.constant 256 : i32
    %mul3A_37 = arith.muli %sub3A_35, %mul3A_36 : i32
    "tpu.region"() ({
      %run_scoped3A = tpu.sem_alloc : memref<!tpu.dma_semaphore, #tpu.memory_space<semaphore_mem>>
      %dma_start3A_786 = tpu.memref_slice %arg6[%mul3A_37] : memref<320000xi32, #tpu.memory_space<hbm>> -> memref<10240xi32, #tpu.memory_space<hbm>>
      %dma_start3A_787 = tpu.memref_slice %arg6[%mul3A_37] : memref<320000xi32, #tpu.memory_space<hbm>> -> memref<10240xi32, #tpu.memory_space<hbm>>
      tpu.enqueue_dma source(%dma_start3A_787 : memref<10240xi32, #tpu.memory_space<hbm>>) target(%arg14 : memref<10240xi32, #tpu.memory_space<vmem>>) target_semaphore(%run_scoped3A : memref<!tpu.dma_semaphore, #tpu.memory_space<semaphore_mem>>)
      %dma_wait3A_788 = tpu.memref_slice %arg6[%mul3A_37] : memref<320000xi32, #tpu.memory_space<hbm>> -> memref<10240xi32, #tpu.memory_space<hbm>>
      %dma_wait3A_789 = tpu.memref_slice %arg6[%mul3A_37] : memref<320000xi32, #tpu.memory_space<hbm>> -> memref<10240xi32, #tpu.memory_space<hbm>>
      tpu.wait_dma2 semaphore(%run_scoped3A : memref<!tpu.dma_semaphore, #tpu.memory_space<semaphore_mem>>) src(%dma_wait3A_789 : memref<10240xi32, #tpu.memory_space<hbm>>) dst(%arg14 : memref<10240xi32, #tpu.memory_space<vmem>>)
      tpu.yield
    }) : () -> ()
    %add3A_38 = arith.constant 0 : i32
    %add3A_39 = arith.addi %select_n3A_27, %add3A_38 : i32
    %mul3A_40 = arith.constant 256 : i32
    %mul3A_41 = arith.muli %add3A_39, %mul3A_40 : i32
    %add3A_42 = arith.constant 0 : i32
    %add3A_43 = arith.addi %select_n3A_32, %add3A_42 : i32
    %mul3A_44 = arith.constant 256 : i32
    %mul3A_45 = arith.muli %add3A_43, %mul3A_44 : i32
    %add3A_46 = arith.constant 0 : i32
    %add3A_47 = arith.addi %mul3A_45, %add3A_46 : i32
    %add3A_48 = arith.constant 0 : i32
    %add3A_49 = arith.addi %add3A_47, %add3A_48 : i32
    %get3A_50 = arith.index_cast %add3A_49 : i32 to index
    %get3A_51 = tpu.vector_load %arg13[%get3A_50] {strides = array<i32>} : memref<10240xi32, #tpu.memory_space<vmem>>, vector<16xi32>,
    %get3A_52 = vector.shape_cast %get3A_51 : vector<16xi32> to vector<16xi32>
    %swap3A = arith.constant 0 : i32
    %swap3A_53 = arith.constant 0 : i32
    %swap3A_54 = arith.index_cast %swap3A : i32 to index
    %swap3A_55 = arith.index_cast %swap3A_53 : i32 to index
    %swap3A_56 = arith.constant 0 : index
    %swap3A_57 = tpu.vector_load %arg11[%swap3A_54, %swap3A_55, %swap3A_56] {strides = array<i32>} : memref<2x2x128xi32, #tpu.memory_space<vmem>>, vector<1x1x16xi32>,
    %swap3A_58 = vector.shape_cast %swap3A_57 : vector<1x1x16xi32> to vector<16xi32>
    %swap3A_59 = vector.shape_cast %get3A_52 : vector<16xi32> to vector<1x1x16xi32>
    tpu.vector_store %arg11[%swap3A_54, %swap3A_55, %swap3A_56], %swap3A_59 {strides = array<i32>} : memref<2x2x128xi32, #tpu.memory_space<vmem>>, vector<1x1x16xi32>,
    %add3A_60 = arith.constant 0 : i32
    %add3A_61 = arith.addi %mul3A_45, %add3A_60 : i32
    %add3A_62 = arith.constant 0 : i32
    %add3A_63 = arith.addi %add3A_61, %add3A_62 : i32
    %get3A_64 = arith.index_cast %add3A_63 : i32 to index
    %get3A_65 = tpu.vector_load %arg14[%get3A_64] {strides = array<i32>} : memref<10240xi32, #tpu.memory_space<vmem>>, vector<16xi32>,
    %get3A_66 = vector.shape_cast %get3A_65 : vector<16xi32> to vector<16xi32>
    %swap3A_67 = arith.constant 0 : i32
    %swap3A_68 = arith.constant 0 : i32
    %swap3A_69 = arith.index_cast %swap3A_67 : i32 to index
    %swap3A_70 = arith.index_cast %swap3A_68 : i32 to index
    %swap3A_71 = arith.constant 0 : index
    %swap3A_72 = tpu.vector_load %arg12[%swap3A_69, %swap3A_70, %swap3A_71] {strides = array<i32>} : memref<2x2x128xi32, #tpu.memory_space<vmem>>, vector<1x1x16xi32>,
    %swap3A_73 = vector.shape_cast %swap3A_72 : vector<1x1x16xi32> to vector<16xi32>
    %swap3A_74 = vector.shape_cast %get3A_66 : vector<16xi32> to vector<1x1x16xi32>
    tpu.vector_store %arg12[%swap3A_69, %swap3A_70, %swap3A_71], %swap3A_74 {strides = array<i32>} : memref<2x2x128xi32, #tpu.memory_space<vmem>>, vector<1x1x16xi32>,
    %add3A_75 = arith.constant 0 : i32
    %add3A_76 = arith.addi %mul3A_45, %add3A_75 : i32
    %add3A_77 = arith.constant 16 : i32
    %add3A_78 = arith.addi %add3A_76, %add3A_77 : i32
    %get3A_79 = arith.index_cast %add3A_78 : i32 to index
    %get3A_80 = tpu.vector_load %arg13[%get3A_79] {strides = array<i32>} : memref<10240xi32, #tpu.memory_space<vmem>>, vector<16xi32>,
    %get3A_81 = vector.shape_cast %get3A_80 : vector<16xi32> to vector<16xi32>
    %swap3A_82 = arith.constant 0 : i32
    %swap3A_83 = arith.constant 0 : i32
    %swap3A_84 = arith.index_cast %swap3A_82 : i32 to index
    %swap3A_85 = arith.index_cast %swap3A_83 : i32 to index
    %swap3A_86 = arith.constant 16 : index
    %swap3A_87 = tpu.vector_load %arg11[%swap3A_84, %swap3A_85, %swap3A_86] {strides = array<i32>} : memref<2x2x128xi32, #tpu.memory_space<vmem>>, vector<1x1x16xi32>,
    %swap3A_88 = vector.shape_cast %swap3A_87 : vector<1x1x16xi32> to vector<16xi32>
    %swap3A_89 = vector.shape_cast %get3A_81 : vector<16xi32> to vector<1x1x16xi32>
    tpu.vector_store %arg11[%swap3A_84, %swap3A_85, %swap3A_86], %swap3A_89 {strides = array<i32>} : memref<2x2x128xi32, #tpu.memory_space<vmem>>, vector<1x1x16xi32>,
    %add3A_90 = arith.constant 0 : i32
    %add3A_91 = arith.addi %mul3A_45, %add3A_90 : i32
    %add3A_92 = arith.constant 16 : i32
    %add3A_93 = arith.addi %add3A_91, %add3A_92 : i32
    %get3A_94 = arith.index_cast %add3A_93 : i32 to index
    %get3A_95 = tpu.vector_load %arg14[%get3A_94] {strides = array<i32>} : memref<10240xi32, #tpu.memory_space<vmem>>, vector<16xi32>,
    %get3A_96 = vector.shape_cast %get3A_95 : vector<16xi32> to vector<16xi32>
    %swap3A_97 = arith.constant 0 : i32
    %swap3A_98 = arith.constant 0 : i32
    %swap3A_99 = arith.index_cast %swap3A_97 : i32 to index
    %swap3A_100 = arith.index_cast %swap3A_98 : i32 to index
    %swap3A_101 = arith.constant 16 : index
    %swap3A_102 = tpu.vector_load %arg12[%swap3A_99, %swap3A_100, %swap3A_101] {strides = array<i32>} : memref<2x2x128xi32, #tpu.memory_space<vmem>>, vector<1x1x16xi32>,
    %swap3A_103 = vector.shape_cast %swap3A_102 : vector<1x1x16xi32> to vector<16xi32>
    %swap3A_104 = vector.shape_cast %get3A_96 : vector<16xi32> to vector<1x1x16xi32>
    tpu.vector_store %arg12[%swap3A_99, %swap3A_100, %swap3A_101], %swap3A_104 {strides = array<i32>} : memref<2x2x128xi32, #tpu.memory_space<vmem>>, vector<1x1x16xi32>,
    %add3A_105 = arith.constant 0 : i32
    %add3A_106 = arith.addi %mul3A_45, %add3A_105 : i32
    %add3A_107 = arith.constant 32 : i32
    %add3A_108 = arith.addi %add3A_106, %add3A_107 : i32
    %get3A_109 = arith.index_cast %add3A_108 : i32 to index
    %get3A_110 = tpu.vector_load %arg13[%get3A_109] {strides = array<i32>} : memref<10240xi32, #tpu.memory_space<vmem>>, vector<16xi32>,
    %get3A_111 = vector.shape_cast %get3A_110 : vector<16xi32> to vector<16xi32>
    %swap3A_112 = arith.constant 0 : i32
    %swap3A_113 = arith.constant 0 : i32
    %swap3A_114 = arith.index_cast %swap3A_112 : i32 to index
    %swap3A_115 = arith.index_cast %swap3A_113 : i32 to index
    %swap3A_116 = arith.constant 32 : index
    %swap3A_117 = tpu.vector_load %arg11[%swap3A_114, %swap3A_115, %swap3A_116] {strides = array<i32>} : memref<2x2x128xi32, #tpu.memory_space<vmem>>, vector<1x1x16xi32>,
    %swap3A_118 = vector.shape_cast %swap3A_117 : vector<1x1x16xi32> to vector<16xi32>
    %swap3A_119 = vector.shape_cast %get3A_111 : vector<16xi32> to vector<1x1x16xi32>
    tpu.vector_store %arg11[%swap3A_114, %swap3A_115, %swap3A_116], %swap3A_119 {strides = array<i32>} : memref<2x2x128xi32, #tpu.memory_space<vmem>>, vector<1x1x16xi32>,
    %add3A_120 = arith.constant 0 : i32
    %add3A_121 = arith.addi %mul3A_45, %add3A_120 : i32
    %add3A_122 = arith.constant 32 : i32
    %add3A_123 = arith.addi %add3A_121, %add3A_122 : i32
    %get3A_124 = arith.index_cast %add3A_123 : i32 to index
    %get3A_125 = tpu.vector_load %arg14[%get3A_124] {strides = array<i32>} : memref<10240xi32, #tpu.memory_space<vmem>>, vector<16xi32>,
    %get3A_126 = vector.shape_cast %get3A_125 : vector<16xi32> to vector<16xi32>
    %swap3A_127 = arith.constant 0 : i32
    %swap3A_128 = arith.constant 0 : i32
    %swap3A_129 = arith.index_cast %swap3A_127 : i32 to index
    %swap3A_130 = arith.index_cast %swap3A_128 : i32 to index
    %swap3A_131 = arith.constant 32 : index
    %swap3A_132 = tpu.vector_load %arg12[%swap3A_129, %swap3A_130, %swap3A_131] {strides = array<i32>} : memref<2x2x128xi32, #tpu.memory_space<vmem>>, vector<1x1x16xi32>,
    %swap3A_133 = vector.shape_cast %swap3A_132 : vector<1x1x16xi32> to vector<16xi32>
    %swap3A_134 = vector.shape_cast %get3A_126 : vector<16xi32> to vector<1x1x16xi32>
    tpu.vector_store %arg12[%swap3A_129, %swap3A_130, %swap3A_131], %swap3A_134 {strides = array<i32>} : memref<2x2x128xi32, #tpu.memory_space<vmem>>, vector<1x1x16xi32>,
    %add3A_135 = arith.constant 0 : i32
    %add3A_136 = arith.addi %mul3A_45, %add3A_135 : i32
    %add3A_137 = arith.constant 48 : i32
    %add3A_138 = arith.addi %add3A_136, %add3A_137 : i32
    %get3A_139 = arith.index_cast %add3A_138 : i32 to index
    %get3A_140 = tpu.vector_load %arg13[%get3A_139] {strides = array<i32>} : memref<10240xi32, #tpu.memory_space<vmem>>, vector<16xi32>,
    %get3A_141 = vector.shape_cast %get3A_140 : vector<16xi32> to vector<16xi32>
    %swap3A_142 = arith.constant 0 : i32
    %swap3A_143 = arith.constant 0 : i32
    %swap3A_144 = arith.index_cast %swap3A_142 : i32 to index
    %swap3A_145 = arith.index_cast %swap3A_143 : i32 to index
    %swap3A_146 = arith.constant 48 : index
    %swap3A_147 = tpu.vector_load %arg11[%swap3A_144, %swap3A_145, %swap3A_146] {strides = array<i32>} : memref<2x2x128xi32, #tpu.memory_space<vmem>>, vector<1x1x16xi32>,
    %swap3A_148 = vector.shape_cast %swap3A_147 : vector<1x1x16xi32> to vector<16xi32>
    %swap3A_149 = vector.shape_cast %get3A_141 : vector<16xi32> to vector<1x1x16xi32>
    tpu.vector_store %arg11[%swap3A_144, %swap3A_145, %swap3A_146], %swap3A_149 {strides = array<i32>} : memref<2x2x128xi32, #tpu.memory_space<vmem>>, vector<1x1x16xi32>,
    %add3A_150 = arith.constant 0 : i32
    %add3A_151 = arith.addi %mul3A_45, %add3A_150 : i32
    %add3A_152 = arith.constant 48 : i32
    %add3A_153 = arith.addi %add3A_151, %add3A_152 : i32
    %get3A_154 = arith.index_cast %add3A_153 : i32 to index
    %get3A_155 = tpu.vector_load %arg14[%get3A_154] {strides = array<i32>} : memref<10240xi32, #tpu.memory_space<vmem>>, vector<16xi32>,
    %get3A_156 = vector.shape_cast %get3A_155 : vector<16xi32> to vector<16xi32>
    %swap3A_157 = arith.constant 0 : i32
    %swap3A_158 = arith.constant 0 : i32
    %swap3A_159 = arith.index_cast %swap3A_157 : i32 to index
    %swap3A_160 = arith.index_cast %swap3A_158 : i32 to index
    %swap3A_161 = arith.constant 48 : index
    %swap3A_162 = tpu.vector_load %arg12[%swap3A_159, %swap3A_160, %swap3A_161] {strides = array<i32>} : memref<2x2x128xi32, #tpu.memory_space<vmem>>, vector<1x1x16xi32>,
    %swap3A_163 = vector.shape_cast %swap3A_162 : vector<1x1x16xi32> to vector<16xi32>
    %swap3A_164 = vector.shape_cast %get3A_156 : vector<16xi32> to vector<1x1x16xi32>
    tpu.vector_store %arg12[%swap3A_159, %swap3A_160, %swap3A_161], %swap3A_164 {strides = array<i32>} : memref<2x2x128xi32, #tpu.memory_space<vmem>>, vector<1x1x16xi32>,
    %add3A_165 = arith.constant 0 : i32
    %add3A_166 = arith.addi %mul3A_45, %add3A_165 : i32
    %add3A_167 = arith.constant 64 : i32
    %add3A_168 = arith.addi %add3A_166, %add3A_167 : i32
    %get3A_169 = arith.index_cast %add3A_168 : i32 to index
    %get3A_170 = tpu.vector_load %arg13[%get3A_169] {strides = array<i32>} : memref<10240xi32, #tpu.memory_space<vmem>>, vector<16xi32>,
    %get3A_171 = vector.shape_cast %get3A_170 : vector<16xi32> to vector<16xi32>
    %swap3A_172 = arith.constant 0 : i32
    %swap3A_173 = arith.constant 0 : i32
    %swap3A_174 = arith.index_cast %swap3A_172 : i32 to index
    %swap3A_175 = arith.index_cast %swap3A_173 : i32 to index
    %swap3A_176 = arith.constant 64 : index
    %swap3A_177 = tpu.vector_load %arg11[%swap3A_174, %swap3A_175, %swap3A_176] {strides = array<i32>} : memref<2x2x128xi32, #tpu.memory_space<vmem>>, vector<1x1x16xi32>,
    %swap3A_178 = vector.shape_cast %swap3A_177 : vector<1x1x16xi32> to vector<16xi32>
    %swap3A_179 = vector.shape_cast %get3A_171 : vector<16xi32> to vector<1x1x16xi32>
    tpu.vector_store %arg11[%swap3A_174, %swap3A_175, %swap3A_176], %swap3A_179 {strides = array<i32>} : memref<2x2x128xi32, #tpu.memory_space<vmem>>, vector<1x1x16xi32>,
    %add3A_180 = arith.constant 0 : i32
    %add3A_181 = arith.addi %mul3A_45, %add3A_180 : i32
    %add3A_182 = arith.constant 64 : i32
    %add3A_183 = arith.addi %add3A_181, %add3A_182 : i32
    %get3A_184 = arith.index_cast %add3A_183 : i32 to index
    %get3A_185 = tpu.vector_load %arg14[%get3A_184] {strides = array<i32>} : memref<10240xi32, #tpu.memory_space<vmem>>, vector<16xi32>,
    %get3A_186 = vector.shape_cast %get3A_185 : vector<16xi32> to vector<16xi32>
    %swap3A_187 = arith.constant 0 : i32
    %swap3A_188 = arith.constant 0 : i32
    %swap3A_189 = arith.index_cast %swap3A_187 : i32 to index
    %swap3A_190 = arith.index_cast %swap3A_188 : i32 to index
    %swap3A_191 = arith.constant 64 : index
    %swap3A_192 = tpu.vector_load %arg12[%swap3A_189, %swap3A_190, %swap3A_191] {strides = array<i32>} : memref<2x2x128xi32, #tpu.memory_space<vmem>>, vector<1x1x16xi32>,
    %swap3A_193 = vector.shape_cast %swap3A_192 : vector<1x1x16xi32> to vector<16xi32>
    %swap3A_194 = vector.shape_cast %get3A_186 : vector<16xi32> to vector<1x1x16xi32>
    tpu.vector_store %arg12[%swap3A_189, %swap3A_190, %swap3A_191], %swap3A_194 {strides = array<i32>} : memref<2x2x128xi32, #tpu.memory_space<vmem>>, vector<1x1x16xi32>,
    %add3A_195 = arith.constant 0 : i32
    %add3A_196 = arith.addi %mul3A_45, %add3A_195 : i32
    %add3A_197 = arith.constant 80 : i32
    %add3A_198 = arith.addi %add3A_196, %add3A_197 : i32
    %get3A_199 = arith.index_cast %add3A_198 : i32 to index
    %get3A_200 = tpu.vector_load %arg13[%get3A_199] {strides = array<i32>} : memref<10240xi32, #tpu.memory_space<vmem>>, vector<16xi32>,
    %get3A_201 = vector.shape_cast %get3A_200 : vector<16xi32> to vector<16xi32>
    %swap3A_202 = arith.constant 0 : i32
    %swap3A_203 = arith.constant 0 : i32
    %swap3A_204 = arith.index_cast %swap3A_202 : i32 to index
    %swap3A_205 = arith.index_cast %swap3A_203 : i32 to index
    %swap3A_206 = arith.constant 80 : index
    %swap3A_207 = tpu.vector_load %arg11[%swap3A_204, %swap3A_205, %swap3A_206] {strides = array<i32>} : memref<2x2x128xi32, #tpu.memory_space<vmem>>, vector<1x1x16xi32>,
    %swap3A_208 = vector.shape_cast %swap3A_207 : vector<1x1x16xi32> to vector<16xi32>
    %swap3A_209 = vector.shape_cast %get3A_201 : vector<16xi32> to vector<1x1x16xi32>
    tpu.vector_store %arg11[%swap3A_204, %swap3A_205, %swap3A_206], %swap3A_209 {strides = array<i32>} : memref<2x2x128xi32, #tpu.memory_space<vmem>>, vector<1x1x16xi32>,
    %add3A_210 = arith.constant 0 : i32
    %add3A_211 = arith.addi %mul3A_45, %add3A_210 : i32
    %add3A_212 = arith.constant 80 : i32
    %add3A_213 = arith.addi %add3A_211, %add3A_212 : i32
    %get3A_214 = arith.index_cast %add3A_213 : i32 to index
    %get3A_215 = tpu.vector_load %arg14[%get3A_214] {strides = array<i32>} : memref<10240xi32, #tpu.memory_space<vmem>>, vector<16xi32>,
    %get3A_216 = vector.shape_cast %get3A_215 : vector<16xi32> to vector<16xi32>
    %swap3A_217 = arith.constant 0 : i32
    %swap3A_218 = arith.constant 0 : i32
    %swap3A_219 = arith.index_cast %swap3A_217 : i32 to index
    %swap3A_220 = arith.index_cast %swap3A_218 : i32 to index
    %swap3A_221 = arith.constant 80 : index
    %swap3A_222 = tpu.vector_load %arg12[%swap3A_219, %swap3A_220, %swap3A_221] {strides = array<i32>} : memref<2x2x128xi32, #tpu.memory_space<vmem>>, vector<1x1x16xi32>,
    %swap3A_223 = vector.shape_cast %swap3A_222 : vector<1x1x16xi32> to vector<16xi32>
    %swap3A_224 = vector.shape_cast %get3A_216 : vector<16xi32> to vector<1x1x16xi32>
    tpu.vector_store %arg12[%swap3A_219, %swap3A_220, %swap3A_221], %swap3A_224 {strides = array<i32>} : memref<2x2x128xi32, #tpu.memory_space<vmem>>, vector<1x1x16xi32>,
    %add3A_225 = arith.constant 0 : i32
    %add3A_226 = arith.addi %mul3A_45, %add3A_225 : i32
    %add3A_227 = arith.constant 96 : i32
    %add3A_228 = arith.addi %add3A_226, %add3A_227 : i32
    %get3A_229 = arith.index_cast %add3A_228 : i32 to index
    %get3A_230 = tpu.vector_load %arg13[%get3A_229] {strides = array<i32>} : memref<10240xi32, #tpu.memory_space<vmem>>, vector<16xi32>,
    %get3A_231 = vector.shape_cast %get3A_230 : vector<16xi32> to vector<16xi32>
    %swap3A_232 = arith.constant 0 : i32
    %swap3A_233 = arith.constant 0 : i32
    %swap3A_234 = arith.index_cast %swap3A_232 : i32 to index
    %swap3A_235 = arith.index_cast %swap3A_233 : i32 to index
    %swap3A_236 = arith.constant 96 : index
    %swap3A_237 = tpu.vector_load %arg11[%swap3A_234, %swap3A_235, %swap3A_236] {strides = array<i32>} : memref<2x2x128xi32, #tpu.memory_space<vmem>>, vector<1x1x16xi32>,
    %swap3A_238 = vector.shape_cast %swap3A_237 : vector<1x1x16xi32> to vector<16xi32>
    %swap3A_239 = vector.shape_cast %get3A_231 : vector<16xi32> to vector<1x1x16xi32>
    tpu.vector_store %arg11[%swap3A_234, %swap3A_235, %swap3A_236], %swap3A_239 {strides = array<i32>} : memref<2x2x128xi32, #tpu.memory_space<vmem>>, vector<1x1x16xi32>,
    %add3A_240 = arith.constant 0 : i32
    %add3A_241 = arith.addi %mul3A_45, %add3A_240 : i32
    %add3A_242 = arith.constant 96 : i32
    %add3A_243 = arith.addi %add3A_241, %add3A_242 : i32
    %get3A_244 = arith.index_cast %add3A_243 : i32 to index
    %get3A_245 = tpu.vector_load %arg14[%get3A_244] {strides = array<i32>} : memref<10240xi32, #tpu.memory_space<vmem>>, vector<16xi32>,
    %get3A_246 = vector.shape_cast %get3A_245 : vector<16xi32> to vector<16xi32>
    %swap3A_247 = arith.constant 0 : i32
    %swap3A_248 = arith.constant 0 : i32
    %swap3A_249 = arith.index_cast %swap3A_247 : i32 to index
    %swap3A_250 = arith.index_cast %swap3A_248 : i32 to index
    %swap3A_251 = arith.constant 96 : index
    %swap3A_252 = tpu.vector_load %arg12[%swap3A_249, %swap3A_250, %swap3A_251] {strides = array<i32>} : memref<2x2x128xi32, #tpu.memory_space<vmem>>, vector<1x1x16xi32>,
    %swap3A_253 = vector.shape_cast %swap3A_252 : vector<1x1x16xi32> to vector<16xi32>
    %swap3A_254 = vector.shape_cast %get3A_246 : vector<16xi32> to vector<1x1x16xi32>
    tpu.vector_store %arg12[%swap3A_249, %swap3A_250, %swap3A_251], %swap3A_254 {strides = array<i32>} : memref<2x2x128xi32, #tpu.memory_space<vmem>>, vector<1x1x16xi32>,
    %add3A_255 = arith.constant 0 : i32
    %add3A_256 = arith.addi %mul3A_45, %add3A_255 : i32
    %add3A_257 = arith.constant 112 : i32
    %add3A_258 = arith.addi %add3A_256, %add3A_257 : i32
    %get3A_259 = arith.index_cast %add3A_258 : i32 to index
    %get3A_260 = tpu.vector_load %arg13[%get3A_259] {strides = array<i32>} : memref<10240xi32, #tpu.memory_space<vmem>>, vector<16xi32>,
    %get3A_261 = vector.shape_cast %get3A_260 : vector<16xi32> to vector<16xi32>
    %swap3A_262 = arith.constant 0 : i32
    %swap3A_263 = arith.constant 0 : i32
    %swap3A_264 = arith.index_cast %swap3A_262 : i32 to index
    %swap3A_265 = arith.index_cast %swap3A_263 : i32 to index
    %swap3A_266 = arith.constant 112 : index
    %swap3A_267 = tpu.vector_load %arg11[%swap3A_264, %swap3A_265, %swap3A_266] {strides = array<i32>} : memref<2x2x128xi32, #tpu.memory_space<vmem>>, vector<1x1x16xi32>,
    %swap3A_268 = vector.shape_cast %swap3A_267 : vector<1x1x16xi32> to vector<16xi32>
    %swap3A_269 = vector.shape_cast %get3A_261 : vector<16xi32> to vector<1x1x16xi32>
    tpu.vector_store %arg11[%swap3A_264, %swap3A_265, %swap3A_266], %swap3A_269 {strides = array<i32>} : memref<2x2x128xi32, #tpu.memory_space<vmem>>, vector<1x1x16xi32>,
    %add3A_270 = arith.constant 0 : i32
    %add3A_271 = arith.addi %mul3A_45, %add3A_270 : i32
    %add3A_272 = arith.constant 112 : i32
    %add3A_273 = arith.addi %add3A_271, %add3A_272 : i32
    %get3A_274 = arith.index_cast %add3A_273 : i32 to index
    %get3A_275 = tpu.vector_load %arg14[%get3A_274] {strides = array<i32>} : memref<10240xi32, #tpu.memory_space<vmem>>, vector<16xi32>,
    %get3A_276 = vector.shape_cast %get3A_275 : vector<16xi32> to vector<16xi32>
    %swap3A_277 = arith.constant 0 : i32
    %swap3A_278 = arith.constant 0 : i32
    %swap3A_279 = arith.index_cast %swap3A_277 : i32 to index
    %swap3A_280 = arith.index_cast %swap3A_278 : i32 to index
    %swap3A_281 = arith.constant 112 : index
    %swap3A_282 = tpu.vector_load %arg12[%swap3A_279, %swap3A_280, %swap3A_281] {strides = array<i32>} : memref<2x2x128xi32, #tpu.memory_space<vmem>>, vector<1x1x16xi32>,
    %swap3A_283 = vector.shape_cast %swap3A_282 : vector<1x1x16xi32> to vector<16xi32>
    %swap3A_284 = vector.shape_cast %get3A_276 : vector<16xi32> to vector<1x1x16xi32>
    tpu.vector_store %arg12[%swap3A_279, %swap3A_280, %swap3A_281], %swap3A_284 {strides = array<i32>} : memref<2x2x128xi32, #tpu.memory_space<vmem>>, vector<1x1x16xi32>,
    %add3A_285 = arith.constant 128 : i32
    %add3A_286 = arith.addi %mul3A_45, %add3A_285 : i32
    %add3A_287 = arith.constant 0 : i32
    %add3A_288 = arith.addi %add3A_286, %add3A_287 : i32
    %get3A_289 = arith.index_cast %add3A_288 : i32 to index
    %get3A_290 = tpu.vector_load %arg13[%get3A_289] {strides = array<i32>} : memref<10240xi32, #tpu.memory_space<vmem>>, vector<16xi32>,
    %get3A_291 = vector.shape_cast %get3A_290 : vector<16xi32> to vector<16xi32>
    %swap3A_292 = arith.constant 0 : i32
    %swap3A_293 = arith.constant 1 : i32
    %swap3A_294 = arith.index_cast %swap3A_292 : i32 to index
    %swap3A_295 = arith.index_cast %swap3A_293 : i32 to index
    %swap3A_296 = arith.constant 0 : index
    %swap3A_297 = tpu.vector_load %arg11[%swap3A_294, %swap3A_295, %swap3A_296] {strides = array<i32>} : memref<2x2x128xi32, #tpu.memory_space<vmem>>, vector<1x1x16xi32>,
    %swap3A_298 = vector.shape_cast %swap3A_297 : vector<1x1x16xi32> to vector<16xi32>
    %swap3A_299 = vector.shape_cast %get3A_291 : vector<16xi32> to vector<1x1x16xi32>
    tpu.vector_store %arg11[%swap3A_294, %swap3A_295, %swap3A_296], %swap3A_299 {strides = array<i32>} : memref<2x2x128xi32, #tpu.memory_space<vmem>>, vector<1x1x16xi32>,
    %add3A_300 = arith.constant 128 : i32
    %add3A_301 = arith.addi %mul3A_45, %add3A_300 : i32
    %add3A_302 = arith.constant 0 : i32
    %add3A_303 = arith.addi %add3A_301, %add3A_302 : i32
    %get3A_304 = arith.index_cast %add3A_303 : i32 to index
    %get3A_305 = tpu.vector_load %arg14[%get3A_304] {strides = array<i32>} : memref<10240xi32, #tpu.memory_space<vmem>>, vector<16xi32>,
    %get3A_306 = vector.shape_cast %get3A_305 : vector<16xi32> to vector<16xi32>
    %swap3A_307 = arith.constant 0 : i32
    %swap3A_308 = arith.constant 1 : i32
    %swap3A_309 = arith.index_cast %swap3A_307 : i32 to index
    %swap3A_310 = arith.index_cast %swap3A_308 : i32 to index
    %swap3A_311 = arith.constant 0 : index
    %swap3A_312 = tpu.vector_load %arg12[%swap3A_309, %swap3A_310, %swap3A_311] {strides = array<i32>} : memref<2x2x128xi32, #tpu.memory_space<vmem>>, vector<1x1x16xi32>,
    %swap3A_313 = vector.shape_cast %swap3A_312 : vector<1x1x16xi32> to vector<16xi32>
    %swap3A_314 = vector.shape_cast %get3A_306 : vector<16xi32> to vector<1x1x16xi32>
    tpu.vector_store %arg12[%swap3A_309, %swap3A_310, %swap3A_311], %swap3A_314 {strides = array<i32>} : memref<2x2x128xi32, #tpu.memory_space<vmem>>, vector<1x1x16xi32>,
    %add3A_315 = arith.constant 128 : i32
    %add3A_316 = arith.addi %mul3A_45, %add3A_315 : i32
    %add3A_317 = arith.constant 16 : i32
    %add3A_318 = arith.addi %add3A_316, %add3A_317 : i32
    %get3A_319 = arith.index_cast %add3A_318 : i32 to index
    %get3A_320 = tpu.vector_load %arg13[%get3A_319] {strides = array<i32>} : memref<10240xi32, #tpu.memory_space<vmem>>, vector<16xi32>,
    %get3A_321 = vector.shape_cast %get3A_320 : vector<16xi32> to vector<16xi32>
    %swap3A_322 = arith.constant 0 : i32
    %swap3A_323 = arith.constant 1 : i32
    %swap3A_324 = arith.index_cast %swap3A_322 : i32 to index
    %swap3A_325 = arith.index_cast %swap3A_323 : i32 to index
    %swap3A_326 = arith.constant 16 : index
    %swap3A_327 = tpu.vector_load %arg11[%swap3A_324, %swap3A_325, %swap3A_326] {strides = array<i32>} : memref<2x2x128xi32, #tpu.memory_space<vmem>>, vector<1x1x16xi32>,
    %swap3A_328 = vector.shape_cast %swap3A_327 : vector<1x1x16xi32> to vector<16xi32>
    %swap3A_329 = vector.shape_cast %get3A_321 : vector<16xi32> to vector<1x1x16xi32>
    tpu.vector_store %arg11[%swap3A_324, %swap3A_325, %swap3A_326], %swap3A_329 {strides = array<i32>} : memref<2x2x128xi32, #tpu.memory_space<vmem>>, vector<1x1x16xi32>,
    %add3A_330 = arith.constant 128 : i32
    %add3A_331 = arith.addi %mul3A_45, %add3A_330 : i32
    %add3A_332 = arith.constant 16 : i32
    %add3A_333 = arith.addi %add3A_331, %add3A_332 : i32
    %get3A_334 = arith.index_cast %add3A_333 : i32 to index
    %get3A_335 = tpu.vector_load %arg14[%get3A_334] {strides = array<i32>} : memref<10240xi32, #tpu.memory_space<vmem>>, vector<16xi32>,
    %get3A_336 = vector.shape_cast %get3A_335 : vector<16xi32> to vector<16xi32>
    %swap3A_337 = arith.constant 0 : i32
    %swap3A_338 = arith.constant 1 : i32
    %swap3A_339 = arith.index_cast %swap3A_337 : i32 to index
    %swap3A_340 = arith.index_cast %swap3A_338 : i32 to index
    %swap3A_341 = arith.constant 16 : index
    %swap3A_342 = tpu.vector_load %arg12[%swap3A_339, %swap3A_340, %swap3A_341] {strides = array<i32>} : memref<2x2x128xi32, #tpu.memory_space<vmem>>, vector<1x1x16xi32>,
    %swap3A_343 = vector.shape_cast %swap3A_342 : vector<1x1x16xi32> to vector<16xi32>
    %swap3A_344 = vector.shape_cast %get3A_336 : vector<16xi32> to vector<1x1x16xi32>
    tpu.vector_store %arg12[%swap3A_339, %swap3A_340, %swap3A_341], %swap3A_344 {strides = array<i32>} : memref<2x2x128xi32, #tpu.memory_space<vmem>>, vector<1x1x16xi32>,
    %add3A_345 = arith.constant 128 : i32
    %add3A_346 = arith.addi %mul3A_45, %add3A_345 : i32
    %add3A_347 = arith.constant 32 : i32
    %add3A_348 = arith.addi %add3A_346, %add3A_347 : i32
    %get3A_349 = arith.index_cast %add3A_348 : i32 to index
    %get3A_350 = tpu.vector_load %arg13[%get3A_349] {strides = array<i32>} : memref<10240xi32, #tpu.memory_space<vmem>>, vector<16xi32>,
    %get3A_351 = vector.shape_cast %get3A_350 : vector<16xi32> to vector<16xi32>
    %swap3A_352 = arith.constant 0 : i32
    %swap3A_353 = arith.constant 1 : i32
    %swap3A_354 = arith.index_cast %swap3A_352 : i32 to index
    %swap3A_355 = arith.index_cast %swap3A_353 : i32 to index
    %swap3A_356 = arith.constant 32 : index
    %swap3A_357 = tpu.vector_load %arg11[%swap3A_354, %swap3A_355, %swap3A_356] {strides = array<i32>} : memref<2x2x128xi32, #tpu.memory_space<vmem>>, vector<1x1x16xi32>,
    %swap3A_358 = vector.shape_cast %swap3A_357 : vector<1x1x16xi32> to vector<16xi32>
    %swap3A_359 = vector.shape_cast %get3A_351 : vector<16xi32> to vector<1x1x16xi32>
    tpu.vector_store %arg11[%swap3A_354, %swap3A_355, %swap3A_356], %swap3A_359 {strides = array<i32>} : memref<2x2x128xi32, #tpu.memory_space<vmem>>, vector<1x1x16xi32>,
    %add3A_360 = arith.constant 128 : i32
    %add3A_361 = arith.addi %mul3A_45, %add3A_360 : i32
    %add3A_362 = arith.constant 32 : i32
    %add3A_363 = arith.addi %add3A_361, %add3A_362 : i32
    %get3A_364 = arith.index_cast %add3A_363 : i32 to index
    %get3A_365 = tpu.vector_load %arg14[%get3A_364] {strides = array<i32>} : memref<10240xi32, #tpu.memory_space<vmem>>, vector<16xi32>,
    %get3A_366 = vector.shape_cast %get3A_365 : vector<16xi32> to vector<16xi32>
    %swap3A_367 = arith.constant 0 : i32
    %swap3A_368 = arith.constant 1 : i32
    %swap3A_369 = arith.index_cast %swap3A_367 : i32 to index
    %swap3A_370 = arith.index_cast %swap3A_368 : i32 to index
    %swap3A_371 = arith.constant 32 : index
    %swap3A_372 = tpu.vector_load %arg12[%swap3A_369, %swap3A_370, %swap3A_371] {strides = array<i32>} : memref<2x2x128xi32, #tpu.memory_space<vmem>>, vector<1x1x16xi32>,
    %swap3A_373 = vector.shape_cast %swap3A_372 : vector<1x1x16xi32> to vector<16xi32>
    %swap3A_374 = vector.shape_cast %get3A_366 : vector<16xi32> to vector<1x1x16xi32>
    tpu.vector_store %arg12[%swap3A_369, %swap3A_370, %swap3A_371], %swap3A_374 {strides = array<i32>} : memref<2x2x128xi32, #tpu.memory_space<vmem>>, vector<1x1x16xi32>,
    %add3A_375 = arith.constant 128 : i32
    %add3A_376 = arith.addi %mul3A_45, %add3A_375 : i32
    %add3A_377 = arith.constant 48 : i32
    %add3A_378 = arith.addi %add3A_376, %add3A_377 : i32
    %get3A_379 = arith.index_cast %add3A_378 : i32 to index
    %get3A_380 = tpu.vector_load %arg13[%get3A_379] {strides = array<i32>} : memref<10240xi32, #tpu.memory_space<vmem>>, vector<16xi32>,
    %get3A_381 = vector.shape_cast %get3A_380 : vector<16xi32> to vector<16xi32>
    %swap3A_382 = arith.constant 0 : i32
    %swap3A_383 = arith.constant 1 : i32
    %swap3A_384 = arith.index_cast %swap3A_382 : i32 to index
    %swap3A_385 = arith.index_cast %swap3A_383 : i32 to index
    %swap3A_386 = arith.constant 48 : index
    %swap3A_387 = tpu.vector_load %arg11[%swap3A_384, %swap3A_385, %swap3A_386] {strides = array<i32>} : memref<2x2x128xi32, #tpu.memory_space<vmem>>, vector<1x1x16xi32>,
    %swap3A_388 = vector.shape_cast %swap3A_387 : vector<1x1x16xi32> to vector<16xi32>
    %swap3A_389 = vector.shape_cast %get3A_381 : vector<16xi32> to vector<1x1x16xi32>
    tpu.vector_store %arg11[%swap3A_384, %swap3A_385, %swap3A_386], %swap3A_389 {strides = array<i32>} : memref<2x2x128xi32, #tpu.memory_space<vmem>>, vector<1x1x16xi32>,
    %add3A_390 = arith.constant 128 : i32
    %add3A_391 = arith.addi %mul3A_45, %add3A_390 : i32
    %add3A_392 = arith.constant 48 : i32
    %add3A_393 = arith.addi %add3A_391, %add3A_392 : i32
    %get3A_394 = arith.index_cast %add3A_393 : i32 to index
    %get3A_395 = tpu.vector_load %arg14[%get3A_394] {strides = array<i32>} : memref<10240xi32, #tpu.memory_space<vmem>>, vector<16xi32>,
    %get3A_396 = vector.shape_cast %get3A_395 : vector<16xi32> to vector<16xi32>
    %swap3A_397 = arith.constant 0 : i32
    %swap3A_398 = arith.constant 1 : i32
    %swap3A_399 = arith.index_cast %swap3A_397 : i32 to index
    %swap3A_400 = arith.index_cast %swap3A_398 : i32 to index
    %swap3A_401 = arith.constant 48 : index
    %swap3A_402 = tpu.vector_load %arg12[%swap3A_399, %swap3A_400, %swap3A_401] {strides = array<i32>} : memref<2x2x128xi32, #tpu.memory_space<vmem>>, vector<1x1x16xi32>,
    %swap3A_403 = vector.shape_cast %swap3A_402 : vector<1x1x16xi32> to vector<16xi32>
    %swap3A_404 = vector.shape_cast %get3A_396 : vector<16xi32> to vector<1x1x16xi32>
    tpu.vector_store %arg12[%swap3A_399, %swap3A_400, %swap3A_401], %swap3A_404 {strides = array<i32>} : memref<2x2x128xi32, #tpu.memory_space<vmem>>, vector<1x1x16xi32>,
    %add3A_405 = arith.constant 128 : i32
    %add3A_406 = arith.addi %mul3A_45, %add3A_405 : i32
    %add3A_407 = arith.constant 64 : i32
    %add3A_408 = arith.addi %add3A_406, %add3A_407 : i32
    %get3A_409 = arith.index_cast %add3A_408 : i32 to index
    %get3A_410 = tpu.vector_load %arg13[%get3A_409] {strides = array<i32>} : memref<10240xi32, #tpu.memory_space<vmem>>, vector<16xi32>,
    %get3A_411 = vector.shape_cast %get3A_410 : vector<16xi32> to vector<16xi32>
    %swap3A_412 = arith.constant 0 : i32
    %swap3A_413 = arith.constant 1 : i32
    %swap3A_414 = arith.index_cast %swap3A_412 : i32 to index
    %swap3A_415 = arith.index_cast %swap3A_413 : i32 to index
    %swap3A_416 = arith.constant 64 : index
    %swap3A_417 = tpu.vector_load %arg11[%swap3A_414, %swap3A_415, %swap3A_416] {strides = array<i32>} : memref<2x2x128xi32, #tpu.memory_space<vmem>>, vector<1x1x16xi32>,
    %swap3A_418 = vector.shape_cast %swap3A_417 : vector<1x1x16xi32> to vector<16xi32>
    %swap3A_419 = vector.shape_cast %get3A_411 : vector<16xi32> to vector<1x1x16xi32>
    tpu.vector_store %arg11[%swap3A_414, %swap3A_415, %swap3A_416], %swap3A_419 {strides = array<i32>} : memref<2x2x128xi32, #tpu.memory_space<vmem>>, vector<1x1x16xi32>,
    %add3A_420 = arith.constant 128 : i32
    %add3A_421 = arith.addi %mul3A_45, %add3A_420 : i32
    %add3A_422 = arith.constant 64 : i32
    %add3A_423 = arith.addi %add3A_421, %add3A_422 : i32
    %get3A_424 = arith.index_cast %add3A_423 : i32 to index
    %get3A_425 = tpu.vector_load %arg14[%get3A_424] {strides = array<i32>} : memref<10240xi32, #tpu.memory_space<vmem>>, vector<16xi32>,
    %get3A_426 = vector.shape_cast %get3A_425 : vector<16xi32> to vector<16xi32>
    %swap3A_427 = arith.constant 0 : i32
    %swap3A_428 = arith.constant 1 : i32
    %swap3A_429 = arith.index_cast %swap3A_427 : i32 to index
    %swap3A_430 = arith.index_cast %swap3A_428 : i32 to index
    %swap3A_431 = arith.constant 64 : index
    %swap3A_432 = tpu.vector_load %arg12[%swap3A_429, %swap3A_430, %swap3A_431] {strides = array<i32>} : memref<2x2x128xi32, #tpu.memory_space<vmem>>, vector<1x1x16xi32>,
    %swap3A_433 = vector.shape_cast %swap3A_432 : vector<1x1x16xi32> to vector<16xi32>
    %swap3A_434 = vector.shape_cast %get3A_426 : vector<16xi32> to vector<1x1x16xi32>
    tpu.vector_store %arg12[%swap3A_429, %swap3A_430, %swap3A_431], %swap3A_434 {strides = array<i32>} : memref<2x2x128xi32, #tpu.memory_space<vmem>>, vector<1x1x16xi32>,
    %add3A_435 = arith.constant 128 : i32
    %add3A_436 = arith.addi %mul3A_45, %add3A_435 : i32
    %add3A_437 = arith.constant 80 : i32
    %add3A_438 = arith.addi %add3A_436, %add3A_437 : i32
    %get3A_439 = arith.index_cast %add3A_438 : i32 to index
    %get3A_440 = tpu.vector_load %arg13[%get3A_439] {strides = array<i32>} : memref<10240xi32, #tpu.memory_space<vmem>>, vector<16xi32>,
    %get3A_441 = vector.shape_cast %get3A_440 : vector<16xi32> to vector<16xi32>
    %swap3A_442 = arith.constant 0 : i32
    %swap3A_443 = arith.constant 1 : i32
    %swap3A_444 = arith.index_cast %swap3A_442 : i32 to index
    %swap3A_445 = arith.index_cast %swap3A_443 : i32 to index
    %swap3A_446 = arith.constant 80 : index
    %swap3A_447 = tpu.vector_load %arg11[%swap3A_444, %swap3A_445, %swap3A_446] {strides = array<i32>} : memref<2x2x128xi32, #tpu.memory_space<vmem>>, vector<1x1x16xi32>,
    %swap3A_448 = vector.shape_cast %swap3A_447 : vector<1x1x16xi32> to vector<16xi32>
    %swap3A_449 = vector.shape_cast %get3A_441 : vector<16xi32> to vector<1x1x16xi32>
    tpu.vector_store %arg11[%swap3A_444, %swap3A_445, %swap3A_446], %swap3A_449 {strides = array<i32>} : memref<2x2x128xi32, #tpu.memory_space<vmem>>, vector<1x1x16xi32>,
    %add3A_450 = arith.constant 128 : i32
    %add3A_451 = arith.addi %mul3A_45, %add3A_450 : i32
    %add3A_452 = arith.constant 80 : i32
    %add3A_453 = arith.addi %add3A_451, %add3A_452 : i32
    %get3A_454 = arith.index_cast %add3A_453 : i32 to index
    %get3A_455 = tpu.vector_load %arg14[%get3A_454] {strides = array<i32>} : memref<10240xi32, #tpu.memory_space<vmem>>, vector<16xi32>,
    %get3A_456 = vector.shape_cast %get3A_455 : vector<16xi32> to vector<16xi32>
    %swap3A_457 = arith.constant 0 : i32
    %swap3A_458 = arith.constant 1 : i32
    %swap3A_459 = arith.index_cast %swap3A_457 : i32 to index
    %swap3A_460 = arith.index_cast %swap3A_458 : i32 to index
    %swap3A_461 = arith.constant 80 : index
    %swap3A_462 = tpu.vector_load %arg12[%swap3A_459, %swap3A_460, %swap3A_461] {strides = array<i32>} : memref<2x2x128xi32, #tpu.memory_space<vmem>>, vector<1x1x16xi32>,
    %swap3A_463 = vector.shape_cast %swap3A_462 : vector<1x1x16xi32> to vector<16xi32>
    %swap3A_464 = vector.shape_cast %get3A_456 : vector<16xi32> to vector<1x1x16xi32>
    tpu.vector_store %arg12[%swap3A_459, %swap3A_460, %swap3A_461], %swap3A_464 {strides = array<i32>} : memref<2x2x128xi32, #tpu.memory_space<vmem>>, vector<1x1x16xi32>,
    %add3A_465 = arith.constant 128 : i32
    %add3A_466 = arith.addi %mul3A_45, %add3A_465 : i32
    %add3A_467 = arith.constant 96 : i32
    %add3A_468 = arith.addi %add3A_466, %add3A_467 : i32
    %get3A_469 = arith.index_cast %add3A_468 : i32 to index
    %get3A_470 = tpu.vector_load %arg13[%get3A_469] {strides = array<i32>} : memref<10240xi32, #tpu.memory_space<vmem>>, vector<16xi32>,
    %get3A_471 = vector.shape_cast %get3A_470 : vector<16xi32> to vector<16xi32>
    %swap3A_472 = arith.constant 0 : i32
    %swap3A_473 = arith.constant 1 : i32
    %swap3A_474 = arith.index_cast %swap3A_472 : i32 to index
    %swap3A_475 = arith.index_cast %swap3A_473 : i32 to index
    %swap3A_476 = arith.constant 96 : index
    %swap3A_477 = tpu.vector_load %arg11[%swap3A_474, %swap3A_475, %swap3A_476] {strides = array<i32>} : memref<2x2x128xi32, #tpu.memory_space<vmem>>, vector<1x1x16xi32>,
    %swap3A_478 = vector.shape_cast %swap3A_477 : vector<1x1x16xi32> to vector<16xi32>
    %swap3A_479 = vector.shape_cast %get3A_471 : vector<16xi32> to vector<1x1x16xi32>
    tpu.vector_store %arg11[%swap3A_474, %swap3A_475, %swap3A_476], %swap3A_479 {strides = array<i32>} : memref<2x2x128xi32, #tpu.memory_space<vmem>>, vector<1x1x16xi32>,
    %add3A_480 = arith.constant 128 : i32
    %add3A_481 = arith.addi %mul3A_45, %add3A_480 : i32
    %add3A_482 = arith.constant 96 : i32
    %add3A_483 = arith.addi %add3A_481, %add3A_482 : i32
    %get3A_484 = arith.index_cast %add3A_483 : i32 to index
    %get3A_485 = tpu.vector_load %arg14[%get3A_484] {strides = array<i32>} : memref<10240xi32, #tpu.memory_space<vmem>>, vector<16xi32>,
    %get3A_486 = vector.shape_cast %get3A_485 : vector<16xi32> to vector<16xi32>
    %swap3A_487 = arith.constant 0 : i32
    %swap3A_488 = arith.constant 1 : i32
    %swap3A_489 = arith.index_cast %swap3A_487 : i32 to index
    %swap3A_490 = arith.index_cast %swap3A_488 : i32 to index
    %swap3A_491 = arith.constant 96 : index
    %swap3A_492 = tpu.vector_load %arg12[%swap3A_489, %swap3A_490, %swap3A_491] {strides = array<i32>} : memref<2x2x128xi32, #tpu.memory_space<vmem>>, vector<1x1x16xi32>,
    %swap3A_493 = vector.shape_cast %swap3A_492 : vector<1x1x16xi32> to vector<16xi32>
    %swap3A_494 = vector.shape_cast %get3A_486 : vector<16xi32> to vector<1x1x16xi32>
    tpu.vector_store %arg12[%swap3A_489, %swap3A_490, %swap3A_491], %swap3A_494 {strides = array<i32>} : memref<2x2x128xi32, #tpu.memory_space<vmem>>, vector<1x1x16xi32>,
    %add3A_495 = arith.constant 128 : i32
    %add3A_496 = arith.addi %mul3A_45, %add3A_495 : i32
    %add3A_497 = arith.constant 112 : i32
    %add3A_498 = arith.addi %add3A_496, %add3A_497 : i32
    %get3A_499 = arith.index_cast %add3A_498 : i32 to index
    %get3A_500 = tpu.vector_load %arg13[%get3A_499] {strides = array<i32>} : memref<10240xi32, #tpu.memory_space<vmem>>, vector<16xi32>,
    %get3A_501 = vector.shape_cast %get3A_500 : vector<16xi32> to vector<16xi32>
    %swap3A_502 = arith.constant 0 : i32
    %swap3A_503 = arith.constant 1 : i32
    %swap3A_504 = arith.index_cast %swap3A_502 : i32 to index
    %swap3A_505 = arith.index_cast %swap3A_503 : i32 to index
    %swap3A_506 = arith.constant 112 : index
    %swap3A_507 = tpu.vector_load %arg11[%swap3A_504, %swap3A_505, %swap3A_506] {strides = array<i32>} : memref<2x2x128xi32, #tpu.memory_space<vmem>>, vector<1x1x16xi32>,
    %swap3A_508 = vector.shape_cast %swap3A_507 : vector<1x1x16xi32> to vector<16xi32>
    %swap3A_509 = vector.shape_cast %get3A_501 : vector<16xi32> to vector<1x1x16xi32>
    tpu.vector_store %arg11[%swap3A_504, %swap3A_505, %swap3A_506], %swap3A_509 {strides = array<i32>} : memref<2x2x128xi32, #tpu.memory_space<vmem>>, vector<1x1x16xi32>,
    %add3A_510 = arith.constant 128 : i32
    %add3A_511 = arith.addi %mul3A_45, %add3A_510 : i32
    %add3A_512 = arith.constant 112 : i32
    %add3A_513 = arith.addi %add3A_511, %add3A_512 : i32
    %get3A_514 = arith.index_cast %add3A_513 : i32 to index
    %get3A_515 = tpu.vector_load %arg14[%get3A_514] {strides = array<i32>} : memref<10240xi32, #tpu.memory_space<vmem>>, vector<16xi32>,
    %get3A_516 = vector.shape_cast %get3A_515 : vector<16xi32> to vector<16xi32>
    %swap3A_517 = arith.constant 0 : i32
    %swap3A_518 = arith.constant 1 : i32
    %swap3A_519 = arith.index_cast %swap3A_517 : i32 to index
    %swap3A_520 = arith.index_cast %swap3A_518 : i32 to index
    %swap3A_521 = arith.constant 112 : index
    %swap3A_522 = tpu.vector_load %arg12[%swap3A_519, %swap3A_520, %swap3A_521] {strides = array<i32>} : memref<2x2x128xi32, #tpu.memory_space<vmem>>, vector<1x1x16xi32>,
    %swap3A_523 = vector.shape_cast %swap3A_522 : vector<1x1x16xi32> to vector<16xi32>
    %swap3A_524 = vector.shape_cast %get3A_516 : vector<16xi32> to vector<1x1x16xi32>
    tpu.vector_store %arg12[%swap3A_519, %swap3A_520, %swap3A_521], %swap3A_524 {strides = array<i32>} : memref<2x2x128xi32, #tpu.memory_space<vmem>>, vector<1x1x16xi32>,
    %dma_start3A = arith.constant 0 : i32
    %dma_start3A_525 = arith.constant 0 : i32
    %dma_start3A_526 = arith.constant 0 : i32
    %dma_start3A_527 = arith.constant 0 : i32
    %dma_start3A_528 = arith.constant 0 : i32
    %dma_start3A_529 = arith.constant 0 : i32
    %dma_start3A_530 = tpu.memref_slice %arg15[%dma_start3A_526, %dma_start3A_528, %dma_start3A_529] : memref<2x256x32xf32, #tpu.memory_space<vmem>> -> memref<1x128x32xf32, #tpu.memory_space<vmem>>
    %dma_start3A_531 = tpu.memref_squeeze %dma_start3A_530 : memref<1x128x32xf32, #tpu.memory_space<vmem>> -> memref<128x32xf32, #tpu.memory_space<vmem>>
    %dma_start3A_532 = arith.constant 0 : i32
    %dma_start3A_533 = tpu.memref_slice %arg11[%dma_start3A, %dma_start3A_525, %dma_start3A_532] : memref<2x2x128xi32, #tpu.memory_space<vmem>> -> memref<1x1x128xi32, #tpu.memory_space<vmem>>
    %dma_start3A_534 = tpu.memref_squeeze %dma_start3A_533 : memref<1x1x128xi32, #tpu.memory_space<vmem>> -> memref<128xi32, #tpu.memory_space<vmem>>
    %dma_start3A_535 = arith.constant 0 : i32
    %dma_start3A_536 = arith.constant 0 : i32
    %dma_start3A_537 = tpu.memref_slice %arg2[%dma_start3A_535, %dma_start3A_536] : memref<10000x32xf32, #tpu.memory_space<hbm>> -> memref<10000x32xf32, #tpu.memory_space<hbm>>
    %dma_start3A_538 = tpu.memref_slice %arg22[%dma_start3A_527] : memref<2x!tpu.dma_semaphore, #tpu.memory_space<semaphore_mem>> -> memref<1x!tpu.dma_semaphore, #tpu.memory_space<semaphore_mem>>
    %dma_start3A_539 = tpu.memref_squeeze %dma_start3A_538 : memref<1x!tpu.dma_semaphore, #tpu.memory_space<semaphore_mem>> -> memref<!tpu.dma_semaphore, #tpu.memory_space<semaphore_mem>>
    tpu.enqueue_indirect_dma source(%dma_start3A_537 : memref<10000x32xf32, #tpu.memory_space<hbm>>) target(%dma_start3A_531 : memref<128x32xf32, #tpu.memory_space<vmem>>) offsets(%dma_start3A_534 : memref<128xi32, #tpu.memory_space<vmem>>) semaphore(%dma_start3A_539 : memref<!tpu.dma_semaphore, #tpu.memory_space<semaphore_mem>>)
    %dma_start3A_540 = arith.constant 0 : i32
    %dma_start3A_541 = arith.constant 0 : i32
    %dma_start3A_542 = arith.constant 0 : i32
    %dma_start3A_543 = arith.constant 0 : i32
    %dma_start3A_544 = arith.constant 0 : i32
    %dma_start3A_545 = arith.constant 0 : i32
    %dma_start3A_546 = tpu.memref_slice %arg16[%dma_start3A_542, %dma_start3A_544, %dma_start3A_545] : memref<2x256x32xf32, #tpu.memory_space<vmem>> -> memref<1x128x32xf32, #tpu.memory_space<vmem>>
    %dma_start3A_547 = tpu.memref_squeeze %dma_start3A_546 : memref<1x128x32xf32, #tpu.memory_space<vmem>> -> memref<128x32xf32, #tpu.memory_space<vmem>>
    %dma_start3A_548 = arith.constant 0 : i32
    %dma_start3A_549 = tpu.memref_slice %arg12[%dma_start3A_540, %dma_start3A_541, %dma_start3A_548] : memref<2x2x128xi32, #tpu.memory_space<vmem>> -> memref<1x1x128xi32, #tpu.memory_space<vmem>>
    %dma_start3A_550 = tpu.memref_squeeze %dma_start3A_549 : memref<1x1x128xi32, #tpu.memory_space<vmem>> -> memref<128xi32, #tpu.memory_space<vmem>>
    %dma_start3A_551 = arith.constant 0 : i32
    %dma_start3A_552 = arith.constant 0 : i32
    %dma_start3A_553 = tpu.memref_slice %arg3[%dma_start3A_551, %dma_start3A_552] : memref<10000x32xf32, #tpu.memory_space<hbm>> -> memref<10000x32xf32, #tpu.memory_space<hbm>>
    %dma_start3A_554 = tpu.memref_slice %arg23[%dma_start3A_543] : memref<2x!tpu.dma_semaphore, #tpu.memory_space<semaphore_mem>> -> memref<1x!tpu.dma_semaphore, #tpu.memory_space<semaphore_mem>>
    %dma_start3A_555 = tpu.memref_squeeze %dma_start3A_554 : memref<1x!tpu.dma_semaphore, #tpu.memory_space<semaphore_mem>> -> memref<!tpu.dma_semaphore, #tpu.memory_space<semaphore_mem>>
    tpu.enqueue_indirect_dma source(%dma_start3A_553 : memref<10000x32xf32, #tpu.memory_space<hbm>>) target(%dma_start3A_547 : memref<128x32xf32, #tpu.memory_space<vmem>>) offsets(%dma_start3A_550 : memref<128xi32, #tpu.memory_space<vmem>>) semaphore(%dma_start3A_555 : memref<!tpu.dma_semaphore, #tpu.memory_space<semaphore_mem>>)
    %dma_start3A_556 = arith.constant 0 : i32
    %dma_start3A_557 = arith.constant 1 : i32
    %dma_start3A_558 = arith.constant 0 : i32
    %dma_start3A_559 = arith.constant 0 : i32
    %dma_start3A_560 = arith.constant 128 : i32
    %dma_start3A_561 = arith.constant 0 : i32
    %dma_start3A_562 = tpu.memref_slice %arg15[%dma_start3A_558, %dma_start3A_560, %dma_start3A_561] : memref<2x256x32xf32, #tpu.memory_space<vmem>> -> memref<1x128x32xf32, #tpu.memory_space<vmem>>
    %dma_start3A_563 = tpu.memref_squeeze %dma_start3A_562 : memref<1x128x32xf32, #tpu.memory_space<vmem>> -> memref<128x32xf32, #tpu.memory_space<vmem>>
    %dma_start3A_564 = arith.constant 0 : i32
    %dma_start3A_565 = tpu.memref_slice %arg11[%dma_start3A_556, %dma_start3A_557, %dma_start3A_564] : memref<2x2x128xi32, #tpu.memory_space<vmem>> -> memref<1x1x128xi32, #tpu.memory_space<vmem>>
    %dma_start3A_566 = tpu.memref_squeeze %dma_start3A_565 : memref<1x1x128xi32, #tpu.memory_space<vmem>> -> memref<128xi32, #tpu.memory_space<vmem>>
    %dma_start3A_567 = arith.constant 0 : i32
    %dma_start3A_568 = arith.constant 0 : i32
    %dma_start3A_569 = tpu.memref_slice %arg2[%dma_start3A_567, %dma_start3A_568] : memref<10000x32xf32, #tpu.memory_space<hbm>> -> memref<10000x32xf32, #tpu.memory_space<hbm>>
    %dma_start3A_570 = tpu.memref_slice %arg22[%dma_start3A_559] : memref<2x!tpu.dma_semaphore, #tpu.memory_space<semaphore_mem>> -> memref<1x!tpu.dma_semaphore, #tpu.memory_space<semaphore_mem>>
    %dma_start3A_571 = tpu.memref_squeeze %dma_start3A_570 : memref<1x!tpu.dma_semaphore, #tpu.memory_space<semaphore_mem>> -> memref<!tpu.dma_semaphore, #tpu.memory_space<semaphore_mem>>
    tpu.enqueue_indirect_dma source(%dma_start3A_569 : memref<10000x32xf32, #tpu.memory_space<hbm>>) target(%dma_start3A_563 : memref<128x32xf32, #tpu.memory_space<vmem>>) offsets(%dma_start3A_566 : memref<128xi32, #tpu.memory_space<vmem>>) semaphore(%dma_start3A_571 : memref<!tpu.dma_semaphore, #tpu.memory_space<semaphore_mem>>)
    %dma_start3A_572 = arith.constant 0 : i32
    %dma_start3A_573 = arith.constant 1 : i32
    %dma_start3A_574 = arith.constant 0 : i32
    %dma_start3A_575 = arith.constant 0 : i32
    %dma_start3A_576 = arith.constant 128 : i32
    %dma_start3A_577 = arith.constant 0 : i32
    %dma_start3A_578 = tpu.memref_slice %arg16[%dma_start3A_574, %dma_start3A_576, %dma_start3A_577] : memref<2x256x32xf32, #tpu.memory_space<vmem>> -> memref<1x128x32xf32, #tpu.memory_space<vmem>>
    %dma_start3A_579 = tpu.memref_squeeze %dma_start3A_578 : memref<1x128x32xf32, #tpu.memory_space<vmem>> -> memref<128x32xf32, #tpu.memory_space<vmem>>
    %dma_start3A_580 = arith.constant 0 : i32
    %dma_start3A_581 = tpu.memref_slice %arg12[%dma_start3A_572, %dma_start3A_573, %dma_start3A_580] : memref<2x2x128xi32, #tpu.memory_space<vmem>> -> memref<1x1x128xi32, #tpu.memory_space<vmem>>
    %dma_start3A_582 = tpu.memref_squeeze %dma_start3A_581 : memref<1x1x128xi32, #tpu.memory_space<vmem>> -> memref<128xi32, #tpu.memory_space<vmem>>
    %dma_start3A_583 = arith.constant 0 : i32
    %dma_start3A_584 = arith.constant 0 : i32
    %dma_start3A_585 = tpu.memref_slice %arg3[%dma_start3A_583, %dma_start3A_584] : memref<10000x32xf32, #tpu.memory_space<hbm>> -> memref<10000x32xf32, #tpu.memory_space<hbm>>
    %dma_start3A_586 = tpu.memref_slice %arg23[%dma_start3A_575] : memref<2x!tpu.dma_semaphore, #tpu.memory_space<semaphore_mem>> -> memref<1x!tpu.dma_semaphore, #tpu.memory_space<semaphore_mem>>
    %dma_start3A_587 = tpu.memref_squeeze %dma_start3A_586 : memref<1x!tpu.dma_semaphore, #tpu.memory_space<semaphore_mem>> -> memref<!tpu.dma_semaphore, #tpu.memory_space<semaphore_mem>>
    tpu.enqueue_indirect_dma source(%dma_start3A_585 : memref<10000x32xf32, #tpu.memory_space<hbm>>) target(%dma_start3A_579 : memref<128x32xf32, #tpu.memory_space<vmem>>) offsets(%dma_start3A_582 : memref<128xi32, #tpu.memory_space<vmem>>) semaphore(%dma_start3A_587 : memref<!tpu.dma_semaphore, #tpu.memory_space<semaphore_mem>>)
    %dma_start3A_588 = arith.constant 0 : i32
    %dma_start3A_589 = arith.constant 0 : i32
    %dma_start3A_590 = arith.constant 0 : i32
    %dma_start3A_591 = arith.constant 0 : i32
    %dma_start3A_592 = tpu.memref_slice %arg17[%dma_start3A_588, %dma_start3A_590, %dma_start3A_591] : memref<2x256x16xf32, #tpu.memory_space<vmem>> -> memref<1x256x16xf32, #tpu.memory_space<vmem>>
    %dma_start3A_593 = tpu.memref_squeeze %dma_start3A_592 : memref<1x256x16xf32, #tpu.memory_space<vmem>> -> memref<256x16xf32, #tpu.memory_space<vmem>>
    %dma_start3A_594 = arith.constant 0 : i32
    %dma_start3A_595 = tpu.memref_slice %arg4[%mul3A_41, %dma_start3A_594] : memref<320000x128xf32, #tpu.memory_space<hbm>> -> memref<256x16xf32, #tpu.memory_space<hbm>>
    %dma_start3A_596 = tpu.memref_slice %arg24[%dma_start3A_589] : memref<2x!tpu.dma_semaphore, #tpu.memory_space<semaphore_mem>> -> memref<1x!tpu.dma_semaphore, #tpu.memory_space<semaphore_mem>>
    %dma_start3A_597 = tpu.memref_squeeze %dma_start3A_596 : memref<1x!tpu.dma_semaphore, #tpu.memory_space<semaphore_mem>> -> memref<!tpu.dma_semaphore, #tpu.memory_space<semaphore_mem>>
    %dma_start3A_598 = arith.constant 0 : i32
    %dma_start3A_599 = arith.constant 0 : i32
    %dma_start3A_600 = tpu.memref_slice %arg17[%dma_start3A_588, %dma_start3A_598, %dma_start3A_599] : memref<2x256x16xf32, #tpu.memory_space<vmem>> -> memref<1x256x16xf32, #tpu.memory_space<vmem>>
    %dma_start3A_601 = tpu.memref_squeeze %dma_start3A_600 : memref<1x256x16xf32, #tpu.memory_space<vmem>> -> memref<256x16xf32, #tpu.memory_space<vmem>>
    %dma_start3A_602 = arith.constant 0 : i32
    %dma_start3A_603 = tpu.memref_slice %arg4[%mul3A_41, %dma_start3A_602] : memref<320000x128xf32, #tpu.memory_space<hbm>> -> memref<256x16xf32, #tpu.memory_space<hbm>>
    tpu.enqueue_dma source(%dma_start3A_603 : memref<256x16xf32, #tpu.memory_space<hbm>>) target(%dma_start3A_601 : memref<256x16xf32, #tpu.memory_space<vmem>>) target_semaphore(%dma_start3A_597 : memref<!tpu.dma_semaphore, #tpu.memory_space<semaphore_mem>>)
    %while3A = arith.constant 0 : i32
    %while3A_604 = arith.constant 0 : i32
    %while3A_605 = arith.subi %select_n3A, %while3A : i32
    %while3A_606 = arith.addi %while3A, %while3A_605 : i32
    %while3A_607 = arith.constant 1 : i32
    %while3A_608 = arith.divsi %while3A_605, %while3A_607 : i32
    %while3A_609 = arith.muli %while3A_608, %while3A_607 : i32
    %while3A_610 = arith.addi %while3A, %while3A_609 : i32
    %while3A_611 = arith.constant 1 : i32
    %while3A_612 = scf.for %while3A_786 = %while3A to %while3A_610 step %while3A_611 iter_args(%while3A_787 = %while3A_604) -> (i32)  : i32 {
      %and3A = arith.constant 1 : i32
      %and3A_788 = arith.andi %while3A_786, %and3A : i32
      %sub3A_789 = arith.constant 1 : i32
      %sub3A_790 = arith.subi %sub3A_789, %and3A_788 : i32
      %add3A_791 = arith.constant 1 : i32
      %add3A_792 = arith.addi %while3A_786, %add3A_791 : i32
      %lt3A_793 = arith.cmpi slt, %add3A_792, %select_n3A : i32
      %ge3A = arith.constant 1 : i32
      %ge3A_794 = arith.cmpi sge, %while3A_786, %ge3A : i32
      %and3A_795 = arith.andi %ge3A_794, %lt3A_793 : i1
      %convert_element_type3A = arith.extui %and3A_795 : i1 to i32
      %cond3A = arith.constant 0 : i32
      %cond3A_796 = arith.cmpi ne, %convert_element_type3A, %cond3A : i32
      scf.if %cond3A_796 {
        %dma_wait3A_940 = arith.constant 0 : i32
        %dma_wait3A_941 = arith.constant 0 : i32
        %dma_wait3A_942 = arith.constant 0 : i32
        %dma_wait3A_943 = tpu.memref_slice %arg15[%sub3A_790, %dma_wait3A_941, %dma_wait3A_942] : memref<2x256x32xf32, #tpu.memory_space<vmem>> -> memref<1x128x32xf32, #tpu.memory_space<vmem>>
        %dma_wait3A_944 = tpu.memref_squeeze %dma_wait3A_943 : memref<1x128x32xf32, #tpu.memory_space<vmem>> -> memref<128x32xf32, #tpu.memory_space<vmem>>
        %dma_wait3A_945 = arith.constant 0 : i32
        %dma_wait3A_946 = tpu.memref_slice %arg11[%sub3A_790, %dma_wait3A_940, %dma_wait3A_945] : memref<2x2x128xi32, #tpu.memory_space<vmem>> -> memref<1x1x128xi32, #tpu.memory_space<vmem>>
        %dma_wait3A_947 = tpu.memref_squeeze %dma_wait3A_946 : memref<1x1x128xi32, #tpu.memory_space<vmem>> -> memref<128xi32, #tpu.memory_space<vmem>>
        %dma_wait3A_948 = arith.constant 0 : i32
        %dma_wait3A_949 = arith.constant 0 : i32
        %dma_wait3A_950 = tpu.memref_slice %arg20[%dma_wait3A_948, %dma_wait3A_949] : memref<10240x32xf32, #tpu.memory_space<vmem_shared>> -> memref<10240x32xf32, #tpu.memory_space<vmem_shared>>
        %dma_wait3A_951 = tpu.memref_slice %arg25[%sub3A_790] : memref<2x!tpu.dma_semaphore, #tpu.memory_space<semaphore_mem>> -> memref<1x!tpu.dma_semaphore, #tpu.memory_space<semaphore_mem>>
        %dma_wait3A_952 = tpu.memref_squeeze %dma_wait3A_951 : memref<1x!tpu.dma_semaphore, #tpu.memory_space<semaphore_mem>> -> memref<!tpu.dma_semaphore, #tpu.memory_space<semaphore_mem>>
        tpu.wait_indirect_dma semaphore(%dma_wait3A_952 : memref<!tpu.dma_semaphore, #tpu.memory_space<semaphore_mem>>) src(%dma_wait3A_944 : memref<128x32xf32, #tpu.memory_space<vmem>>) dst(%dma_wait3A_950 : memref<10240x32xf32, #tpu.memory_space<vmem_shared>>)
        %dma_wait3A_953 = arith.constant 0 : i32
        %dma_wait3A_954 = arith.constant 0 : i32
        %dma_wait3A_955 = arith.constant 0 : i32
        %dma_wait3A_956 = tpu.memref_slice %arg16[%sub3A_790, %dma_wait3A_954, %dma_wait3A_955] : memref<2x256x32xf32, #tpu.memory_space<vmem>> -> memref<1x128x32xf32, #tpu.memory_space<vmem>>
        %dma_wait3A_957 = tpu.memref_squeeze %dma_wait3A_956 : memref<1x128x32xf32, #tpu.memory_space<vmem>> -> memref<128x32xf32, #tpu.memory_space<vmem>>
        %dma_wait3A_958 = arith.constant 0 : i32
        %dma_wait3A_959 = tpu.memref_slice %arg12[%sub3A_790, %dma_wait3A_953, %dma_wait3A_958] : memref<2x2x128xi32, #tpu.memory_space<vmem>> -> memref<1x1x128xi32, #tpu.memory_space<vmem>>
        %dma_wait3A_960 = tpu.memref_squeeze %dma_wait3A_959 : memref<1x1x128xi32, #tpu.memory_space<vmem>> -> memref<128xi32, #tpu.memory_space<vmem>>
        %dma_wait3A_961 = arith.constant 0 : i32
        %dma_wait3A_962 = arith.constant 0 : i32
        %dma_wait3A_963 = tpu.memref_slice %arg21[%dma_wait3A_961, %dma_wait3A_962] : memref<10240x32xf32, #tpu.memory_space<vmem_shared>> -> memref<10240x32xf32, #tpu.memory_space<vmem_shared>>
        %dma_wait3A_964 = tpu.memref_slice %arg26[%sub3A_790] : memref<2x!tpu.dma_semaphore, #tpu.memory_space<semaphore_mem>> -> memref<1x!tpu.dma_semaphore, #tpu.memory_space<semaphore_mem>>
        %dma_wait3A_965 = tpu.memref_squeeze %dma_wait3A_964 : memref<1x!tpu.dma_semaphore, #tpu.memory_space<semaphore_mem>> -> memref<!tpu.dma_semaphore, #tpu.memory_space<semaphore_mem>>
        tpu.wait_indirect_dma semaphore(%dma_wait3A_965 : memref<!tpu.dma_semaphore, #tpu.memory_space<semaphore_mem>>) src(%dma_wait3A_957 : memref<128x32xf32, #tpu.memory_space<vmem>>) dst(%dma_wait3A_963 : memref<10240x32xf32, #tpu.memory_space<vmem_shared>>)
        %dma_wait3A_966 = arith.constant 1 : i32
        %dma_wait3A_967 = arith.constant 128 : i32
        %dma_wait3A_968 = arith.constant 0 : i32
        %dma_wait3A_969 = tpu.memref_slice %arg15[%sub3A_790, %dma_wait3A_967, %dma_wait3A_968] : memref<2x256x32xf32, #tpu.memory_space<vmem>> -> memref<1x128x32xf32, #tpu.memory_space<vmem>>
        %dma_wait3A_970 = tpu.memref_squeeze %dma_wait3A_969 : memref<1x128x32xf32, #tpu.memory_space<vmem>> -> memref<128x32xf32, #tpu.memory_space<vmem>>
        %dma_wait3A_971 = arith.constant 0 : i32
        %dma_wait3A_972 = tpu.memref_slice %arg11[%sub3A_790, %dma_wait3A_966, %dma_wait3A_971] : memref<2x2x128xi32, #tpu.memory_space<vmem>> -> memref<1x1x128xi32, #tpu.memory_space<vmem>>
        %dma_wait3A_973 = tpu.memref_squeeze %dma_wait3A_972 : memref<1x1x128xi32, #tpu.memory_space<vmem>> -> memref<128xi32, #tpu.memory_space<vmem>>
        %dma_wait3A_974 = arith.constant 0 : i32
        %dma_wait3A_975 = arith.constant 0 : i32
        %dma_wait3A_976 = tpu.memref_slice %arg20[%dma_wait3A_974, %dma_wait3A_975] : memref<10240x32xf32, #tpu.memory_space<vmem_shared>> -> memref<10240x32xf32, #tpu.memory_space<vmem_shared>>
        %dma_wait3A_977 = tpu.memref_slice %arg25[%sub3A_790] : memref<2x!tpu.dma_semaphore, #tpu.memory_space<semaphore_mem>> -> memref<1x!tpu.dma_semaphore, #tpu.memory_space<semaphore_mem>>
        %dma_wait3A_978 = tpu.memref_squeeze %dma_wait3A_977 : memref<1x!tpu.dma_semaphore, #tpu.memory_space<semaphore_mem>> -> memref<!tpu.dma_semaphore, #tpu.memory_space<semaphore_mem>>
        tpu.wait_indirect_dma semaphore(%dma_wait3A_978 : memref<!tpu.dma_semaphore, #tpu.memory_space<semaphore_mem>>) src(%dma_wait3A_970 : memref<128x32xf32, #tpu.memory_space<vmem>>) dst(%dma_wait3A_976 : memref<10240x32xf32, #tpu.memory_space<vmem_shared>>)
        %dma_wait3A_979 = arith.constant 1 : i32
        %dma_wait3A_980 = arith.constant 128 : i32
        %dma_wait3A_981 = arith.constant 0 : i32
        %dma_wait3A_982 = tpu.memref_slice %arg16[%sub3A_790, %dma_wait3A_980, %dma_wait3A_981] : memref<2x256x32xf32, #tpu.memory_space<vmem>> -> memref<1x128x32xf32, #tpu.memory_space<vmem>>
        %dma_wait3A_983 = tpu.memref_squeeze %dma_wait3A_982 : memref<1x128x32xf32, #tpu.memory_space<vmem>> -> memref<128x32xf32, #tpu.memory_space<vmem>>
        %dma_wait3A_984 = arith.constant 0 : i32
        %dma_wait3A_985 = tpu.memref_slice %arg12[%sub3A_790, %dma_wait3A_979, %dma_wait3A_984] : memref<2x2x128xi32, #tpu.memory_space<vmem>> -> memref<1x1x128xi32, #tpu.memory_space<vmem>>
        %dma_wait3A_986 = tpu.memref_squeeze %dma_wait3A_985 : memref<1x1x128xi32, #tpu.memory_space<vmem>> -> memref<128xi32, #tpu.memory_space<vmem>>
        %dma_wait3A_987 = arith.constant 0 : i32
        %dma_wait3A_988 = arith.constant 0 : i32
        %dma_wait3A_989 = tpu.memref_slice %arg21[%dma_wait3A_987, %dma_wait3A_988] : memref<10240x32xf32, #tpu.memory_space<vmem_shared>> -> memref<10240x32xf32, #tpu.memory_space<vmem_shared>>
        %dma_wait3A_990 = tpu.memref_slice %arg26[%sub3A_790] : memref<2x!tpu.dma_semaphore, #tpu.memory_space<semaphore_mem>> -> memref<1x!tpu.dma_semaphore, #tpu.memory_space<semaphore_mem>>
        %dma_wait3A_991 = tpu.memref_squeeze %dma_wait3A_990 : memref<1x!tpu.dma_semaphore, #tpu.memory_space<semaphore_mem>> -> memref<!tpu.dma_semaphore, #tpu.memory_space<semaphore_mem>>
        tpu.wait_indirect_dma semaphore(%dma_wait3A_991 : memref<!tpu.dma_semaphore, #tpu.memory_space<semaphore_mem>>) src(%dma_wait3A_983 : memref<128x32xf32, #tpu.memory_space<vmem>>) dst(%dma_wait3A_989 : memref<10240x32xf32, #tpu.memory_space<vmem_shared>>)
        %dma_wait3A_992 = arith.constant 0 : i32
        %dma_wait3A_993 = arith.constant 0 : i32
        %dma_wait3A_994 = tpu.memref_slice %arg17[%sub3A_790, %dma_wait3A_992, %dma_wait3A_993] : memref<2x256x16xf32, #tpu.memory_space<vmem>> -> memref<1x256x16xf32, #tpu.memory_space<vmem>>
        %dma_wait3A_995 = tpu.memref_squeeze %dma_wait3A_994 : memref<1x256x16xf32, #tpu.memory_space<vmem>> -> memref<256x16xf32, #tpu.memory_space<vmem>>
        %dma_wait3A_996 = arith.constant 0 : i32
        %dma_wait3A_997 = arith.constant 0 : i32
        %dma_wait3A_998 = tpu.memref_slice %arg10[%dma_wait3A_996, %dma_wait3A_997] : memref<320000x128xf32, #tpu.memory_space<hbm>> -> memref<256x16xf32, #tpu.memory_space<hbm>>
        %dma_wait3A_999 = tpu.memref_slice %arg27[%sub3A_790] : memref<2x!tpu.dma_semaphore, #tpu.memory_space<semaphore_mem>> -> memref<1x!tpu.dma_semaphore, #tpu.memory_space<semaphore_mem>>
        %dma_wait3A_1000 = tpu.memref_squeeze %dma_wait3A_999 : memref<1x!tpu.dma_semaphore, #tpu.memory_space<semaphore_mem>> -> memref<!tpu.dma_semaphore, #tpu.memory_space<semaphore_mem>>
        %dma_wait3A_1001 = arith.constant 0 : i32
        %dma_wait3A_1002 = arith.constant 0 : i32
        %dma_wait3A_1003 = tpu.memref_slice %arg10[%dma_wait3A_1001, %dma_wait3A_1002] : memref<320000x128xf32, #tpu.memory_space<hbm>> -> memref<256x16xf32, #tpu.memory_space<hbm>>
        %dma_wait3A_1004 = arith.constant 0 : i32
        %dma_wait3A_1005 = arith.constant 0 : i32
        %dma_wait3A_1006 = tpu.memref_slice %arg17[%sub3A_790, %dma_wait3A_1004, %dma_wait3A_1005] : memref<2x256x16xf32, #tpu.memory_space<vmem>> -> memref<1x256x16xf32, #tpu.memory_space<vmem>>
        %dma_wait3A_1007 = tpu.memref_squeeze %dma_wait3A_1006 : memref<1x256x16xf32, #tpu.memory_space<vmem>> -> memref<256x16xf32, #tpu.memory_space<vmem>>
        tpu.wait_dma2 semaphore(%dma_wait3A_1000 : memref<!tpu.dma_semaphore, #tpu.memory_space<semaphore_mem>>) src(%dma_wait3A_1007 : memref<256x16xf32, #tpu.memory_space<vmem>>) dst(%dma_wait3A_1003 : memref<256x16xf32, #tpu.memory_space<hbm>>)
      } else {
      }
      %convert_element_type3A_797 = arith.extui %lt3A_793 : i1 to i32
      %cond3A_798 = arith.constant 0 : i32
      %cond3A_799 = arith.cmpi ne, %convert_element_type3A_797, %cond3A_798 : i32
      scf.if %cond3A_799 {
        %add3A_940 = arith.constant 1 : i32
        %add3A_941 = arith.addi %while3A_786, %add3A_940 : i32
        %add3A_942 = arith.addi %select_n3A_27, %add3A_941 : i32
        %mul3A_943 = arith.constant 256 : i32
        %mul3A_944 = arith.muli %add3A_942, %mul3A_943 : i32
        %add3A_945 = arith.addi %select_n3A_32, %add3A_941 : i32
        %mul3A_946 = arith.constant 256 : i32
        %mul3A_947 = arith.muli %add3A_945, %mul3A_946 : i32
        %add3A_948 = arith.constant 0 : i32
        %add3A_949 = arith.addi %mul3A_947, %add3A_948 : i32
        %add3A_950 = arith.constant 0 : i32
        %add3A_951 = arith.addi %add3A_949, %add3A_950 : i32
        %get3A_952 = arith.index_cast %add3A_951 : i32 to index
        %get3A_953 = tpu.vector_load %arg13[%get3A_952] {strides = array<i32>} : memref<10240xi32, #tpu.memory_space<vmem>>, vector<16xi32>,
        %get3A_954 = vector.shape_cast %get3A_953 : vector<16xi32> to vector<16xi32>
        %swap3A_955 = arith.constant 0 : i32
        %swap3A_956 = arith.index_cast %sub3A_790 : i32 to index
        %swap3A_957 = arith.index_cast %swap3A_955 : i32 to index
        %swap3A_958 = arith.constant 0 : index
        %swap3A_959 = tpu.vector_load %arg11[%swap3A_956, %swap3A_957, %swap3A_958] {strides = array<i32>} : memref<2x2x128xi32, #tpu.memory_space<vmem>>, vector<1x1x16xi32>,
        %swap3A_960 = vector.shape_cast %swap3A_959 : vector<1x1x16xi32> to vector<16xi32>
        %swap3A_961 = vector.shape_cast %get3A_954 : vector<16xi32> to vector<1x1x16xi32>
        tpu.vector_store %arg11[%swap3A_956, %swap3A_957, %swap3A_958], %swap3A_961 {strides = array<i32>} : memref<2x2x128xi32, #tpu.memory_space<vmem>>, vector<1x1x16xi32>,
        %add3A_962 = arith.constant 0 : i32
        %add3A_963 = arith.addi %mul3A_947, %add3A_962 : i32
        %add3A_964 = arith.constant 0 : i32
        %add3A_965 = arith.addi %add3A_963, %add3A_964 : i32
        %get3A_966 = arith.index_cast %add3A_965 : i32 to index
        %get3A_967 = tpu.vector_load %arg14[%get3A_966] {strides = array<i32>} : memref<10240xi32, #tpu.memory_space<vmem>>, vector<16xi32>,
        %get3A_968 = vector.shape_cast %get3A_967 : vector<16xi32> to vector<16xi32>
        %swap3A_969 = arith.constant 0 : i32
        %swap3A_970 = arith.index_cast %sub3A_790 : i32 to index
        %swap3A_971 = arith.index_cast %swap3A_969 : i32 to index
        %swap3A_972 = arith.constant 0 : index
        %swap3A_973 = tpu.vector_load %arg12[%swap3A_970, %swap3A_971, %swap3A_972] {strides = array<i32>} : memref<2x2x128xi32, #tpu.memory_space<vmem>>, vector<1x1x16xi32>,
        %swap3A_974 = vector.shape_cast %swap3A_973 : vector<1x1x16xi32> to vector<16xi32>
        %swap3A_975 = vector.shape_cast %get3A_968 : vector<16xi32> to vector<1x1x16xi32>
        tpu.vector_store %arg12[%swap3A_970, %swap3A_971, %swap3A_972], %swap3A_975 {strides = array<i32>} : memref<2x2x128xi32, #tpu.memory_space<vmem>>, vector<1x1x16xi32>,
        %add3A_976 = arith.constant 0 : i32
        %add3A_977 = arith.addi %mul3A_947, %add3A_976 : i32
        %add3A_978 = arith.constant 16 : i32
        %add3A_979 = arith.addi %add3A_977, %add3A_978 : i32
        %get3A_980 = arith.index_cast %add3A_979 : i32 to index
        %get3A_981 = tpu.vector_load %arg13[%get3A_980] {strides = array<i32>} : memref<10240xi32, #tpu.memory_space<vmem>>, vector<16xi32>,
        %get3A_982 = vector.shape_cast %get3A_981 : vector<16xi32> to vector<16xi32>
        %swap3A_983 = arith.constant 0 : i32
        %swap3A_984 = arith.index_cast %sub3A_790 : i32 to index
        %swap3A_985 = arith.index_cast %swap3A_983 : i32 to index
        %swap3A_986 = arith.constant 16 : index
        %swap3A_987 = tpu.vector_load %arg11[%swap3A_984, %swap3A_985, %swap3A_986] {strides = array<i32>} : memref<2x2x128xi32, #tpu.memory_space<vmem>>, vector<1x1x16xi32>,
        %swap3A_988 = vector.shape_cast %swap3A_987 : vector<1x1x16xi32> to vector<16xi32>
        %swap3A_989 = vector.shape_cast %get3A_982 : vector<16xi32> to vector<1x1x16xi32>
        tpu.vector_store %arg11[%swap3A_984, %swap3A_985, %swap3A_986], %swap3A_989 {strides = array<i32>} : memref<2x2x128xi32, #tpu.memory_space<vmem>>, vector<1x1x16xi32>,
        %add3A_990 = arith.constant 0 : i32
        %add3A_991 = arith.addi %mul3A_947, %add3A_990 : i32
        %add3A_992 = arith.constant 16 : i32
        %add3A_993 = arith.addi %add3A_991, %add3A_992 : i32
        %get3A_994 = arith.index_cast %add3A_993 : i32 to index
        %get3A_995 = tpu.vector_load %arg14[%get3A_994] {strides = array<i32>} : memref<10240xi32, #tpu.memory_space<vmem>>, vector<16xi32>,
        %get3A_996 = vector.shape_cast %get3A_995 : vector<16xi32> to vector<16xi32>
        %swap3A_997 = arith.constant 0 : i32
        %swap3A_998 = arith.index_cast %sub3A_790 : i32 to index
        %swap3A_999 = arith.index_cast %swap3A_997 : i32 to index
        %swap3A_1000 = arith.constant 16 : index
        %swap3A_1001 = tpu.vector_load %arg12[%swap3A_998, %swap3A_999, %swap3A_1000] {strides = array<i32>} : memref<2x2x128xi32, #tpu.memory_space<vmem>>, vector<1x1x16xi32>,
        %swap3A_1002 = vector.shape_cast %swap3A_1001 : vector<1x1x16xi32> to vector<16xi32>
        %swap3A_1003 = vector.shape_cast %get3A_996 : vector<16xi32> to vector<1x1x16xi32>
        tpu.vector_store %arg12[%swap3A_998, %swap3A_999, %swap3A_1000], %swap3A_1003 {strides = array<i32>} : memref<2x2x128xi32, #tpu.memory_space<vmem>>, vector<1x1x16xi32>,
        %add3A_1004 = arith.constant 0 : i32
        %add3A_1005 = arith.addi %mul3A_947, %add3A_1004 : i32
        %add3A_1006 = arith.constant 32 : i32
        %add3A_1007 = arith.addi %add3A_1005, %add3A_1006 : i32
        %get3A_1008 = arith.index_cast %add3A_1007 : i32 to index
        %get3A_1009 = tpu.vector_load %arg13[%get3A_1008] {strides = array<i32>} : memref<10240xi32, #tpu.memory_space<vmem>>, vector<16xi32>,
        %get3A_1010 = vector.shape_cast %get3A_1009 : vector<16xi32> to vector<16xi32>
        %swap3A_1011 = arith.constant 0 : i32
        %swap3A_1012 = arith.index_cast %sub3A_790 : i32 to index
        %swap3A_1013 = arith.index_cast %swap3A_1011 : i32 to index
        %swap3A_1014 = arith.constant 32 : index
        %swap3A_1015 = tpu.vector_load %arg11[%swap3A_1012, %swap3A_1013, %swap3A_1014] {strides = array<i32>} : memref<2x2x128xi32, #tpu.memory_space<vmem>>, vector<1x1x16xi32>,
        %swap3A_1016 = vector.shape_cast %swap3A_1015 : vector<1x1x16xi32> to vector<16xi32>
        %swap3A_1017 = vector.shape_cast %get3A_1010 : vector<16xi32> to vector<1x1x16xi32>
        tpu.vector_store %arg11[%swap3A_1012, %swap3A_1013, %swap3A_1014], %swap3A_1017 {strides = array<i32>} : memref<2x2x128xi32, #tpu.memory_space<vmem>>, vector<1x1x16xi32>,
        %add3A_1018 = arith.constant 0 : i32
        %add3A_1019 = arith.addi %mul3A_947, %add3A_1018 : i32
        %add3A_1020 = arith.constant 32 : i32
        %add3A_1021 = arith.addi %add3A_1019, %add3A_1020 : i32
        %get3A_1022 = arith.index_cast %add3A_1021 : i32 to index
        %get3A_1023 = tpu.vector_load %arg14[%get3A_1022] {strides = array<i32>} : memref<10240xi32, #tpu.memory_space<vmem>>, vector<16xi32>,
        %get3A_1024 = vector.shape_cast %get3A_1023 : vector<16xi32> to vector<16xi32>
        %swap3A_1025 = arith.constant 0 : i32
        %swap3A_1026 = arith.index_cast %sub3A_790 : i32 to index
        %swap3A_1027 = arith.index_cast %swap3A_1025 : i32 to index
        %swap3A_1028 = arith.constant 32 : index
        %swap3A_1029 = tpu.vector_load %arg12[%swap3A_1026, %swap3A_1027, %swap3A_1028] {strides = array<i32>} : memref<2x2x128xi32, #tpu.memory_space<vmem>>, vector<1x1x16xi32>,
        %swap3A_1030 = vector.shape_cast %swap3A_1029 : vector<1x1x16xi32> to vector<16xi32>
        %swap3A_1031 = vector.shape_cast %get3A_1024 : vector<16xi32> to vector<1x1x16xi32>
        tpu.vector_store %arg12[%swap3A_1026, %swap3A_1027, %swap3A_1028], %swap3A_1031 {strides = array<i32>} : memref<2x2x128xi32, #tpu.memory_space<vmem>>, vector<1x1x16xi32>,
        %add3A_1032 = arith.constant 0 : i32
        %add3A_1033 = arith.addi %mul3A_947, %add3A_1032 : i32
        %add3A_1034 = arith.constant 48 : i32
        %add3A_1035 = arith.addi %add3A_1033, %add3A_1034 : i32
        %get3A_1036 = arith.index_cast %add3A_1035 : i32 to index
        %get3A_1037 = tpu.vector_load %arg13[%get3A_1036] {strides = array<i32>} : memref<10240xi32, #tpu.memory_space<vmem>>, vector<16xi32>,
        %get3A_1038 = vector.shape_cast %get3A_1037 : vector<16xi32> to vector<16xi32>
        %swap3A_1039 = arith.constant 0 : i32
        %swap3A_1040 = arith.index_cast %sub3A_790 : i32 to index
        %swap3A_1041 = arith.index_cast %swap3A_1039 : i32 to index
        %swap3A_1042 = arith.constant 48 : index
        %swap3A_1043 = tpu.vector_load %arg11[%swap3A_1040, %swap3A_1041, %swap3A_1042] {strides = array<i32>} : memref<2x2x128xi32, #tpu.memory_space<vmem>>, vector<1x1x16xi32>,
        %swap3A_1044 = vector.shape_cast %swap3A_1043 : vector<1x1x16xi32> to vector<16xi32>
        %swap3A_1045 = vector.shape_cast %get3A_1038 : vector<16xi32> to vector<1x1x16xi32>
        tpu.vector_store %arg11[%swap3A_1040, %swap3A_1041, %swap3A_1042], %swap3A_1045 {strides = array<i32>} : memref<2x2x128xi32, #tpu.memory_space<vmem>>, vector<1x1x16xi32>,
        %add3A_1046 = arith.constant 0 : i32
        %add3A_1047 = arith.addi %mul3A_947, %add3A_1046 : i32
        %add3A_1048 = arith.constant 48 : i32
        %add3A_1049 = arith.addi %add3A_1047, %add3A_1048 : i32
        %get3A_1050 = arith.index_cast %add3A_1049 : i32 to index
        %get3A_1051 = tpu.vector_load %arg14[%get3A_1050] {strides = array<i32>} : memref<10240xi32, #tpu.memory_space<vmem>>, vector<16xi32>,
        %get3A_1052 = vector.shape_cast %get3A_1051 : vector<16xi32> to vector<16xi32>
        %swap3A_1053 = arith.constant 0 : i32
        %swap3A_1054 = arith.index_cast %sub3A_790 : i32 to index
        %swap3A_1055 = arith.index_cast %swap3A_1053 : i32 to index
        %swap3A_1056 = arith.constant 48 : index
        %swap3A_1057 = tpu.vector_load %arg12[%swap3A_1054, %swap3A_1055, %swap3A_1056] {strides = array<i32>} : memref<2x2x128xi32, #tpu.memory_space<vmem>>, vector<1x1x16xi32>,
        %swap3A_1058 = vector.shape_cast %swap3A_1057 : vector<1x1x16xi32> to vector<16xi32>
        %swap3A_1059 = vector.shape_cast %get3A_1052 : vector<16xi32> to vector<1x1x16xi32>
        tpu.vector_store %arg12[%swap3A_1054, %swap3A_1055, %swap3A_1056], %swap3A_1059 {strides = array<i32>} : memref<2x2x128xi32, #tpu.memory_space<vmem>>, vector<1x1x16xi32>,
        %add3A_1060 = arith.constant 0 : i32
        %add3A_1061 = arith.addi %mul3A_947, %add3A_1060 : i32
        %add3A_1062 = arith.constant 64 : i32
        %add3A_1063 = arith.addi %add3A_1061, %add3A_1062 : i32
        %get3A_1064 = arith.index_cast %add3A_1063 : i32 to index
        %get3A_1065 = tpu.vector_load %arg13[%get3A_1064] {strides = array<i32>} : memref<10240xi32, #tpu.memory_space<vmem>>, vector<16xi32>,
        %get3A_1066 = vector.shape_cast %get3A_1065 : vector<16xi32> to vector<16xi32>
        %swap3A_1067 = arith.constant 0 : i32
        %swap3A_1068 = arith.index_cast %sub3A_790 : i32 to index
        %swap3A_1069 = arith.index_cast %swap3A_1067 : i32 to index
        %swap3A_1070 = arith.constant 64 : index
        %swap3A_1071 = tpu.vector_load %arg11[%swap3A_1068, %swap3A_1069, %swap3A_1070] {strides = array<i32>} : memref<2x2x128xi32, #tpu.memory_space<vmem>>, vector<1x1x16xi32>,
        %swap3A_1072 = vector.shape_cast %swap3A_1071 : vector<1x1x16xi32> to vector<16xi32>
        %swap3A_1073 = vector.shape_cast %get3A_1066 : vector<16xi32> to vector<1x1x16xi32>
        tpu.vector_store %arg11[%swap3A_1068, %swap3A_1069, %swap3A_1070], %swap3A_1073 {strides = array<i32>} : memref<2x2x128xi32, #tpu.memory_space<vmem>>, vector<1x1x16xi32>,
        %add3A_1074 = arith.constant 0 : i32
        %add3A_1075 = arith.addi %mul3A_947, %add3A_1074 : i32
        %add3A_1076 = arith.constant 64 : i32
        %add3A_1077 = arith.addi %add3A_1075, %add3A_1076 : i32
        %get3A_1078 = arith.index_cast %add3A_1077 : i32 to index
        %get3A_1079 = tpu.vector_load %arg14[%get3A_1078] {strides = array<i32>} : memref<10240xi32, #tpu.memory_space<vmem>>, vector<16xi32>,
        %get3A_1080 = vector.shape_cast %get3A_1079 : vector<16xi32> to vector<16xi32>
        %swap3A_1081 = arith.constant 0 : i32
        %swap3A_1082 = arith.index_cast %sub3A_790 : i32 to index
        %swap3A_1083 = arith.index_cast %swap3A_1081 : i32 to index
        %swap3A_1084 = arith.constant 64 : index
        %swap3A_1085 = tpu.vector_load %arg12[%swap3A_1082, %swap3A_1083, %swap3A_1084] {strides = array<i32>} : memref<2x2x128xi32, #tpu.memory_space<vmem>>, vector<1x1x16xi32>,
        %swap3A_1086 = vector.shape_cast %swap3A_1085 : vector<1x1x16xi32> to vector<16xi32>
        %swap3A_1087 = vector.shape_cast %get3A_1080 : vector<16xi32> to vector<1x1x16xi32>
        tpu.vector_store %arg12[%swap3A_1082, %swap3A_1083, %swap3A_1084], %swap3A_1087 {strides = array<i32>} : memref<2x2x128xi32, #tpu.memory_space<vmem>>, vector<1x1x16xi32>,
        %add3A_1088 = arith.constant 0 : i32
        %add3A_1089 = arith.addi %mul3A_947, %add3A_1088 : i32
        %add3A_1090 = arith.constant 80 : i32
        %add3A_1091 = arith.addi %add3A_1089, %add3A_1090 : i32
        %get3A_1092 = arith.index_cast %add3A_1091 : i32 to index
        %get3A_1093 = tpu.vector_load %arg13[%get3A_1092] {strides = array<i32>} : memref<10240xi32, #tpu.memory_space<vmem>>, vector<16xi32>,
        %get3A_1094 = vector.shape_cast %get3A_1093 : vector<16xi32> to vector<16xi32>
        %swap3A_1095 = arith.constant 0 : i32
        %swap3A_1096 = arith.index_cast %sub3A_790 : i32 to index
        %swap3A_1097 = arith.index_cast %swap3A_1095 : i32 to index
        %swap3A_1098 = arith.constant 80 : index
        %swap3A_1099 = tpu.vector_load %arg11[%swap3A_1096, %swap3A_1097, %swap3A_1098] {strides = array<i32>} : memref<2x2x128xi32, #tpu.memory_space<vmem>>, vector<1x1x16xi32>,
        %swap3A_1100 = vector.shape_cast %swap3A_1099 : vector<1x1x16xi32> to vector<16xi32>
        %swap3A_1101 = vector.shape_cast %get3A_1094 : vector<16xi32> to vector<1x1x16xi32>
        tpu.vector_store %arg11[%swap3A_1096, %swap3A_1097, %swap3A_1098], %swap3A_1101 {strides = array<i32>} : memref<2x2x128xi32, #tpu.memory_space<vmem>>, vector<1x1x16xi32>,
        %add3A_1102 = arith.constant 0 : i32
        %add3A_1103 = arith.addi %mul3A_947, %add3A_1102 : i32
        %add3A_1104 = arith.constant 80 : i32
        %add3A_1105 = arith.addi %add3A_1103, %add3A_1104 : i32
        %get3A_1106 = arith.index_cast %add3A_1105 : i32 to index
        %get3A_1107 = tpu.vector_load %arg14[%get3A_1106] {strides = array<i32>} : memref<10240xi32, #tpu.memory_space<vmem>>, vector<16xi32>,
        %get3A_1108 = vector.shape_cast %get3A_1107 : vector<16xi32> to vector<16xi32>
        %swap3A_1109 = arith.constant 0 : i32
        %swap3A_1110 = arith.index_cast %sub3A_790 : i32 to index
        %swap3A_1111 = arith.index_cast %swap3A_1109 : i32 to index
        %swap3A_1112 = arith.constant 80 : index
        %swap3A_1113 = tpu.vector_load %arg12[%swap3A_1110, %swap3A_1111, %swap3A_1112] {strides = array<i32>} : memref<2x2x128xi32, #tpu.memory_space<vmem>>, vector<1x1x16xi32>,
        %swap3A_1114 = vector.shape_cast %swap3A_1113 : vector<1x1x16xi32> to vector<16xi32>
        %swap3A_1115 = vector.shape_cast %get3A_1108 : vector<16xi32> to vector<1x1x16xi32>
        tpu.vector_store %arg12[%swap3A_1110, %swap3A_1111, %swap3A_1112], %swap3A_1115 {strides = array<i32>} : memref<2x2x128xi32, #tpu.memory_space<vmem>>, vector<1x1x16xi32>,
        %add3A_1116 = arith.constant 0 : i32
        %add3A_1117 = arith.addi %mul3A_947, %add3A_1116 : i32
        %add3A_1118 = arith.constant 96 : i32
        %add3A_1119 = arith.addi %add3A_1117, %add3A_1118 : i32
        %get3A_1120 = arith.index_cast %add3A_1119 : i32 to index
        %get3A_1121 = tpu.vector_load %arg13[%get3A_1120] {strides = array<i32>} : memref<10240xi32, #tpu.memory_space<vmem>>, vector<16xi32>,
        %get3A_1122 = vector.shape_cast %get3A_1121 : vector<16xi32> to vector<16xi32>
        %swap3A_1123 = arith.constant 0 : i32
        %swap3A_1124 = arith.index_cast %sub3A_790 : i32 to index
        %swap3A_1125 = arith.index_cast %swap3A_1123 : i32 to index
        %swap3A_1126 = arith.constant 96 : index
        %swap3A_1127 = tpu.vector_load %arg11[%swap3A_1124, %swap3A_1125, %swap3A_1126] {strides = array<i32>} : memref<2x2x128xi32, #tpu.memory_space<vmem>>, vector<1x1x16xi32>,
        %swap3A_1128 = vector.shape_cast %swap3A_1127 : vector<1x1x16xi32> to vector<16xi32>
        %swap3A_1129 = vector.shape_cast %get3A_1122 : vector<16xi32> to vector<1x1x16xi32>
        tpu.vector_store %arg11[%swap3A_1124, %swap3A_1125, %swap3A_1126], %swap3A_1129 {strides = array<i32>} : memref<2x2x128xi32, #tpu.memory_space<vmem>>, vector<1x1x16xi32>,
        %add3A_1130 = arith.constant 0 : i32
        %add3A_1131 = arith.addi %mul3A_947, %add3A_1130 : i32
        %add3A_1132 = arith.constant 96 : i32
        %add3A_1133 = arith.addi %add3A_1131, %add3A_1132 : i32
        %get3A_1134 = arith.index_cast %add3A_1133 : i32 to index
        %get3A_1135 = tpu.vector_load %arg14[%get3A_1134] {strides = array<i32>} : memref<10240xi32, #tpu.memory_space<vmem>>, vector<16xi32>,
        %get3A_1136 = vector.shape_cast %get3A_1135 : vector<16xi32> to vector<16xi32>
        %swap3A_1137 = arith.constant 0 : i32
        %swap3A_1138 = arith.index_cast %sub3A_790 : i32 to index
        %swap3A_1139 = arith.index_cast %swap3A_1137 : i32 to index
        %swap3A_1140 = arith.constant 96 : index
        %swap3A_1141 = tpu.vector_load %arg12[%swap3A_1138, %swap3A_1139, %swap3A_1140] {strides = array<i32>} : memref<2x2x128xi32, #tpu.memory_space<vmem>>, vector<1x1x16xi32>,
        %swap3A_1142 = vector.shape_cast %swap3A_1141 : vector<1x1x16xi32> to vector<16xi32>
        %swap3A_1143 = vector.shape_cast %get3A_1136 : vector<16xi32> to vector<1x1x16xi32>
        tpu.vector_store %arg12[%swap3A_1138, %swap3A_1139, %swap3A_1140], %swap3A_1143 {strides = array<i32>} : memref<2x2x128xi32, #tpu.memory_space<vmem>>, vector<1x1x16xi32>,
        %add3A_1144 = arith.constant 0 : i32
        %add3A_1145 = arith.addi %mul3A_947, %add3A_1144 : i32
        %add3A_1146 = arith.constant 112 : i32
        %add3A_1147 = arith.addi %add3A_1145, %add3A_1146 : i32
        %get3A_1148 = arith.index_cast %add3A_1147 : i32 to index
        %get3A_1149 = tpu.vector_load %arg13[%get3A_1148] {strides = array<i32>} : memref<10240xi32, #tpu.memory_space<vmem>>, vector<16xi32>,
        %get3A_1150 = vector.shape_cast %get3A_1149 : vector<16xi32> to vector<16xi32>
        %swap3A_1151 = arith.constant 0 : i32
        %swap3A_1152 = arith.index_cast %sub3A_790 : i32 to index
        %swap3A_1153 = arith.index_cast %swap3A_1151 : i32 to index
        %swap3A_1154 = arith.constant 112 : index
        %swap3A_1155 = tpu.vector_load %arg11[%swap3A_1152, %swap3A_1153, %swap3A_1154] {strides = array<i32>} : memref<2x2x128xi32, #tpu.memory_space<vmem>>, vector<1x1x16xi32>,
        %swap3A_1156 = vector.shape_cast %swap3A_1155 : vector<1x1x16xi32> to vector<16xi32>
        %swap3A_1157 = vector.shape_cast %get3A_1150 : vector<16xi32> to vector<1x1x16xi32>
        tpu.vector_store %arg11[%swap3A_1152, %swap3A_1153, %swap3A_1154], %swap3A_1157 {strides = array<i32>} : memref<2x2x128xi32, #tpu.memory_space<vmem>>, vector<1x1x16xi32>,
        %add3A_1158 = arith.constant 0 : i32
        %add3A_1159 = arith.addi %mul3A_947, %add3A_1158 : i32
        %add3A_1160 = arith.constant 112 : i32
        %add3A_1161 = arith.addi %add3A_1159, %add3A_1160 : i32
        %get3A_1162 = arith.index_cast %add3A_1161 : i32 to index
        %get3A_1163 = tpu.vector_load %arg14[%get3A_1162] {strides = array<i32>} : memref<10240xi32, #tpu.memory_space<vmem>>, vector<16xi32>,
        %get3A_1164 = vector.shape_cast %get3A_1163 : vector<16xi32> to vector<16xi32>
        %swap3A_1165 = arith.constant 0 : i32
        %swap3A_1166 = arith.index_cast %sub3A_790 : i32 to index
        %swap3A_1167 = arith.index_cast %swap3A_1165 : i32 to index
        %swap3A_1168 = arith.constant 112 : index
        %swap3A_1169 = tpu.vector_load %arg12[%swap3A_1166, %swap3A_1167, %swap3A_1168] {strides = array<i32>} : memref<2x2x128xi32, #tpu.memory_space<vmem>>, vector<1x1x16xi32>,
        %swap3A_1170 = vector.shape_cast %swap3A_1169 : vector<1x1x16xi32> to vector<16xi32>
        %swap3A_1171 = vector.shape_cast %get3A_1164 : vector<16xi32> to vector<1x1x16xi32>
        tpu.vector_store %arg12[%swap3A_1166, %swap3A_1167, %swap3A_1168], %swap3A_1171 {strides = array<i32>} : memref<2x2x128xi32, #tpu.memory_space<vmem>>, vector<1x1x16xi32>,
        %add3A_1172 = arith.constant 128 : i32
        %add3A_1173 = arith.addi %mul3A_947, %add3A_1172 : i32
        %add3A_1174 = arith.constant 0 : i32
        %add3A_1175 = arith.addi %add3A_1173, %add3A_1174 : i32
        %get3A_1176 = arith.index_cast %add3A_1175 : i32 to index
        %get3A_1177 = tpu.vector_load %arg13[%get3A_1176] {strides = array<i32>} : memref<10240xi32, #tpu.memory_space<vmem>>, vector<16xi32>,
        %get3A_1178 = vector.shape_cast %get3A_1177 : vector<16xi32> to vector<16xi32>
        %swap3A_1179 = arith.constant 1 : i32
        %swap3A_1180 = arith.index_cast %sub3A_790 : i32 to index
        %swap3A_1181 = arith.index_cast %swap3A_1179 : i32 to index
        %swap3A_1182 = arith.constant 0 : index
        %swap3A_1183 = tpu.vector_load %arg11[%swap3A_1180, %swap3A_1181, %swap3A_1182] {strides = array<i32>} : memref<2x2x128xi32, #tpu.memory_space<vmem>>, vector<1x1x16xi32>,
        %swap3A_1184 = vector.shape_cast %swap3A_1183 : vector<1x1x16xi32> to vector<16xi32>
        %swap3A_1185 = vector.shape_cast %get3A_1178 : vector<16xi32> to vector<1x1x16xi32>
        tpu.vector_store %arg11[%swap3A_1180, %swap3A_1181, %swap3A_1182], %swap3A_1185 {strides = array<i32>} : memref<2x2x128xi32, #tpu.memory_space<vmem>>, vector<1x1x16xi32>,
        %add3A_1186 = arith.constant 128 : i32
        %add3A_1187 = arith.addi %mul3A_947, %add3A_1186 : i32
        %add3A_1188 = arith.constant 0 : i32
        %add3A_1189 = arith.addi %add3A_1187, %add3A_1188 : i32
        %get3A_1190 = arith.index_cast %add3A_1189 : i32 to index
        %get3A_1191 = tpu.vector_load %arg14[%get3A_1190] {strides = array<i32>} : memref<10240xi32, #tpu.memory_space<vmem>>, vector<16xi32>,
        %get3A_1192 = vector.shape_cast %get3A_1191 : vector<16xi32> to vector<16xi32>
        %swap3A_1193 = arith.constant 1 : i32
        %swap3A_1194 = arith.index_cast %sub3A_790 : i32 to index
        %swap3A_1195 = arith.index_cast %swap3A_1193 : i32 to index
        %swap3A_1196 = arith.constant 0 : index
        %swap3A_1197 = tpu.vector_load %arg12[%swap3A_1194, %swap3A_1195, %swap3A_1196] {strides = array<i32>} : memref<2x2x128xi32, #tpu.memory_space<vmem>>, vector<1x1x16xi32>,
        %swap3A_1198 = vector.shape_cast %swap3A_1197 : vector<1x1x16xi32> to vector<16xi32>
        %swap3A_1199 = vector.shape_cast %get3A_1192 : vector<16xi32> to vector<1x1x16xi32>
        tpu.vector_store %arg12[%swap3A_1194, %swap3A_1195, %swap3A_1196], %swap3A_1199 {strides = array<i32>} : memref<2x2x128xi32, #tpu.memory_space<vmem>>, vector<1x1x16xi32>,
        %add3A_1200 = arith.constant 128 : i32
        %add3A_1201 = arith.addi %mul3A_947, %add3A_1200 : i32
        %add3A_1202 = arith.constant 16 : i32
        %add3A_1203 = arith.addi %add3A_1201, %add3A_1202 : i32
        %get3A_1204 = arith.index_cast %add3A_1203 : i32 to index
        %get3A_1205 = tpu.vector_load %arg13[%get3A_1204] {strides = array<i32>} : memref<10240xi32, #tpu.memory_space<vmem>>, vector<16xi32>,
        %get3A_1206 = vector.shape_cast %get3A_1205 : vector<16xi32> to vector<16xi32>
        %swap3A_1207 = arith.constant 1 : i32
        %swap3A_1208 = arith.index_cast %sub3A_790 : i32 to index
        %swap3A_1209 = arith.index_cast %swap3A_1207 : i32 to index
        %swap3A_1210 = arith.constant 16 : index
        %swap3A_1211 = tpu.vector_load %arg11[%swap3A_1208, %swap3A_1209, %swap3A_1210] {strides = array<i32>} : memref<2x2x128xi32, #tpu.memory_space<vmem>>, vector<1x1x16xi32>,
        %swap3A_1212 = vector.shape_cast %swap3A_1211 : vector<1x1x16xi32> to vector<16xi32>
        %swap3A_1213 = vector.shape_cast %get3A_1206 : vector<16xi32> to vector<1x1x16xi32>
        tpu.vector_store %arg11[%swap3A_1208, %swap3A_1209, %swap3A_1210], %swap3A_1213 {strides = array<i32>} : memref<2x2x128xi32, #tpu.memory_space<vmem>>, vector<1x1x16xi32>,
        %add3A_1214 = arith.constant 128 : i32
        %add3A_1215 = arith.addi %mul3A_947, %add3A_1214 : i32
        %add3A_1216 = arith.constant 16 : i32
        %add3A_1217 = arith.addi %add3A_1215, %add3A_1216 : i32
        %get3A_1218 = arith.index_cast %add3A_1217 : i32 to index
        %get3A_1219 = tpu.vector_load %arg14[%get3A_1218] {strides = array<i32>} : memref<10240xi32, #tpu.memory_space<vmem>>, vector<16xi32>,
        %get3A_1220 = vector.shape_cast %get3A_1219 : vector<16xi32> to vector<16xi32>
        %swap3A_1221 = arith.constant 1 : i32
        %swap3A_1222 = arith.index_cast %sub3A_790 : i32 to index
        %swap3A_1223 = arith.index_cast %swap3A_1221 : i32 to index
        %swap3A_1224 = arith.constant 16 : index
        %swap3A_1225 = tpu.vector_load %arg12[%swap3A_1222, %swap3A_1223, %swap3A_1224] {strides = array<i32>} : memref<2x2x128xi32, #tpu.memory_space<vmem>>, vector<1x1x16xi32>,
        %swap3A_1226 = vector.shape_cast %swap3A_1225 : vector<1x1x16xi32> to vector<16xi32>
        %swap3A_1227 = vector.shape_cast %get3A_1220 : vector<16xi32> to vector<1x1x16xi32>
        tpu.vector_store %arg12[%swap3A_1222, %swap3A_1223, %swap3A_1224], %swap3A_1227 {strides = array<i32>} : memref<2x2x128xi32, #tpu.memory_space<vmem>>, vector<1x1x16xi32>,
        %add3A_1228 = arith.constant 128 : i32
        %add3A_1229 = arith.addi %mul3A_947, %add3A_1228 : i32
        %add3A_1230 = arith.constant 32 : i32
        %add3A_1231 = arith.addi %add3A_1229, %add3A_1230 : i32
        %get3A_1232 = arith.index_cast %add3A_1231 : i32 to index
        %get3A_1233 = tpu.vector_load %arg13[%get3A_1232] {strides = array<i32>} : memref<10240xi32, #tpu.memory_space<vmem>>, vector<16xi32>,
        %get3A_1234 = vector.shape_cast %get3A_1233 : vector<16xi32> to vector<16xi32>
        %swap3A_1235 = arith.constant 1 : i32
        %swap3A_1236 = arith.index_cast %sub3A_790 : i32 to index
        %swap3A_1237 = arith.index_cast %swap3A_1235 : i32 to index
        %swap3A_1238 = arith.constant 32 : index
        %swap3A_1239 = tpu.vector_load %arg11[%swap3A_1236, %swap3A_1237, %swap3A_1238] {strides = array<i32>} : memref<2x2x128xi32, #tpu.memory_space<vmem>>, vector<1x1x16xi32>,
        %swap3A_1240 = vector.shape_cast %swap3A_1239 : vector<1x1x16xi32> to vector<16xi32>
        %swap3A_1241 = vector.shape_cast %get3A_1234 : vector<16xi32> to vector<1x1x16xi32>
        tpu.vector_store %arg11[%swap3A_1236, %swap3A_1237, %swap3A_1238], %swap3A_1241 {strides = array<i32>} : memref<2x2x128xi32, #tpu.memory_space<vmem>>, vector<1x1x16xi32>,
        %add3A_1242 = arith.constant 128 : i32
        %add3A_1243 = arith.addi %mul3A_947, %add3A_1242 : i32
        %add3A_1244 = arith.constant 32 : i32
        %add3A_1245 = arith.addi %add3A_1243, %add3A_1244 : i32
        %get3A_1246 = arith.index_cast %add3A_1245 : i32 to index
        %get3A_1247 = tpu.vector_load %arg14[%get3A_1246] {strides = array<i32>} : memref<10240xi32, #tpu.memory_space<vmem>>, vector<16xi32>,
        %get3A_1248 = vector.shape_cast %get3A_1247 : vector<16xi32> to vector<16xi32>
        %swap3A_1249 = arith.constant 1 : i32
        %swap3A_1250 = arith.index_cast %sub3A_790 : i32 to index
        %swap3A_1251 = arith.index_cast %swap3A_1249 : i32 to index
        %swap3A_1252 = arith.constant 32 : index
        %swap3A_1253 = tpu.vector_load %arg12[%swap3A_1250, %swap3A_1251, %swap3A_1252] {strides = array<i32>} : memref<2x2x128xi32, #tpu.memory_space<vmem>>, vector<1x1x16xi32>,
        %swap3A_1254 = vector.shape_cast %swap3A_1253 : vector<1x1x16xi32> to vector<16xi32>
        %swap3A_1255 = vector.shape_cast %get3A_1248 : vector<16xi32> to vector<1x1x16xi32>
        tpu.vector_store %arg12[%swap3A_1250, %swap3A_1251, %swap3A_1252], %swap3A_1255 {strides = array<i32>} : memref<2x2x128xi32, #tpu.memory_space<vmem>>, vector<1x1x16xi32>,
        %add3A_1256 = arith.constant 128 : i32
        %add3A_1257 = arith.addi %mul3A_947, %add3A_1256 : i32
        %add3A_1258 = arith.constant 48 : i32
        %add3A_1259 = arith.addi %add3A_1257, %add3A_1258 : i32
        %get3A_1260 = arith.index_cast %add3A_1259 : i32 to index
        %get3A_1261 = tpu.vector_load %arg13[%get3A_1260] {strides = array<i32>} : memref<10240xi32, #tpu.memory_space<vmem>>, vector<16xi32>,
        %get3A_1262 = vector.shape_cast %get3A_1261 : vector<16xi32> to vector<16xi32>
        %swap3A_1263 = arith.constant 1 : i32
        %swap3A_1264 = arith.index_cast %sub3A_790 : i32 to index
        %swap3A_1265 = arith.index_cast %swap3A_1263 : i32 to index
        %swap3A_1266 = arith.constant 48 : index
        %swap3A_1267 = tpu.vector_load %arg11[%swap3A_1264, %swap3A_1265, %swap3A_1266] {strides = array<i32>} : memref<2x2x128xi32, #tpu.memory_space<vmem>>, vector<1x1x16xi32>,
        %swap3A_1268 = vector.shape_cast %swap3A_1267 : vector<1x1x16xi32> to vector<16xi32>
        %swap3A_1269 = vector.shape_cast %get3A_1262 : vector<16xi32> to vector<1x1x16xi32>
        tpu.vector_store %arg11[%swap3A_1264, %swap3A_1265, %swap3A_1266], %swap3A_1269 {strides = array<i32>} : memref<2x2x128xi32, #tpu.memory_space<vmem>>, vector<1x1x16xi32>,
        %add3A_1270 = arith.constant 128 : i32
        %add3A_1271 = arith.addi %mul3A_947, %add3A_1270 : i32
        %add3A_1272 = arith.constant 48 : i32
        %add3A_1273 = arith.addi %add3A_1271, %add3A_1272 : i32
        %get3A_1274 = arith.index_cast %add3A_1273 : i32 to index
        %get3A_1275 = tpu.vector_load %arg14[%get3A_1274] {strides = array<i32>} : memref<10240xi32, #tpu.memory_space<vmem>>, vector<16xi32>,
        %get3A_1276 = vector.shape_cast %get3A_1275 : vector<16xi32> to vector<16xi32>
        %swap3A_1277 = arith.constant 1 : i32
        %swap3A_1278 = arith.index_cast %sub3A_790 : i32 to index
        %swap3A_1279 = arith.index_cast %swap3A_1277 : i32 to index
        %swap3A_1280 = arith.constant 48 : index
        %swap3A_1281 = tpu.vector_load %arg12[%swap3A_1278, %swap3A_1279, %swap3A_1280] {strides = array<i32>} : memref<2x2x128xi32, #tpu.memory_space<vmem>>, vector<1x1x16xi32>,
        %swap3A_1282 = vector.shape_cast %swap3A_1281 : vector<1x1x16xi32> to vector<16xi32>
        %swap3A_1283 = vector.shape_cast %get3A_1276 : vector<16xi32> to vector<1x1x16xi32>
        tpu.vector_store %arg12[%swap3A_1278, %swap3A_1279, %swap3A_1280], %swap3A_1283 {strides = array<i32>} : memref<2x2x128xi32, #tpu.memory_space<vmem>>, vector<1x1x16xi32>,
        %add3A_1284 = arith.constant 128 : i32
        %add3A_1285 = arith.addi %mul3A_947, %add3A_1284 : i32
        %add3A_1286 = arith.constant 64 : i32
        %add3A_1287 = arith.addi %add3A_1285, %add3A_1286 : i32
        %get3A_1288 = arith.index_cast %add3A_1287 : i32 to index
        %get3A_1289 = tpu.vector_load %arg13[%get3A_1288] {strides = array<i32>} : memref<10240xi32, #tpu.memory_space<vmem>>, vector<16xi32>,
        %get3A_1290 = vector.shape_cast %get3A_1289 : vector<16xi32> to vector<16xi32>
        %swap3A_1291 = arith.constant 1 : i32
        %swap3A_1292 = arith.index_cast %sub3A_790 : i32 to index
        %swap3A_1293 = arith.index_cast %swap3A_1291 : i32 to index
        %swap3A_1294 = arith.constant 64 : index
        %swap3A_1295 = tpu.vector_load %arg11[%swap3A_1292, %swap3A_1293, %swap3A_1294] {strides = array<i32>} : memref<2x2x128xi32, #tpu.memory_space<vmem>>, vector<1x1x16xi32>,
        %swap3A_1296 = vector.shape_cast %swap3A_1295 : vector<1x1x16xi32> to vector<16xi32>
        %swap3A_1297 = vector.shape_cast %get3A_1290 : vector<16xi32> to vector<1x1x16xi32>
        tpu.vector_store %arg11[%swap3A_1292, %swap3A_1293, %swap3A_1294], %swap3A_1297 {strides = array<i32>} : memref<2x2x128xi32, #tpu.memory_space<vmem>>, vector<1x1x16xi32>,
        %add3A_1298 = arith.constant 128 : i32
        %add3A_1299 = arith.addi %mul3A_947, %add3A_1298 : i32
        %add3A_1300 = arith.constant 64 : i32
        %add3A_1301 = arith.addi %add3A_1299, %add3A_1300 : i32
        %get3A_1302 = arith.index_cast %add3A_1301 : i32 to index
        %get3A_1303 = tpu.vector_load %arg14[%get3A_1302] {strides = array<i32>} : memref<10240xi32, #tpu.memory_space<vmem>>, vector<16xi32>,
        %get3A_1304 = vector.shape_cast %get3A_1303 : vector<16xi32> to vector<16xi32>
        %swap3A_1305 = arith.constant 1 : i32
        %swap3A_1306 = arith.index_cast %sub3A_790 : i32 to index
        %swap3A_1307 = arith.index_cast %swap3A_1305 : i32 to index
        %swap3A_1308 = arith.constant 64 : index
        %swap3A_1309 = tpu.vector_load %arg12[%swap3A_1306, %swap3A_1307, %swap3A_1308] {strides = array<i32>} : memref<2x2x128xi32, #tpu.memory_space<vmem>>, vector<1x1x16xi32>,
        %swap3A_1310 = vector.shape_cast %swap3A_1309 : vector<1x1x16xi32> to vector<16xi32>
        %swap3A_1311 = vector.shape_cast %get3A_1304 : vector<16xi32> to vector<1x1x16xi32>
        tpu.vector_store %arg12[%swap3A_1306, %swap3A_1307, %swap3A_1308], %swap3A_1311 {strides = array<i32>} : memref<2x2x128xi32, #tpu.memory_space<vmem>>, vector<1x1x16xi32>,
        %add3A_1312 = arith.constant 128 : i32
        %add3A_1313 = arith.addi %mul3A_947, %add3A_1312 : i32
        %add3A_1314 = arith.constant 80 : i32
        %add3A_1315 = arith.addi %add3A_1313, %add3A_1314 : i32
        %get3A_1316 = arith.index_cast %add3A_1315 : i32 to index
        %get3A_1317 = tpu.vector_load %arg13[%get3A_1316] {strides = array<i32>} : memref<10240xi32, #tpu.memory_space<vmem>>, vector<16xi32>,
        %get3A_1318 = vector.shape_cast %get3A_1317 : vector<16xi32> to vector<16xi32>
        %swap3A_1319 = arith.constant 1 : i32
        %swap3A_1320 = arith.index_cast %sub3A_790 : i32 to index
        %swap3A_1321 = arith.index_cast %swap3A_1319 : i32 to index
        %swap3A_1322 = arith.constant 80 : index
        %swap3A_1323 = tpu.vector_load %arg11[%swap3A_1320, %swap3A_1321, %swap3A_1322] {strides = array<i32>} : memref<2x2x128xi32, #tpu.memory_space<vmem>>, vector<1x1x16xi32>,
        %swap3A_1324 = vector.shape_cast %swap3A_1323 : vector<1x1x16xi32> to vector<16xi32>
        %swap3A_1325 = vector.shape_cast %get3A_1318 : vector<16xi32> to vector<1x1x16xi32>
        tpu.vector_store %arg11[%swap3A_1320, %swap3A_1321, %swap3A_1322], %swap3A_1325 {strides = array<i32>} : memref<2x2x128xi32, #tpu.memory_space<vmem>>, vector<1x1x16xi32>,
        %add3A_1326 = arith.constant 128 : i32
        %add3A_1327 = arith.addi %mul3A_947, %add3A_1326 : i32
        %add3A_1328 = arith.constant 80 : i32
        %add3A_1329 = arith.addi %add3A_1327, %add3A_1328 : i32
        %get3A_1330 = arith.index_cast %add3A_1329 : i32 to index
        %get3A_1331 = tpu.vector_load %arg14[%get3A_1330] {strides = array<i32>} : memref<10240xi32, #tpu.memory_space<vmem>>, vector<16xi32>,
        %get3A_1332 = vector.shape_cast %get3A_1331 : vector<16xi32> to vector<16xi32>
        %swap3A_1333 = arith.constant 1 : i32
        %swap3A_1334 = arith.index_cast %sub3A_790 : i32 to index
        %swap3A_1335 = arith.index_cast %swap3A_1333 : i32 to index
        %swap3A_1336 = arith.constant 80 : index
        %swap3A_1337 = tpu.vector_load %arg12[%swap3A_1334, %swap3A_1335, %swap3A_1336] {strides = array<i32>} : memref<2x2x128xi32, #tpu.memory_space<vmem>>, vector<1x1x16xi32>,
        %swap3A_1338 = vector.shape_cast %swap3A_1337 : vector<1x1x16xi32> to vector<16xi32>
        %swap3A_1339 = vector.shape_cast %get3A_1332 : vector<16xi32> to vector<1x1x16xi32>
        tpu.vector_store %arg12[%swap3A_1334, %swap3A_1335, %swap3A_1336], %swap3A_1339 {strides = array<i32>} : memref<2x2x128xi32, #tpu.memory_space<vmem>>, vector<1x1x16xi32>,
        %add3A_1340 = arith.constant 128 : i32
        %add3A_1341 = arith.addi %mul3A_947, %add3A_1340 : i32
        %add3A_1342 = arith.constant 96 : i32
        %add3A_1343 = arith.addi %add3A_1341, %add3A_1342 : i32
        %get3A_1344 = arith.index_cast %add3A_1343 : i32 to index
        %get3A_1345 = tpu.vector_load %arg13[%get3A_1344] {strides = array<i32>} : memref<10240xi32, #tpu.memory_space<vmem>>, vector<16xi32>,
        %get3A_1346 = vector.shape_cast %get3A_1345 : vector<16xi32> to vector<16xi32>
        %swap3A_1347 = arith.constant 1 : i32
        %swap3A_1348 = arith.index_cast %sub3A_790 : i32 to index
        %swap3A_1349 = arith.index_cast %swap3A_1347 : i32 to index
        %swap3A_1350 = arith.constant 96 : index
        %swap3A_1351 = tpu.vector_load %arg11[%swap3A_1348, %swap3A_1349, %swap3A_1350] {strides = array<i32>} : memref<2x2x128xi32, #tpu.memory_space<vmem>>, vector<1x1x16xi32>,
        %swap3A_1352 = vector.shape_cast %swap3A_1351 : vector<1x1x16xi32> to vector<16xi32>
        %swap3A_1353 = vector.shape_cast %get3A_1346 : vector<16xi32> to vector<1x1x16xi32>
        tpu.vector_store %arg11[%swap3A_1348, %swap3A_1349, %swap3A_1350], %swap3A_1353 {strides = array<i32>} : memref<2x2x128xi32, #tpu.memory_space<vmem>>, vector<1x1x16xi32>,
        %add3A_1354 = arith.constant 128 : i32
        %add3A_1355 = arith.addi %mul3A_947, %add3A_1354 : i32
        %add3A_1356 = arith.constant 96 : i32
        %add3A_1357 = arith.addi %add3A_1355, %add3A_1356 : i32
        %get3A_1358 = arith.index_cast %add3A_1357 : i32 to index
        %get3A_1359 = tpu.vector_load %arg14[%get3A_1358] {strides = array<i32>} : memref<10240xi32, #tpu.memory_space<vmem>>, vector<16xi32>,
        %get3A_1360 = vector.shape_cast %get3A_1359 : vector<16xi32> to vector<16xi32>
        %swap3A_1361 = arith.constant 1 : i32
        %swap3A_1362 = arith.index_cast %sub3A_790 : i32 to index
        %swap3A_1363 = arith.index_cast %swap3A_1361 : i32 to index
        %swap3A_1364 = arith.constant 96 : index
        %swap3A_1365 = tpu.vector_load %arg12[%swap3A_1362, %swap3A_1363, %swap3A_1364] {strides = array<i32>} : memref<2x2x128xi32, #tpu.memory_space<vmem>>, vector<1x1x16xi32>,
        %swap3A_1366 = vector.shape_cast %swap3A_1365 : vector<1x1x16xi32> to vector<16xi32>
        %swap3A_1367 = vector.shape_cast %get3A_1360 : vector<16xi32> to vector<1x1x16xi32>
        tpu.vector_store %arg12[%swap3A_1362, %swap3A_1363, %swap3A_1364], %swap3A_1367 {strides = array<i32>} : memref<2x2x128xi32, #tpu.memory_space<vmem>>, vector<1x1x16xi32>,
        %add3A_1368 = arith.constant 128 : i32
        %add3A_1369 = arith.addi %mul3A_947, %add3A_1368 : i32
        %add3A_1370 = arith.constant 112 : i32
        %add3A_1371 = arith.addi %add3A_1369, %add3A_1370 : i32
        %get3A_1372 = arith.index_cast %add3A_1371 : i32 to index
        %get3A_1373 = tpu.vector_load %arg13[%get3A_1372] {strides = array<i32>} : memref<10240xi32, #tpu.memory_space<vmem>>, vector<16xi32>,
        %get3A_1374 = vector.shape_cast %get3A_1373 : vector<16xi32> to vector<16xi32>
        %swap3A_1375 = arith.constant 1 : i32
        %swap3A_1376 = arith.index_cast %sub3A_790 : i32 to index
        %swap3A_1377 = arith.index_cast %swap3A_1375 : i32 to index
        %swap3A_1378 = arith.constant 112 : index
        %swap3A_1379 = tpu.vector_load %arg11[%swap3A_1376, %swap3A_1377, %swap3A_1378] {strides = array<i32>} : memref<2x2x128xi32, #tpu.memory_space<vmem>>, vector<1x1x16xi32>,
        %swap3A_1380 = vector.shape_cast %swap3A_1379 : vector<1x1x16xi32> to vector<16xi32>
        %swap3A_1381 = vector.shape_cast %get3A_1374 : vector<16xi32> to vector<1x1x16xi32>
        tpu.vector_store %arg11[%swap3A_1376, %swap3A_1377, %swap3A_1378], %swap3A_1381 {strides = array<i32>} : memref<2x2x128xi32, #tpu.memory_space<vmem>>, vector<1x1x16xi32>,
        %add3A_1382 = arith.constant 128 : i32
        %add3A_1383 = arith.addi %mul3A_947, %add3A_1382 : i32
        %add3A_1384 = arith.constant 112 : i32
        %add3A_1385 = arith.addi %add3A_1383, %add3A_1384 : i32
        %get3A_1386 = arith.index_cast %add3A_1385 : i32 to index
        %get3A_1387 = tpu.vector_load %arg14[%get3A_1386] {strides = array<i32>} : memref<10240xi32, #tpu.memory_space<vmem>>, vector<16xi32>,
        %get3A_1388 = vector.shape_cast %get3A_1387 : vector<16xi32> to vector<16xi32>
        %swap3A_1389 = arith.constant 1 : i32
        %swap3A_1390 = arith.index_cast %sub3A_790 : i32 to index
        %swap3A_1391 = arith.index_cast %swap3A_1389 : i32 to index
        %swap3A_1392 = arith.constant 112 : index
        %swap3A_1393 = tpu.vector_load %arg12[%swap3A_1390, %swap3A_1391, %swap3A_1392] {strides = array<i32>} : memref<2x2x128xi32, #tpu.memory_space<vmem>>, vector<1x1x16xi32>,
        %swap3A_1394 = vector.shape_cast %swap3A_1393 : vector<1x1x16xi32> to vector<16xi32>
        %swap3A_1395 = vector.shape_cast %get3A_1388 : vector<16xi32> to vector<1x1x16xi32>
        tpu.vector_store %arg12[%swap3A_1390, %swap3A_1391, %swap3A_1392], %swap3A_1395 {strides = array<i32>} : memref<2x2x128xi32, #tpu.memory_space<vmem>>, vector<1x1x16xi32>,
        %dma_start3A_1396 = arith.constant 0 : i32
        %dma_start3A_1397 = arith.constant 0 : i32
        %dma_start3A_1398 = arith.constant 0 : i32
        %dma_start3A_1399 = tpu.memref_slice %arg15[%sub3A_790, %dma_start3A_1397, %dma_start3A_1398] : memref<2x256x32xf32, #tpu.memory_space<vmem>> -> memref<1x128x32xf32, #tpu.memory_space<vmem>>
        %dma_start3A_1400 = tpu.memref_squeeze %dma_start3A_1399 : memref<1x128x32xf32, #tpu.memory_space<vmem>> -> memref<128x32xf32, #tpu.memory_space<vmem>>
        %dma_start3A_1401 = arith.constant 0 : i32
        %dma_start3A_1402 = tpu.memref_slice %arg11[%sub3A_790, %dma_start3A_1396, %dma_start3A_1401] : memref<2x2x128xi32, #tpu.memory_space<vmem>> -> memref<1x1x128xi32, #tpu.memory_space<vmem>>
        %dma_start3A_1403 = tpu.memref_squeeze %dma_start3A_1402 : memref<1x1x128xi32, #tpu.memory_space<vmem>> -> memref<128xi32, #tpu.memory_space<vmem>>
        %dma_start3A_1404 = arith.constant 0 : i32
        %dma_start3A_1405 = arith.constant 0 : i32
        %dma_start3A_1406 = tpu.memref_slice %arg2[%dma_start3A_1404, %dma_start3A_1405] : memref<10000x32xf32, #tpu.memory_space<hbm>> -> memref<10000x32xf32, #tpu.memory_space<hbm>>
        %dma_start3A_1407 = tpu.memref_slice %arg22[%sub3A_790] : memref<2x!tpu.dma_semaphore, #tpu.memory_space<semaphore_mem>> -> memref<1x!tpu.dma_semaphore, #tpu.memory_space<semaphore_mem>>
        %dma_start3A_1408 = tpu.memref_squeeze %dma_start3A_1407 : memref<1x!tpu.dma_semaphore, #tpu.memory_space<semaphore_mem>> -> memref<!tpu.dma_semaphore, #tpu.memory_space<semaphore_mem>>
        tpu.enqueue_indirect_dma source(%dma_start3A_1406 : memref<10000x32xf32, #tpu.memory_space<hbm>>) target(%dma_start3A_1400 : memref<128x32xf32, #tpu.memory_space<vmem>>) offsets(%dma_start3A_1403 : memref<128xi32, #tpu.memory_space<vmem>>) semaphore(%dma_start3A_1408 : memref<!tpu.dma_semaphore, #tpu.memory_space<semaphore_mem>>)
        %dma_start3A_1409 = arith.constant 0 : i32
        %dma_start3A_1410 = arith.constant 0 : i32
        %dma_start3A_1411 = arith.constant 0 : i32
        %dma_start3A_1412 = tpu.memref_slice %arg16[%sub3A_790, %dma_start3A_1410, %dma_start3A_1411] : memref<2x256x32xf32, #tpu.memory_space<vmem>> -> memref<1x128x32xf32, #tpu.memory_space<vmem>>
        %dma_start3A_1413 = tpu.memref_squeeze %dma_start3A_1412 : memref<1x128x32xf32, #tpu.memory_space<vmem>> -> memref<128x32xf32, #tpu.memory_space<vmem>>
        %dma_start3A_1414 = arith.constant 0 : i32
        %dma_start3A_1415 = tpu.memref_slice %arg12[%sub3A_790, %dma_start3A_1409, %dma_start3A_1414] : memref<2x2x128xi32, #tpu.memory_space<vmem>> -> memref<1x1x128xi32, #tpu.memory_space<vmem>>
        %dma_start3A_1416 = tpu.memref_squeeze %dma_start3A_1415 : memref<1x1x128xi32, #tpu.memory_space<vmem>> -> memref<128xi32, #tpu.memory_space<vmem>>
        %dma_start3A_1417 = arith.constant 0 : i32
        %dma_start3A_1418 = arith.constant 0 : i32
        %dma_start3A_1419 = tpu.memref_slice %arg3[%dma_start3A_1417, %dma_start3A_1418] : memref<10000x32xf32, #tpu.memory_space<hbm>> -> memref<10000x32xf32, #tpu.memory_space<hbm>>
        %dma_start3A_1420 = tpu.memref_slice %arg23[%sub3A_790] : memref<2x!tpu.dma_semaphore, #tpu.memory_space<semaphore_mem>> -> memref<1x!tpu.dma_semaphore, #tpu.memory_space<semaphore_mem>>
        %dma_start3A_1421 = tpu.memref_squeeze %dma_start3A_1420 : memref<1x!tpu.dma_semaphore, #tpu.memory_space<semaphore_mem>> -> memref<!tpu.dma_semaphore, #tpu.memory_space<semaphore_mem>>
        tpu.enqueue_indirect_dma source(%dma_start3A_1419 : memref<10000x32xf32, #tpu.memory_space<hbm>>) target(%dma_start3A_1413 : memref<128x32xf32, #tpu.memory_space<vmem>>) offsets(%dma_start3A_1416 : memref<128xi32, #tpu.memory_space<vmem>>) semaphore(%dma_start3A_1421 : memref<!tpu.dma_semaphore, #tpu.memory_space<semaphore_mem>>)
        %dma_start3A_1422 = arith.constant 1 : i32
        %dma_start3A_1423 = arith.constant 128 : i32
        %dma_start3A_1424 = arith.constant 0 : i32
        %dma_start3A_1425 = tpu.memref_slice %arg15[%sub3A_790, %dma_start3A_1423, %dma_start3A_1424] : memref<2x256x32xf32, #tpu.memory_space<vmem>> -> memref<1x128x32xf32, #tpu.memory_space<vmem>>
        %dma_start3A_1426 = tpu.memref_squeeze %dma_start3A_1425 : memref<1x128x32xf32, #tpu.memory_space<vmem>> -> memref<128x32xf32, #tpu.memory_space<vmem>>
        %dma_start3A_1427 = arith.constant 0 : i32
        %dma_start3A_1428 = tpu.memref_slice %arg11[%sub3A_790, %dma_start3A_1422, %dma_start3A_1427] : memref<2x2x128xi32, #tpu.memory_space<vmem>> -> memref<1x1x128xi32, #tpu.memory_space<vmem>>
        %dma_start3A_1429 = tpu.memref_squeeze %dma_start3A_1428 : memref<1x1x128xi32, #tpu.memory_space<vmem>> -> memref<128xi32, #tpu.memory_space<vmem>>
        %dma_start3A_1430 = arith.constant 0 : i32
        %dma_start3A_1431 = arith.constant 0 : i32
        %dma_start3A_1432 = tpu.memref_slice %arg2[%dma_start3A_1430, %dma_start3A_1431] : memref<10000x32xf32, #tpu.memory_space<hbm>> -> memref<10000x32xf32, #tpu.memory_space<hbm>>
        %dma_start3A_1433 = tpu.memref_slice %arg22[%sub3A_790] : memref<2x!tpu.dma_semaphore, #tpu.memory_space<semaphore_mem>> -> memref<1x!tpu.dma_semaphore, #tpu.memory_space<semaphore_mem>>
        %dma_start3A_1434 = tpu.memref_squeeze %dma_start3A_1433 : memref<1x!tpu.dma_semaphore, #tpu.memory_space<semaphore_mem>> -> memref<!tpu.dma_semaphore, #tpu.memory_space<semaphore_mem>>
        tpu.enqueue_indirect_dma source(%dma_start3A_1432 : memref<10000x32xf32, #tpu.memory_space<hbm>>) target(%dma_start3A_1426 : memref<128x32xf32, #tpu.memory_space<vmem>>) offsets(%dma_start3A_1429 : memref<128xi32, #tpu.memory_space<vmem>>) semaphore(%dma_start3A_1434 : memref<!tpu.dma_semaphore, #tpu.memory_space<semaphore_mem>>)
        %dma_start3A_1435 = arith.constant 1 : i32
        %dma_start3A_1436 = arith.constant 128 : i32
        %dma_start3A_1437 = arith.constant 0 : i32
        %dma_start3A_1438 = tpu.memref_slice %arg16[%sub3A_790, %dma_start3A_1436, %dma_start3A_1437] : memref<2x256x32xf32, #tpu.memory_space<vmem>> -> memref<1x128x32xf32, #tpu.memory_space<vmem>>
        %dma_start3A_1439 = tpu.memref_squeeze %dma_start3A_1438 : memref<1x128x32xf32, #tpu.memory_space<vmem>> -> memref<128x32xf32, #tpu.memory_space<vmem>>
        %dma_start3A_1440 = arith.constant 0 : i32
        %dma_start3A_1441 = tpu.memref_slice %arg12[%sub3A_790, %dma_start3A_1435, %dma_start3A_1440] : memref<2x2x128xi32, #tpu.memory_space<vmem>> -> memref<1x1x128xi32, #tpu.memory_space<vmem>>
        %dma_start3A_1442 = tpu.memref_squeeze %dma_start3A_1441 : memref<1x1x128xi32, #tpu.memory_space<vmem>> -> memref<128xi32, #tpu.memory_space<vmem>>
        %dma_start3A_1443 = arith.constant 0 : i32
        %dma_start3A_1444 = arith.constant 0 : i32
        %dma_start3A_1445 = tpu.memref_slice %arg3[%dma_start3A_1443, %dma_start3A_1444] : memref<10000x32xf32, #tpu.memory_space<hbm>> -> memref<10000x32xf32, #tpu.memory_space<hbm>>
        %dma_start3A_1446 = tpu.memref_slice %arg23[%sub3A_790] : memref<2x!tpu.dma_semaphore, #tpu.memory_space<semaphore_mem>> -> memref<1x!tpu.dma_semaphore, #tpu.memory_space<semaphore_mem>>
        %dma_start3A_1447 = tpu.memref_squeeze %dma_start3A_1446 : memref<1x!tpu.dma_semaphore, #tpu.memory_space<semaphore_mem>> -> memref<!tpu.dma_semaphore, #tpu.memory_space<semaphore_mem>>
        tpu.enqueue_indirect_dma source(%dma_start3A_1445 : memref<10000x32xf32, #tpu.memory_space<hbm>>) target(%dma_start3A_1439 : memref<128x32xf32, #tpu.memory_space<vmem>>) offsets(%dma_start3A_1442 : memref<128xi32, #tpu.memory_space<vmem>>) semaphore(%dma_start3A_1447 : memref<!tpu.dma_semaphore, #tpu.memory_space<semaphore_mem>>)
        %dma_start3A_1448 = arith.constant 0 : i32
        %dma_start3A_1449 = arith.constant 0 : i32
        %dma_start3A_1450 = tpu.memref_slice %arg17[%sub3A_790, %dma_start3A_1448, %dma_start3A_1449] : memref<2x256x16xf32, #tpu.memory_space<vmem>> -> memref<1x256x16xf32, #tpu.memory_space<vmem>>
        %dma_start3A_1451 = tpu.memref_squeeze %dma_start3A_1450 : memref<1x256x16xf32, #tpu.memory_space<vmem>> -> memref<256x16xf32, #tpu.memory_space<vmem>>
        %dma_start3A_1452 = arith.constant 0 : i32
        %dma_start3A_1453 = tpu.memref_slice %arg4[%mul3A_944, %dma_start3A_1452] : memref<320000x128xf32, #tpu.memory_space<hbm>> -> memref<256x16xf32, #tpu.memory_space<hbm>>
        %dma_start3A_1454 = tpu.memref_slice %arg24[%sub3A_790] : memref<2x!tpu.dma_semaphore, #tpu.memory_space<semaphore_mem>> -> memref<1x!tpu.dma_semaphore, #tpu.memory_space<semaphore_mem>>
        %dma_start3A_1455 = tpu.memref_squeeze %dma_start3A_1454 : memref<1x!tpu.dma_semaphore, #tpu.memory_space<semaphore_mem>> -> memref<!tpu.dma_semaphore, #tpu.memory_space<semaphore_mem>>
        %dma_start3A_1456 = arith.constant 0 : i32
        %dma_start3A_1457 = arith.constant 0 : i32
        %dma_start3A_1458 = tpu.memref_slice %arg17[%sub3A_790, %dma_start3A_1456, %dma_start3A_1457] : memref<2x256x16xf32, #tpu.memory_space<vmem>> -> memref<1x256x16xf32, #tpu.memory_space<vmem>>
        %dma_start3A_1459 = tpu.memref_squeeze %dma_start3A_1458 : memref<1x256x16xf32, #tpu.memory_space<vmem>> -> memref<256x16xf32, #tpu.memory_space<vmem>>
        %dma_start3A_1460 = arith.constant 0 : i32
        %dma_start3A_1461 = tpu.memref_slice %arg4[%mul3A_944, %dma_start3A_1460] : memref<320000x128xf32, #tpu.memory_space<hbm>> -> memref<256x16xf32, #tpu.memory_space<hbm>>
        tpu.enqueue_dma source(%dma_start3A_1461 : memref<256x16xf32, #tpu.memory_space<hbm>>) target(%dma_start3A_1459 : memref<256x16xf32, #tpu.memory_space<vmem>>) target_semaphore(%dma_start3A_1455 : memref<!tpu.dma_semaphore, #tpu.memory_space<semaphore_mem>>)
      } else {
      }
      %dma_wait3A_800 = arith.constant 0 : i32
      %dma_wait3A_801 = arith.constant 0 : i32
      %dma_wait3A_802 = arith.constant 0 : i32
      %dma_wait3A_803 = tpu.memref_slice %arg15[%and3A_788, %dma_wait3A_801, %dma_wait3A_802] : memref<2x256x32xf32, #tpu.memory_space<vmem>> -> memref<1x128x32xf32, #tpu.memory_space<vmem>>
      %dma_wait3A_804 = tpu.memref_squeeze %dma_wait3A_803 : memref<1x128x32xf32, #tpu.memory_space<vmem>> -> memref<128x32xf32, #tpu.memory_space<vmem>>
      %dma_wait3A_805 = arith.constant 0 : i32
      %dma_wait3A_806 = tpu.memref_slice %arg11[%and3A_788, %dma_wait3A_800, %dma_wait3A_805] : memref<2x2x128xi32, #tpu.memory_space<vmem>> -> memref<1x1x128xi32, #tpu.memory_space<vmem>>
      %dma_wait3A_807 = tpu.memref_squeeze %dma_wait3A_806 : memref<1x1x128xi32, #tpu.memory_space<vmem>> -> memref<128xi32, #tpu.memory_space<vmem>>
      %dma_wait3A_808 = arith.constant 0 : i32
      %dma_wait3A_809 = arith.constant 0 : i32
      %dma_wait3A_810 = tpu.memref_slice %arg2[%dma_wait3A_808, %dma_wait3A_809] : memref<10000x32xf32, #tpu.memory_space<hbm>> -> memref<10000x32xf32, #tpu.memory_space<hbm>>
      %dma_wait3A_811 = tpu.memref_slice %arg22[%and3A_788] : memref<2x!tpu.dma_semaphore, #tpu.memory_space<semaphore_mem>> -> memref<1x!tpu.dma_semaphore, #tpu.memory_space<semaphore_mem>>
      %dma_wait3A_812 = tpu.memref_squeeze %dma_wait3A_811 : memref<1x!tpu.dma_semaphore, #tpu.memory_space<semaphore_mem>> -> memref<!tpu.dma_semaphore, #tpu.memory_space<semaphore_mem>>
      tpu.wait_indirect_dma semaphore(%dma_wait3A_812 : memref<!tpu.dma_semaphore, #tpu.memory_space<semaphore_mem>>) src(%dma_wait3A_810 : memref<10000x32xf32, #tpu.memory_space<hbm>>) dst(%dma_wait3A_804 : memref<128x32xf32, #tpu.memory_space<vmem>>)
      %dma_wait3A_813 = arith.constant 0 : i32
      %dma_wait3A_814 = arith.constant 0 : i32
      %dma_wait3A_815 = arith.constant 0 : i32
      %dma_wait3A_816 = tpu.memref_slice %arg16[%and3A_788, %dma_wait3A_814, %dma_wait3A_815] : memref<2x256x32xf32, #tpu.memory_space<vmem>> -> memref<1x128x32xf32, #tpu.memory_space<vmem>>
      %dma_wait3A_817 = tpu.memref_squeeze %dma_wait3A_816 : memref<1x128x32xf32, #tpu.memory_space<vmem>> -> memref<128x32xf32, #tpu.memory_space<vmem>>
      %dma_wait3A_818 = arith.constant 0 : i32
      %dma_wait3A_819 = tpu.memref_slice %arg12[%and3A_788, %dma_wait3A_813, %dma_wait3A_818] : memref<2x2x128xi32, #tpu.memory_space<vmem>> -> memref<1x1x128xi32, #tpu.memory_space<vmem>>
      %dma_wait3A_820 = tpu.memref_squeeze %dma_wait3A_819 : memref<1x1x128xi32, #tpu.memory_space<vmem>> -> memref<128xi32, #tpu.memory_space<vmem>>
      %dma_wait3A_821 = arith.constant 0 : i32
      %dma_wait3A_822 = arith.constant 0 : i32
      %dma_wait3A_823 = tpu.memref_slice %arg3[%dma_wait3A_821, %dma_wait3A_822] : memref<10000x32xf32, #tpu.memory_space<hbm>> -> memref<10000x32xf32, #tpu.memory_space<hbm>>
      %dma_wait3A_824 = tpu.memref_slice %arg23[%and3A_788] : memref<2x!tpu.dma_semaphore, #tpu.memory_space<semaphore_mem>> -> memref<1x!tpu.dma_semaphore, #tpu.memory_space<semaphore_mem>>
      %dma_wait3A_825 = tpu.memref_squeeze %dma_wait3A_824 : memref<1x!tpu.dma_semaphore, #tpu.memory_space<semaphore_mem>> -> memref<!tpu.dma_semaphore, #tpu.memory_space<semaphore_mem>>
      tpu.wait_indirect_dma semaphore(%dma_wait3A_825 : memref<!tpu.dma_semaphore, #tpu.memory_space<semaphore_mem>>) src(%dma_wait3A_823 : memref<10000x32xf32, #tpu.memory_space<hbm>>) dst(%dma_wait3A_817 : memref<128x32xf32, #tpu.memory_space<vmem>>)
      %dma_wait3A_826 = arith.constant 1 : i32
      %dma_wait3A_827 = arith.constant 128 : i32
      %dma_wait3A_828 = arith.constant 0 : i32
      %dma_wait3A_829 = tpu.memref_slice %arg15[%and3A_788, %dma_wait3A_827, %dma_wait3A_828] : memref<2x256x32xf32, #tpu.memory_space<vmem>> -> memref<1x128x32xf32, #tpu.memory_space<vmem>>
      %dma_wait3A_830 = tpu.memref_squeeze %dma_wait3A_829 : memref<1x128x32xf32, #tpu.memory_space<vmem>> -> memref<128x32xf32, #tpu.memory_space<vmem>>
      %dma_wait3A_831 = arith.constant 0 : i32
      %dma_wait3A_832 = tpu.memref_slice %arg11[%and3A_788, %dma_wait3A_826, %dma_wait3A_831] : memref<2x2x128xi32, #tpu.memory_space<vmem>> -> memref<1x1x128xi32, #tpu.memory_space<vmem>>
      %dma_wait3A_833 = tpu.memref_squeeze %dma_wait3A_832 : memref<1x1x128xi32, #tpu.memory_space<vmem>> -> memref<128xi32, #tpu.memory_space<vmem>>
      %dma_wait3A_834 = arith.constant 0 : i32
      %dma_wait3A_835 = arith.constant 0 : i32
      %dma_wait3A_836 = tpu.memref_slice %arg2[%dma_wait3A_834, %dma_wait3A_835] : memref<10000x32xf32, #tpu.memory_space<hbm>> -> memref<10000x32xf32, #tpu.memory_space<hbm>>
      %dma_wait3A_837 = tpu.memref_slice %arg22[%and3A_788] : memref<2x!tpu.dma_semaphore, #tpu.memory_space<semaphore_mem>> -> memref<1x!tpu.dma_semaphore, #tpu.memory_space<semaphore_mem>>
      %dma_wait3A_838 = tpu.memref_squeeze %dma_wait3A_837 : memref<1x!tpu.dma_semaphore, #tpu.memory_space<semaphore_mem>> -> memref<!tpu.dma_semaphore, #tpu.memory_space<semaphore_mem>>
      tpu.wait_indirect_dma semaphore(%dma_wait3A_838 : memref<!tpu.dma_semaphore, #tpu.memory_space<semaphore_mem>>) src(%dma_wait3A_836 : memref<10000x32xf32, #tpu.memory_space<hbm>>) dst(%dma_wait3A_830 : memref<128x32xf32, #tpu.memory_space<vmem>>)
      %dma_wait3A_839 = arith.constant 1 : i32
      %dma_wait3A_840 = arith.constant 128 : i32
      %dma_wait3A_841 = arith.constant 0 : i32
      %dma_wait3A_842 = tpu.memref_slice %arg16[%and3A_788, %dma_wait3A_840, %dma_wait3A_841] : memref<2x256x32xf32, #tpu.memory_space<vmem>> -> memref<1x128x32xf32, #tpu.memory_space<vmem>>
      %dma_wait3A_843 = tpu.memref_squeeze %dma_wait3A_842 : memref<1x128x32xf32, #tpu.memory_space<vmem>> -> memref<128x32xf32, #tpu.memory_space<vmem>>
      %dma_wait3A_844 = arith.constant 0 : i32
      %dma_wait3A_845 = tpu.memref_slice %arg12[%and3A_788, %dma_wait3A_839, %dma_wait3A_844] : memref<2x2x128xi32, #tpu.memory_space<vmem>> -> memref<1x1x128xi32, #tpu.memory_space<vmem>>
      %dma_wait3A_846 = tpu.memref_squeeze %dma_wait3A_845 : memref<1x1x128xi32, #tpu.memory_space<vmem>> -> memref<128xi32, #tpu.memory_space<vmem>>
      %dma_wait3A_847 = arith.constant 0 : i32
      %dma_wait3A_848 = arith.constant 0 : i32
      %dma_wait3A_849 = tpu.memref_slice %arg3[%dma_wait3A_847, %dma_wait3A_848] : memref<10000x32xf32, #tpu.memory_space<hbm>> -> memref<10000x32xf32, #tpu.memory_space<hbm>>
      %dma_wait3A_850 = tpu.memref_slice %arg23[%and3A_788] : memref<2x!tpu.dma_semaphore, #tpu.memory_space<semaphore_mem>> -> memref<1x!tpu.dma_semaphore, #tpu.memory_space<semaphore_mem>>
      %dma_wait3A_851 = tpu.memref_squeeze %dma_wait3A_850 : memref<1x!tpu.dma_semaphore, #tpu.memory_space<semaphore_mem>> -> memref<!tpu.dma_semaphore, #tpu.memory_space<semaphore_mem>>
      tpu.wait_indirect_dma semaphore(%dma_wait3A_851 : memref<!tpu.dma_semaphore, #tpu.memory_space<semaphore_mem>>) src(%dma_wait3A_849 : memref<10000x32xf32, #tpu.memory_space<hbm>>) dst(%dma_wait3A_843 : memref<128x32xf32, #tpu.memory_space<vmem>>)
      %dma_wait3A_852 = arith.constant 0 : i32
      %dma_wait3A_853 = arith.constant 0 : i32
      %dma_wait3A_854 = tpu.memref_slice %arg17[%and3A_788, %dma_wait3A_852, %dma_wait3A_853] : memref<2x256x16xf32, #tpu.memory_space<vmem>> -> memref<1x256x16xf32, #tpu.memory_space<vmem>>
      %dma_wait3A_855 = tpu.memref_squeeze %dma_wait3A_854 : memref<1x256x16xf32, #tpu.memory_space<vmem>> -> memref<256x16xf32, #tpu.memory_space<vmem>>
      %dma_wait3A_856 = arith.constant 0 : i32
      %dma_wait3A_857 = arith.constant 0 : i32
      %dma_wait3A_858 = tpu.memref_slice %arg4[%dma_wait3A_856, %dma_wait3A_857] : memref<320000x128xf32, #tpu.memory_space<hbm>> -> memref<256x16xf32, #tpu.memory_space<hbm>>
      %dma_wait3A_859 = tpu.memref_slice %arg24[%and3A_788] : memref<2x!tpu.dma_semaphore, #tpu.memory_space<semaphore_mem>> -> memref<1x!tpu.dma_semaphore, #tpu.memory_space<semaphore_mem>>
      %dma_wait3A_860 = tpu.memref_squeeze %dma_wait3A_859 : memref<1x!tpu.dma_semaphore, #tpu.memory_space<semaphore_mem>> -> memref<!tpu.dma_semaphore, #tpu.memory_space<semaphore_mem>>
      %dma_wait3A_861 = arith.constant 0 : i32
      %dma_wait3A_862 = arith.constant 0 : i32
      %dma_wait3A_863 = tpu.memref_slice %arg17[%and3A_788, %dma_wait3A_861, %dma_wait3A_862] : memref<2x256x16xf32, #tpu.memory_space<vmem>> -> memref<1x256x16xf32, #tpu.memory_space<vmem>>
      %dma_wait3A_864 = tpu.memref_squeeze %dma_wait3A_863 : memref<1x256x16xf32, #tpu.memory_space<vmem>> -> memref<256x16xf32, #tpu.memory_space<vmem>>
      %dma_wait3A_865 = arith.constant 0 : i32
      %dma_wait3A_866 = arith.constant 0 : i32
      %dma_wait3A_867 = tpu.memref_slice %arg4[%dma_wait3A_865, %dma_wait3A_866] : memref<320000x128xf32, #tpu.memory_space<hbm>> -> memref<256x16xf32, #tpu.memory_space<hbm>>
      tpu.wait_dma2 semaphore(%dma_wait3A_860 : memref<!tpu.dma_semaphore, #tpu.memory_space<semaphore_mem>>) src(%dma_wait3A_867 : memref<256x16xf32, #tpu.memory_space<hbm>>) dst(%dma_wait3A_864 : memref<256x16xf32, #tpu.memory_space<vmem>>)
      %parallel_loop3A = arith.constant 0 : i32
      %parallel_loop3A_868 = arith.constant 256 : i32
      %parallel_loop3A_869 = arith.constant 1 : i32
      scf.for %parallel_loop3A_940 = %parallel_loop3A to %parallel_loop3A_868 step %parallel_loop3A_869  : i32 {
        %parallel_loop3A_941 = arith.index_cast %and3A_788 : i32 to index
        %parallel_loop3A_942 = arith.index_cast %parallel_loop3A_940 : i32 to index
        %parallel_loop3A_943 = arith.constant 0 : index
        %parallel_loop3A_944 = tpu.vector_load %arg15[%parallel_loop3A_941, %parallel_loop3A_942, %parallel_loop3A_943] {strides = array<i32>} : memref<2x256x32xf32, #tpu.memory_space<vmem>>, vector<1x1x16xf32>,
        %parallel_loop3A_945 = vector.shape_cast %parallel_loop3A_944 : vector<1x1x16xf32> to vector<16xf32>
        %parallel_loop3A_946 = arith.index_cast %and3A_788 : i32 to index
        %parallel_loop3A_947 = arith.index_cast %parallel_loop3A_940 : i32 to index
        %parallel_loop3A_948 = arith.constant 16 : index
        %parallel_loop3A_949 = tpu.vector_load %arg15[%parallel_loop3A_946, %parallel_loop3A_947, %parallel_loop3A_948] {strides = array<i32>} : memref<2x256x32xf32, #tpu.memory_space<vmem>>, vector<1x1x16xf32>,
        %parallel_loop3A_950 = vector.shape_cast %parallel_loop3A_949 : vector<1x1x16xf32> to vector<16xf32>
        %parallel_loop3A_951 = arith.index_cast %and3A_788 : i32 to index
        %parallel_loop3A_952 = arith.index_cast %parallel_loop3A_940 : i32 to index
        %parallel_loop3A_953 = arith.constant 0 : index
        %parallel_loop3A_954 = tpu.vector_load %arg16[%parallel_loop3A_951, %parallel_loop3A_952, %parallel_loop3A_953] {strides = array<i32>} : memref<2x256x32xf32, #tpu.memory_space<vmem>>, vector<1x1x16xf32>,
        %parallel_loop3A_955 = vector.shape_cast %parallel_loop3A_954 : vector<1x1x16xf32> to vector<16xf32>
        %parallel_loop3A_956 = arith.index_cast %and3A_788 : i32 to index
        %parallel_loop3A_957 = arith.index_cast %parallel_loop3A_940 : i32 to index
        %parallel_loop3A_958 = arith.constant 16 : index
        %parallel_loop3A_959 = tpu.vector_load %arg16[%parallel_loop3A_956, %parallel_loop3A_957, %parallel_loop3A_958] {strides = array<i32>} : memref<2x256x32xf32, #tpu.memory_space<vmem>>, vector<1x1x16xf32>,
        %parallel_loop3A_960 = vector.shape_cast %parallel_loop3A_959 : vector<1x1x16xf32> to vector<16xf32>
        %parallel_loop3A_961 = arith.index_cast %and3A_788 : i32 to index
        %parallel_loop3A_962 = arith.index_cast %parallel_loop3A_940 : i32 to index
        %parallel_loop3A_963 = arith.constant 0 : index
        %parallel_loop3A_964 = tpu.vector_load %arg17[%parallel_loop3A_961, %parallel_loop3A_962, %parallel_loop3A_963] {strides = array<i32>} : memref<2x256x16xf32, #tpu.memory_space<vmem>>, vector<1x1x16xf32>,
        %parallel_loop3A_965 = vector.shape_cast %parallel_loop3A_964 : vector<1x1x16xf32> to vector<16xf32>
        %parallel_loop3A_966 = math.exp %parallel_loop3A_965 : vector<16xf32>
        %parallel_loop3A_967 = arith.addf %parallel_loop3A_945, %parallel_loop3A_955 : vector<16xf32>
        %parallel_loop3A_968 = arith.addf %parallel_loop3A_967, %parallel_loop3A_966 : vector<16xf32>
        %parallel_loop3A_969 = arith.constant 1.000000e+00 : f32
        %parallel_loop3A_970 = vector.broadcast %parallel_loop3A_969 : f32 to vector<16xf32>
        %parallel_loop3A_971 = arith.divf %parallel_loop3A_970, %parallel_loop3A_968 : vector<16xf32>
        %parallel_loop3A_972 = arith.addf %parallel_loop3A_950, %parallel_loop3A_960 : vector<16xf32>
        %parallel_loop3A_973 = arith.addf %parallel_loop3A_972, %parallel_loop3A_966 : vector<16xf32>
        %parallel_loop3A_974 = arith.constant 1.000000e+00 : f32
        %parallel_loop3A_975 = vector.broadcast %parallel_loop3A_974 : f32 to vector<16xf32>
        %parallel_loop3A_976 = arith.divf %parallel_loop3A_975, %parallel_loop3A_973 : vector<16xf32>
        %parallel_loop3A_977 = arith.mulf %get3A_13, %parallel_loop3A_945 : vector<16xf32>
        %parallel_loop3A_978 = arith.constant 0.000000e+00 : f32
        %parallel_loop3A_979 = vector.broadcast %parallel_loop3A_978 : f32 to vector<16xf32>
        %parallel_loop3A_980 = arith.subf %parallel_loop3A_979, %parallel_loop3A_977 : vector<16xf32>
        %parallel_loop3A_981 = arith.mulf %parallel_loop3A_980, %parallel_loop3A_971 : vector<16xf32>
        %parallel_loop3A_982 = arith.index_cast %and3A_788 : i32 to index
        %parallel_loop3A_983 = arith.index_cast %parallel_loop3A_940 : i32 to index
        %parallel_loop3A_984 = arith.constant 0 : index
        %parallel_loop3A_985 = tpu.vector_load %arg15[%parallel_loop3A_982, %parallel_loop3A_983, %parallel_loop3A_984] {strides = array<i32>} : memref<2x256x32xf32, #tpu.memory_space<vmem>>, vector<1x1x16xf32>,
        %parallel_loop3A_986 = vector.shape_cast %parallel_loop3A_985 : vector<1x1x16xf32> to vector<16xf32>
        %parallel_loop3A_987 = vector.shape_cast %parallel_loop3A_981 : vector<16xf32> to vector<1x1x16xf32>
        tpu.vector_store %arg15[%parallel_loop3A_982, %parallel_loop3A_983, %parallel_loop3A_984], %parallel_loop3A_987 {strides = array<i32>} : memref<2x256x32xf32, #tpu.memory_space<vmem>>, vector<1x1x16xf32>,
        %parallel_loop3A_988 = arith.mulf %get3A_16, %parallel_loop3A_950 : vector<16xf32>
        %parallel_loop3A_989 = arith.constant 0.000000e+00 : f32
        %parallel_loop3A_990 = vector.broadcast %parallel_loop3A_989 : f32 to vector<16xf32>
        %parallel_loop3A_991 = arith.subf %parallel_loop3A_990, %parallel_loop3A_988 : vector<16xf32>
        %parallel_loop3A_992 = arith.mulf %parallel_loop3A_991, %parallel_loop3A_976 : vector<16xf32>
        %parallel_loop3A_993 = arith.index_cast %and3A_788 : i32 to index
        %parallel_loop3A_994 = arith.index_cast %parallel_loop3A_940 : i32 to index
        %parallel_loop3A_995 = arith.constant 16 : index
        %parallel_loop3A_996 = tpu.vector_load %arg15[%parallel_loop3A_993, %parallel_loop3A_994, %parallel_loop3A_995] {strides = array<i32>} : memref<2x256x32xf32, #tpu.memory_space<vmem>>, vector<1x1x16xf32>,
        %parallel_loop3A_997 = vector.shape_cast %parallel_loop3A_996 : vector<1x1x16xf32> to vector<16xf32>
        %parallel_loop3A_998 = vector.shape_cast %parallel_loop3A_992 : vector<16xf32> to vector<1x1x16xf32>
        tpu.vector_store %arg15[%parallel_loop3A_993, %parallel_loop3A_994, %parallel_loop3A_995], %parallel_loop3A_998 {strides = array<i32>} : memref<2x256x32xf32, #tpu.memory_space<vmem>>, vector<1x1x16xf32>,
        %parallel_loop3A_999 = arith.mulf %get3A_13, %parallel_loop3A_955 : vector<16xf32>
        %parallel_loop3A_1000 = arith.mulf %parallel_loop3A_999, %parallel_loop3A_971 : vector<16xf32>
        %parallel_loop3A_1001 = arith.index_cast %and3A_788 : i32 to index
        %parallel_loop3A_1002 = arith.index_cast %parallel_loop3A_940 : i32 to index
        %parallel_loop3A_1003 = arith.constant 0 : index
        %parallel_loop3A_1004 = tpu.vector_load %arg16[%parallel_loop3A_1001, %parallel_loop3A_1002, %parallel_loop3A_1003] {strides = array<i32>} : memref<2x256x32xf32, #tpu.memory_space<vmem>>, vector<1x1x16xf32>,
        %parallel_loop3A_1005 = vector.shape_cast %parallel_loop3A_1004 : vector<1x1x16xf32> to vector<16xf32>
        %parallel_loop3A_1006 = vector.shape_cast %parallel_loop3A_1000 : vector<16xf32> to vector<1x1x16xf32>
        tpu.vector_store %arg16[%parallel_loop3A_1001, %parallel_loop3A_1002, %parallel_loop3A_1003], %parallel_loop3A_1006 {strides = array<i32>} : memref<2x256x32xf32, #tpu.memory_space<vmem>>, vector<1x1x16xf32>,
        %parallel_loop3A_1007 = arith.mulf %get3A_16, %parallel_loop3A_960 : vector<16xf32>
        %parallel_loop3A_1008 = arith.mulf %parallel_loop3A_1007, %parallel_loop3A_976 : vector<16xf32>
        %parallel_loop3A_1009 = arith.index_cast %and3A_788 : i32 to index
        %parallel_loop3A_1010 = arith.index_cast %parallel_loop3A_940 : i32 to index
        %parallel_loop3A_1011 = arith.constant 16 : index
        %parallel_loop3A_1012 = tpu.vector_load %arg16[%parallel_loop3A_1009, %parallel_loop3A_1010, %parallel_loop3A_1011] {strides = array<i32>} : memref<2x256x32xf32, #tpu.memory_space<vmem>>, vector<1x1x16xf32>,
        %parallel_loop3A_1013 = vector.shape_cast %parallel_loop3A_1012 : vector<1x1x16xf32> to vector<16xf32>
        %parallel_loop3A_1014 = vector.shape_cast %parallel_loop3A_1008 : vector<16xf32> to vector<1x1x16xf32>
        tpu.vector_store %arg16[%parallel_loop3A_1009, %parallel_loop3A_1010, %parallel_loop3A_1011], %parallel_loop3A_1014 {strides = array<i32>} : memref<2x256x32xf32, #tpu.memory_space<vmem>>, vector<1x1x16xf32>,
        %parallel_loop3A_1015 = arith.mulf %get3A_13, %parallel_loop3A_966 : vector<16xf32>
        %parallel_loop3A_1016 = arith.mulf %parallel_loop3A_1015, %parallel_loop3A_971 : vector<16xf32>
        %parallel_loop3A_1017 = arith.addf %parallel_loop3A_965, %parallel_loop3A_1016 : vector<16xf32>
        %parallel_loop3A_1018 = arith.mulf %get3A_16, %parallel_loop3A_966 : vector<16xf32>
        %parallel_loop3A_1019 = arith.mulf %parallel_loop3A_1018, %parallel_loop3A_976 : vector<16xf32>
        %parallel_loop3A_1020 = arith.addf %parallel_loop3A_1017, %parallel_loop3A_1019 : vector<16xf32>
        %parallel_loop3A_1021 = arith.index_cast %and3A_788 : i32 to index
        %parallel_loop3A_1022 = arith.index_cast %parallel_loop3A_940 : i32 to index
        %parallel_loop3A_1023 = arith.constant 0 : index
        %parallel_loop3A_1024 = tpu.vector_load %arg17[%parallel_loop3A_1021, %parallel_loop3A_1022, %parallel_loop3A_1023] {strides = array<i32>} : memref<2x256x16xf32, #tpu.memory_space<vmem>>, vector<1x1x16xf32>,
        %parallel_loop3A_1025 = vector.shape_cast %parallel_loop3A_1024 : vector<1x1x16xf32> to vector<16xf32>
        %parallel_loop3A_1026 = vector.shape_cast %parallel_loop3A_1020 : vector<16xf32> to vector<1x1x16xf32>
        tpu.vector_store %arg17[%parallel_loop3A_1021, %parallel_loop3A_1022, %parallel_loop3A_1023], %parallel_loop3A_1026 {strides = array<i32>} : memref<2x256x16xf32, #tpu.memory_space<vmem>>, vector<1x1x16xf32>,
      } {sc.loop_unroll_factor = 4 : i64, sc.parallel_access}
      %add3A_870 = arith.addi %select_n3A_27, %while3A_786 : i32
      %mul3A_871 = arith.constant 256 : i32
      %mul3A_872 = arith.muli %add3A_870, %mul3A_871 : i32
      %dma_start3A_873 = arith.constant 0 : i32
      %dma_start3A_874 = arith.constant 0 : i32
      %dma_start3A_875 = arith.constant 0 : i32
      %dma_start3A_876 = tpu.memref_slice %arg15[%and3A_788, %dma_start3A_874, %dma_start3A_875] : memref<2x256x32xf32, #tpu.memory_space<vmem>> -> memref<1x128x32xf32, #tpu.memory_space<vmem>>
      %dma_start3A_877 = tpu.memref_squeeze %dma_start3A_876 : memref<1x128x32xf32, #tpu.memory_space<vmem>> -> memref<128x32xf32, #tpu.memory_space<vmem>>
      %dma_start3A_878 = arith.constant 0 : i32
      %dma_start3A_879 = tpu.memref_slice %arg11[%and3A_788, %dma_start3A_873, %dma_start3A_878] : memref<2x2x128xi32, #tpu.memory_space<vmem>> -> memref<1x1x128xi32, #tpu.memory_space<vmem>>
      %dma_start3A_880 = tpu.memref_squeeze %dma_start3A_879 : memref<1x1x128xi32, #tpu.memory_space<vmem>> -> memref<128xi32, #tpu.memory_space<vmem>>
      %dma_start3A_881 = arith.constant 0 : i32
      %dma_start3A_882 = arith.constant 0 : i32
      %dma_start3A_883 = tpu.memref_slice %arg20[%dma_start3A_881, %dma_start3A_882] : memref<10240x32xf32, #tpu.memory_space<vmem_shared>> -> memref<10240x32xf32, #tpu.memory_space<vmem_shared>>
      %dma_start3A_884 = tpu.memref_slice %arg25[%and3A_788] : memref<2x!tpu.dma_semaphore, #tpu.memory_space<semaphore_mem>> -> memref<1x!tpu.dma_semaphore, #tpu.memory_space<semaphore_mem>>
      %dma_start3A_885 = tpu.memref_squeeze %dma_start3A_884 : memref<1x!tpu.dma_semaphore, #tpu.memory_space<semaphore_mem>> -> memref<!tpu.dma_semaphore, #tpu.memory_space<semaphore_mem>>
      tpu.enqueue_indirect_dma source(%dma_start3A_877 : memref<128x32xf32, #tpu.memory_space<vmem>>) target(%dma_start3A_883 : memref<10240x32xf32, #tpu.memory_space<vmem_shared>>) offsets(%dma_start3A_880 : memref<128xi32, #tpu.memory_space<vmem>>) semaphore(%dma_start3A_885 : memref<!tpu.dma_semaphore, #tpu.memory_space<semaphore_mem>>) {add = true}
      %dma_start3A_886 = arith.constant 0 : i32
      %dma_start3A_887 = arith.constant 0 : i32
      %dma_start3A_888 = arith.constant 0 : i32
      %dma_start3A_889 = tpu.memref_slice %arg16[%and3A_788, %dma_start3A_887, %dma_start3A_888] : memref<2x256x32xf32, #tpu.memory_space<vmem>> -> memref<1x128x32xf32, #tpu.memory_space<vmem>>
      %dma_start3A_890 = tpu.memref_squeeze %dma_start3A_889 : memref<1x128x32xf32, #tpu.memory_space<vmem>> -> memref<128x32xf32, #tpu.memory_space<vmem>>
      %dma_start3A_891 = arith.constant 0 : i32
      %dma_start3A_892 = tpu.memref_slice %arg12[%and3A_788, %dma_start3A_886, %dma_start3A_891] : memref<2x2x128xi32, #tpu.memory_space<vmem>> -> memref<1x1x128xi32, #tpu.memory_space<vmem>>
      %dma_start3A_893 = tpu.memref_squeeze %dma_start3A_892 : memref<1x1x128xi32, #tpu.memory_space<vmem>> -> memref<128xi32, #tpu.memory_space<vmem>>
      %dma_start3A_894 = arith.constant 0 : i32
      %dma_start3A_895 = arith.constant 0 : i32
      %dma_start3A_896 = tpu.memref_slice %arg21[%dma_start3A_894, %dma_start3A_895] : memref<10240x32xf32, #tpu.memory_space<vmem_shared>> -> memref<10240x32xf32, #tpu.memory_space<vmem_shared>>
      %dma_start3A_897 = tpu.memref_slice %arg26[%and3A_788] : memref<2x!tpu.dma_semaphore, #tpu.memory_space<semaphore_mem>> -> memref<1x!tpu.dma_semaphore, #tpu.memory_space<semaphore_mem>>
      %dma_start3A_898 = tpu.memref_squeeze %dma_start3A_897 : memref<1x!tpu.dma_semaphore, #tpu.memory_space<semaphore_mem>> -> memref<!tpu.dma_semaphore, #tpu.memory_space<semaphore_mem>>
      tpu.enqueue_indirect_dma source(%dma_start3A_890 : memref<128x32xf32, #tpu.memory_space<vmem>>) target(%dma_start3A_896 : memref<10240x32xf32, #tpu.memory_space<vmem_shared>>) offsets(%dma_start3A_893 : memref<128xi32, #tpu.memory_space<vmem>>) semaphore(%dma_start3A_898 : memref<!tpu.dma_semaphore, #tpu.memory_space<semaphore_mem>>) {add = true}
      %dma_start3A_899 = arith.constant 1 : i32
      %dma_start3A_900 = arith.constant 128 : i32
      %dma_start3A_901 = arith.constant 0 : i32
      %dma_start3A_902 = tpu.memref_slice %arg15[%and3A_788, %dma_start3A_900, %dma_start3A_901] : memref<2x256x32xf32, #tpu.memory_space<vmem>> -> memref<1x128x32xf32, #tpu.memory_space<vmem>>
      %dma_start3A_903 = tpu.memref_squeeze %dma_start3A_902 : memref<1x128x32xf32, #tpu.memory_space<vmem>> -> memref<128x32xf32, #tpu.memory_space<vmem>>
      %dma_start3A_904 = arith.constant 0 : i32
      %dma_start3A_905 = tpu.memref_slice %arg11[%and3A_788, %dma_start3A_899, %dma_start3A_904] : memref<2x2x128xi32, #tpu.memory_space<vmem>> -> memref<1x1x128xi32, #tpu.memory_space<vmem>>
      %dma_start3A_906 = tpu.memref_squeeze %dma_start3A_905 : memref<1x1x128xi32, #tpu.memory_space<vmem>> -> memref<128xi32, #tpu.memory_space<vmem>>
      %dma_start3A_907 = arith.constant 0 : i32
      %dma_start3A_908 = arith.constant 0 : i32
      %dma_start3A_909 = tpu.memref_slice %arg20[%dma_start3A_907, %dma_start3A_908] : memref<10240x32xf32, #tpu.memory_space<vmem_shared>> -> memref<10240x32xf32, #tpu.memory_space<vmem_shared>>
      %dma_start3A_910 = tpu.memref_slice %arg25[%and3A_788] : memref<2x!tpu.dma_semaphore, #tpu.memory_space<semaphore_mem>> -> memref<1x!tpu.dma_semaphore, #tpu.memory_space<semaphore_mem>>
      %dma_start3A_911 = tpu.memref_squeeze %dma_start3A_910 : memref<1x!tpu.dma_semaphore, #tpu.memory_space<semaphore_mem>> -> memref<!tpu.dma_semaphore, #tpu.memory_space<semaphore_mem>>
      tpu.enqueue_indirect_dma source(%dma_start3A_903 : memref<128x32xf32, #tpu.memory_space<vmem>>) target(%dma_start3A_909 : memref<10240x32xf32, #tpu.memory_space<vmem_shared>>) offsets(%dma_start3A_906 : memref<128xi32, #tpu.memory_space<vmem>>) semaphore(%dma_start3A_911 : memref<!tpu.dma_semaphore, #tpu.memory_space<semaphore_mem>>) {add = true}
      %dma_start3A_912 = arith.constant 1 : i32
      %dma_start3A_913 = arith.constant 128 : i32
      %dma_start3A_914 = arith.constant 0 : i32
      %dma_start3A_915 = tpu.memref_slice %arg16[%and3A_788, %dma_start3A_913, %dma_start3A_914] : memref<2x256x32xf32, #tpu.memory_space<vmem>> -> memref<1x128x32xf32, #tpu.memory_space<vmem>>
      %dma_start3A_916 = tpu.memref_squeeze %dma_start3A_915 : memref<1x128x32xf32, #tpu.memory_space<vmem>> -> memref<128x32xf32, #tpu.memory_space<vmem>>
      %dma_start3A_917 = arith.constant 0 : i32
      %dma_start3A_918 = tpu.memref_slice %arg12[%and3A_788, %dma_start3A_912, %dma_start3A_917] : memref<2x2x128xi32, #tpu.memory_space<vmem>> -> memref<1x1x128xi32, #tpu.memory_space<vmem>>
      %dma_start3A_919 = tpu.memref_squeeze %dma_start3A_918 : memref<1x1x128xi32, #tpu.memory_space<vmem>> -> memref<128xi32, #tpu.memory_space<vmem>>
      %dma_start3A_920 = arith.constant 0 : i32
      %dma_start3A_921 = arith.constant 0 : i32
      %dma_start3A_922 = tpu.memref_slice %arg21[%dma_start3A_920, %dma_start3A_921] : memref<10240x32xf32, #tpu.memory_space<vmem_shared>> -> memref<10240x32xf32, #tpu.memory_space<vmem_shared>>
      %dma_start3A_923 = tpu.memref_slice %arg26[%and3A_788] : memref<2x!tpu.dma_semaphore, #tpu.memory_space<semaphore_mem>> -> memref<1x!tpu.dma_semaphore, #tpu.memory_space<semaphore_mem>>
      %dma_start3A_924 = tpu.memref_squeeze %dma_start3A_923 : memref<1x!tpu.dma_semaphore, #tpu.memory_space<semaphore_mem>> -> memref<!tpu.dma_semaphore, #tpu.memory_space<semaphore_mem>>
      tpu.enqueue_indirect_dma source(%dma_start3A_916 : memref<128x32xf32, #tpu.memory_space<vmem>>) target(%dma_start3A_922 : memref<10240x32xf32, #tpu.memory_space<vmem_shared>>) offsets(%dma_start3A_919 : memref<128xi32, #tpu.memory_space<vmem>>) semaphore(%dma_start3A_924 : memref<!tpu.dma_semaphore, #tpu.memory_space<semaphore_mem>>) {add = true}
      %dma_start3A_925 = arith.constant 0 : i32
      %dma_start3A_926 = arith.constant 0 : i32
      %dma_start3A_927 = tpu.memref_slice %arg17[%and3A_788, %dma_start3A_925, %dma_start3A_926] : memref<2x256x16xf32, #tpu.memory_space<vmem>> -> memref<1x256x16xf32, #tpu.memory_space<vmem>>
      %dma_start3A_928 = tpu.memref_squeeze %dma_start3A_927 : memref<1x256x16xf32, #tpu.memory_space<vmem>> -> memref<256x16xf32, #tpu.memory_space<vmem>>
      %dma_start3A_929 = arith.constant 0 : i32
      %dma_start3A_930 = tpu.memref_slice %arg10[%mul3A_872, %dma_start3A_929] : memref<320000x128xf32, #tpu.memory_space<hbm>> -> memref<256x16xf32, #tpu.memory_space<hbm>>
      %dma_start3A_931 = tpu.memref_slice %arg27[%and3A_788] : memref<2x!tpu.dma_semaphore, #tpu.memory_space<semaphore_mem>> -> memref<1x!tpu.dma_semaphore, #tpu.memory_space<semaphore_mem>>
      %dma_start3A_932 = tpu.memref_squeeze %dma_start3A_931 : memref<1x!tpu.dma_semaphore, #tpu.memory_space<semaphore_mem>> -> memref<!tpu.dma_semaphore, #tpu.memory_space<semaphore_mem>>
      %dma_start3A_933 = arith.constant 0 : i32
      %dma_start3A_934 = tpu.memref_slice %arg10[%mul3A_872, %dma_start3A_933] : memref<320000x128xf32, #tpu.memory_space<hbm>> -> memref<256x16xf32, #tpu.memory_space<hbm>>
      %dma_start3A_935 = arith.constant 0 : i32
      %dma_start3A_936 = arith.constant 0 : i32
      %dma_start3A_937 = tpu.memref_slice %arg17[%and3A_788, %dma_start3A_935, %dma_start3A_936] : memref<2x256x16xf32, #tpu.memory_space<vmem>> -> memref<1x256x16xf32, #tpu.memory_space<vmem>>
      %dma_start3A_938 = tpu.memref_squeeze %dma_start3A_937 : memref<1x256x16xf32, #tpu.memory_space<vmem>> -> memref<256x16xf32, #tpu.memory_space<vmem>>
      tpu.enqueue_dma source(%dma_start3A_938 : memref<256x16xf32, #tpu.memory_space<vmem>>) target(%dma_start3A_934 : memref<256x16xf32, #tpu.memory_space<hbm>>) target_semaphore(%dma_start3A_932 : memref<!tpu.dma_semaphore, #tpu.memory_space<semaphore_mem>>)
      %while3A_939 = arith.constant 0 : i32
      scf.yield %while3A_939 : i32
    }
    %while3A_613 = arith.constant 1 : i32
    %while3A_614 = scf.for %while3A_786 = %while3A_610 to %while3A_606 step %while3A_613 iter_args(%while3A_787 = %while3A_612) -> (i32)  : i32 {
      %and3A = arith.constant 1 : i32
      %and3A_788 = arith.andi %while3A_786, %and3A : i32
      %sub3A_789 = arith.constant 1 : i32
      %sub3A_790 = arith.subi %sub3A_789, %and3A_788 : i32
      %add3A_791 = arith.constant 1 : i32
      %add3A_792 = arith.addi %while3A_786, %add3A_791 : i32
      %lt3A_793 = arith.cmpi slt, %add3A_792, %select_n3A : i32
      %ge3A = arith.constant 1 : i32
      %ge3A_794 = arith.cmpi sge, %while3A_786, %ge3A : i32
      %and3A_795 = arith.andi %ge3A_794, %lt3A_793 : i1
      %convert_element_type3A = arith.extui %and3A_795 : i1 to i32
      %cond3A = arith.constant 0 : i32
      %cond3A_796 = arith.cmpi ne, %convert_element_type3A, %cond3A : i32
      scf.if %cond3A_796 {
        %dma_wait3A_940 = arith.constant 0 : i32
        %dma_wait3A_941 = arith.constant 0 : i32
        %dma_wait3A_942 = arith.constant 0 : i32
        %dma_wait3A_943 = tpu.memref_slice %arg15[%sub3A_790, %dma_wait3A_941, %dma_wait3A_942] : memref<2x256x32xf32, #tpu.memory_space<vmem>> -> memref<1x128x32xf32, #tpu.memory_space<vmem>>
        %dma_wait3A_944 = tpu.memref_squeeze %dma_wait3A_943 : memref<1x128x32xf32, #tpu.memory_space<vmem>> -> memref<128x32xf32, #tpu.memory_space<vmem>>
        %dma_wait3A_945 = arith.constant 0 : i32
        %dma_wait3A_946 = tpu.memref_slice %arg11[%sub3A_790, %dma_wait3A_940, %dma_wait3A_945] : memref<2x2x128xi32, #tpu.memory_space<vmem>> -> memref<1x1x128xi32, #tpu.memory_space<vmem>>
        %dma_wait3A_947 = tpu.memref_squeeze %dma_wait3A_946 : memref<1x1x128xi32, #tpu.memory_space<vmem>> -> memref<128xi32, #tpu.memory_space<vmem>>
        %dma_wait3A_948 = arith.constant 0 : i32
        %dma_wait3A_949 = arith.constant 0 : i32
        %dma_wait3A_950 = tpu.memref_slice %arg20[%dma_wait3A_948, %dma_wait3A_949] : memref<10240x32xf32, #tpu.memory_space<vmem_shared>> -> memref<10240x32xf32, #tpu.memory_space<vmem_shared>>
        %dma_wait3A_951 = tpu.memref_slice %arg25[%sub3A_790] : memref<2x!tpu.dma_semaphore, #tpu.memory_space<semaphore_mem>> -> memref<1x!tpu.dma_semaphore, #tpu.memory_space<semaphore_mem>>
        %dma_wait3A_952 = tpu.memref_squeeze %dma_wait3A_951 : memref<1x!tpu.dma_semaphore, #tpu.memory_space<semaphore_mem>> -> memref<!tpu.dma_semaphore, #tpu.memory_space<semaphore_mem>>
        tpu.wait_indirect_dma semaphore(%dma_wait3A_952 : memref<!tpu.dma_semaphore, #tpu.memory_space<semaphore_mem>>) src(%dma_wait3A_944 : memref<128x32xf32, #tpu.memory_space<vmem>>) dst(%dma_wait3A_950 : memref<10240x32xf32, #tpu.memory_space<vmem_shared>>)
        %dma_wait3A_953 = arith.constant 0 : i32
        %dma_wait3A_954 = arith.constant 0 : i32
        %dma_wait3A_955 = arith.constant 0 : i32
        %dma_wait3A_956 = tpu.memref_slice %arg16[%sub3A_790, %dma_wait3A_954, %dma_wait3A_955] : memref<2x256x32xf32, #tpu.memory_space<vmem>> -> memref<1x128x32xf32, #tpu.memory_space<vmem>>
        %dma_wait3A_957 = tpu.memref_squeeze %dma_wait3A_956 : memref<1x128x32xf32, #tpu.memory_space<vmem>> -> memref<128x32xf32, #tpu.memory_space<vmem>>
        %dma_wait3A_958 = arith.constant 0 : i32
        %dma_wait3A_959 = tpu.memref_slice %arg12[%sub3A_790, %dma_wait3A_953, %dma_wait3A_958] : memref<2x2x128xi32, #tpu.memory_space<vmem>> -> memref<1x1x128xi32, #tpu.memory_space<vmem>>
        %dma_wait3A_960 = tpu.memref_squeeze %dma_wait3A_959 : memref<1x1x128xi32, #tpu.memory_space<vmem>> -> memref<128xi32, #tpu.memory_space<vmem>>
        %dma_wait3A_961 = arith.constant 0 : i32
        %dma_wait3A_962 = arith.constant 0 : i32
        %dma_wait3A_963 = tpu.memref_slice %arg21[%dma_wait3A_961, %dma_wait3A_962] : memref<10240x32xf32, #tpu.memory_space<vmem_shared>> -> memref<10240x32xf32, #tpu.memory_space<vmem_shared>>
        %dma_wait3A_964 = tpu.memref_slice %arg26[%sub3A_790] : memref<2x!tpu.dma_semaphore, #tpu.memory_space<semaphore_mem>> -> memref<1x!tpu.dma_semaphore, #tpu.memory_space<semaphore_mem>>
        %dma_wait3A_965 = tpu.memref_squeeze %dma_wait3A_964 : memref<1x!tpu.dma_semaphore, #tpu.memory_space<semaphore_mem>> -> memref<!tpu.dma_semaphore, #tpu.memory_space<semaphore_mem>>
        tpu.wait_indirect_dma semaphore(%dma_wait3A_965 : memref<!tpu.dma_semaphore, #tpu.memory_space<semaphore_mem>>) src(%dma_wait3A_957 : memref<128x32xf32, #tpu.memory_space<vmem>>) dst(%dma_wait3A_963 : memref<10240x32xf32, #tpu.memory_space<vmem_shared>>)
        %dma_wait3A_966 = arith.constant 1 : i32
        %dma_wait3A_967 = arith.constant 128 : i32
        %dma_wait3A_968 = arith.constant 0 : i32
        %dma_wait3A_969 = tpu.memref_slice %arg15[%sub3A_790, %dma_wait3A_967, %dma_wait3A_968] : memref<2x256x32xf32, #tpu.memory_space<vmem>> -> memref<1x128x32xf32, #tpu.memory_space<vmem>>
        %dma_wait3A_970 = tpu.memref_squeeze %dma_wait3A_969 : memref<1x128x32xf32, #tpu.memory_space<vmem>> -> memref<128x32xf32, #tpu.memory_space<vmem>>
        %dma_wait3A_971 = arith.constant 0 : i32
        %dma_wait3A_972 = tpu.memref_slice %arg11[%sub3A_790, %dma_wait3A_966, %dma_wait3A_971] : memref<2x2x128xi32, #tpu.memory_space<vmem>> -> memref<1x1x128xi32, #tpu.memory_space<vmem>>
        %dma_wait3A_973 = tpu.memref_squeeze %dma_wait3A_972 : memref<1x1x128xi32, #tpu.memory_space<vmem>> -> memref<128xi32, #tpu.memory_space<vmem>>
        %dma_wait3A_974 = arith.constant 0 : i32
        %dma_wait3A_975 = arith.constant 0 : i32
        %dma_wait3A_976 = tpu.memref_slice %arg20[%dma_wait3A_974, %dma_wait3A_975] : memref<10240x32xf32, #tpu.memory_space<vmem_shared>> -> memref<10240x32xf32, #tpu.memory_space<vmem_shared>>
        %dma_wait3A_977 = tpu.memref_slice %arg25[%sub3A_790] : memref<2x!tpu.dma_semaphore, #tpu.memory_space<semaphore_mem>> -> memref<1x!tpu.dma_semaphore, #tpu.memory_space<semaphore_mem>>
        %dma_wait3A_978 = tpu.memref_squeeze %dma_wait3A_977 : memref<1x!tpu.dma_semaphore, #tpu.memory_space<semaphore_mem>> -> memref<!tpu.dma_semaphore, #tpu.memory_space<semaphore_mem>>
        tpu.wait_indirect_dma semaphore(%dma_wait3A_978 : memref<!tpu.dma_semaphore, #tpu.memory_space<semaphore_mem>>) src(%dma_wait3A_970 : memref<128x32xf32, #tpu.memory_space<vmem>>) dst(%dma_wait3A_976 : memref<10240x32xf32, #tpu.memory_space<vmem_shared>>)
        %dma_wait3A_979 = arith.constant 1 : i32
        %dma_wait3A_980 = arith.constant 128 : i32
        %dma_wait3A_981 = arith.constant 0 : i32
        %dma_wait3A_982 = tpu.memref_slice %arg16[%sub3A_790, %dma_wait3A_980, %dma_wait3A_981] : memref<2x256x32xf32, #tpu.memory_space<vmem>> -> memref<1x128x32xf32, #tpu.memory_space<vmem>>
        %dma_wait3A_983 = tpu.memref_squeeze %dma_wait3A_982 : memref<1x128x32xf32, #tpu.memory_space<vmem>> -> memref<128x32xf32, #tpu.memory_space<vmem>>
        %dma_wait3A_984 = arith.constant 0 : i32
        %dma_wait3A_985 = tpu.memref_slice %arg12[%sub3A_790, %dma_wait3A_979, %dma_wait3A_984] : memref<2x2x128xi32, #tpu.memory_space<vmem>> -> memref<1x1x128xi32, #tpu.memory_space<vmem>>
        %dma_wait3A_986 = tpu.memref_squeeze %dma_wait3A_985 : memref<1x1x128xi32, #tpu.memory_space<vmem>> -> memref<128xi32, #tpu.memory_space<vmem>>
        %dma_wait3A_987 = arith.constant 0 : i32
        %dma_wait3A_988 = arith.constant 0 : i32
        %dma_wait3A_989 = tpu.memref_slice %arg21[%dma_wait3A_987, %dma_wait3A_988] : memref<10240x32xf32, #tpu.memory_space<vmem_shared>> -> memref<10240x32xf32, #tpu.memory_space<vmem_shared>>
        %dma_wait3A_990 = tpu.memref_slice %arg26[%sub3A_790] : memref<2x!tpu.dma_semaphore, #tpu.memory_space<semaphore_mem>> -> memref<1x!tpu.dma_semaphore, #tpu.memory_space<semaphore_mem>>
        %dma_wait3A_991 = tpu.memref_squeeze %dma_wait3A_990 : memref<1x!tpu.dma_semaphore, #tpu.memory_space<semaphore_mem>> -> memref<!tpu.dma_semaphore, #tpu.memory_space<semaphore_mem>>
        tpu.wait_indirect_dma semaphore(%dma_wait3A_991 : memref<!tpu.dma_semaphore, #tpu.memory_space<semaphore_mem>>) src(%dma_wait3A_983 : memref<128x32xf32, #tpu.memory_space<vmem>>) dst(%dma_wait3A_989 : memref<10240x32xf32, #tpu.memory_space<vmem_shared>>)
        %dma_wait3A_992 = arith.constant 0 : i32
        %dma_wait3A_993 = arith.constant 0 : i32
        %dma_wait3A_994 = tpu.memref_slice %arg17[%sub3A_790, %dma_wait3A_992, %dma_wait3A_993] : memref<2x256x16xf32, #tpu.memory_space<vmem>> -> memref<1x256x16xf32, #tpu.memory_space<vmem>>
        %dma_wait3A_995 = tpu.memref_squeeze %dma_wait3A_994 : memref<1x256x16xf32, #tpu.memory_space<vmem>> -> memref<256x16xf32, #tpu.memory_space<vmem>>
        %dma_wait3A_996 = arith.constant 0 : i32
        %dma_wait3A_997 = arith.constant 0 : i32
        %dma_wait3A_998 = tpu.memref_slice %arg10[%dma_wait3A_996, %dma_wait3A_997] : memref<320000x128xf32, #tpu.memory_space<hbm>> -> memref<256x16xf32, #tpu.memory_space<hbm>>
        %dma_wait3A_999 = tpu.memref_slice %arg27[%sub3A_790] : memref<2x!tpu.dma_semaphore, #tpu.memory_space<semaphore_mem>> -> memref<1x!tpu.dma_semaphore, #tpu.memory_space<semaphore_mem>>
        %dma_wait3A_1000 = tpu.memref_squeeze %dma_wait3A_999 : memref<1x!tpu.dma_semaphore, #tpu.memory_space<semaphore_mem>> -> memref<!tpu.dma_semaphore, #tpu.memory_space<semaphore_mem>>
        %dma_wait3A_1001 = arith.constant 0 : i32
        %dma_wait3A_1002 = arith.constant 0 : i32
        %dma_wait3A_1003 = tpu.memref_slice %arg10[%dma_wait3A_1001, %dma_wait3A_1002] : memref<320000x128xf32, #tpu.memory_space<hbm>> -> memref<256x16xf32, #tpu.memory_space<hbm>>
        %dma_wait3A_1004 = arith.constant 0 : i32
        %dma_wait3A_1005 = arith.constant 0 : i32
        %dma_wait3A_1006 = tpu.memref_slice %arg17[%sub3A_790, %dma_wait3A_1004, %dma_wait3A_1005] : memref<2x256x16xf32, #tpu.memory_space<vmem>> -> memref<1x256x16xf32, #tpu.memory_space<vmem>>
        %dma_wait3A_1007 = tpu.memref_squeeze %dma_wait3A_1006 : memref<1x256x16xf32, #tpu.memory_space<vmem>> -> memref<256x16xf32, #tpu.memory_space<vmem>>
        tpu.wait_dma2 semaphore(%dma_wait3A_1000 : memref<!tpu.dma_semaphore, #tpu.memory_space<semaphore_mem>>) src(%dma_wait3A_1007 : memref<256x16xf32, #tpu.memory_space<vmem>>) dst(%dma_wait3A_1003 : memref<256x16xf32, #tpu.memory_space<hbm>>)
      } else {
      }
      %convert_element_type3A_797 = arith.extui %lt3A_793 : i1 to i32
      %cond3A_798 = arith.constant 0 : i32
      %cond3A_799 = arith.cmpi ne, %convert_element_type3A_797, %cond3A_798 : i32
      scf.if %cond3A_799 {
        %add3A_940 = arith.constant 1 : i32
        %add3A_941 = arith.addi %while3A_786, %add3A_940 : i32
        %add3A_942 = arith.addi %select_n3A_27, %add3A_941 : i32
        %mul3A_943 = arith.constant 256 : i32
        %mul3A_944 = arith.muli %add3A_942, %mul3A_943 : i32
        %add3A_945 = arith.addi %select_n3A_32, %add3A_941 : i32
        %mul3A_946 = arith.constant 256 : i32
        %mul3A_947 = arith.muli %add3A_945, %mul3A_946 : i32
        %add3A_948 = arith.constant 0 : i32
        %add3A_949 = arith.addi %mul3A_947, %add3A_948 : i32
        %add3A_950 = arith.constant 0 : i32
        %add3A_951 = arith.addi %add3A_949, %add3A_950 : i32
        %get3A_952 = arith.index_cast %add3A_951 : i32 to index
        %get3A_953 = tpu.vector_load %arg13[%get3A_952] {strides = array<i32>} : memref<10240xi32, #tpu.memory_space<vmem>>, vector<16xi32>,
        %get3A_954 = vector.shape_cast %get3A_953 : vector<16xi32> to vector<16xi32>
        %swap3A_955 = arith.constant 0 : i32
        %swap3A_956 = arith.index_cast %sub3A_790 : i32 to index
        %swap3A_957 = arith.index_cast %swap3A_955 : i32 to index
        %swap3A_958 = arith.constant 0 : index
        %swap3A_959 = tpu.vector_load %arg11[%swap3A_956, %swap3A_957, %swap3A_958] {strides = array<i32>} : memref<2x2x128xi32, #tpu.memory_space<vmem>>, vector<1x1x16xi32>,
        %swap3A_960 = vector.shape_cast %swap3A_959 : vector<1x1x16xi32> to vector<16xi32>
        %swap3A_961 = vector.shape_cast %get3A_954 : vector<16xi32> to vector<1x1x16xi32>
        tpu.vector_store %arg11[%swap3A_956, %swap3A_957, %swap3A_958], %swap3A_961 {strides = array<i32>} : memref<2x2x128xi32, #tpu.memory_space<vmem>>, vector<1x1x16xi32>,
        %add3A_962 = arith.constant 0 : i32
        %add3A_963 = arith.addi %mul3A_947, %add3A_962 : i32
        %add3A_964 = arith.constant 0 : i32
        %add3A_965 = arith.addi %add3A_963, %add3A_964 : i32
        %get3A_966 = arith.index_cast %add3A_965 : i32 to index
        %get3A_967 = tpu.vector_load %arg14[%get3A_966] {strides = array<i32>} : memref<10240xi32, #tpu.memory_space<vmem>>, vector<16xi32>,
        %get3A_968 = vector.shape_cast %get3A_967 : vector<16xi32> to vector<16xi32>
        %swap3A_969 = arith.constant 0 : i32
        %swap3A_970 = arith.index_cast %sub3A_790 : i32 to index
        %swap3A_971 = arith.index_cast %swap3A_969 : i32 to index
        %swap3A_972 = arith.constant 0 : index
        %swap3A_973 = tpu.vector_load %arg12[%swap3A_970, %swap3A_971, %swap3A_972] {strides = array<i32>} : memref<2x2x128xi32, #tpu.memory_space<vmem>>, vector<1x1x16xi32>,
        %swap3A_974 = vector.shape_cast %swap3A_973 : vector<1x1x16xi32> to vector<16xi32>
        %swap3A_975 = vector.shape_cast %get3A_968 : vector<16xi32> to vector<1x1x16xi32>
        tpu.vector_store %arg12[%swap3A_970, %swap3A_971, %swap3A_972], %swap3A_975 {strides = array<i32>} : memref<2x2x128xi32, #tpu.memory_space<vmem>>, vector<1x1x16xi32>,
        %add3A_976 = arith.constant 0 : i32
        %add3A_977 = arith.addi %mul3A_947, %add3A_976 : i32
        %add3A_978 = arith.constant 16 : i32
        %add3A_979 = arith.addi %add3A_977, %add3A_978 : i32
        %get3A_980 = arith.index_cast %add3A_979 : i32 to index
        %get3A_981 = tpu.vector_load %arg13[%get3A_980] {strides = array<i32>} : memref<10240xi32, #tpu.memory_space<vmem>>, vector<16xi32>,
        %get3A_982 = vector.shape_cast %get3A_981 : vector<16xi32> to vector<16xi32>
        %swap3A_983 = arith.constant 0 : i32
        %swap3A_984 = arith.index_cast %sub3A_790 : i32 to index
        %swap3A_985 = arith.index_cast %swap3A_983 : i32 to index
        %swap3A_986 = arith.constant 16 : index
        %swap3A_987 = tpu.vector_load %arg11[%swap3A_984, %swap3A_985, %swap3A_986] {strides = array<i32>} : memref<2x2x128xi32, #tpu.memory_space<vmem>>, vector<1x1x16xi32>,
        %swap3A_988 = vector.shape_cast %swap3A_987 : vector<1x1x16xi32> to vector<16xi32>
        %swap3A_989 = vector.shape_cast %get3A_982 : vector<16xi32> to vector<1x1x16xi32>
        tpu.vector_store %arg11[%swap3A_984, %swap3A_985, %swap3A_986], %swap3A_989 {strides = array<i32>} : memref<2x2x128xi32, #tpu.memory_space<vmem>>, vector<1x1x16xi32>,
        %add3A_990 = arith.constant 0 : i32
        %add3A_991 = arith.addi %mul3A_947, %add3A_990 : i32
        %add3A_992 = arith.constant 16 : i32
        %add3A_993 = arith.addi %add3A_991, %add3A_992 : i32
        %get3A_994 = arith.index_cast %add3A_993 : i32 to index
        %get3A_995 = tpu.vector_load %arg14[%get3A_994] {strides = array<i32>} : memref<10240xi32, #tpu.memory_space<vmem>>, vector<16xi32>,
        %get3A_996 = vector.shape_cast %get3A_995 : vector<16xi32> to vector<16xi32>
        %swap3A_997 = arith.constant 0 : i32
        %swap3A_998 = arith.index_cast %sub3A_790 : i32 to index
        %swap3A_999 = arith.index_cast %swap3A_997 : i32 to index
        %swap3A_1000 = arith.constant 16 : index
        %swap3A_1001 = tpu.vector_load %arg12[%swap3A_998, %swap3A_999, %swap3A_1000] {strides = array<i32>} : memref<2x2x128xi32, #tpu.memory_space<vmem>>, vector<1x1x16xi32>,
        %swap3A_1002 = vector.shape_cast %swap3A_1001 : vector<1x1x16xi32> to vector<16xi32>
        %swap3A_1003 = vector.shape_cast %get3A_996 : vector<16xi32> to vector<1x1x16xi32>
        tpu.vector_store %arg12[%swap3A_998, %swap3A_999, %swap3A_1000], %swap3A_1003 {strides = array<i32>} : memref<2x2x128xi32, #tpu.memory_space<vmem>>, vector<1x1x16xi32>,
        %add3A_1004 = arith.constant 0 : i32
        %add3A_1005 = arith.addi %mul3A_947, %add3A_1004 : i32
        %add3A_1006 = arith.constant 32 : i32
        %add3A_1007 = arith.addi %add3A_1005, %add3A_1006 : i32
        %get3A_1008 = arith.index_cast %add3A_1007 : i32 to index
        %get3A_1009 = tpu.vector_load %arg13[%get3A_1008] {strides = array<i32>} : memref<10240xi32, #tpu.memory_space<vmem>>, vector<16xi32>,
        %get3A_1010 = vector.shape_cast %get3A_1009 : vector<16xi32> to vector<16xi32>
        %swap3A_1011 = arith.constant 0 : i32
        %swap3A_1012 = arith.index_cast %sub3A_790 : i32 to index
        %swap3A_1013 = arith.index_cast %swap3A_1011 : i32 to index
        %swap3A_1014 = arith.constant 32 : index
        %swap3A_1015 = tpu.vector_load %arg11[%swap3A_1012, %swap3A_1013, %swap3A_1014] {strides = array<i32>} : memref<2x2x128xi32, #tpu.memory_space<vmem>>, vector<1x1x16xi32>,
        %swap3A_1016 = vector.shape_cast %swap3A_1015 : vector<1x1x16xi32> to vector<16xi32>
        %swap3A_1017 = vector.shape_cast %get3A_1010 : vector<16xi32> to vector<1x1x16xi32>
        tpu.vector_store %arg11[%swap3A_1012, %swap3A_1013, %swap3A_1014], %swap3A_1017 {strides = array<i32>} : memref<2x2x128xi32, #tpu.memory_space<vmem>>, vector<1x1x16xi32>,
        %add3A_1018 = arith.constant 0 : i32
        %add3A_1019 = arith.addi %mul3A_947, %add3A_1018 : i32
        %add3A_1020 = arith.constant 32 : i32
        %add3A_1021 = arith.addi %add3A_1019, %add3A_1020 : i32
        %get3A_1022 = arith.index_cast %add3A_1021 : i32 to index
        %get3A_1023 = tpu.vector_load %arg14[%get3A_1022] {strides = array<i32>} : memref<10240xi32, #tpu.memory_space<vmem>>, vector<16xi32>,
        %get3A_1024 = vector.shape_cast %get3A_1023 : vector<16xi32> to vector<16xi32>
        %swap3A_1025 = arith.constant 0 : i32
        %swap3A_1026 = arith.index_cast %sub3A_790 : i32 to index
        %swap3A_1027 = arith.index_cast %swap3A_1025 : i32 to index
        %swap3A_1028 = arith.constant 32 : index
        %swap3A_1029 = tpu.vector_load %arg12[%swap3A_1026, %swap3A_1027, %swap3A_1028] {strides = array<i32>} : memref<2x2x128xi32, #tpu.memory_space<vmem>>, vector<1x1x16xi32>,
        %swap3A_1030 = vector.shape_cast %swap3A_1029 : vector<1x1x16xi32> to vector<16xi32>
        %swap3A_1031 = vector.shape_cast %get3A_1024 : vector<16xi32> to vector<1x1x16xi32>
        tpu.vector_store %arg12[%swap3A_1026, %swap3A_1027, %swap3A_1028], %swap3A_1031 {strides = array<i32>} : memref<2x2x128xi32, #tpu.memory_space<vmem>>, vector<1x1x16xi32>,
        %add3A_1032 = arith.constant 0 : i32
        %add3A_1033 = arith.addi %mul3A_947, %add3A_1032 : i32
        %add3A_1034 = arith.constant 48 : i32
        %add3A_1035 = arith.addi %add3A_1033, %add3A_1034 : i32
        %get3A_1036 = arith.index_cast %add3A_1035 : i32 to index
        %get3A_1037 = tpu.vector_load %arg13[%get3A_1036] {strides = array<i32>} : memref<10240xi32, #tpu.memory_space<vmem>>, vector<16xi32>,
        %get3A_1038 = vector.shape_cast %get3A_1037 : vector<16xi32> to vector<16xi32>
        %swap3A_1039 = arith.constant 0 : i32
        %swap3A_1040 = arith.index_cast %sub3A_790 : i32 to index
        %swap3A_1041 = arith.index_cast %swap3A_1039 : i32 to index
        %swap3A_1042 = arith.constant 48 : index
        %swap3A_1043 = tpu.vector_load %arg11[%swap3A_1040, %swap3A_1041, %swap3A_1042] {strides = array<i32>} : memref<2x2x128xi32, #tpu.memory_space<vmem>>, vector<1x1x16xi32>,
        %swap3A_1044 = vector.shape_cast %swap3A_1043 : vector<1x1x16xi32> to vector<16xi32>
        %swap3A_1045 = vector.shape_cast %get3A_1038 : vector<16xi32> to vector<1x1x16xi32>
        tpu.vector_store %arg11[%swap3A_1040, %swap3A_1041, %swap3A_1042], %swap3A_1045 {strides = array<i32>} : memref<2x2x128xi32, #tpu.memory_space<vmem>>, vector<1x1x16xi32>,
        %add3A_1046 = arith.constant 0 : i32
        %add3A_1047 = arith.addi %mul3A_947, %add3A_1046 : i32
        %add3A_1048 = arith.constant 48 : i32
        %add3A_1049 = arith.addi %add3A_1047, %add3A_1048 : i32
        %get3A_1050 = arith.index_cast %add3A_1049 : i32 to index
        %get3A_1051 = tpu.vector_load %arg14[%get3A_1050] {strides = array<i32>} : memref<10240xi32, #tpu.memory_space<vmem>>, vector<16xi32>,
        %get3A_1052 = vector.shape_cast %get3A_1051 : vector<16xi32> to vector<16xi32>
        %swap3A_1053 = arith.constant 0 : i32
        %swap3A_1054 = arith.index_cast %sub3A_790 : i32 to index
        %swap3A_1055 = arith.index_cast %swap3A_1053 : i32 to index
        %swap3A_1056 = arith.constant 48 : index
        %swap3A_1057 = tpu.vector_load %arg12[%swap3A_1054, %swap3A_1055, %swap3A_1056] {strides = array<i32>} : memref<2x2x128xi32, #tpu.memory_space<vmem>>, vector<1x1x16xi32>,
        %swap3A_1058 = vector.shape_cast %swap3A_1057 : vector<1x1x16xi32> to vector<16xi32>
        %swap3A_1059 = vector.shape_cast %get3A_1052 : vector<16xi32> to vector<1x1x16xi32>
        tpu.vector_store %arg12[%swap3A_1054, %swap3A_1055, %swap3A_1056], %swap3A_1059 {strides = array<i32>} : memref<2x2x128xi32, #tpu.memory_space<vmem>>, vector<1x1x16xi32>,
        %add3A_1060 = arith.constant 0 : i32
        %add3A_1061 = arith.addi %mul3A_947, %add3A_1060 : i32
        %add3A_1062 = arith.constant 64 : i32
        %add3A_1063 = arith.addi %add3A_1061, %add3A_1062 : i32
        %get3A_1064 = arith.index_cast %add3A_1063 : i32 to index
        %get3A_1065 = tpu.vector_load %arg13[%get3A_1064] {strides = array<i32>} : memref<10240xi32, #tpu.memory_space<vmem>>, vector<16xi32>,
        %get3A_1066 = vector.shape_cast %get3A_1065 : vector<16xi32> to vector<16xi32>
        %swap3A_1067 = arith.constant 0 : i32
        %swap3A_1068 = arith.index_cast %sub3A_790 : i32 to index
        %swap3A_1069 = arith.index_cast %swap3A_1067 : i32 to index
        %swap3A_1070 = arith.constant 64 : index
        %swap3A_1071 = tpu.vector_load %arg11[%swap3A_1068, %swap3A_1069, %swap3A_1070] {strides = array<i32>} : memref<2x2x128xi32, #tpu.memory_space<vmem>>, vector<1x1x16xi32>,
        %swap3A_1072 = vector.shape_cast %swap3A_1071 : vector<1x1x16xi32> to vector<16xi32>
        %swap3A_1073 = vector.shape_cast %get3A_1066 : vector<16xi32> to vector<1x1x16xi32>
        tpu.vector_store %arg11[%swap3A_1068, %swap3A_1069, %swap3A_1070], %swap3A_1073 {strides = array<i32>} : memref<2x2x128xi32, #tpu.memory_space<vmem>>, vector<1x1x16xi32>,
        %add3A_1074 = arith.constant 0 : i32
        %add3A_1075 = arith.addi %mul3A_947, %add3A_1074 : i32
        %add3A_1076 = arith.constant 64 : i32
        %add3A_1077 = arith.addi %add3A_1075, %add3A_1076 : i32
        %get3A_1078 = arith.index_cast %add3A_1077 : i32 to index
        %get3A_1079 = tpu.vector_load %arg14[%get3A_1078] {strides = array<i32>} : memref<10240xi32, #tpu.memory_space<vmem>>, vector<16xi32>,
        %get3A_1080 = vector.shape_cast %get3A_1079 : vector<16xi32> to vector<16xi32>
        %swap3A_1081 = arith.constant 0 : i32
        %swap3A_1082 = arith.index_cast %sub3A_790 : i32 to index
        %swap3A_1083 = arith.index_cast %swap3A_1081 : i32 to index
        %swap3A_1084 = arith.constant 64 : index
        %swap3A_1085 = tpu.vector_load %arg12[%swap3A_1082, %swap3A_1083, %swap3A_1084] {strides = array<i32>} : memref<2x2x128xi32, #tpu.memory_space<vmem>>, vector<1x1x16xi32>,
        %swap3A_1086 = vector.shape_cast %swap3A_1085 : vector<1x1x16xi32> to vector<16xi32>
        %swap3A_1087 = vector.shape_cast %get3A_1080 : vector<16xi32> to vector<1x1x16xi32>
        tpu.vector_store %arg12[%swap3A_1082, %swap3A_1083, %swap3A_1084], %swap3A_1087 {strides = array<i32>} : memref<2x2x128xi32, #tpu.memory_space<vmem>>, vector<1x1x16xi32>,
        %add3A_1088 = arith.constant 0 : i32
        %add3A_1089 = arith.addi %mul3A_947, %add3A_1088 : i32
        %add3A_1090 = arith.constant 80 : i32
        %add3A_1091 = arith.addi %add3A_1089, %add3A_1090 : i32
        %get3A_1092 = arith.index_cast %add3A_1091 : i32 to index
        %get3A_1093 = tpu.vector_load %arg13[%get3A_1092] {strides = array<i32>} : memref<10240xi32, #tpu.memory_space<vmem>>, vector<16xi32>,
        %get3A_1094 = vector.shape_cast %get3A_1093 : vector<16xi32> to vector<16xi32>
        %swap3A_1095 = arith.constant 0 : i32
        %swap3A_1096 = arith.index_cast %sub3A_790 : i32 to index
        %swap3A_1097 = arith.index_cast %swap3A_1095 : i32 to index
        %swap3A_1098 = arith.constant 80 : index
        %swap3A_1099 = tpu.vector_load %arg11[%swap3A_1096, %swap3A_1097, %swap3A_1098] {strides = array<i32>} : memref<2x2x128xi32, #tpu.memory_space<vmem>>, vector<1x1x16xi32>,
        %swap3A_1100 = vector.shape_cast %swap3A_1099 : vector<1x1x16xi32> to vector<16xi32>
        %swap3A_1101 = vector.shape_cast %get3A_1094 : vector<16xi32> to vector<1x1x16xi32>
        tpu.vector_store %arg11[%swap3A_1096, %swap3A_1097, %swap3A_1098], %swap3A_1101 {strides = array<i32>} : memref<2x2x128xi32, #tpu.memory_space<vmem>>, vector<1x1x16xi32>,
        %add3A_1102 = arith.constant 0 : i32
        %add3A_1103 = arith.addi %mul3A_947, %add3A_1102 : i32
        %add3A_1104 = arith.constant 80 : i32
        %add3A_1105 = arith.addi %add3A_1103, %add3A_1104 : i32
        %get3A_1106 = arith.index_cast %add3A_1105 : i32 to index
        %get3A_1107 = tpu.vector_load %arg14[%get3A_1106] {strides = array<i32>} : memref<10240xi32, #tpu.memory_space<vmem>>, vector<16xi32>,
        %get3A_1108 = vector.shape_cast %get3A_1107 : vector<16xi32> to vector<16xi32>
        %swap3A_1109 = arith.constant 0 : i32
        %swap3A_1110 = arith.index_cast %sub3A_790 : i32 to index
        %swap3A_1111 = arith.index_cast %swap3A_1109 : i32 to index
        %swap3A_1112 = arith.constant 80 : index
        %swap3A_1113 = tpu.vector_load %arg12[%swap3A_1110, %swap3A_1111, %swap3A_1112] {strides = array<i32>} : memref<2x2x128xi32, #tpu.memory_space<vmem>>, vector<1x1x16xi32>,
        %swap3A_1114 = vector.shape_cast %swap3A_1113 : vector<1x1x16xi32> to vector<16xi32>
        %swap3A_1115 = vector.shape_cast %get3A_1108 : vector<16xi32> to vector<1x1x16xi32>
        tpu.vector_store %arg12[%swap3A_1110, %swap3A_1111, %swap3A_1112], %swap3A_1115 {strides = array<i32>} : memref<2x2x128xi32, #tpu.memory_space<vmem>>, vector<1x1x16xi32>,
        %add3A_1116 = arith.constant 0 : i32
        %add3A_1117 = arith.addi %mul3A_947, %add3A_1116 : i32
        %add3A_1118 = arith.constant 96 : i32
        %add3A_1119 = arith.addi %add3A_1117, %add3A_1118 : i32
        %get3A_1120 = arith.index_cast %add3A_1119 : i32 to index
        %get3A_1121 = tpu.vector_load %arg13[%get3A_1120] {strides = array<i32>} : memref<10240xi32, #tpu.memory_space<vmem>>, vector<16xi32>,
        %get3A_1122 = vector.shape_cast %get3A_1121 : vector<16xi32> to vector<16xi32>
        %swap3A_1123 = arith.constant 0 : i32
        %swap3A_1124 = arith.index_cast %sub3A_790 : i32 to index
        %swap3A_1125 = arith.index_cast %swap3A_1123 : i32 to index
        %swap3A_1126 = arith.constant 96 : index
        %swap3A_1127 = tpu.vector_load %arg11[%swap3A_1124, %swap3A_1125, %swap3A_1126] {strides = array<i32>} : memref<2x2x128xi32, #tpu.memory_space<vmem>>, vector<1x1x16xi32>,
        %swap3A_1128 = vector.shape_cast %swap3A_1127 : vector<1x1x16xi32> to vector<16xi32>
        %swap3A_1129 = vector.shape_cast %get3A_1122 : vector<16xi32> to vector<1x1x16xi32>
        tpu.vector_store %arg11[%swap3A_1124, %swap3A_1125, %swap3A_1126], %swap3A_1129 {strides = array<i32>} : memref<2x2x128xi32, #tpu.memory_space<vmem>>, vector<1x1x16xi32>,
        %add3A_1130 = arith.constant 0 : i32
        %add3A_1131 = arith.addi %mul3A_947, %add3A_1130 : i32
        %add3A_1132 = arith.constant 96 : i32
        %add3A_1133 = arith.addi %add3A_1131, %add3A_1132 : i32
        %get3A_1134 = arith.index_cast %add3A_1133 : i32 to index
        %get3A_1135 = tpu.vector_load %arg14[%get3A_1134] {strides = array<i32>} : memref<10240xi32, #tpu.memory_space<vmem>>, vector<16xi32>,
        %get3A_1136 = vector.shape_cast %get3A_1135 : vector<16xi32> to vector<16xi32>
        %swap3A_1137 = arith.constant 0 : i32
        %swap3A_1138 = arith.index_cast %sub3A_790 : i32 to index
        %swap3A_1139 = arith.index_cast %swap3A_1137 : i32 to index
        %swap3A_1140 = arith.constant 96 : index
        %swap3A_1141 = tpu.vector_load %arg12[%swap3A_1138, %swap3A_1139, %swap3A_1140] {strides = array<i32>} : memref<2x2x128xi32, #tpu.memory_space<vmem>>, vector<1x1x16xi32>,
        %swap3A_1142 = vector.shape_cast %swap3A_1141 : vector<1x1x16xi32> to vector<16xi32>
        %swap3A_1143 = vector.shape_cast %get3A_1136 : vector<16xi32> to vector<1x1x16xi32>
        tpu.vector_store %arg12[%swap3A_1138, %swap3A_1139, %swap3A_1140], %swap3A_1143 {strides = array<i32>} : memref<2x2x128xi32, #tpu.memory_space<vmem>>, vector<1x1x16xi32>,
        %add3A_1144 = arith.constant 0 : i32
        %add3A_1145 = arith.addi %mul3A_947, %add3A_1144 : i32
        %add3A_1146 = arith.constant 112 : i32
        %add3A_1147 = arith.addi %add3A_1145, %add3A_1146 : i32
        %get3A_1148 = arith.index_cast %add3A_1147 : i32 to index
        %get3A_1149 = tpu.vector_load %arg13[%get3A_1148] {strides = array<i32>} : memref<10240xi32, #tpu.memory_space<vmem>>, vector<16xi32>,
        %get3A_1150 = vector.shape_cast %get3A_1149 : vector<16xi32> to vector<16xi32>
        %swap3A_1151 = arith.constant 0 : i32
        %swap3A_1152 = arith.index_cast %sub3A_790 : i32 to index
        %swap3A_1153 = arith.index_cast %swap3A_1151 : i32 to index
        %swap3A_1154 = arith.constant 112 : index
        %swap3A_1155 = tpu.vector_load %arg11[%swap3A_1152, %swap3A_1153, %swap3A_1154] {strides = array<i32>} : memref<2x2x128xi32, #tpu.memory_space<vmem>>, vector<1x1x16xi32>,
        %swap3A_1156 = vector.shape_cast %swap3A_1155 : vector<1x1x16xi32> to vector<16xi32>
        %swap3A_1157 = vector.shape_cast %get3A_1150 : vector<16xi32> to vector<1x1x16xi32>
        tpu.vector_store %arg11[%swap3A_1152, %swap3A_1153, %swap3A_1154], %swap3A_1157 {strides = array<i32>} : memref<2x2x128xi32, #tpu.memory_space<vmem>>, vector<1x1x16xi32>,
        %add3A_1158 = arith.constant 0 : i32
        %add3A_1159 = arith.addi %mul3A_947, %add3A_1158 : i32
        %add3A_1160 = arith.constant 112 : i32
        %add3A_1161 = arith.addi %add3A_1159, %add3A_1160 : i32
        %get3A_1162 = arith.index_cast %add3A_1161 : i32 to index
        %get3A_1163 = tpu.vector_load %arg14[%get3A_1162] {strides = array<i32>} : memref<10240xi32, #tpu.memory_space<vmem>>, vector<16xi32>,
        %get3A_1164 = vector.shape_cast %get3A_1163 : vector<16xi32> to vector<16xi32>
        %swap3A_1165 = arith.constant 0 : i32
        %swap3A_1166 = arith.index_cast %sub3A_790 : i32 to index
        %swap3A_1167 = arith.index_cast %swap3A_1165 : i32 to index
        %swap3A_1168 = arith.constant 112 : index
        %swap3A_1169 = tpu.vector_load %arg12[%swap3A_1166, %swap3A_1167, %swap3A_1168] {strides = array<i32>} : memref<2x2x128xi32, #tpu.memory_space<vmem>>, vector<1x1x16xi32>,
        %swap3A_1170 = vector.shape_cast %swap3A_1169 : vector<1x1x16xi32> to vector<16xi32>
        %swap3A_1171 = vector.shape_cast %get3A_1164 : vector<16xi32> to vector<1x1x16xi32>
        tpu.vector_store %arg12[%swap3A_1166, %swap3A_1167, %swap3A_1168], %swap3A_1171 {strides = array<i32>} : memref<2x2x128xi32, #tpu.memory_space<vmem>>, vector<1x1x16xi32>,
        %add3A_1172 = arith.constant 128 : i32
        %add3A_1173 = arith.addi %mul3A_947, %add3A_1172 : i32
        %add3A_1174 = arith.constant 0 : i32
        %add3A_1175 = arith.addi %add3A_1173, %add3A_1174 : i32
        %get3A_1176 = arith.index_cast %add3A_1175 : i32 to index
        %get3A_1177 = tpu.vector_load %arg13[%get3A_1176] {strides = array<i32>} : memref<10240xi32, #tpu.memory_space<vmem>>, vector<16xi32>,
        %get3A_1178 = vector.shape_cast %get3A_1177 : vector<16xi32> to vector<16xi32>
        %swap3A_1179 = arith.constant 1 : i32
        %swap3A_1180 = arith.index_cast %sub3A_790 : i32 to index
        %swap3A_1181 = arith.index_cast %swap3A_1179 : i32 to index
        %swap3A_1182 = arith.constant 0 : index
        %swap3A_1183 = tpu.vector_load %arg11[%swap3A_1180, %swap3A_1181, %swap3A_1182] {strides = array<i32>} : memref<2x2x128xi32, #tpu.memory_space<vmem>>, vector<1x1x16xi32>,
        %swap3A_1184 = vector.shape_cast %swap3A_1183 : vector<1x1x16xi32> to vector<16xi32>
        %swap3A_1185 = vector.shape_cast %get3A_1178 : vector<16xi32> to vector<1x1x16xi32>
        tpu.vector_store %arg11[%swap3A_1180, %swap3A_1181, %swap3A_1182], %swap3A_1185 {strides = array<i32>} : memref<2x2x128xi32, #tpu.memory_space<vmem>>, vector<1x1x16xi32>,
        %add3A_1186 = arith.constant 128 : i32
        %add3A_1187 = arith.addi %mul3A_947, %add3A_1186 : i32
        %add3A_1188 = arith.constant 0 : i32
        %add3A_1189 = arith.addi %add3A_1187, %add3A_1188 : i32
        %get3A_1190 = arith.index_cast %add3A_1189 : i32 to index
        %get3A_1191 = tpu.vector_load %arg14[%get3A_1190] {strides = array<i32>} : memref<10240xi32, #tpu.memory_space<vmem>>, vector<16xi32>,
        %get3A_1192 = vector.shape_cast %get3A_1191 : vector<16xi32> to vector<16xi32>
        %swap3A_1193 = arith.constant 1 : i32
        %swap3A_1194 = arith.index_cast %sub3A_790 : i32 to index
        %swap3A_1195 = arith.index_cast %swap3A_1193 : i32 to index
        %swap3A_1196 = arith.constant 0 : index
        %swap3A_1197 = tpu.vector_load %arg12[%swap3A_1194, %swap3A_1195, %swap3A_1196] {strides = array<i32>} : memref<2x2x128xi32, #tpu.memory_space<vmem>>, vector<1x1x16xi32>,
        %swap3A_1198 = vector.shape_cast %swap3A_1197 : vector<1x1x16xi32> to vector<16xi32>
        %swap3A_1199 = vector.shape_cast %get3A_1192 : vector<16xi32> to vector<1x1x16xi32>
        tpu.vector_store %arg12[%swap3A_1194, %swap3A_1195, %swap3A_1196], %swap3A_1199 {strides = array<i32>} : memref<2x2x128xi32, #tpu.memory_space<vmem>>, vector<1x1x16xi32>,
        %add3A_1200 = arith.constant 128 : i32
        %add3A_1201 = arith.addi %mul3A_947, %add3A_1200 : i32
        %add3A_1202 = arith.constant 16 : i32
        %add3A_1203 = arith.addi %add3A_1201, %add3A_1202 : i32
        %get3A_1204 = arith.index_cast %add3A_1203 : i32 to index
        %get3A_1205 = tpu.vector_load %arg13[%get3A_1204] {strides = array<i32>} : memref<10240xi32, #tpu.memory_space<vmem>>, vector<16xi32>,
        %get3A_1206 = vector.shape_cast %get3A_1205 : vector<16xi32> to vector<16xi32>
        %swap3A_1207 = arith.constant 1 : i32
        %swap3A_1208 = arith.index_cast %sub3A_790 : i32 to index
        %swap3A_1209 = arith.index_cast %swap3A_1207 : i32 to index
        %swap3A_1210 = arith.constant 16 : index
        %swap3A_1211 = tpu.vector_load %arg11[%swap3A_1208, %swap3A_1209, %swap3A_1210] {strides = array<i32>} : memref<2x2x128xi32, #tpu.memory_space<vmem>>, vector<1x1x16xi32>,
        %swap3A_1212 = vector.shape_cast %swap3A_1211 : vector<1x1x16xi32> to vector<16xi32>
        %swap3A_1213 = vector.shape_cast %get3A_1206 : vector<16xi32> to vector<1x1x16xi32>
        tpu.vector_store %arg11[%swap3A_1208, %swap3A_1209, %swap3A_1210], %swap3A_1213 {strides = array<i32>} : memref<2x2x128xi32, #tpu.memory_space<vmem>>, vector<1x1x16xi32>,
        %add3A_1214 = arith.constant 128 : i32
        %add3A_1215 = arith.addi %mul3A_947, %add3A_1214 : i32
        %add3A_1216 = arith.constant 16 : i32
        %add3A_1217 = arith.addi %add3A_1215, %add3A_1216 : i32
        %get3A_1218 = arith.index_cast %add3A_1217 : i32 to index
        %get3A_1219 = tpu.vector_load %arg14[%get3A_1218] {strides = array<i32>} : memref<10240xi32, #tpu.memory_space<vmem>>, vector<16xi32>,
        %get3A_1220 = vector.shape_cast %get3A_1219 : vector<16xi32> to vector<16xi32>
        %swap3A_1221 = arith.constant 1 : i32
        %swap3A_1222 = arith.index_cast %sub3A_790 : i32 to index
        %swap3A_1223 = arith.index_cast %swap3A_1221 : i32 to index
        %swap3A_1224 = arith.constant 16 : index
        %swap3A_1225 = tpu.vector_load %arg12[%swap3A_1222, %swap3A_1223, %swap3A_1224] {strides = array<i32>} : memref<2x2x128xi32, #tpu.memory_space<vmem>>, vector<1x1x16xi32>,
        %swap3A_1226 = vector.shape_cast %swap3A_1225 : vector<1x1x16xi32> to vector<16xi32>
        %swap3A_1227 = vector.shape_cast %get3A_1220 : vector<16xi32> to vector<1x1x16xi32>
        tpu.vector_store %arg12[%swap3A_1222, %swap3A_1223, %swap3A_1224], %swap3A_1227 {strides = array<i32>} : memref<2x2x128xi32, #tpu.memory_space<vmem>>, vector<1x1x16xi32>,
        %add3A_1228 = arith.constant 128 : i32
        %add3A_1229 = arith.addi %mul3A_947, %add3A_1228 : i32
        %add3A_1230 = arith.constant 32 : i32
        %add3A_1231 = arith.addi %add3A_1229, %add3A_1230 : i32
        %get3A_1232 = arith.index_cast %add3A_1231 : i32 to index
        %get3A_1233 = tpu.vector_load %arg13[%get3A_1232] {strides = array<i32>} : memref<10240xi32, #tpu.memory_space<vmem>>, vector<16xi32>,
        %get3A_1234 = vector.shape_cast %get3A_1233 : vector<16xi32> to vector<16xi32>
        %swap3A_1235 = arith.constant 1 : i32
        %swap3A_1236 = arith.index_cast %sub3A_790 : i32 to index
        %swap3A_1237 = arith.index_cast %swap3A_1235 : i32 to index
        %swap3A_1238 = arith.constant 32 : index
        %swap3A_1239 = tpu.vector_load %arg11[%swap3A_1236, %swap3A_1237, %swap3A_1238] {strides = array<i32>} : memref<2x2x128xi32, #tpu.memory_space<vmem>>, vector<1x1x16xi32>,
        %swap3A_1240 = vector.shape_cast %swap3A_1239 : vector<1x1x16xi32> to vector<16xi32>
        %swap3A_1241 = vector.shape_cast %get3A_1234 : vector<16xi32> to vector<1x1x16xi32>
        tpu.vector_store %arg11[%swap3A_1236, %swap3A_1237, %swap3A_1238], %swap3A_1241 {strides = array<i32>} : memref<2x2x128xi32, #tpu.memory_space<vmem>>, vector<1x1x16xi32>,
        %add3A_1242 = arith.constant 128 : i32
        %add3A_1243 = arith.addi %mul3A_947, %add3A_1242 : i32
        %add3A_1244 = arith.constant 32 : i32
        %add3A_1245 = arith.addi %add3A_1243, %add3A_1244 : i32
        %get3A_1246 = arith.index_cast %add3A_1245 : i32 to index
        %get3A_1247 = tpu.vector_load %arg14[%get3A_1246] {strides = array<i32>} : memref<10240xi32, #tpu.memory_space<vmem>>, vector<16xi32>,
        %get3A_1248 = vector.shape_cast %get3A_1247 : vector<16xi32> to vector<16xi32>
        %swap3A_1249 = arith.constant 1 : i32
        %swap3A_1250 = arith.index_cast %sub3A_790 : i32 to index
        %swap3A_1251 = arith.index_cast %swap3A_1249 : i32 to index
        %swap3A_1252 = arith.constant 32 : index
        %swap3A_1253 = tpu.vector_load %arg12[%swap3A_1250, %swap3A_1251, %swap3A_1252] {strides = array<i32>} : memref<2x2x128xi32, #tpu.memory_space<vmem>>, vector<1x1x16xi32>,
        %swap3A_1254 = vector.shape_cast %swap3A_1253 : vector<1x1x16xi32> to vector<16xi32>
        %swap3A_1255 = vector.shape_cast %get3A_1248 : vector<16xi32> to vector<1x1x16xi32>
        tpu.vector_store %arg12[%swap3A_1250, %swap3A_1251, %swap3A_1252], %swap3A_1255 {strides = array<i32>} : memref<2x2x128xi32, #tpu.memory_space<vmem>>, vector<1x1x16xi32>,
        %add3A_1256 = arith.constant 128 : i32
        %add3A_1257 = arith.addi %mul3A_947, %add3A_1256 : i32
        %add3A_1258 = arith.constant 48 : i32
        %add3A_1259 = arith.addi %add3A_1257, %add3A_1258 : i32
        %get3A_1260 = arith.index_cast %add3A_1259 : i32 to index
        %get3A_1261 = tpu.vector_load %arg13[%get3A_1260] {strides = array<i32>} : memref<10240xi32, #tpu.memory_space<vmem>>, vector<16xi32>,
        %get3A_1262 = vector.shape_cast %get3A_1261 : vector<16xi32> to vector<16xi32>
        %swap3A_1263 = arith.constant 1 : i32
        %swap3A_1264 = arith.index_cast %sub3A_790 : i32 to index
        %swap3A_1265 = arith.index_cast %swap3A_1263 : i32 to index
        %swap3A_1266 = arith.constant 48 : index
        %swap3A_1267 = tpu.vector_load %arg11[%swap3A_1264, %swap3A_1265, %swap3A_1266] {strides = array<i32>} : memref<2x2x128xi32, #tpu.memory_space<vmem>>, vector<1x1x16xi32>,
        %swap3A_1268 = vector.shape_cast %swap3A_1267 : vector<1x1x16xi32> to vector<16xi32>
        %swap3A_1269 = vector.shape_cast %get3A_1262 : vector<16xi32> to vector<1x1x16xi32>
        tpu.vector_store %arg11[%swap3A_1264, %swap3A_1265, %swap3A_1266], %swap3A_1269 {strides = array<i32>} : memref<2x2x128xi32, #tpu.memory_space<vmem>>, vector<1x1x16xi32>,
        %add3A_1270 = arith.constant 128 : i32
        %add3A_1271 = arith.addi %mul3A_947, %add3A_1270 : i32
        %add3A_1272 = arith.constant 48 : i32
        %add3A_1273 = arith.addi %add3A_1271, %add3A_1272 : i32
        %get3A_1274 = arith.index_cast %add3A_1273 : i32 to index
        %get3A_1275 = tpu.vector_load %arg14[%get3A_1274] {strides = array<i32>} : memref<10240xi32, #tpu.memory_space<vmem>>, vector<16xi32>,
        %get3A_1276 = vector.shape_cast %get3A_1275 : vector<16xi32> to vector<16xi32>
        %swap3A_1277 = arith.constant 1 : i32
        %swap3A_1278 = arith.index_cast %sub3A_790 : i32 to index
        %swap3A_1279 = arith.index_cast %swap3A_1277 : i32 to index
        %swap3A_1280 = arith.constant 48 : index
        %swap3A_1281 = tpu.vector_load %arg12[%swap3A_1278, %swap3A_1279, %swap3A_1280] {strides = array<i32>} : memref<2x2x128xi32, #tpu.memory_space<vmem>>, vector<1x1x16xi32>,
        %swap3A_1282 = vector.shape_cast %swap3A_1281 : vector<1x1x16xi32> to vector<16xi32>
        %swap3A_1283 = vector.shape_cast %get3A_1276 : vector<16xi32> to vector<1x1x16xi32>
        tpu.vector_store %arg12[%swap3A_1278, %swap3A_1279, %swap3A_1280], %swap3A_1283 {strides = array<i32>} : memref<2x2x128xi32, #tpu.memory_space<vmem>>, vector<1x1x16xi32>,
        %add3A_1284 = arith.constant 128 : i32
        %add3A_1285 = arith.addi %mul3A_947, %add3A_1284 : i32
        %add3A_1286 = arith.constant 64 : i32
        %add3A_1287 = arith.addi %add3A_1285, %add3A_1286 : i32
        %get3A_1288 = arith.index_cast %add3A_1287 : i32 to index
        %get3A_1289 = tpu.vector_load %arg13[%get3A_1288] {strides = array<i32>} : memref<10240xi32, #tpu.memory_space<vmem>>, vector<16xi32>,
        %get3A_1290 = vector.shape_cast %get3A_1289 : vector<16xi32> to vector<16xi32>
        %swap3A_1291 = arith.constant 1 : i32
        %swap3A_1292 = arith.index_cast %sub3A_790 : i32 to index
        %swap3A_1293 = arith.index_cast %swap3A_1291 : i32 to index
        %swap3A_1294 = arith.constant 64 : index
        %swap3A_1295 = tpu.vector_load %arg11[%swap3A_1292, %swap3A_1293, %swap3A_1294] {strides = array<i32>} : memref<2x2x128xi32, #tpu.memory_space<vmem>>, vector<1x1x16xi32>,
        %swap3A_1296 = vector.shape_cast %swap3A_1295 : vector<1x1x16xi32> to vector<16xi32>
        %swap3A_1297 = vector.shape_cast %get3A_1290 : vector<16xi32> to vector<1x1x16xi32>
        tpu.vector_store %arg11[%swap3A_1292, %swap3A_1293, %swap3A_1294], %swap3A_1297 {strides = array<i32>} : memref<2x2x128xi32, #tpu.memory_space<vmem>>, vector<1x1x16xi32>,
        %add3A_1298 = arith.constant 128 : i32
        %add3A_1299 = arith.addi %mul3A_947, %add3A_1298 : i32
        %add3A_1300 = arith.constant 64 : i32
        %add3A_1301 = arith.addi %add3A_1299, %add3A_1300 : i32
        %get3A_1302 = arith.index_cast %add3A_1301 : i32 to index
        %get3A_1303 = tpu.vector_load %arg14[%get3A_1302] {strides = array<i32>} : memref<10240xi32, #tpu.memory_space<vmem>>, vector<16xi32>,
        %get3A_1304 = vector.shape_cast %get3A_1303 : vector<16xi32> to vector<16xi32>
        %swap3A_1305 = arith.constant 1 : i32
        %swap3A_1306 = arith.index_cast %sub3A_790 : i32 to index
        %swap3A_1307 = arith.index_cast %swap3A_1305 : i32 to index
        %swap3A_1308 = arith.constant 64 : index
        %swap3A_1309 = tpu.vector_load %arg12[%swap3A_1306, %swap3A_1307, %swap3A_1308] {strides = array<i32>} : memref<2x2x128xi32, #tpu.memory_space<vmem>>, vector<1x1x16xi32>,
        %swap3A_1310 = vector.shape_cast %swap3A_1309 : vector<1x1x16xi32> to vector<16xi32>
        %swap3A_1311 = vector.shape_cast %get3A_1304 : vector<16xi32> to vector<1x1x16xi32>
        tpu.vector_store %arg12[%swap3A_1306, %swap3A_1307, %swap3A_1308], %swap3A_1311 {strides = array<i32>} : memref<2x2x128xi32, #tpu.memory_space<vmem>>, vector<1x1x16xi32>,
        %add3A_1312 = arith.constant 128 : i32
        %add3A_1313 = arith.addi %mul3A_947, %add3A_1312 : i32
        %add3A_1314 = arith.constant 80 : i32
        %add3A_1315 = arith.addi %add3A_1313, %add3A_1314 : i32
        %get3A_1316 = arith.index_cast %add3A_1315 : i32 to index
        %get3A_1317 = tpu.vector_load %arg13[%get3A_1316] {strides = array<i32>} : memref<10240xi32, #tpu.memory_space<vmem>>, vector<16xi32>,
        %get3A_1318 = vector.shape_cast %get3A_1317 : vector<16xi32> to vector<16xi32>
        %swap3A_1319 = arith.constant 1 : i32
        %swap3A_1320 = arith.index_cast %sub3A_790 : i32 to index
        %swap3A_1321 = arith.index_cast %swap3A_1319 : i32 to index
        %swap3A_1322 = arith.constant 80 : index
        %swap3A_1323 = tpu.vector_load %arg11[%swap3A_1320, %swap3A_1321, %swap3A_1322] {strides = array<i32>} : memref<2x2x128xi32, #tpu.memory_space<vmem>>, vector<1x1x16xi32>,
        %swap3A_1324 = vector.shape_cast %swap3A_1323 : vector<1x1x16xi32> to vector<16xi32>
        %swap3A_1325 = vector.shape_cast %get3A_1318 : vector<16xi32> to vector<1x1x16xi32>
        tpu.vector_store %arg11[%swap3A_1320, %swap3A_1321, %swap3A_1322], %swap3A_1325 {strides = array<i32>} : memref<2x2x128xi32, #tpu.memory_space<vmem>>, vector<1x1x16xi32>,
        %add3A_1326 = arith.constant 128 : i32
        %add3A_1327 = arith.addi %mul3A_947, %add3A_1326 : i32
        %add3A_1328 = arith.constant 80 : i32
        %add3A_1329 = arith.addi %add3A_1327, %add3A_1328 : i32
        %get3A_1330 = arith.index_cast %add3A_1329 : i32 to index
        %get3A_1331 = tpu.vector_load %arg14[%get3A_1330] {strides = array<i32>} : memref<10240xi32, #tpu.memory_space<vmem>>, vector<16xi32>,
        %get3A_1332 = vector.shape_cast %get3A_1331 : vector<16xi32> to vector<16xi32>
        %swap3A_1333 = arith.constant 1 : i32
        %swap3A_1334 = arith.index_cast %sub3A_790 : i32 to index
        %swap3A_1335 = arith.index_cast %swap3A_1333 : i32 to index
        %swap3A_1336 = arith.constant 80 : index
        %swap3A_1337 = tpu.vector_load %arg12[%swap3A_1334, %swap3A_1335, %swap3A_1336] {strides = array<i32>} : memref<2x2x128xi32, #tpu.memory_space<vmem>>, vector<1x1x16xi32>,
        %swap3A_1338 = vector.shape_cast %swap3A_1337 : vector<1x1x16xi32> to vector<16xi32>
        %swap3A_1339 = vector.shape_cast %get3A_1332 : vector<16xi32> to vector<1x1x16xi32>
        tpu.vector_store %arg12[%swap3A_1334, %swap3A_1335, %swap3A_1336], %swap3A_1339 {strides = array<i32>} : memref<2x2x128xi32, #tpu.memory_space<vmem>>, vector<1x1x16xi32>,
        %add3A_1340 = arith.constant 128 : i32
        %add3A_1341 = arith.addi %mul3A_947, %add3A_1340 : i32
        %add3A_1342 = arith.constant 96 : i32
        %add3A_1343 = arith.addi %add3A_1341, %add3A_1342 : i32
        %get3A_1344 = arith.index_cast %add3A_1343 : i32 to index
        %get3A_1345 = tpu.vector_load %arg13[%get3A_1344] {strides = array<i32>} : memref<10240xi32, #tpu.memory_space<vmem>>, vector<16xi32>,
        %get3A_1346 = vector.shape_cast %get3A_1345 : vector<16xi32> to vector<16xi32>
        %swap3A_1347 = arith.constant 1 : i32
        %swap3A_1348 = arith.index_cast %sub3A_790 : i32 to index
        %swap3A_1349 = arith.index_cast %swap3A_1347 : i32 to index
        %swap3A_1350 = arith.constant 96 : index
        %swap3A_1351 = tpu.vector_load %arg11[%swap3A_1348, %swap3A_1349, %swap3A_1350] {strides = array<i32>} : memref<2x2x128xi32, #tpu.memory_space<vmem>>, vector<1x1x16xi32>,
        %swap3A_1352 = vector.shape_cast %swap3A_1351 : vector<1x1x16xi32> to vector<16xi32>
        %swap3A_1353 = vector.shape_cast %get3A_1346 : vector<16xi32> to vector<1x1x16xi32>
        tpu.vector_store %arg11[%swap3A_1348, %swap3A_1349, %swap3A_1350], %swap3A_1353 {strides = array<i32>} : memref<2x2x128xi32, #tpu.memory_space<vmem>>, vector<1x1x16xi32>,
        %add3A_1354 = arith.constant 128 : i32
        %add3A_1355 = arith.addi %mul3A_947, %add3A_1354 : i32
        %add3A_1356 = arith.constant 96 : i32
        %add3A_1357 = arith.addi %add3A_1355, %add3A_1356 : i32
        %get3A_1358 = arith.index_cast %add3A_1357 : i32 to index
        %get3A_1359 = tpu.vector_load %arg14[%get3A_1358] {strides = array<i32>} : memref<10240xi32, #tpu.memory_space<vmem>>, vector<16xi32>,
        %get3A_1360 = vector.shape_cast %get3A_1359 : vector<16xi32> to vector<16xi32>
        %swap3A_1361 = arith.constant 1 : i32
        %swap3A_1362 = arith.index_cast %sub3A_790 : i32 to index
        %swap3A_1363 = arith.index_cast %swap3A_1361 : i32 to index
        %swap3A_1364 = arith.constant 96 : index
        %swap3A_1365 = tpu.vector_load %arg12[%swap3A_1362, %swap3A_1363, %swap3A_1364] {strides = array<i32>} : memref<2x2x128xi32, #tpu.memory_space<vmem>>, vector<1x1x16xi32>,
        %swap3A_1366 = vector.shape_cast %swap3A_1365 : vector<1x1x16xi32> to vector<16xi32>
        %swap3A_1367 = vector.shape_cast %get3A_1360 : vector<16xi32> to vector<1x1x16xi32>
        tpu.vector_store %arg12[%swap3A_1362, %swap3A_1363, %swap3A_1364], %swap3A_1367 {strides = array<i32>} : memref<2x2x128xi32, #tpu.memory_space<vmem>>, vector<1x1x16xi32>,
        %add3A_1368 = arith.constant 128 : i32
        %add3A_1369 = arith.addi %mul3A_947, %add3A_1368 : i32
        %add3A_1370 = arith.constant 112 : i32
        %add3A_1371 = arith.addi %add3A_1369, %add3A_1370 : i32
        %get3A_1372 = arith.index_cast %add3A_1371 : i32 to index
        %get3A_1373 = tpu.vector_load %arg13[%get3A_1372] {strides = array<i32>} : memref<10240xi32, #tpu.memory_space<vmem>>, vector<16xi32>,
        %get3A_1374 = vector.shape_cast %get3A_1373 : vector<16xi32> to vector<16xi32>
        %swap3A_1375 = arith.constant 1 : i32
        %swap3A_1376 = arith.index_cast %sub3A_790 : i32 to index
        %swap3A_1377 = arith.index_cast %swap3A_1375 : i32 to index
        %swap3A_1378 = arith.constant 112 : index
        %swap3A_1379 = tpu.vector_load %arg11[%swap3A_1376, %swap3A_1377, %swap3A_1378] {strides = array<i32>} : memref<2x2x128xi32, #tpu.memory_space<vmem>>, vector<1x1x16xi32>,
        %swap3A_1380 = vector.shape_cast %swap3A_1379 : vector<1x1x16xi32> to vector<16xi32>
        %swap3A_1381 = vector.shape_cast %get3A_1374 : vector<16xi32> to vector<1x1x16xi32>
        tpu.vector_store %arg11[%swap3A_1376, %swap3A_1377, %swap3A_1378], %swap3A_1381 {strides = array<i32>} : memref<2x2x128xi32, #tpu.memory_space<vmem>>, vector<1x1x16xi32>,
        %add3A_1382 = arith.constant 128 : i32
        %add3A_1383 = arith.addi %mul3A_947, %add3A_1382 : i32
        %add3A_1384 = arith.constant 112 : i32
        %add3A_1385 = arith.addi %add3A_1383, %add3A_1384 : i32
        %get3A_1386 = arith.index_cast %add3A_1385 : i32 to index
        %get3A_1387 = tpu.vector_load %arg14[%get3A_1386] {strides = array<i32>} : memref<10240xi32, #tpu.memory_space<vmem>>, vector<16xi32>,
        %get3A_1388 = vector.shape_cast %get3A_1387 : vector<16xi32> to vector<16xi32>
        %swap3A_1389 = arith.constant 1 : i32
        %swap3A_1390 = arith.index_cast %sub3A_790 : i32 to index
        %swap3A_1391 = arith.index_cast %swap3A_1389 : i32 to index
        %swap3A_1392 = arith.constant 112 : index
        %swap3A_1393 = tpu.vector_load %arg12[%swap3A_1390, %swap3A_1391, %swap3A_1392] {strides = array<i32>} : memref<2x2x128xi32, #tpu.memory_space<vmem>>, vector<1x1x16xi32>,
        %swap3A_1394 = vector.shape_cast %swap3A_1393 : vector<1x1x16xi32> to vector<16xi32>
        %swap3A_1395 = vector.shape_cast %get3A_1388 : vector<16xi32> to vector<1x1x16xi32>
        tpu.vector_store %arg12[%swap3A_1390, %swap3A_1391, %swap3A_1392], %swap3A_1395 {strides = array<i32>} : memref<2x2x128xi32, #tpu.memory_space<vmem>>, vector<1x1x16xi32>,
        %dma_start3A_1396 = arith.constant 0 : i32
        %dma_start3A_1397 = arith.constant 0 : i32
        %dma_start3A_1398 = arith.constant 0 : i32
        %dma_start3A_1399 = tpu.memref_slice %arg15[%sub3A_790, %dma_start3A_1397, %dma_start3A_1398] : memref<2x256x32xf32, #tpu.memory_space<vmem>> -> memref<1x128x32xf32, #tpu.memory_space<vmem>>
        %dma_start3A_1400 = tpu.memref_squeeze %dma_start3A_1399 : memref<1x128x32xf32, #tpu.memory_space<vmem>> -> memref<128x32xf32, #tpu.memory_space<vmem>>
        %dma_start3A_1401 = arith.constant 0 : i32
        %dma_start3A_1402 = tpu.memref_slice %arg11[%sub3A_790, %dma_start3A_1396, %dma_start3A_1401] : memref<2x2x128xi32, #tpu.memory_space<vmem>> -> memref<1x1x128xi32, #tpu.memory_space<vmem>>
        %dma_start3A_1403 = tpu.memref_squeeze %dma_start3A_1402 : memref<1x1x128xi32, #tpu.memory_space<vmem>> -> memref<128xi32, #tpu.memory_space<vmem>>
        %dma_start3A_1404 = arith.constant 0 : i32
        %dma_start3A_1405 = arith.constant 0 : i32
        %dma_start3A_1406 = tpu.memref_slice %arg2[%dma_start3A_1404, %dma_start3A_1405] : memref<10000x32xf32, #tpu.memory_space<hbm>> -> memref<10000x32xf32, #tpu.memory_space<hbm>>
        %dma_start3A_1407 = tpu.memref_slice %arg22[%sub3A_790] : memref<2x!tpu.dma_semaphore, #tpu.memory_space<semaphore_mem>> -> memref<1x!tpu.dma_semaphore, #tpu.memory_space<semaphore_mem>>
        %dma_start3A_1408 = tpu.memref_squeeze %dma_start3A_1407 : memref<1x!tpu.dma_semaphore, #tpu.memory_space<semaphore_mem>> -> memref<!tpu.dma_semaphore, #tpu.memory_space<semaphore_mem>>
        tpu.enqueue_indirect_dma source(%dma_start3A_1406 : memref<10000x32xf32, #tpu.memory_space<hbm>>) target(%dma_start3A_1400 : memref<128x32xf32, #tpu.memory_space<vmem>>) offsets(%dma_start3A_1403 : memref<128xi32, #tpu.memory_space<vmem>>) semaphore(%dma_start3A_1408 : memref<!tpu.dma_semaphore, #tpu.memory_space<semaphore_mem>>)
        %dma_start3A_1409 = arith.constant 0 : i32
        %dma_start3A_1410 = arith.constant 0 : i32
        %dma_start3A_1411 = arith.constant 0 : i32
        %dma_start3A_1412 = tpu.memref_slice %arg16[%sub3A_790, %dma_start3A_1410, %dma_start3A_1411] : memref<2x256x32xf32, #tpu.memory_space<vmem>> -> memref<1x128x32xf32, #tpu.memory_space<vmem>>
        %dma_start3A_1413 = tpu.memref_squeeze %dma_start3A_1412 : memref<1x128x32xf32, #tpu.memory_space<vmem>> -> memref<128x32xf32, #tpu.memory_space<vmem>>
        %dma_start3A_1414 = arith.constant 0 : i32
        %dma_start3A_1415 = tpu.memref_slice %arg12[%sub3A_790, %dma_start3A_1409, %dma_start3A_1414] : memref<2x2x128xi32, #tpu.memory_space<vmem>> -> memref<1x1x128xi32, #tpu.memory_space<vmem>>
        %dma_start3A_1416 = tpu.memref_squeeze %dma_start3A_1415 : memref<1x1x128xi32, #tpu.memory_space<vmem>> -> memref<128xi32, #tpu.memory_space<vmem>>
        %dma_start3A_1417 = arith.constant 0 : i32
        %dma_start3A_1418 = arith.constant 0 : i32
        %dma_start3A_1419 = tpu.memref_slice %arg3[%dma_start3A_1417, %dma_start3A_1418] : memref<10000x32xf32, #tpu.memory_space<hbm>> -> memref<10000x32xf32, #tpu.memory_space<hbm>>
        %dma_start3A_1420 = tpu.memref_slice %arg23[%sub3A_790] : memref<2x!tpu.dma_semaphore, #tpu.memory_space<semaphore_mem>> -> memref<1x!tpu.dma_semaphore, #tpu.memory_space<semaphore_mem>>
        %dma_start3A_1421 = tpu.memref_squeeze %dma_start3A_1420 : memref<1x!tpu.dma_semaphore, #tpu.memory_space<semaphore_mem>> -> memref<!tpu.dma_semaphore, #tpu.memory_space<semaphore_mem>>
        tpu.enqueue_indirect_dma source(%dma_start3A_1419 : memref<10000x32xf32, #tpu.memory_space<hbm>>) target(%dma_start3A_1413 : memref<128x32xf32, #tpu.memory_space<vmem>>) offsets(%dma_start3A_1416 : memref<128xi32, #tpu.memory_space<vmem>>) semaphore(%dma_start3A_1421 : memref<!tpu.dma_semaphore, #tpu.memory_space<semaphore_mem>>)
        %dma_start3A_1422 = arith.constant 1 : i32
        %dma_start3A_1423 = arith.constant 128 : i32
        %dma_start3A_1424 = arith.constant 0 : i32
        %dma_start3A_1425 = tpu.memref_slice %arg15[%sub3A_790, %dma_start3A_1423, %dma_start3A_1424] : memref<2x256x32xf32, #tpu.memory_space<vmem>> -> memref<1x128x32xf32, #tpu.memory_space<vmem>>
        %dma_start3A_1426 = tpu.memref_squeeze %dma_start3A_1425 : memref<1x128x32xf32, #tpu.memory_space<vmem>> -> memref<128x32xf32, #tpu.memory_space<vmem>>
        %dma_start3A_1427 = arith.constant 0 : i32
        %dma_start3A_1428 = tpu.memref_slice %arg11[%sub3A_790, %dma_start3A_1422, %dma_start3A_1427] : memref<2x2x128xi32, #tpu.memory_space<vmem>> -> memref<1x1x128xi32, #tpu.memory_space<vmem>>
        %dma_start3A_1429 = tpu.memref_squeeze %dma_start3A_1428 : memref<1x1x128xi32, #tpu.memory_space<vmem>> -> memref<128xi32, #tpu.memory_space<vmem>>
        %dma_start3A_1430 = arith.constant 0 : i32
        %dma_start3A_1431 = arith.constant 0 : i32
        %dma_start3A_1432 = tpu.memref_slice %arg2[%dma_start3A_1430, %dma_start3A_1431] : memref<10000x32xf32, #tpu.memory_space<hbm>> -> memref<10000x32xf32, #tpu.memory_space<hbm>>
        %dma_start3A_1433 = tpu.memref_slice %arg22[%sub3A_790] : memref<2x!tpu.dma_semaphore, #tpu.memory_space<semaphore_mem>> -> memref<1x!tpu.dma_semaphore, #tpu.memory_space<semaphore_mem>>
        %dma_start3A_1434 = tpu.memref_squeeze %dma_start3A_1433 : memref<1x!tpu.dma_semaphore, #tpu.memory_space<semaphore_mem>> -> memref<!tpu.dma_semaphore, #tpu.memory_space<semaphore_mem>>
        tpu.enqueue_indirect_dma source(%dma_start3A_1432 : memref<10000x32xf32, #tpu.memory_space<hbm>>) target(%dma_start3A_1426 : memref<128x32xf32, #tpu.memory_space<vmem>>) offsets(%dma_start3A_1429 : memref<128xi32, #tpu.memory_space<vmem>>) semaphore(%dma_start3A_1434 : memref<!tpu.dma_semaphore, #tpu.memory_space<semaphore_mem>>)
        %dma_start3A_1435 = arith.constant 1 : i32
        %dma_start3A_1436 = arith.constant 128 : i32
        %dma_start3A_1437 = arith.constant 0 : i32
        %dma_start3A_1438 = tpu.memref_slice %arg16[%sub3A_790, %dma_start3A_1436, %dma_start3A_1437] : memref<2x256x32xf32, #tpu.memory_space<vmem>> -> memref<1x128x32xf32, #tpu.memory_space<vmem>>
        %dma_start3A_1439 = tpu.memref_squeeze %dma_start3A_1438 : memref<1x128x32xf32, #tpu.memory_space<vmem>> -> memref<128x32xf32, #tpu.memory_space<vmem>>
        %dma_start3A_1440 = arith.constant 0 : i32
        %dma_start3A_1441 = tpu.memref_slice %arg12[%sub3A_790, %dma_start3A_1435, %dma_start3A_1440] : memref<2x2x128xi32, #tpu.memory_space<vmem>> -> memref<1x1x128xi32, #tpu.memory_space<vmem>>
        %dma_start3A_1442 = tpu.memref_squeeze %dma_start3A_1441 : memref<1x1x128xi32, #tpu.memory_space<vmem>> -> memref<128xi32, #tpu.memory_space<vmem>>
        %dma_start3A_1443 = arith.constant 0 : i32
        %dma_start3A_1444 = arith.constant 0 : i32
        %dma_start3A_1445 = tpu.memref_slice %arg3[%dma_start3A_1443, %dma_start3A_1444] : memref<10000x32xf32, #tpu.memory_space<hbm>> -> memref<10000x32xf32, #tpu.memory_space<hbm>>
        %dma_start3A_1446 = tpu.memref_slice %arg23[%sub3A_790] : memref<2x!tpu.dma_semaphore, #tpu.memory_space<semaphore_mem>> -> memref<1x!tpu.dma_semaphore, #tpu.memory_space<semaphore_mem>>
        %dma_start3A_1447 = tpu.memref_squeeze %dma_start3A_1446 : memref<1x!tpu.dma_semaphore, #tpu.memory_space<semaphore_mem>> -> memref<!tpu.dma_semaphore, #tpu.memory_space<semaphore_mem>>
        tpu.enqueue_indirect_dma source(%dma_start3A_1445 : memref<10000x32xf32, #tpu.memory_space<hbm>>) target(%dma_start3A_1439 : memref<128x32xf32, #tpu.memory_space<vmem>>) offsets(%dma_start3A_1442 : memref<128xi32, #tpu.memory_space<vmem>>) semaphore(%dma_start3A_1447 : memref<!tpu.dma_semaphore, #tpu.memory_space<semaphore_mem>>)
        %dma_start3A_1448 = arith.constant 0 : i32
        %dma_start3A_1449 = arith.constant 0 : i32
        %dma_start3A_1450 = tpu.memref_slice %arg17[%sub3A_790, %dma_start3A_1448, %dma_start3A_1449] : memref<2x256x16xf32, #tpu.memory_space<vmem>> -> memref<1x256x16xf32, #tpu.memory_space<vmem>>
        %dma_start3A_1451 = tpu.memref_squeeze %dma_start3A_1450 : memref<1x256x16xf32, #tpu.memory_space<vmem>> -> memref<256x16xf32, #tpu.memory_space<vmem>>
        %dma_start3A_1452 = arith.constant 0 : i32
        %dma_start3A_1453 = tpu.memref_slice %arg4[%mul3A_944, %dma_start3A_1452] : memref<320000x128xf32, #tpu.memory_space<hbm>> -> memref<256x16xf32, #tpu.memory_space<hbm>>
        %dma_start3A_1454 = tpu.memref_slice %arg24[%sub3A_790] : memref<2x!tpu.dma_semaphore, #tpu.memory_space<semaphore_mem>> -> memref<1x!tpu.dma_semaphore, #tpu.memory_space<semaphore_mem>>
        %dma_start3A_1455 = tpu.memref_squeeze %dma_start3A_1454 : memref<1x!tpu.dma_semaphore, #tpu.memory_space<semaphore_mem>> -> memref<!tpu.dma_semaphore, #tpu.memory_space<semaphore_mem>>
        %dma_start3A_1456 = arith.constant 0 : i32
        %dma_start3A_1457 = arith.constant 0 : i32
        %dma_start3A_1458 = tpu.memref_slice %arg17[%sub3A_790, %dma_start3A_1456, %dma_start3A_1457] : memref<2x256x16xf32, #tpu.memory_space<vmem>> -> memref<1x256x16xf32, #tpu.memory_space<vmem>>
        %dma_start3A_1459 = tpu.memref_squeeze %dma_start3A_1458 : memref<1x256x16xf32, #tpu.memory_space<vmem>> -> memref<256x16xf32, #tpu.memory_space<vmem>>
        %dma_start3A_1460 = arith.constant 0 : i32
        %dma_start3A_1461 = tpu.memref_slice %arg4[%mul3A_944, %dma_start3A_1460] : memref<320000x128xf32, #tpu.memory_space<hbm>> -> memref<256x16xf32, #tpu.memory_space<hbm>>
        tpu.enqueue_dma source(%dma_start3A_1461 : memref<256x16xf32, #tpu.memory_space<hbm>>) target(%dma_start3A_1459 : memref<256x16xf32, #tpu.memory_space<vmem>>) target_semaphore(%dma_start3A_1455 : memref<!tpu.dma_semaphore, #tpu.memory_space<semaphore_mem>>)
      } else {
      }
      %dma_wait3A_800 = arith.constant 0 : i32
      %dma_wait3A_801 = arith.constant 0 : i32
      %dma_wait3A_802 = arith.constant 0 : i32
      %dma_wait3A_803 = tpu.memref_slice %arg15[%and3A_788, %dma_wait3A_801, %dma_wait3A_802] : memref<2x256x32xf32, #tpu.memory_space<vmem>> -> memref<1x128x32xf32, #tpu.memory_space<vmem>>
      %dma_wait3A_804 = tpu.memref_squeeze %dma_wait3A_803 : memref<1x128x32xf32, #tpu.memory_space<vmem>> -> memref<128x32xf32, #tpu.memory_space<vmem>>
      %dma_wait3A_805 = arith.constant 0 : i32
      %dma_wait3A_806 = tpu.memref_slice %arg11[%and3A_788, %dma_wait3A_800, %dma_wait3A_805] : memref<2x2x128xi32, #tpu.memory_space<vmem>> -> memref<1x1x128xi32, #tpu.memory_space<vmem>>
      %dma_wait3A_807 = tpu.memref_squeeze %dma_wait3A_806 : memref<1x1x128xi32, #tpu.memory_space<vmem>> -> memref<128xi32, #tpu.memory_space<vmem>>
      %dma_wait3A_808 = arith.constant 0 : i32
      %dma_wait3A_809 = arith.constant 0 : i32
      %dma_wait3A_810 = tpu.memref_slice %arg2[%dma_wait3A_808, %dma_wait3A_809] : memref<10000x32xf32, #tpu.memory_space<hbm>> -> memref<10000x32xf32, #tpu.memory_space<hbm>>
      %dma_wait3A_811 = tpu.memref_slice %arg22[%and3A_788] : memref<2x!tpu.dma_semaphore, #tpu.memory_space<semaphore_mem>> -> memref<1x!tpu.dma_semaphore, #tpu.memory_space<semaphore_mem>>
      %dma_wait3A_812 = tpu.memref_squeeze %dma_wait3A_811 : memref<1x!tpu.dma_semaphore, #tpu.memory_space<semaphore_mem>> -> memref<!tpu.dma_semaphore, #tpu.memory_space<semaphore_mem>>
      tpu.wait_indirect_dma semaphore(%dma_wait3A_812 : memref<!tpu.dma_semaphore, #tpu.memory_space<semaphore_mem>>) src(%dma_wait3A_810 : memref<10000x32xf32, #tpu.memory_space<hbm>>) dst(%dma_wait3A_804 : memref<128x32xf32, #tpu.memory_space<vmem>>)
      %dma_wait3A_813 = arith.constant 0 : i32
      %dma_wait3A_814 = arith.constant 0 : i32
      %dma_wait3A_815 = arith.constant 0 : i32
      %dma_wait3A_816 = tpu.memref_slice %arg16[%and3A_788, %dma_wait3A_814, %dma_wait3A_815] : memref<2x256x32xf32, #tpu.memory_space<vmem>> -> memref<1x128x32xf32, #tpu.memory_space<vmem>>
      %dma_wait3A_817 = tpu.memref_squeeze %dma_wait3A_816 : memref<1x128x32xf32, #tpu.memory_space<vmem>> -> memref<128x32xf32, #tpu.memory_space<vmem>>
      %dma_wait3A_818 = arith.constant 0 : i32
      %dma_wait3A_819 = tpu.memref_slice %arg12[%and3A_788, %dma_wait3A_813, %dma_wait3A_818] : memref<2x2x128xi32, #tpu.memory_space<vmem>> -> memref<1x1x128xi32, #tpu.memory_space<vmem>>
      %dma_wait3A_820 = tpu.memref_squeeze %dma_wait3A_819 : memref<1x1x128xi32, #tpu.memory_space<vmem>> -> memref<128xi32, #tpu.memory_space<vmem>>
      %dma_wait3A_821 = arith.constant 0 : i32
      %dma_wait3A_822 = arith.constant 0 : i32
      %dma_wait3A_823 = tpu.memref_slice %arg3[%dma_wait3A_821, %dma_wait3A_822] : memref<10000x32xf32, #tpu.memory_space<hbm>> -> memref<10000x32xf32, #tpu.memory_space<hbm>>
      %dma_wait3A_824 = tpu.memref_slice %arg23[%and3A_788] : memref<2x!tpu.dma_semaphore, #tpu.memory_space<semaphore_mem>> -> memref<1x!tpu.dma_semaphore, #tpu.memory_space<semaphore_mem>>
      %dma_wait3A_825 = tpu.memref_squeeze %dma_wait3A_824 : memref<1x!tpu.dma_semaphore, #tpu.memory_space<semaphore_mem>> -> memref<!tpu.dma_semaphore, #tpu.memory_space<semaphore_mem>>
      tpu.wait_indirect_dma semaphore(%dma_wait3A_825 : memref<!tpu.dma_semaphore, #tpu.memory_space<semaphore_mem>>) src(%dma_wait3A_823 : memref<10000x32xf32, #tpu.memory_space<hbm>>) dst(%dma_wait3A_817 : memref<128x32xf32, #tpu.memory_space<vmem>>)
      %dma_wait3A_826 = arith.constant 1 : i32
      %dma_wait3A_827 = arith.constant 128 : i32
      %dma_wait3A_828 = arith.constant 0 : i32
      %dma_wait3A_829 = tpu.memref_slice %arg15[%and3A_788, %dma_wait3A_827, %dma_wait3A_828] : memref<2x256x32xf32, #tpu.memory_space<vmem>> -> memref<1x128x32xf32, #tpu.memory_space<vmem>>
      %dma_wait3A_830 = tpu.memref_squeeze %dma_wait3A_829 : memref<1x128x32xf32, #tpu.memory_space<vmem>> -> memref<128x32xf32, #tpu.memory_space<vmem>>
      %dma_wait3A_831 = arith.constant 0 : i32
      %dma_wait3A_832 = tpu.memref_slice %arg11[%and3A_788, %dma_wait3A_826, %dma_wait3A_831] : memref<2x2x128xi32, #tpu.memory_space<vmem>> -> memref<1x1x128xi32, #tpu.memory_space<vmem>>
      %dma_wait3A_833 = tpu.memref_squeeze %dma_wait3A_832 : memref<1x1x128xi32, #tpu.memory_space<vmem>> -> memref<128xi32, #tpu.memory_space<vmem>>
      %dma_wait3A_834 = arith.constant 0 : i32
      %dma_wait3A_835 = arith.constant 0 : i32
      %dma_wait3A_836 = tpu.memref_slice %arg2[%dma_wait3A_834, %dma_wait3A_835] : memref<10000x32xf32, #tpu.memory_space<hbm>> -> memref<10000x32xf32, #tpu.memory_space<hbm>>
      %dma_wait3A_837 = tpu.memref_slice %arg22[%and3A_788] : memref<2x!tpu.dma_semaphore, #tpu.memory_space<semaphore_mem>> -> memref<1x!tpu.dma_semaphore, #tpu.memory_space<semaphore_mem>>
      %dma_wait3A_838 = tpu.memref_squeeze %dma_wait3A_837 : memref<1x!tpu.dma_semaphore, #tpu.memory_space<semaphore_mem>> -> memref<!tpu.dma_semaphore, #tpu.memory_space<semaphore_mem>>
      tpu.wait_indirect_dma semaphore(%dma_wait3A_838 : memref<!tpu.dma_semaphore, #tpu.memory_space<semaphore_mem>>) src(%dma_wait3A_836 : memref<10000x32xf32, #tpu.memory_space<hbm>>) dst(%dma_wait3A_830 : memref<128x32xf32, #tpu.memory_space<vmem>>)
      %dma_wait3A_839 = arith.constant 1 : i32
      %dma_wait3A_840 = arith.constant 128 : i32
      %dma_wait3A_841 = arith.constant 0 : i32
      %dma_wait3A_842 = tpu.memref_slice %arg16[%and3A_788, %dma_wait3A_840, %dma_wait3A_841] : memref<2x256x32xf32, #tpu.memory_space<vmem>> -> memref<1x128x32xf32, #tpu.memory_space<vmem>>
      %dma_wait3A_843 = tpu.memref_squeeze %dma_wait3A_842 : memref<1x128x32xf32, #tpu.memory_space<vmem>> -> memref<128x32xf32, #tpu.memory_space<vmem>>
      %dma_wait3A_844 = arith.constant 0 : i32
      %dma_wait3A_845 = tpu.memref_slice %arg12[%and3A_788, %dma_wait3A_839, %dma_wait3A_844] : memref<2x2x128xi32, #tpu.memory_space<vmem>> -> memref<1x1x128xi32, #tpu.memory_space<vmem>>
      %dma_wait3A_846 = tpu.memref_squeeze %dma_wait3A_845 : memref<1x1x128xi32, #tpu.memory_space<vmem>> -> memref<128xi32, #tpu.memory_space<vmem>>
      %dma_wait3A_847 = arith.constant 0 : i32
      %dma_wait3A_848 = arith.constant 0 : i32
      %dma_wait3A_849 = tpu.memref_slice %arg3[%dma_wait3A_847, %dma_wait3A_848] : memref<10000x32xf32, #tpu.memory_space<hbm>> -> memref<10000x32xf32, #tpu.memory_space<hbm>>
      %dma_wait3A_850 = tpu.memref_slice %arg23[%and3A_788] : memref<2x!tpu.dma_semaphore, #tpu.memory_space<semaphore_mem>> -> memref<1x!tpu.dma_semaphore, #tpu.memory_space<semaphore_mem>>
      %dma_wait3A_851 = tpu.memref_squeeze %dma_wait3A_850 : memref<1x!tpu.dma_semaphore, #tpu.memory_space<semaphore_mem>> -> memref<!tpu.dma_semaphore, #tpu.memory_space<semaphore_mem>>
      tpu.wait_indirect_dma semaphore(%dma_wait3A_851 : memref<!tpu.dma_semaphore, #tpu.memory_space<semaphore_mem>>) src(%dma_wait3A_849 : memref<10000x32xf32, #tpu.memory_space<hbm>>) dst(%dma_wait3A_843 : memref<128x32xf32, #tpu.memory_space<vmem>>)
      %dma_wait3A_852 = arith.constant 0 : i32
      %dma_wait3A_853 = arith.constant 0 : i32
      %dma_wait3A_854 = tpu.memref_slice %arg17[%and3A_788, %dma_wait3A_852, %dma_wait3A_853] : memref<2x256x16xf32, #tpu.memory_space<vmem>> -> memref<1x256x16xf32, #tpu.memory_space<vmem>>
      %dma_wait3A_855 = tpu.memref_squeeze %dma_wait3A_854 : memref<1x256x16xf32, #tpu.memory_space<vmem>> -> memref<256x16xf32, #tpu.memory_space<vmem>>
      %dma_wait3A_856 = arith.constant 0 : i32
      %dma_wait3A_857 = arith.constant 0 : i32
      %dma_wait3A_858 = tpu.memref_slice %arg4[%dma_wait3A_856, %dma_wait3A_857] : memref<320000x128xf32, #tpu.memory_space<hbm>> -> memref<256x16xf32, #tpu.memory_space<hbm>>
      %dma_wait3A_859 = tpu.memref_slice %arg24[%and3A_788] : memref<2x!tpu.dma_semaphore, #tpu.memory_space<semaphore_mem>> -> memref<1x!tpu.dma_semaphore, #tpu.memory_space<semaphore_mem>>
      %dma_wait3A_860 = tpu.memref_squeeze %dma_wait3A_859 : memref<1x!tpu.dma_semaphore, #tpu.memory_space<semaphore_mem>> -> memref<!tpu.dma_semaphore, #tpu.memory_space<semaphore_mem>>
      %dma_wait3A_861 = arith.constant 0 : i32
      %dma_wait3A_862 = arith.constant 0 : i32
      %dma_wait3A_863 = tpu.memref_slice %arg17[%and3A_788, %dma_wait3A_861, %dma_wait3A_862] : memref<2x256x16xf32, #tpu.memory_space<vmem>> -> memref<1x256x16xf32, #tpu.memory_space<vmem>>
      %dma_wait3A_864 = tpu.memref_squeeze %dma_wait3A_863 : memref<1x256x16xf32, #tpu.memory_space<vmem>> -> memref<256x16xf32, #tpu.memory_space<vmem>>
      %dma_wait3A_865 = arith.constant 0 : i32
      %dma_wait3A_866 = arith.constant 0 : i32
      %dma_wait3A_867 = tpu.memref_slice %arg4[%dma_wait3A_865, %dma_wait3A_866] : memref<320000x128xf32, #tpu.memory_space<hbm>> -> memref<256x16xf32, #tpu.memory_space<hbm>>
      tpu.wait_dma2 semaphore(%dma_wait3A_860 : memref<!tpu.dma_semaphore, #tpu.memory_space<semaphore_mem>>) src(%dma_wait3A_867 : memref<256x16xf32, #tpu.memory_space<hbm>>) dst(%dma_wait3A_864 : memref<256x16xf32, #tpu.memory_space<vmem>>)
      %parallel_loop3A = arith.constant 0 : i32
      %parallel_loop3A_868 = arith.constant 256 : i32
      %parallel_loop3A_869 = arith.constant 1 : i32
      scf.for %parallel_loop3A_940 = %parallel_loop3A to %parallel_loop3A_868 step %parallel_loop3A_869  : i32 {
        %parallel_loop3A_941 = arith.index_cast %and3A_788 : i32 to index
        %parallel_loop3A_942 = arith.index_cast %parallel_loop3A_940 : i32 to index
        %parallel_loop3A_943 = arith.constant 0 : index
        %parallel_loop3A_944 = tpu.vector_load %arg15[%parallel_loop3A_941, %parallel_loop3A_942, %parallel_loop3A_943] {strides = array<i32>} : memref<2x256x32xf32, #tpu.memory_space<vmem>>, vector<1x1x16xf32>,
        %parallel_loop3A_945 = vector.shape_cast %parallel_loop3A_944 : vector<1x1x16xf32> to vector<16xf32>
        %parallel_loop3A_946 = arith.index_cast %and3A_788 : i32 to index
        %parallel_loop3A_947 = arith.index_cast %parallel_loop3A_940 : i32 to index
        %parallel_loop3A_948 = arith.constant 16 : index
        %parallel_loop3A_949 = tpu.vector_load %arg15[%parallel_loop3A_946, %parallel_loop3A_947, %parallel_loop3A_948] {strides = array<i32>} : memref<2x256x32xf32, #tpu.memory_space<vmem>>, vector<1x1x16xf32>,
        %parallel_loop3A_950 = vector.shape_cast %parallel_loop3A_949 : vector<1x1x16xf32> to vector<16xf32>
        %parallel_loop3A_951 = arith.index_cast %and3A_788 : i32 to index
        %parallel_loop3A_952 = arith.index_cast %parallel_loop3A_940 : i32 to index
        %parallel_loop3A_953 = arith.constant 0 : index
        %parallel_loop3A_954 = tpu.vector_load %arg16[%parallel_loop3A_951, %parallel_loop3A_952, %parallel_loop3A_953] {strides = array<i32>} : memref<2x256x32xf32, #tpu.memory_space<vmem>>, vector<1x1x16xf32>,
        %parallel_loop3A_955 = vector.shape_cast %parallel_loop3A_954 : vector<1x1x16xf32> to vector<16xf32>
        %parallel_loop3A_956 = arith.index_cast %and3A_788 : i32 to index
        %parallel_loop3A_957 = arith.index_cast %parallel_loop3A_940 : i32 to index
        %parallel_loop3A_958 = arith.constant 16 : index
        %parallel_loop3A_959 = tpu.vector_load %arg16[%parallel_loop3A_956, %parallel_loop3A_957, %parallel_loop3A_958] {strides = array<i32>} : memref<2x256x32xf32, #tpu.memory_space<vmem>>, vector<1x1x16xf32>,
        %parallel_loop3A_960 = vector.shape_cast %parallel_loop3A_959 : vector<1x1x16xf32> to vector<16xf32>
        %parallel_loop3A_961 = arith.index_cast %and3A_788 : i32 to index
        %parallel_loop3A_962 = arith.index_cast %parallel_loop3A_940 : i32 to index
        %parallel_loop3A_963 = arith.constant 0 : index
        %parallel_loop3A_964 = tpu.vector_load %arg17[%parallel_loop3A_961, %parallel_loop3A_962, %parallel_loop3A_963] {strides = array<i32>} : memref<2x256x16xf32, #tpu.memory_space<vmem>>, vector<1x1x16xf32>,
        %parallel_loop3A_965 = vector.shape_cast %parallel_loop3A_964 : vector<1x1x16xf32> to vector<16xf32>
        %parallel_loop3A_966 = math.exp %parallel_loop3A_965 : vector<16xf32>
        %parallel_loop3A_967 = arith.addf %parallel_loop3A_945, %parallel_loop3A_955 : vector<16xf32>
        %parallel_loop3A_968 = arith.addf %parallel_loop3A_967, %parallel_loop3A_966 : vector<16xf32>
        %parallel_loop3A_969 = arith.constant 1.000000e+00 : f32
        %parallel_loop3A_970 = vector.broadcast %parallel_loop3A_969 : f32 to vector<16xf32>
        %parallel_loop3A_971 = arith.divf %parallel_loop3A_970, %parallel_loop3A_968 : vector<16xf32>
        %parallel_loop3A_972 = arith.addf %parallel_loop3A_950, %parallel_loop3A_960 : vector<16xf32>
        %parallel_loop3A_973 = arith.addf %parallel_loop3A_972, %parallel_loop3A_966 : vector<16xf32>
        %parallel_loop3A_974 = arith.constant 1.000000e+00 : f32
        %parallel_loop3A_975 = vector.broadcast %parallel_loop3A_974 : f32 to vector<16xf32>
        %parallel_loop3A_976 = arith.divf %parallel_loop3A_975, %parallel_loop3A_973 : vector<16xf32>
        %parallel_loop3A_977 = arith.mulf %get3A_13, %parallel_loop3A_945 : vector<16xf32>
        %parallel_loop3A_978 = arith.constant 0.000000e+00 : f32
        %parallel_loop3A_979 = vector.broadcast %parallel_loop3A_978 : f32 to vector<16xf32>
        %parallel_loop3A_980 = arith.subf %parallel_loop3A_979, %parallel_loop3A_977 : vector<16xf32>
        %parallel_loop3A_981 = arith.mulf %parallel_loop3A_980, %parallel_loop3A_971 : vector<16xf32>
        %parallel_loop3A_982 = arith.index_cast %and3A_788 : i32 to index
        %parallel_loop3A_983 = arith.index_cast %parallel_loop3A_940 : i32 to index
        %parallel_loop3A_984 = arith.constant 0 : index
        %parallel_loop3A_985 = tpu.vector_load %arg15[%parallel_loop3A_982, %parallel_loop3A_983, %parallel_loop3A_984] {strides = array<i32>} : memref<2x256x32xf32, #tpu.memory_space<vmem>>, vector<1x1x16xf32>,
        %parallel_loop3A_986 = vector.shape_cast %parallel_loop3A_985 : vector<1x1x16xf32> to vector<16xf32>
        %parallel_loop3A_987 = vector.shape_cast %parallel_loop3A_981 : vector<16xf32> to vector<1x1x16xf32>
        tpu.vector_store %arg15[%parallel_loop3A_982, %parallel_loop3A_983, %parallel_loop3A_984], %parallel_loop3A_987 {strides = array<i32>} : memref<2x256x32xf32, #tpu.memory_space<vmem>>, vector<1x1x16xf32>,
        %parallel_loop3A_988 = arith.mulf %get3A_16, %parallel_loop3A_950 : vector<16xf32>
        %parallel_loop3A_989 = arith.constant 0.000000e+00 : f32
        %parallel_loop3A_990 = vector.broadcast %parallel_loop3A_989 : f32 to vector<16xf32>
        %parallel_loop3A_991 = arith.subf %parallel_loop3A_990, %parallel_loop3A_988 : vector<16xf32>
        %parallel_loop3A_992 = arith.mulf %parallel_loop3A_991, %parallel_loop3A_976 : vector<16xf32>
        %parallel_loop3A_993 = arith.index_cast %and3A_788 : i32 to index
        %parallel_loop3A_994 = arith.index_cast %parallel_loop3A_940 : i32 to index
        %parallel_loop3A_995 = arith.constant 16 : index
        %parallel_loop3A_996 = tpu.vector_load %arg15[%parallel_loop3A_993, %parallel_loop3A_994, %parallel_loop3A_995] {strides = array<i32>} : memref<2x256x32xf32, #tpu.memory_space<vmem>>, vector<1x1x16xf32>,
        %parallel_loop3A_997 = vector.shape_cast %parallel_loop3A_996 : vector<1x1x16xf32> to vector<16xf32>
        %parallel_loop3A_998 = vector.shape_cast %parallel_loop3A_992 : vector<16xf32> to vector<1x1x16xf32>
        tpu.vector_store %arg15[%parallel_loop3A_993, %parallel_loop3A_994, %parallel_loop3A_995], %parallel_loop3A_998 {strides = array<i32>} : memref<2x256x32xf32, #tpu.memory_space<vmem>>, vector<1x1x16xf32>,
        %parallel_loop3A_999 = arith.mulf %get3A_13, %parallel_loop3A_955 : vector<16xf32>
        %parallel_loop3A_1000 = arith.mulf %parallel_loop3A_999, %parallel_loop3A_971 : vector<16xf32>
        %parallel_loop3A_1001 = arith.index_cast %and3A_788 : i32 to index
        %parallel_loop3A_1002 = arith.index_cast %parallel_loop3A_940 : i32 to index
        %parallel_loop3A_1003 = arith.constant 0 : index
        %parallel_loop3A_1004 = tpu.vector_load %arg16[%parallel_loop3A_1001, %parallel_loop3A_1002, %parallel_loop3A_1003] {strides = array<i32>} : memref<2x256x32xf32, #tpu.memory_space<vmem>>, vector<1x1x16xf32>,
        %parallel_loop3A_1005 = vector.shape_cast %parallel_loop3A_1004 : vector<1x1x16xf32> to vector<16xf32>
        %parallel_loop3A_1006 = vector.shape_cast %parallel_loop3A_1000 : vector<16xf32> to vector<1x1x16xf32>
        tpu.vector_store %arg16[%parallel_loop3A_1001, %parallel_loop3A_1002, %parallel_loop3A_1003], %parallel_loop3A_1006 {strides = array<i32>} : memref<2x256x32xf32, #tpu.memory_space<vmem>>, vector<1x1x16xf32>,
        %parallel_loop3A_1007 = arith.mulf %get3A_16, %parallel_loop3A_960 : vector<16xf32>
        %parallel_loop3A_1008 = arith.mulf %parallel_loop3A_1007, %parallel_loop3A_976 : vector<16xf32>
        %parallel_loop3A_1009 = arith.index_cast %and3A_788 : i32 to index
        %parallel_loop3A_1010 = arith.index_cast %parallel_loop3A_940 : i32 to index
        %parallel_loop3A_1011 = arith.constant 16 : index
        %parallel_loop3A_1012 = tpu.vector_load %arg16[%parallel_loop3A_1009, %parallel_loop3A_1010, %parallel_loop3A_1011] {strides = array<i32>} : memref<2x256x32xf32, #tpu.memory_space<vmem>>, vector<1x1x16xf32>,
        %parallel_loop3A_1013 = vector.shape_cast %parallel_loop3A_1012 : vector<1x1x16xf32> to vector<16xf32>
        %parallel_loop3A_1014 = vector.shape_cast %parallel_loop3A_1008 : vector<16xf32> to vector<1x1x16xf32>
        tpu.vector_store %arg16[%parallel_loop3A_1009, %parallel_loop3A_1010, %parallel_loop3A_1011], %parallel_loop3A_1014 {strides = array<i32>} : memref<2x256x32xf32, #tpu.memory_space<vmem>>, vector<1x1x16xf32>,
        %parallel_loop3A_1015 = arith.mulf %get3A_13, %parallel_loop3A_966 : vector<16xf32>
        %parallel_loop3A_1016 = arith.mulf %parallel_loop3A_1015, %parallel_loop3A_971 : vector<16xf32>
        %parallel_loop3A_1017 = arith.addf %parallel_loop3A_965, %parallel_loop3A_1016 : vector<16xf32>
        %parallel_loop3A_1018 = arith.mulf %get3A_16, %parallel_loop3A_966 : vector<16xf32>
        %parallel_loop3A_1019 = arith.mulf %parallel_loop3A_1018, %parallel_loop3A_976 : vector<16xf32>
        %parallel_loop3A_1020 = arith.addf %parallel_loop3A_1017, %parallel_loop3A_1019 : vector<16xf32>
        %parallel_loop3A_1021 = arith.index_cast %and3A_788 : i32 to index
        %parallel_loop3A_1022 = arith.index_cast %parallel_loop3A_940 : i32 to index
        %parallel_loop3A_1023 = arith.constant 0 : index
        %parallel_loop3A_1024 = tpu.vector_load %arg17[%parallel_loop3A_1021, %parallel_loop3A_1022, %parallel_loop3A_1023] {strides = array<i32>} : memref<2x256x16xf32, #tpu.memory_space<vmem>>, vector<1x1x16xf32>,
        %parallel_loop3A_1025 = vector.shape_cast %parallel_loop3A_1024 : vector<1x1x16xf32> to vector<16xf32>
        %parallel_loop3A_1026 = vector.shape_cast %parallel_loop3A_1020 : vector<16xf32> to vector<1x1x16xf32>
        tpu.vector_store %arg17[%parallel_loop3A_1021, %parallel_loop3A_1022, %parallel_loop3A_1023], %parallel_loop3A_1026 {strides = array<i32>} : memref<2x256x16xf32, #tpu.memory_space<vmem>>, vector<1x1x16xf32>,
      } {sc.loop_unroll_factor = 4 : i64, sc.parallel_access}
      %add3A_870 = arith.addi %select_n3A_27, %while3A_786 : i32
      %mul3A_871 = arith.constant 256 : i32
      %mul3A_872 = arith.muli %add3A_870, %mul3A_871 : i32
      %dma_start3A_873 = arith.constant 0 : i32
      %dma_start3A_874 = arith.constant 0 : i32
      %dma_start3A_875 = arith.constant 0 : i32
      %dma_start3A_876 = tpu.memref_slice %arg15[%and3A_788, %dma_start3A_874, %dma_start3A_875] : memref<2x256x32xf32, #tpu.memory_space<vmem>> -> memref<1x128x32xf32, #tpu.memory_space<vmem>>
      %dma_start3A_877 = tpu.memref_squeeze %dma_start3A_876 : memref<1x128x32xf32, #tpu.memory_space<vmem>> -> memref<128x32xf32, #tpu.memory_space<vmem>>
      %dma_start3A_878 = arith.constant 0 : i32
      %dma_start3A_879 = tpu.memref_slice %arg11[%and3A_788, %dma_start3A_873, %dma_start3A_878] : memref<2x2x128xi32, #tpu.memory_space<vmem>> -> memref<1x1x128xi32, #tpu.memory_space<vmem>>
      %dma_start3A_880 = tpu.memref_squeeze %dma_start3A_879 : memref<1x1x128xi32, #tpu.memory_space<vmem>> -> memref<128xi32, #tpu.memory_space<vmem>>
      %dma_start3A_881 = arith.constant 0 : i32
      %dma_start3A_882 = arith.constant 0 : i32
      %dma_start3A_883 = tpu.memref_slice %arg20[%dma_start3A_881, %dma_start3A_882] : memref<10240x32xf32, #tpu.memory_space<vmem_shared>> -> memref<10240x32xf32, #tpu.memory_space<vmem_shared>>
      %dma_start3A_884 = tpu.memref_slice %arg25[%and3A_788] : memref<2x!tpu.dma_semaphore, #tpu.memory_space<semaphore_mem>> -> memref<1x!tpu.dma_semaphore, #tpu.memory_space<semaphore_mem>>
      %dma_start3A_885 = tpu.memref_squeeze %dma_start3A_884 : memref<1x!tpu.dma_semaphore, #tpu.memory_space<semaphore_mem>> -> memref<!tpu.dma_semaphore, #tpu.memory_space<semaphore_mem>>
      tpu.enqueue_indirect_dma source(%dma_start3A_877 : memref<128x32xf32, #tpu.memory_space<vmem>>) target(%dma_start3A_883 : memref<10240x32xf32, #tpu.memory_space<vmem_shared>>) offsets(%dma_start3A_880 : memref<128xi32, #tpu.memory_space<vmem>>) semaphore(%dma_start3A_885 : memref<!tpu.dma_semaphore, #tpu.memory_space<semaphore_mem>>) {add = true}
      %dma_start3A_886 = arith.constant 0 : i32
      %dma_start3A_887 = arith.constant 0 : i32
      %dma_start3A_888 = arith.constant 0 : i32
      %dma_start3A_889 = tpu.memref_slice %arg16[%and3A_788, %dma_start3A_887, %dma_start3A_888] : memref<2x256x32xf32, #tpu.memory_space<vmem>> -> memref<1x128x32xf32, #tpu.memory_space<vmem>>
      %dma_start3A_890 = tpu.memref_squeeze %dma_start3A_889 : memref<1x128x32xf32, #tpu.memory_space<vmem>> -> memref<128x32xf32, #tpu.memory_space<vmem>>
      %dma_start3A_891 = arith.constant 0 : i32
      %dma_start3A_892 = tpu.memref_slice %arg12[%and3A_788, %dma_start3A_886, %dma_start3A_891] : memref<2x2x128xi32, #tpu.memory_space<vmem>> -> memref<1x1x128xi32, #tpu.memory_space<vmem>>
      %dma_start3A_893 = tpu.memref_squeeze %dma_start3A_892 : memref<1x1x128xi32, #tpu.memory_space<vmem>> -> memref<128xi32, #tpu.memory_space<vmem>>
      %dma_start3A_894 = arith.constant 0 : i32
      %dma_start3A_895 = arith.constant 0 : i32
      %dma_start3A_896 = tpu.memref_slice %arg21[%dma_start3A_894, %dma_start3A_895] : memref<10240x32xf32, #tpu.memory_space<vmem_shared>> -> memref<10240x32xf32, #tpu.memory_space<vmem_shared>>
      %dma_start3A_897 = tpu.memref_slice %arg26[%and3A_788] : memref<2x!tpu.dma_semaphore, #tpu.memory_space<semaphore_mem>> -> memref<1x!tpu.dma_semaphore, #tpu.memory_space<semaphore_mem>>
      %dma_start3A_898 = tpu.memref_squeeze %dma_start3A_897 : memref<1x!tpu.dma_semaphore, #tpu.memory_space<semaphore_mem>> -> memref<!tpu.dma_semaphore, #tpu.memory_space<semaphore_mem>>
      tpu.enqueue_indirect_dma source(%dma_start3A_890 : memref<128x32xf32, #tpu.memory_space<vmem>>) target(%dma_start3A_896 : memref<10240x32xf32, #tpu.memory_space<vmem_shared>>) offsets(%dma_start3A_893 : memref<128xi32, #tpu.memory_space<vmem>>) semaphore(%dma_start3A_898 : memref<!tpu.dma_semaphore, #tpu.memory_space<semaphore_mem>>) {add = true}
      %dma_start3A_899 = arith.constant 1 : i32
      %dma_start3A_900 = arith.constant 128 : i32
      %dma_start3A_901 = arith.constant 0 : i32
      %dma_start3A_902 = tpu.memref_slice %arg15[%and3A_788, %dma_start3A_900, %dma_start3A_901] : memref<2x256x32xf32, #tpu.memory_space<vmem>> -> memref<1x128x32xf32, #tpu.memory_space<vmem>>
      %dma_start3A_903 = tpu.memref_squeeze %dma_start3A_902 : memref<1x128x32xf32, #tpu.memory_space<vmem>> -> memref<128x32xf32, #tpu.memory_space<vmem>>
      %dma_start3A_904 = arith.constant 0 : i32
      %dma_start3A_905 = tpu.memref_slice %arg11[%and3A_788, %dma_start3A_899, %dma_start3A_904] : memref<2x2x128xi32, #tpu.memory_space<vmem>> -> memref<1x1x128xi32, #tpu.memory_space<vmem>>
      %dma_start3A_906 = tpu.memref_squeeze %dma_start3A_905 : memref<1x1x128xi32, #tpu.memory_space<vmem>> -> memref<128xi32, #tpu.memory_space<vmem>>
      %dma_start3A_907 = arith.constant 0 : i32
      %dma_start3A_908 = arith.constant 0 : i32
      %dma_start3A_909 = tpu.memref_slice %arg20[%dma_start3A_907, %dma_start3A_908] : memref<10240x32xf32, #tpu.memory_space<vmem_shared>> -> memref<10240x32xf32, #tpu.memory_space<vmem_shared>>
      %dma_start3A_910 = tpu.memref_slice %arg25[%and3A_788] : memref<2x!tpu.dma_semaphore, #tpu.memory_space<semaphore_mem>> -> memref<1x!tpu.dma_semaphore, #tpu.memory_space<semaphore_mem>>
      %dma_start3A_911 = tpu.memref_squeeze %dma_start3A_910 : memref<1x!tpu.dma_semaphore, #tpu.memory_space<semaphore_mem>> -> memref<!tpu.dma_semaphore, #tpu.memory_space<semaphore_mem>>
      tpu.enqueue_indirect_dma source(%dma_start3A_903 : memref<128x32xf32, #tpu.memory_space<vmem>>) target(%dma_start3A_909 : memref<10240x32xf32, #tpu.memory_space<vmem_shared>>) offsets(%dma_start3A_906 : memref<128xi32, #tpu.memory_space<vmem>>) semaphore(%dma_start3A_911 : memref<!tpu.dma_semaphore, #tpu.memory_space<semaphore_mem>>) {add = true}
      %dma_start3A_912 = arith.constant 1 : i32
      %dma_start3A_913 = arith.constant 128 : i32
      %dma_start3A_914 = arith.constant 0 : i32
      %dma_start3A_915 = tpu.memref_slice %arg16[%and3A_788, %dma_start3A_913, %dma_start3A_914] : memref<2x256x32xf32, #tpu.memory_space<vmem>> -> memref<1x128x32xf32, #tpu.memory_space<vmem>>
      %dma_start3A_916 = tpu.memref_squeeze %dma_start3A_915 : memref<1x128x32xf32, #tpu.memory_space<vmem>> -> memref<128x32xf32, #tpu.memory_space<vmem>>
      %dma_start3A_917 = arith.constant 0 : i32
      %dma_start3A_918 = tpu.memref_slice %arg12[%and3A_788, %dma_start3A_912, %dma_start3A_917] : memref<2x2x128xi32, #tpu.memory_space<vmem>> -> memref<1x1x128xi32, #tpu.memory_space<vmem>>
      %dma_start3A_919 = tpu.memref_squeeze %dma_start3A_918 : memref<1x1x128xi32, #tpu.memory_space<vmem>> -> memref<128xi32, #tpu.memory_space<vmem>>
      %dma_start3A_920 = arith.constant 0 : i32
      %dma_start3A_921 = arith.constant 0 : i32
      %dma_start3A_922 = tpu.memref_slice %arg21[%dma_start3A_920, %dma_start3A_921] : memref<10240x32xf32, #tpu.memory_space<vmem_shared>> -> memref<10240x32xf32, #tpu.memory_space<vmem_shared>>
      %dma_start3A_923 = tpu.memref_slice %arg26[%and3A_788] : memref<2x!tpu.dma_semaphore, #tpu.memory_space<semaphore_mem>> -> memref<1x!tpu.dma_semaphore, #tpu.memory_space<semaphore_mem>>
      %dma_start3A_924 = tpu.memref_squeeze %dma_start3A_923 : memref<1x!tpu.dma_semaphore, #tpu.memory_space<semaphore_mem>> -> memref<!tpu.dma_semaphore, #tpu.memory_space<semaphore_mem>>
      tpu.enqueue_indirect_dma source(%dma_start3A_916 : memref<128x32xf32, #tpu.memory_space<vmem>>) target(%dma_start3A_922 : memref<10240x32xf32, #tpu.memory_space<vmem_shared>>) offsets(%dma_start3A_919 : memref<128xi32, #tpu.memory_space<vmem>>) semaphore(%dma_start3A_924 : memref<!tpu.dma_semaphore, #tpu.memory_space<semaphore_mem>>) {add = true}
      %dma_start3A_925 = arith.constant 0 : i32
      %dma_start3A_926 = arith.constant 0 : i32
      %dma_start3A_927 = tpu.memref_slice %arg17[%and3A_788, %dma_start3A_925, %dma_start3A_926] : memref<2x256x16xf32, #tpu.memory_space<vmem>> -> memref<1x256x16xf32, #tpu.memory_space<vmem>>
      %dma_start3A_928 = tpu.memref_squeeze %dma_start3A_927 : memref<1x256x16xf32, #tpu.memory_space<vmem>> -> memref<256x16xf32, #tpu.memory_space<vmem>>
      %dma_start3A_929 = arith.constant 0 : i32
      %dma_start3A_930 = tpu.memref_slice %arg10[%mul3A_872, %dma_start3A_929] : memref<320000x128xf32, #tpu.memory_space<hbm>> -> memref<256x16xf32, #tpu.memory_space<hbm>>
      %dma_start3A_931 = tpu.memref_slice %arg27[%and3A_788] : memref<2x!tpu.dma_semaphore, #tpu.memory_space<semaphore_mem>> -> memref<1x!tpu.dma_semaphore, #tpu.memory_space<semaphore_mem>>
      %dma_start3A_932 = tpu.memref_squeeze %dma_start3A_931 : memref<1x!tpu.dma_semaphore, #tpu.memory_space<semaphore_mem>> -> memref<!tpu.dma_semaphore, #tpu.memory_space<semaphore_mem>>
      %dma_start3A_933 = arith.constant 0 : i32
      %dma_start3A_934 = tpu.memref_slice %arg10[%mul3A_872, %dma_start3A_933] : memref<320000x128xf32, #tpu.memory_space<hbm>> -> memref<256x16xf32, #tpu.memory_space<hbm>>
      %dma_start3A_935 = arith.constant 0 : i32
      %dma_start3A_936 = arith.constant 0 : i32
      %dma_start3A_937 = tpu.memref_slice %arg17[%and3A_788, %dma_start3A_935, %dma_start3A_936] : memref<2x256x16xf32, #tpu.memory_space<vmem>> -> memref<1x256x16xf32, #tpu.memory_space<vmem>>
      %dma_start3A_938 = tpu.memref_squeeze %dma_start3A_937 : memref<1x256x16xf32, #tpu.memory_space<vmem>> -> memref<256x16xf32, #tpu.memory_space<vmem>>
      tpu.enqueue_dma source(%dma_start3A_938 : memref<256x16xf32, #tpu.memory_space<vmem>>) target(%dma_start3A_934 : memref<256x16xf32, #tpu.memory_space<hbm>>) target_semaphore(%dma_start3A_932 : memref<!tpu.dma_semaphore, #tpu.memory_space<semaphore_mem>>)
      %while3A_939 = arith.constant 0 : i32
      scf.yield %while3A_939 : i32
    }
    %dma_wait3A = arith.constant 0 : i32
    %dma_wait3A_615 = arith.constant 0 : i32
    %dma_wait3A_616 = arith.constant 0 : i32
    %dma_wait3A_617 = arith.constant 0 : i32
    %dma_wait3A_618 = arith.constant 0 : i32
    %dma_wait3A_619 = arith.constant 0 : i32
    %dma_wait3A_620 = tpu.memref_slice %arg15[%dma_wait3A, %dma_wait3A_618, %dma_wait3A_619] : memref<2x256x32xf32, #tpu.memory_space<vmem>> -> memref<1x128x32xf32, #tpu.memory_space<vmem>>
    %dma_wait3A_621 = tpu.memref_squeeze %dma_wait3A_620 : memref<1x128x32xf32, #tpu.memory_space<vmem>> -> memref<128x32xf32, #tpu.memory_space<vmem>>
    %dma_wait3A_622 = arith.constant 0 : i32
    %dma_wait3A_623 = tpu.memref_slice %arg11[%dma_wait3A_615, %dma_wait3A_616, %dma_wait3A_622] : memref<2x2x128xi32, #tpu.memory_space<vmem>> -> memref<1x1x128xi32, #tpu.memory_space<vmem>>
    %dma_wait3A_624 = tpu.memref_squeeze %dma_wait3A_623 : memref<1x1x128xi32, #tpu.memory_space<vmem>> -> memref<128xi32, #tpu.memory_space<vmem>>
    %dma_wait3A_625 = arith.constant 0 : i32
    %dma_wait3A_626 = arith.constant 0 : i32
    %dma_wait3A_627 = tpu.memref_slice %arg20[%dma_wait3A_625, %dma_wait3A_626] : memref<10240x32xf32, #tpu.memory_space<vmem_shared>> -> memref<10240x32xf32, #tpu.memory_space<vmem_shared>>
    %dma_wait3A_628 = tpu.memref_slice %arg25[%dma_wait3A_617] : memref<2x!tpu.dma_semaphore, #tpu.memory_space<semaphore_mem>> -> memref<1x!tpu.dma_semaphore, #tpu.memory_space<semaphore_mem>>
    %dma_wait3A_629 = tpu.memref_squeeze %dma_wait3A_628 : memref<1x!tpu.dma_semaphore, #tpu.memory_space<semaphore_mem>> -> memref<!tpu.dma_semaphore, #tpu.memory_space<semaphore_mem>>
    tpu.wait_indirect_dma semaphore(%dma_wait3A_629 : memref<!tpu.dma_semaphore, #tpu.memory_space<semaphore_mem>>) src(%dma_wait3A_621 : memref<128x32xf32, #tpu.memory_space<vmem>>) dst(%dma_wait3A_627 : memref<10240x32xf32, #tpu.memory_space<vmem_shared>>)
    %dma_wait3A_630 = arith.constant 0 : i32
    %dma_wait3A_631 = arith.constant 0 : i32
    %dma_wait3A_632 = arith.constant 0 : i32
    %dma_wait3A_633 = arith.constant 0 : i32
    %dma_wait3A_634 = arith.constant 0 : i32
    %dma_wait3A_635 = arith.constant 0 : i32
    %dma_wait3A_636 = tpu.memref_slice %arg16[%dma_wait3A_630, %dma_wait3A_634, %dma_wait3A_635] : memref<2x256x32xf32, #tpu.memory_space<vmem>> -> memref<1x128x32xf32, #tpu.memory_space<vmem>>
    %dma_wait3A_637 = tpu.memref_squeeze %dma_wait3A_636 : memref<1x128x32xf32, #tpu.memory_space<vmem>> -> memref<128x32xf32, #tpu.memory_space<vmem>>
    %dma_wait3A_638 = arith.constant 0 : i32
    %dma_wait3A_639 = tpu.memref_slice %arg12[%dma_wait3A_631, %dma_wait3A_632, %dma_wait3A_638] : memref<2x2x128xi32, #tpu.memory_space<vmem>> -> memref<1x1x128xi32, #tpu.memory_space<vmem>>
    %dma_wait3A_640 = tpu.memref_squeeze %dma_wait3A_639 : memref<1x1x128xi32, #tpu.memory_space<vmem>> -> memref<128xi32, #tpu.memory_space<vmem>>
    %dma_wait3A_641 = arith.constant 0 : i32
    %dma_wait3A_642 = arith.constant 0 : i32
    %dma_wait3A_643 = tpu.memref_slice %arg21[%dma_wait3A_641, %dma_wait3A_642] : memref<10240x32xf32, #tpu.memory_space<vmem_shared>> -> memref<10240x32xf32, #tpu.memory_space<vmem_shared>>
    %dma_wait3A_644 = tpu.memref_slice %arg26[%dma_wait3A_633] : memref<2x!tpu.dma_semaphore, #tpu.memory_space<semaphore_mem>> -> memref<1x!tpu.dma_semaphore, #tpu.memory_space<semaphore_mem>>
    %dma_wait3A_645 = tpu.memref_squeeze %dma_wait3A_644 : memref<1x!tpu.dma_semaphore, #tpu.memory_space<semaphore_mem>> -> memref<!tpu.dma_semaphore, #tpu.memory_space<semaphore_mem>>
    tpu.wait_indirect_dma semaphore(%dma_wait3A_645 : memref<!tpu.dma_semaphore, #tpu.memory_space<semaphore_mem>>) src(%dma_wait3A_637 : memref<128x32xf32, #tpu.memory_space<vmem>>) dst(%dma_wait3A_643 : memref<10240x32xf32, #tpu.memory_space<vmem_shared>>)
    %dma_wait3A_646 = arith.constant 0 : i32
    %dma_wait3A_647 = arith.constant 0 : i32
    %dma_wait3A_648 = arith.constant 1 : i32
    %dma_wait3A_649 = arith.constant 0 : i32
    %dma_wait3A_650 = arith.constant 128 : i32
    %dma_wait3A_651 = arith.constant 0 : i32
    %dma_wait3A_652 = tpu.memref_slice %arg15[%dma_wait3A_646, %dma_wait3A_650, %dma_wait3A_651] : memref<2x256x32xf32, #tpu.memory_space<vmem>> -> memref<1x128x32xf32, #tpu.memory_space<vmem>>
    %dma_wait3A_653 = tpu.memref_squeeze %dma_wait3A_652 : memref<1x128x32xf32, #tpu.memory_space<vmem>> -> memref<128x32xf32, #tpu.memory_space<vmem>>
    %dma_wait3A_654 = arith.constant 0 : i32
    %dma_wait3A_655 = tpu.memref_slice %arg11[%dma_wait3A_647, %dma_wait3A_648, %dma_wait3A_654] : memref<2x2x128xi32, #tpu.memory_space<vmem>> -> memref<1x1x128xi32, #tpu.memory_space<vmem>>
    %dma_wait3A_656 = tpu.memref_squeeze %dma_wait3A_655 : memref<1x1x128xi32, #tpu.memory_space<vmem>> -> memref<128xi32, #tpu.memory_space<vmem>>
    %dma_wait3A_657 = arith.constant 0 : i32
    %dma_wait3A_658 = arith.constant 0 : i32
    %dma_wait3A_659 = tpu.memref_slice %arg20[%dma_wait3A_657, %dma_wait3A_658] : memref<10240x32xf32, #tpu.memory_space<vmem_shared>> -> memref<10240x32xf32, #tpu.memory_space<vmem_shared>>
    %dma_wait3A_660 = tpu.memref_slice %arg25[%dma_wait3A_649] : memref<2x!tpu.dma_semaphore, #tpu.memory_space<semaphore_mem>> -> memref<1x!tpu.dma_semaphore, #tpu.memory_space<semaphore_mem>>
    %dma_wait3A_661 = tpu.memref_squeeze %dma_wait3A_660 : memref<1x!tpu.dma_semaphore, #tpu.memory_space<semaphore_mem>> -> memref<!tpu.dma_semaphore, #tpu.memory_space<semaphore_mem>>
    tpu.wait_indirect_dma semaphore(%dma_wait3A_661 : memref<!tpu.dma_semaphore, #tpu.memory_space<semaphore_mem>>) src(%dma_wait3A_653 : memref<128x32xf32, #tpu.memory_space<vmem>>) dst(%dma_wait3A_659 : memref<10240x32xf32, #tpu.memory_space<vmem_shared>>)
    %dma_wait3A_662 = arith.constant 0 : i32
    %dma_wait3A_663 = arith.constant 0 : i32
    %dma_wait3A_664 = arith.constant 1 : i32
    %dma_wait3A_665 = arith.constant 0 : i32
    %dma_wait3A_666 = arith.constant 128 : i32
    %dma_wait3A_667 = arith.constant 0 : i32
    %dma_wait3A_668 = tpu.memref_slice %arg16[%dma_wait3A_662, %dma_wait3A_666, %dma_wait3A_667] : memref<2x256x32xf32, #tpu.memory_space<vmem>> -> memref<1x128x32xf32, #tpu.memory_space<vmem>>
    %dma_wait3A_669 = tpu.memref_squeeze %dma_wait3A_668 : memref<1x128x32xf32, #tpu.memory_space<vmem>> -> memref<128x32xf32, #tpu.memory_space<vmem>>
    %dma_wait3A_670 = arith.constant 0 : i32
    %dma_wait3A_671 = tpu.memref_slice %arg12[%dma_wait3A_663, %dma_wait3A_664, %dma_wait3A_670] : memref<2x2x128xi32, #tpu.memory_space<vmem>> -> memref<1x1x128xi32, #tpu.memory_space<vmem>>
    %dma_wait3A_672 = tpu.memref_squeeze %dma_wait3A_671 : memref<1x1x128xi32, #tpu.memory_space<vmem>> -> memref<128xi32, #tpu.memory_space<vmem>>
    %dma_wait3A_673 = arith.constant 0 : i32
    %dma_wait3A_674 = arith.constant 0 : i32
    %dma_wait3A_675 = tpu.memref_slice %arg21[%dma_wait3A_673, %dma_wait3A_674] : memref<10240x32xf32, #tpu.memory_space<vmem_shared>> -> memref<10240x32xf32, #tpu.memory_space<vmem_shared>>
    %dma_wait3A_676 = tpu.memref_slice %arg26[%dma_wait3A_665] : memref<2x!tpu.dma_semaphore, #tpu.memory_space<semaphore_mem>> -> memref<1x!tpu.dma_semaphore, #tpu.memory_space<semaphore_mem>>
    %dma_wait3A_677 = tpu.memref_squeeze %dma_wait3A_676 : memref<1x!tpu.dma_semaphore, #tpu.memory_space<semaphore_mem>> -> memref<!tpu.dma_semaphore, #tpu.memory_space<semaphore_mem>>
    tpu.wait_indirect_dma semaphore(%dma_wait3A_677 : memref<!tpu.dma_semaphore, #tpu.memory_space<semaphore_mem>>) src(%dma_wait3A_669 : memref<128x32xf32, #tpu.memory_space<vmem>>) dst(%dma_wait3A_675 : memref<10240x32xf32, #tpu.memory_space<vmem_shared>>)
    %dma_wait3A_678 = arith.constant 0 : i32
    %dma_wait3A_679 = arith.constant 0 : i32
    %dma_wait3A_680 = arith.constant 0 : i32
    %dma_wait3A_681 = arith.constant 0 : i32
    %dma_wait3A_682 = tpu.memref_slice %arg17[%dma_wait3A_678, %dma_wait3A_680, %dma_wait3A_681] : memref<2x256x16xf32, #tpu.memory_space<vmem>> -> memref<1x256x16xf32, #tpu.memory_space<vmem>>
    %dma_wait3A_683 = tpu.memref_squeeze %dma_wait3A_682 : memref<1x256x16xf32, #tpu.memory_space<vmem>> -> memref<256x16xf32, #tpu.memory_space<vmem>>
    %dma_wait3A_684 = arith.constant 0 : i32
    %dma_wait3A_685 = arith.constant 0 : i32
    %dma_wait3A_686 = tpu.memref_slice %arg10[%dma_wait3A_684, %dma_wait3A_685] : memref<320000x128xf32, #tpu.memory_space<hbm>> -> memref<256x16xf32, #tpu.memory_space<hbm>>
    %dma_wait3A_687 = tpu.memref_slice %arg27[%dma_wait3A_679] : memref<2x!tpu.dma_semaphore, #tpu.memory_space<semaphore_mem>> -> memref<1x!tpu.dma_semaphore, #tpu.memory_space<semaphore_mem>>
    %dma_wait3A_688 = tpu.memref_squeeze %dma_wait3A_687 : memref<1x!tpu.dma_semaphore, #tpu.memory_space<semaphore_mem>> -> memref<!tpu.dma_semaphore, #tpu.memory_space<semaphore_mem>>
    %dma_wait3A_689 = arith.constant 0 : i32
    %dma_wait3A_690 = arith.constant 0 : i32
    %dma_wait3A_691 = tpu.memref_slice %arg10[%dma_wait3A_689, %dma_wait3A_690] : memref<320000x128xf32, #tpu.memory_space<hbm>> -> memref<256x16xf32, #tpu.memory_space<hbm>>
    %dma_wait3A_692 = arith.constant 0 : i32
    %dma_wait3A_693 = arith.constant 0 : i32
    %dma_wait3A_694 = tpu.memref_slice %arg17[%dma_wait3A_678, %dma_wait3A_692, %dma_wait3A_693] : memref<2x256x16xf32, #tpu.memory_space<vmem>> -> memref<1x256x16xf32, #tpu.memory_space<vmem>>
    %dma_wait3A_695 = tpu.memref_squeeze %dma_wait3A_694 : memref<1x256x16xf32, #tpu.memory_space<vmem>> -> memref<256x16xf32, #tpu.memory_space<vmem>>
    tpu.wait_dma2 semaphore(%dma_wait3A_688 : memref<!tpu.dma_semaphore, #tpu.memory_space<semaphore_mem>>) src(%dma_wait3A_695 : memref<256x16xf32, #tpu.memory_space<vmem>>) dst(%dma_wait3A_691 : memref<256x16xf32, #tpu.memory_space<hbm>>)
    %dma_wait3A_696 = arith.constant 1 : i32
    %dma_wait3A_697 = arith.constant 1 : i32
    %dma_wait3A_698 = arith.constant 0 : i32
    %dma_wait3A_699 = arith.constant 1 : i32
    %dma_wait3A_700 = arith.constant 0 : i32
    %dma_wait3A_701 = arith.constant 0 : i32
    %dma_wait3A_702 = tpu.memref_slice %arg15[%dma_wait3A_696, %dma_wait3A_700, %dma_wait3A_701] : memref<2x256x32xf32, #tpu.memory_space<vmem>> -> memref<1x128x32xf32, #tpu.memory_space<vmem>>
    %dma_wait3A_703 = tpu.memref_squeeze %dma_wait3A_702 : memref<1x128x32xf32, #tpu.memory_space<vmem>> -> memref<128x32xf32, #tpu.memory_space<vmem>>
    %dma_wait3A_704 = arith.constant 0 : i32
    %dma_wait3A_705 = tpu.memref_slice %arg11[%dma_wait3A_697, %dma_wait3A_698, %dma_wait3A_704] : memref<2x2x128xi32, #tpu.memory_space<vmem>> -> memref<1x1x128xi32, #tpu.memory_space<vmem>>
    %dma_wait3A_706 = tpu.memref_squeeze %dma_wait3A_705 : memref<1x1x128xi32, #tpu.memory_space<vmem>> -> memref<128xi32, #tpu.memory_space<vmem>>
    %dma_wait3A_707 = arith.constant 0 : i32
    %dma_wait3A_708 = arith.constant 0 : i32
    %dma_wait3A_709 = tpu.memref_slice %arg20[%dma_wait3A_707, %dma_wait3A_708] : memref<10240x32xf32, #tpu.memory_space<vmem_shared>> -> memref<10240x32xf32, #tpu.memory_space<vmem_shared>>
    %dma_wait3A_710 = tpu.memref_slice %arg25[%dma_wait3A_699] : memref<2x!tpu.dma_semaphore, #tpu.memory_space<semaphore_mem>> -> memref<1x!tpu.dma_semaphore, #tpu.memory_space<semaphore_mem>>
    %dma_wait3A_711 = tpu.memref_squeeze %dma_wait3A_710 : memref<1x!tpu.dma_semaphore, #tpu.memory_space<semaphore_mem>> -> memref<!tpu.dma_semaphore, #tpu.memory_space<semaphore_mem>>
    tpu.wait_indirect_dma semaphore(%dma_wait3A_711 : memref<!tpu.dma_semaphore, #tpu.memory_space<semaphore_mem>>) src(%dma_wait3A_703 : memref<128x32xf32, #tpu.memory_space<vmem>>) dst(%dma_wait3A_709 : memref<10240x32xf32, #tpu.memory_space<vmem_shared>>)
    %dma_wait3A_712 = arith.constant 1 : i32
    %dma_wait3A_713 = arith.constant 1 : i32
    %dma_wait3A_714 = arith.constant 0 : i32
    %dma_wait3A_715 = arith.constant 1 : i32
    %dma_wait3A_716 = arith.constant 0 : i32
    %dma_wait3A_717 = arith.constant 0 : i32
    %dma_wait3A_718 = tpu.memref_slice %arg16[%dma_wait3A_712, %dma_wait3A_716, %dma_wait3A_717] : memref<2x256x32xf32, #tpu.memory_space<vmem>> -> memref<1x128x32xf32, #tpu.memory_space<vmem>>
    %dma_wait3A_719 = tpu.memref_squeeze %dma_wait3A_718 : memref<1x128x32xf32, #tpu.memory_space<vmem>> -> memref<128x32xf32, #tpu.memory_space<vmem>>
    %dma_wait3A_720 = arith.constant 0 : i32
    %dma_wait3A_721 = tpu.memref_slice %arg12[%dma_wait3A_713, %dma_wait3A_714, %dma_wait3A_720] : memref<2x2x128xi32, #tpu.memory_space<vmem>> -> memref<1x1x128xi32, #tpu.memory_space<vmem>>
    %dma_wait3A_722 = tpu.memref_squeeze %dma_wait3A_721 : memref<1x1x128xi32, #tpu.memory_space<vmem>> -> memref<128xi32, #tpu.memory_space<vmem>>
    %dma_wait3A_723 = arith.constant 0 : i32
    %dma_wait3A_724 = arith.constant 0 : i32
    %dma_wait3A_725 = tpu.memref_slice %arg21[%dma_wait3A_723, %dma_wait3A_724] : memref<10240x32xf32, #tpu.memory_space<vmem_shared>> -> memref<10240x32xf32, #tpu.memory_space<vmem_shared>>
    %dma_wait3A_726 = tpu.memref_slice %arg26[%dma_wait3A_715] : memref<2x!tpu.dma_semaphore, #tpu.memory_space<semaphore_mem>> -> memref<1x!tpu.dma_semaphore, #tpu.memory_space<semaphore_mem>>
    %dma_wait3A_727 = tpu.memref_squeeze %dma_wait3A_726 : memref<1x!tpu.dma_semaphore, #tpu.memory_space<semaphore_mem>> -> memref<!tpu.dma_semaphore, #tpu.memory_space<semaphore_mem>>
    tpu.wait_indirect_dma semaphore(%dma_wait3A_727 : memref<!tpu.dma_semaphore, #tpu.memory_space<semaphore_mem>>) src(%dma_wait3A_719 : memref<128x32xf32, #tpu.memory_space<vmem>>) dst(%dma_wait3A_725 : memref<10240x32xf32, #tpu.memory_space<vmem_shared>>)
    %dma_wait3A_728 = arith.constant 1 : i32
    %dma_wait3A_729 = arith.constant 1 : i32
    %dma_wait3A_730 = arith.constant 1 : i32
    %dma_wait3A_731 = arith.constant 1 : i32
    %dma_wait3A_732 = arith.constant 128 : i32
    %dma_wait3A_733 = arith.constant 0 : i32
    %dma_wait3A_734 = tpu.memref_slice %arg15[%dma_wait3A_728, %dma_wait3A_732, %dma_wait3A_733] : memref<2x256x32xf32, #tpu.memory_space<vmem>> -> memref<1x128x32xf32, #tpu.memory_space<vmem>>
    %dma_wait3A_735 = tpu.memref_squeeze %dma_wait3A_734 : memref<1x128x32xf32, #tpu.memory_space<vmem>> -> memref<128x32xf32, #tpu.memory_space<vmem>>
    %dma_wait3A_736 = arith.constant 0 : i32
    %dma_wait3A_737 = tpu.memref_slice %arg11[%dma_wait3A_729, %dma_wait3A_730, %dma_wait3A_736] : memref<2x2x128xi32, #tpu.memory_space<vmem>> -> memref<1x1x128xi32, #tpu.memory_space<vmem>>
    %dma_wait3A_738 = tpu.memref_squeeze %dma_wait3A_737 : memref<1x1x128xi32, #tpu.memory_space<vmem>> -> memref<128xi32, #tpu.memory_space<vmem>>
    %dma_wait3A_739 = arith.constant 0 : i32
    %dma_wait3A_740 = arith.constant 0 : i32
    %dma_wait3A_741 = tpu.memref_slice %arg20[%dma_wait3A_739, %dma_wait3A_740] : memref<10240x32xf32, #tpu.memory_space<vmem_shared>> -> memref<10240x32xf32, #tpu.memory_space<vmem_shared>>
    %dma_wait3A_742 = tpu.memref_slice %arg25[%dma_wait3A_731] : memref<2x!tpu.dma_semaphore, #tpu.memory_space<semaphore_mem>> -> memref<1x!tpu.dma_semaphore, #tpu.memory_space<semaphore_mem>>
    %dma_wait3A_743 = tpu.memref_squeeze %dma_wait3A_742 : memref<1x!tpu.dma_semaphore, #tpu.memory_space<semaphore_mem>> -> memref<!tpu.dma_semaphore, #tpu.memory_space<semaphore_mem>>
    tpu.wait_indirect_dma semaphore(%dma_wait3A_743 : memref<!tpu.dma_semaphore, #tpu.memory_space<semaphore_mem>>) src(%dma_wait3A_735 : memref<128x32xf32, #tpu.memory_space<vmem>>) dst(%dma_wait3A_741 : memref<10240x32xf32, #tpu.memory_space<vmem_shared>>)
    %dma_wait3A_744 = arith.constant 1 : i32
    %dma_wait3A_745 = arith.constant 1 : i32
    %dma_wait3A_746 = arith.constant 1 : i32
    %dma_wait3A_747 = arith.constant 1 : i32
    %dma_wait3A_748 = arith.constant 128 : i32
    %dma_wait3A_749 = arith.constant 0 : i32
    %dma_wait3A_750 = tpu.memref_slice %arg16[%dma_wait3A_744, %dma_wait3A_748, %dma_wait3A_749] : memref<2x256x32xf32, #tpu.memory_space<vmem>> -> memref<1x128x32xf32, #tpu.memory_space<vmem>>
    %dma_wait3A_751 = tpu.memref_squeeze %dma_wait3A_750 : memref<1x128x32xf32, #tpu.memory_space<vmem>> -> memref<128x32xf32, #tpu.memory_space<vmem>>
    %dma_wait3A_752 = arith.constant 0 : i32
    %dma_wait3A_753 = tpu.memref_slice %arg12[%dma_wait3A_745, %dma_wait3A_746, %dma_wait3A_752] : memref<2x2x128xi32, #tpu.memory_space<vmem>> -> memref<1x1x128xi32, #tpu.memory_space<vmem>>
    %dma_wait3A_754 = tpu.memref_squeeze %dma_wait3A_753 : memref<1x1x128xi32, #tpu.memory_space<vmem>> -> memref<128xi32, #tpu.memory_space<vmem>>
    %dma_wait3A_755 = arith.constant 0 : i32
    %dma_wait3A_756 = arith.constant 0 : i32
    %dma_wait3A_757 = tpu.memref_slice %arg21[%dma_wait3A_755, %dma_wait3A_756] : memref<10240x32xf32, #tpu.memory_space<vmem_shared>> -> memref<10240x32xf32, #tpu.memory_space<vmem_shared>>
    %dma_wait3A_758 = tpu.memref_slice %arg26[%dma_wait3A_747] : memref<2x!tpu.dma_semaphore, #tpu.memory_space<semaphore_mem>> -> memref<1x!tpu.dma_semaphore, #tpu.memory_space<semaphore_mem>>
    %dma_wait3A_759 = tpu.memref_squeeze %dma_wait3A_758 : memref<1x!tpu.dma_semaphore, #tpu.memory_space<semaphore_mem>> -> memref<!tpu.dma_semaphore, #tpu.memory_space<semaphore_mem>>
    tpu.wait_indirect_dma semaphore(%dma_wait3A_759 : memref<!tpu.dma_semaphore, #tpu.memory_space<semaphore_mem>>) src(%dma_wait3A_751 : memref<128x32xf32, #tpu.memory_space<vmem>>) dst(%dma_wait3A_757 : memref<10240x32xf32, #tpu.memory_space<vmem_shared>>)
    %dma_wait3A_760 = arith.constant 1 : i32
    %dma_wait3A_761 = arith.constant 1 : i32
    %dma_wait3A_762 = arith.constant 0 : i32
    %dma_wait3A_763 = arith.constant 0 : i32
    %dma_wait3A_764 = tpu.memref_slice %arg17[%dma_wait3A_760, %dma_wait3A_762, %dma_wait3A_763] : memref<2x256x16xf32, #tpu.memory_space<vmem>> -> memref<1x256x16xf32, #tpu.memory_space<vmem>>
    %dma_wait3A_765 = tpu.memref_squeeze %dma_wait3A_764 : memref<1x256x16xf32, #tpu.memory_space<vmem>> -> memref<256x16xf32, #tpu.memory_space<vmem>>
    %dma_wait3A_766 = arith.constant 0 : i32
    %dma_wait3A_767 = arith.constant 0 : i32
    %dma_wait3A_768 = tpu.memref_slice %arg10[%dma_wait3A_766, %dma_wait3A_767] : memref<320000x128xf32, #tpu.memory_space<hbm>> -> memref<256x16xf32, #tpu.memory_space<hbm>>
    %dma_wait3A_769 = tpu.memref_slice %arg27[%dma_wait3A_761] : memref<2x!tpu.dma_semaphore, #tpu.memory_space<semaphore_mem>> -> memref<1x!tpu.dma_semaphore, #tpu.memory_space<semaphore_mem>>
    %dma_wait3A_770 = tpu.memref_squeeze %dma_wait3A_769 : memref<1x!tpu.dma_semaphore, #tpu.memory_space<semaphore_mem>> -> memref<!tpu.dma_semaphore, #tpu.memory_space<semaphore_mem>>
    %dma_wait3A_771 = arith.constant 0 : i32
    %dma_wait3A_772 = arith.constant 0 : i32
    %dma_wait3A_773 = tpu.memref_slice %arg10[%dma_wait3A_771, %dma_wait3A_772] : memref<320000x128xf32, #tpu.memory_space<hbm>> -> memref<256x16xf32, #tpu.memory_space<hbm>>
    %dma_wait3A_774 = arith.constant 0 : i32
    %dma_wait3A_775 = arith.constant 0 : i32
    %dma_wait3A_776 = tpu.memref_slice %arg17[%dma_wait3A_760, %dma_wait3A_774, %dma_wait3A_775] : memref<2x256x16xf32, #tpu.memory_space<vmem>> -> memref<1x256x16xf32, #tpu.memory_space<vmem>>
    %dma_wait3A_777 = tpu.memref_squeeze %dma_wait3A_776 : memref<1x256x16xf32, #tpu.memory_space<vmem>> -> memref<256x16xf32, #tpu.memory_space<vmem>>
    tpu.wait_dma2 semaphore(%dma_wait3A_770 : memref<!tpu.dma_semaphore, #tpu.memory_space<semaphore_mem>>) src(%dma_wait3A_777 : memref<256x16xf32, #tpu.memory_space<vmem>>) dst(%dma_wait3A_773 : memref<256x16xf32, #tpu.memory_space<hbm>>)
    %barrier3A_778 = arith.constant 0 : index
    tpu.barrier barrier_id(%barrier3A_778)
    %mul3A_779 = arith.constant 640 : i32
    %mul3A_780 = arith.muli %arg1, %mul3A_779 : i32
    %mul3A_781 = arith.constant 10240 : i32
    %mul3A_782 = arith.muli %arg0, %mul3A_781 : i32
    %mul3A_783 = arith.constant 640 : i32
    %mul3A_784 = arith.muli %arg1, %mul3A_783 : i32
    %add3A_785 = arith.addi %mul3A_782, %mul3A_784 : i32
    "tpu.region"() ({
      %run_scoped3A = tpu.sem_alloc : memref<!tpu.dma_semaphore, #tpu.memory_space<semaphore_mem>>
      %dma_start3A_786 = arith.constant 0 : i32
      %dma_start3A_787 = tpu.memref_slice %arg8[%add3A_785, %dma_start3A_786] : memref<20480x32xf32, #tpu.memory_space<hbm>> -> memref<640x32xf32, #tpu.memory_space<hbm>>
      %dma_start3A_788 = arith.constant 0 : i32
      %dma_start3A_789 = tpu.memref_slice %arg20[%mul3A_780, %dma_start3A_788] : memref<10240x32xf32, #tpu.memory_space<vmem_shared>> -> memref<640x32xf32, #tpu.memory_space<vmem_shared>>
      tpu.enqueue_dma source(%dma_start3A_789 : memref<640x32xf32, #tpu.memory_space<vmem_shared>>) target(%dma_start3A_787 : memref<640x32xf32, #tpu.memory_space<hbm>>) target_semaphore(%run_scoped3A : memref<!tpu.dma_semaphore, #tpu.memory_space<semaphore_mem>>)
      %dma_wait3A_790 = arith.constant 0 : i32
      %dma_wait3A_791 = tpu.memref_slice %arg8[%add3A_785, %dma_wait3A_790] : memref<20480x32xf32, #tpu.memory_space<hbm>> -> memref<640x32xf32, #tpu.memory_space<hbm>>
      %dma_wait3A_792 = arith.constant 0 : i32
      %dma_wait3A_793 = tpu.memref_slice %arg20[%mul3A_780, %dma_wait3A_792] : memref<10240x32xf32, #tpu.memory_space<vmem_shared>> -> memref<640x32xf32, #tpu.memory_space<vmem_shared>>
      tpu.wait_dma2 semaphore(%run_scoped3A : memref<!tpu.dma_semaphore, #tpu.memory_space<semaphore_mem>>) src(%dma_wait3A_793 : memref<640x32xf32, #tpu.memory_space<vmem_shared>>) dst(%dma_wait3A_791 : memref<640x32xf32, #tpu.memory_space<hbm>>)
      tpu.yield
    }) : () -> ()
    "tpu.region"() ({
      %run_scoped3A = tpu.sem_alloc : memref<!tpu.dma_semaphore, #tpu.memory_space<semaphore_mem>>
      %dma_start3A_786 = arith.constant 0 : i32
      %dma_start3A_787 = tpu.memref_slice %arg9[%add3A_785, %dma_start3A_786] : memref<20480x32xf32, #tpu.memory_space<hbm>> -> memref<640x32xf32, #tpu.memory_space<hbm>>
      %dma_start3A_788 = arith.constant 0 : i32
      %dma_start3A_789 = tpu.memref_slice %arg21[%mul3A_780, %dma_start3A_788] : memref<10240x32xf32, #tpu.memory_space<vmem_shared>> -> memref<640x32xf32, #tpu.memory_space<vmem_shared>>
      tpu.enqueue_dma source(%dma_start3A_789 : memref<640x32xf32, #tpu.memory_space<vmem_shared>>) target(%dma_start3A_787 : memref<640x32xf32, #tpu.memory_space<hbm>>) target_semaphore(%run_scoped3A : memref<!tpu.dma_semaphore, #tpu.memory_space<semaphore_mem>>)
      %dma_wait3A_790 = arith.constant 0 : i32
      %dma_wait3A_791 = tpu.memref_slice %arg9[%add3A_785, %dma_wait3A_790] : memref<20480x32xf32, #tpu.memory_space<hbm>> -> memref<640x32xf32, #tpu.memory_space<hbm>>
      %dma_wait3A_792 = arith.constant 0 : i32
      %dma_wait3A_793 = tpu.memref_slice %arg21[%mul3A_780, %dma_wait3A_792] : memref<10240x32xf32, #tpu.memory_space<vmem_shared>> -> memref<640x32xf32, #tpu.memory_space<vmem_shared>>
      tpu.wait_dma2 semaphore(%run_scoped3A : memref<!tpu.dma_semaphore, #tpu.memory_space<semaphore_mem>>) src(%dma_wait3A_793 : memref<640x32xf32, #tpu.memory_space<vmem_shared>>) dst(%dma_wait3A_791 : memref<640x32xf32, #tpu.memory_space<hbm>>)
      tpu.yield
    }) : () -> ()
    return
  }
}

module attributes {stable_mosaic.version = 14 : i64} {
  func.func @_unary_body(%arg0: i32, %arg1: memref<1000x64xf32, #tpu.memory_space<vmem>>, %arg2: memref<1x64xf32, #tpu.memory_space<vmem>>, %arg3: memref<1x64xf32, #tpu.memory_space<vmem>>, %arg4: memref<1x64xf32, #tpu.memory_space<vmem>>, %arg5: memref<64x64xf32, #tpu.memory_space<vmem>>, %arg6: memref<64x32xf32, #tpu.memory_space<vmem>>, %arg7: memref<64x32xf32, #tpu.memory_space<vmem>>, %arg8: memref<1000x64xf32, #tpu.memory_space<vmem>>, %arg9: memref<1000x32xf32, #tpu.memory_space<vmem>>, %arg10: memref<1000x32xf32, #tpu.memory_space<vmem>>) attributes {dimension_semantics = [#tpu.dimension_semantics<arbitrary>], iteration_bounds = array<i64: 10>, scalar_prefetch = 0 : i64, scratch_operands = 0 : i64, tpu.core_type = #tpu.core_type<tc>, window_params = [{transform_indices = @transform_0, window_bounds = array<i64: 1000, 64>}, {pipeline_mode = #tpu.pipeline_mode<synchronous>, transform_indices = @transform_1, window_bounds = array<i64: 1, 64>}, {pipeline_mode = #tpu.pipeline_mode<synchronous>, transform_indices = @transform_2, window_bounds = array<i64: 1, 64>}, {pipeline_mode = #tpu.pipeline_mode<synchronous>, transform_indices = @transform_3, window_bounds = array<i64: 1, 64>}, {pipeline_mode = #tpu.pipeline_mode<synchronous>, transform_indices = @transform_4, window_bounds = array<i64: 64, 64>}, {pipeline_mode = #tpu.pipeline_mode<synchronous>, transform_indices = @transform_5, window_bounds = array<i64: 64, 32>}, {pipeline_mode = #tpu.pipeline_mode<synchronous>, transform_indices = @transform_6, window_bounds = array<i64: 64, 32>}, {transform_indices = @transform_7, window_bounds = array<i64: 1000, 64>}, {transform_indices = @transform_8, window_bounds = array<i64: 1000, 32>}, {transform_indices = @transform_9, window_bounds = array<i64: 1000, 32>}]} {
    %get3A = arith.constant 0 : index
    %get3A_0 = arith.constant 0 : index
    %get3A_1 = vector.load %arg1[%get3A, %get3A_0] : memref<1000x64xf32, #tpu.memory_space<vmem>>, vector<1000x64xf32>
    %get3A_2 = arith.constant 0 : index
    %get3A_3 = arith.constant 0 : index
    %get3A_4 = vector.load %arg3[%get3A_2, %get3A_3] : memref<1x64xf32, #tpu.memory_space<vmem>>, vector<1x64xf32>
    %mul3A = vector.broadcast %get3A_4 : vector<1x64xf32> to vector<1000x64xf32>
    %mul3A_5 = arith.mulf %get3A_1, %mul3A : vector<1000x64xf32>
    %get3A_6 = arith.constant 0 : index
    %get3A_7 = arith.constant 0 : index
    %get3A_8 = vector.load %arg4[%get3A_6, %get3A_7] : memref<1x64xf32, #tpu.memory_space<vmem>>, vector<1x64xf32>
    %add3A = vector.broadcast %get3A_8 : vector<1x64xf32> to vector<1000x64xf32>
    %add3A_9 = arith.addf %mul3A_5, %add3A : vector<1000x64xf32>
    %reduce_max3A = arith.constant dense<0xFF800000> : vector<1000xf32>
    %reduce_max3A_10 = vector.multi_reduction <maximumf>, %add3A_9, %reduce_max3A [1] : vector<1000x64xf32> to vector<1000xf32>
    %broadcast_in_dim3A = vector.shape_cast %reduce_max3A_10 : vector<1000xf32> to vector<1000x1xf32>
    %sub3A = vector.broadcast %broadcast_in_dim3A : vector<1000x1xf32> to vector<1000x64xf32>
    %sub3A_11 = arith.subf %add3A_9, %sub3A : vector<1000x64xf32>
    %exp3A = math.exp %sub3A_11 : vector<1000x64xf32>
    %get3A_12 = arith.constant 0 : index
    %get3A_13 = arith.constant 0 : index
    %get3A_14 = vector.load %arg5[%get3A_12, %get3A_13] : memref<64x64xf32, #tpu.memory_space<vmem>>, vector<64x64xf32>
    %dot_general3A = arith.constant dense<0.000000e+00> : vector<1000x64xf32>
    %dot_general3A_15 = tpu.matmul %exp3A, %get3A_14, %dot_general3A {dimension_numbers = #tpu.dot_dimension_numbers<[1], [0], [0], [1], [0, 0, 1, 1], [], []>, transpose_lhs_hint = false} : vector<1000x64xf32>, vector<64x64xf32>, vector<1000x64xf32> -> vector<1000x64xf32>
    %add3A_16 = arith.constant 1.000000e-30 : f32
    %add3A_17 = vector.broadcast %add3A_16 : f32 to vector<1000x64xf32>
    %add3A_18 = arith.addf %dot_general3A_15, %add3A_17 : vector<1000x64xf32>
    %div3A = arith.divf %exp3A, %add3A_18 : vector<1000x64xf32>
    %get3A_19 = arith.constant 0 : index
    %get3A_20 = arith.constant 0 : index
    %get3A_21 = vector.load %arg3[%get3A_19, %get3A_20] : memref<1x64xf32, #tpu.memory_space<vmem>>, vector<1x64xf32>
    %mul3A_22 = vector.broadcast %get3A_21 : vector<1x64xf32> to vector<1000x64xf32>
    %mul3A_23 = arith.mulf %mul3A_22, %div3A : vector<1000x64xf32>
    %get3A_24 = arith.constant 0 : index
    %get3A_25 = arith.constant 0 : index
    %get3A_26 = vector.load %arg2[%get3A_24, %get3A_25] : memref<1x64xf32, #tpu.memory_space<vmem>>, vector<1x64xf32>
    %mul3A_27 = vector.broadcast %get3A_26 : vector<1x64xf32> to vector<1000x64xf32>
    %mul3A_28 = arith.mulf %mul3A_23, %mul3A_27 : vector<1000x64xf32>
    %add3A_29 = arith.addf %get3A_1, %mul3A_28 : vector<1000x64xf32>
    %swap3A = arith.constant 0 : index
    %swap3A_30 = arith.constant 0 : index
    %swap3A_31 = vector.load %arg8[%swap3A, %swap3A_30] : memref<1000x64xf32, #tpu.memory_space<vmem>>, vector<1000x64xf32>
    tpu.vector_store %arg8[%swap3A, %swap3A_30], %add3A_29 {strides = array<i32>} : memref<1000x64xf32, #tpu.memory_space<vmem>>, vector<1000x64xf32>,
    %get3A_32 = arith.constant 0 : index
    %get3A_33 = arith.constant 0 : index
    %get3A_34 = vector.load %arg6[%get3A_32, %get3A_33] : memref<64x32xf32, #tpu.memory_space<vmem>>, vector<64x32xf32>
    %dot_general3A_35 = arith.constant dense<0.000000e+00> : vector<1000x32xf32>
    %dot_general3A_36 = tpu.matmul %add3A_29, %get3A_34, %dot_general3A_35 {dimension_numbers = #tpu.dot_dimension_numbers<[1], [0], [0], [1], [0, 0, 1, 1], [], []>, transpose_lhs_hint = false} : vector<1000x64xf32>, vector<64x32xf32>, vector<1000x32xf32> -> vector<1000x32xf32>
    %exp3A_37 = math.exp %dot_general3A_36 : vector<1000x32xf32>
    %swap3A_38 = arith.constant 0 : index
    %swap3A_39 = arith.constant 0 : index
    %swap3A_40 = vector.load %arg9[%swap3A_38, %swap3A_39] : memref<1000x32xf32, #tpu.memory_space<vmem>>, vector<1000x32xf32>
    tpu.vector_store %arg9[%swap3A_38, %swap3A_39], %exp3A_37 {strides = array<i32>} : memref<1000x32xf32, #tpu.memory_space<vmem>>, vector<1000x32xf32>,
    %get3A_41 = arith.constant 0 : index
    %get3A_42 = arith.constant 0 : index
    %get3A_43 = vector.load %arg7[%get3A_41, %get3A_42] : memref<64x32xf32, #tpu.memory_space<vmem>>, vector<64x32xf32>
    %dot_general3A_44 = arith.constant dense<0.000000e+00> : vector<1000x32xf32>
    %dot_general3A_45 = tpu.matmul %add3A_29, %get3A_43, %dot_general3A_44 {dimension_numbers = #tpu.dot_dimension_numbers<[1], [0], [0], [1], [0, 0, 1, 1], [], []>, transpose_lhs_hint = false} : vector<1000x64xf32>, vector<64x32xf32>, vector<1000x32xf32> -> vector<1000x32xf32>
    %exp3A_46 = math.exp %dot_general3A_45 : vector<1000x32xf32>
    %swap3A_47 = arith.constant 0 : index
    %swap3A_48 = arith.constant 0 : index
    %swap3A_49 = vector.load %arg10[%swap3A_47, %swap3A_48] : memref<1000x32xf32, #tpu.memory_space<vmem>>, vector<1000x32xf32>
    tpu.vector_store %arg10[%swap3A_47, %swap3A_48], %exp3A_46 {strides = array<i32>} : memref<1000x32xf32, #tpu.memory_space<vmem>>, vector<1000x32xf32>,
    return
  }
  func.func @transform_0(%arg0: i32) -> (i32, i32) {
    %c0_i32 = arith.constant 0 : i32
    %c0_i32_0 = arith.constant 0 : i32
    return %arg0, %c0_i32 : i32, i32
  }
  func.func @transform_1(%arg0: i32) -> (i32, i32) {
    %c0_i32 = arith.constant 0 : i32
    %c0_i32_0 = arith.constant 0 : i32
    %c0_i32_1 = arith.constant 0 : i32
    return %c0_i32, %c0_i32_0 : i32, i32
  }
  func.func @transform_2(%arg0: i32) -> (i32, i32) {
    %c0_i32 = arith.constant 0 : i32
    %c0_i32_0 = arith.constant 0 : i32
    %c0_i32_1 = arith.constant 0 : i32
    return %c0_i32, %c0_i32_0 : i32, i32
  }
  func.func @transform_3(%arg0: i32) -> (i32, i32) {
    %c0_i32 = arith.constant 0 : i32
    %c0_i32_0 = arith.constant 0 : i32
    %c0_i32_1 = arith.constant 0 : i32
    return %c0_i32, %c0_i32_0 : i32, i32
  }
  func.func @transform_4(%arg0: i32) -> (i32, i32) {
    %c0_i32 = arith.constant 0 : i32
    %c0_i32_0 = arith.constant 0 : i32
    %c0_i32_1 = arith.constant 0 : i32
    return %c0_i32, %c0_i32_0 : i32, i32
  }
  func.func @transform_5(%arg0: i32) -> (i32, i32) {
    %c0_i32 = arith.constant 0 : i32
    %c0_i32_0 = arith.constant 0 : i32
    %c0_i32_1 = arith.constant 0 : i32
    return %c0_i32, %c0_i32_0 : i32, i32
  }
  func.func @transform_6(%arg0: i32) -> (i32, i32) {
    %c0_i32 = arith.constant 0 : i32
    %c0_i32_0 = arith.constant 0 : i32
    %c0_i32_1 = arith.constant 0 : i32
    return %c0_i32, %c0_i32_0 : i32, i32
  }
  func.func @transform_7(%arg0: i32) -> (i32, i32) {
    %c0_i32 = arith.constant 0 : i32
    %c0_i32_0 = arith.constant 0 : i32
    return %arg0, %c0_i32 : i32, i32
  }
  func.func @transform_8(%arg0: i32) -> (i32, i32) {
    %c0_i32 = arith.constant 0 : i32
    %c0_i32_0 = arith.constant 0 : i32
    return %arg0, %c0_i32 : i32, i32
  }
  func.func @transform_9(%arg0: i32) -> (i32, i32) {
    %c0_i32 = arith.constant 0 : i32
    %c0_i32_0 = arith.constant 0 : i32
    return %arg0, %c0_i32 : i32, i32
  }
}

module attributes {stable_mosaic.version = 14 : i64} {
  func.func @_final_body(%arg0: i32, %arg1: memref<1000x64xf32, #tpu.memory_space<vmem>>, %arg2: memref<1000x32xf32, #tpu.memory_space<vmem>>, %arg3: memref<1000x32xf32, #tpu.memory_space<vmem>>, %arg4: memref<1000x32xf32, #tpu.memory_space<vmem>>, %arg5: memref<1000x32xf32, #tpu.memory_space<vmem>>, %arg6: memref<32x64xf32, #tpu.memory_space<vmem>>, %arg7: memref<32x64xf32, #tpu.memory_space<vmem>>, %arg8: memref<1000x64xf32, #tpu.memory_space<vmem>>) attributes {dimension_semantics = [#tpu.dimension_semantics<arbitrary>], iteration_bounds = array<i64: 10>, scalar_prefetch = 0 : i64, scratch_operands = 0 : i64, tpu.core_type = #tpu.core_type<tc>, window_params = [{transform_indices = @transform_0, window_bounds = array<i64: 1000, 64>}, {transform_indices = @transform_1, window_bounds = array<i64: 1000, 32>}, {transform_indices = @transform_2, window_bounds = array<i64: 1000, 32>}, {transform_indices = @transform_3, window_bounds = array<i64: 1000, 32>}, {transform_indices = @transform_4, window_bounds = array<i64: 1000, 32>}, {pipeline_mode = #tpu.pipeline_mode<synchronous>, transform_indices = @transform_5, window_bounds = array<i64: 32, 64>}, {pipeline_mode = #tpu.pipeline_mode<synchronous>, transform_indices = @transform_6, window_bounds = array<i64: 32, 64>}, {transform_indices = @transform_7, window_bounds = array<i64: 1000, 64>}]} {
    %get3A = arith.constant 0 : index
    %get3A_0 = arith.constant 0 : index
    %get3A_1 = vector.load %arg2[%get3A, %get3A_0] : memref<1000x32xf32, #tpu.memory_space<vmem>>, vector<1000x32xf32>
    %get3A_2 = arith.constant 0 : index
    %get3A_3 = arith.constant 0 : index
    %get3A_4 = vector.load %arg3[%get3A_2, %get3A_3] : memref<1000x32xf32, #tpu.memory_space<vmem>>, vector<1000x32xf32>
    %add3A = arith.addf %get3A_1, %get3A_4 : vector<1000x32xf32>
    %get3A_5 = arith.constant 0 : index
    %get3A_6 = arith.constant 0 : index
    %get3A_7 = vector.load %arg4[%get3A_5, %get3A_6] : memref<1000x32xf32, #tpu.memory_space<vmem>>, vector<1000x32xf32>
    %get3A_8 = arith.constant 0 : index
    %get3A_9 = arith.constant 0 : index
    %get3A_10 = vector.load %arg5[%get3A_8, %get3A_9] : memref<1000x32xf32, #tpu.memory_space<vmem>>, vector<1000x32xf32>
    %add3A_11 = arith.addf %get3A_7, %get3A_10 : vector<1000x32xf32>
    %get3A_12 = arith.constant 0 : index
    %get3A_13 = arith.constant 0 : index
    %get3A_14 = vector.load %arg1[%get3A_12, %get3A_13] : memref<1000x64xf32, #tpu.memory_space<vmem>>, vector<1000x64xf32>
    %get3A_15 = arith.constant 0 : index
    %get3A_16 = arith.constant 0 : index
    %get3A_17 = vector.load %arg6[%get3A_15, %get3A_16] : memref<32x64xf32, #tpu.memory_space<vmem>>, vector<32x64xf32>
    %dot_general3A = arith.constant dense<0.000000e+00> : vector<1000x64xf32>
    %dot_general3A_18 = tpu.matmul %add3A, %get3A_17, %dot_general3A {dimension_numbers = #tpu.dot_dimension_numbers<[1], [0], [0], [1], [0, 0, 1, 1], [], []>, transpose_lhs_hint = false} : vector<1000x32xf32>, vector<32x64xf32>, vector<1000x64xf32> -> vector<1000x64xf32>
    %add3A_19 = arith.addf %get3A_14, %dot_general3A_18 : vector<1000x64xf32>
    %get3A_20 = arith.constant 0 : index
    %get3A_21 = arith.constant 0 : index
    %get3A_22 = vector.load %arg7[%get3A_20, %get3A_21] : memref<32x64xf32, #tpu.memory_space<vmem>>, vector<32x64xf32>
    %dot_general3A_23 = arith.constant dense<0.000000e+00> : vector<1000x64xf32>
    %dot_general3A_24 = tpu.matmul %add3A_11, %get3A_22, %dot_general3A_23 {dimension_numbers = #tpu.dot_dimension_numbers<[1], [0], [0], [1], [0, 0, 1, 1], [], []>, transpose_lhs_hint = false} : vector<1000x32xf32>, vector<32x64xf32>, vector<1000x64xf32> -> vector<1000x64xf32>
    %add3A_25 = arith.addf %add3A_19, %dot_general3A_24 : vector<1000x64xf32>
    %swap3A = arith.constant 0 : index
    %swap3A_26 = arith.constant 0 : index
    %swap3A_27 = vector.load %arg8[%swap3A, %swap3A_26] : memref<1000x64xf32, #tpu.memory_space<vmem>>, vector<1000x64xf32>
    tpu.vector_store %arg8[%swap3A, %swap3A_26], %add3A_25 {strides = array<i32>} : memref<1000x64xf32, #tpu.memory_space<vmem>>, vector<1000x64xf32>,
    return
  }
  func.func @transform_0(%arg0: i32) -> (i32, i32) {
    %c0_i32 = arith.constant 0 : i32
    %c0_i32_0 = arith.constant 0 : i32
    return %arg0, %c0_i32 : i32, i32
  }
  func.func @transform_1(%arg0: i32) -> (i32, i32) {
    %c0_i32 = arith.constant 0 : i32
    %c0_i32_0 = arith.constant 0 : i32
    return %arg0, %c0_i32 : i32, i32
  }
  func.func @transform_2(%arg0: i32) -> (i32, i32) {
    %c0_i32 = arith.constant 0 : i32
    %c0_i32_0 = arith.constant 0 : i32
    return %arg0, %c0_i32 : i32, i32
  }
  func.func @transform_3(%arg0: i32) -> (i32, i32) {
    %c0_i32 = arith.constant 0 : i32
    %c0_i32_0 = arith.constant 0 : i32
    return %arg0, %c0_i32 : i32, i32
  }
  func.func @transform_4(%arg0: i32) -> (i32, i32) {
    %c0_i32 = arith.constant 0 : i32
    %c0_i32_0 = arith.constant 0 : i32
    return %arg0, %c0_i32 : i32, i32
  }
  func.func @transform_5(%arg0: i32) -> (i32, i32) {
    %c0_i32 = arith.constant 0 : i32
    %c0_i32_0 = arith.constant 0 : i32
    %c0_i32_1 = arith.constant 0 : i32
    return %c0_i32, %c0_i32_0 : i32, i32
  }
  func.func @transform_6(%arg0: i32) -> (i32, i32) {
    %c0_i32 = arith.constant 0 : i32
    %c0_i32_0 = arith.constant 0 : i32
    %c0_i32_1 = arith.constant 0 : i32
    return %c0_i32, %c0_i32_0 : i32, i32
  }
  func.func @transform_7(%arg0: i32) -> (i32, i32) {
    %c0_i32 = arith.constant 0 : i32
    %c0_i32_0 = arith.constant 0 : i32
    return %arg0, %c0_i32 : i32, i32
  }
}

</mosaic_0001>

<sc_bundles>
// kernel: kernel.5.cloned.1.call-start
scs
__scs_entry_jumppad:
0x0: {  	(pc) =	sbr.rel $0x88, $3  }
0x1: {  	(tag) =	ssettag $0x0;
	lr =	simm.s32 $0x1  }
0x2: {  	[smem:$0x3F9B] =	sst lr;
	_ =	strace $0xD0000000  }
0x3: {  	_ = 	snop  }
0x4: {  	_ = 	snop  }
0x5: {  	_ = 	snop  }
0x6: {  	_ = 	snop  }
0x7: {  	_ = 	snop  }
__scs_overlays_trampoline_lowered:
0x8: {  	[smem:$0x3FAA] =	sst s0  }
0x9: {  	[smem:$0x3FAB] =	sst s1  }
0xa: {  	[smem:$0x3FAC] =	sst s2  }
0xb: {  	[smem:$0x3FAD] =	sst s3  }
0xc: {  	[smem:$0x3FAE] =	sst s4  }
0xd: {  	[smem:$0x3FAF] =	sst s5  }
0xe: {  	[smem:$0x3FB0] =	sst s6  }
0xf: {  	[smem:$0x3FB1] =	sst s7  }
0x10: {  	[smem:$0x3FB2] =	sst s8  }
0x11: {  	[smem:$0x3FB3] =	sst s9;
	s0 =	simm.s32 @!p0 $0x0  }
0x12: {  	s1 =	sld [smem:$0x3F99];
	s0 =	simm.s32 @p0 $0x1  }
0x13: {  	[smem:$0x3FB4] =	sst s0;
	s0 =	simm.s32 @!p1 $0x0  }
0x14: {  	s2 =	sld [smem:$0x3F98];
	s0 =	simm.s32 @p1 $0x1  }
0x15: {  	[smem:$0x3FB5] =	sst s0;
	s0 =	simm.s32 @!p2 $0x0  }
0x16: {  	s3 =	sld [smem:$0x3FDB];
	s0 =	simm.s32 @p2 $0x1  }
0x17: {  	s4 =	simm.s32 $0x1BF5;
	[smem:$0x3FB7] =	sst s0  }
0x18: {  	s0 =	sld [smem:$0x3F9A];
	_ =	swait.ge [sflag:s4], $0x0  }
0x19: {  	s7 =	sld [smem:$0x3F9B]  }
0x1a: {  	s8 =	sadd.s32 $0xFFFFE003, lr  }
0x1b: {  	s9 =	sadd.s32 $0xFFFFFEF7, lr;
	s5 =	simm.s32 $0xFFFFFFFF;
	p2 =	slt.u32 s8, $0xFFFFF086  }
0x1c: {  	p1 =	slt.u32 s9, $0xF7A;
	s5 =	simm.s32 @!p2 $0x0  }
0x1d: {  	s5 =	simm.s32 @p1 $0x1;
	p0 =	seq.s32 s7, s2  }
0x1e: {  	s7 =	smul.u32 @!p0 $0xF7A, s2;
	p2 =	seq.s32 @!p0 s5, $0x0  }
0x1f: {  	s9 =	smul.u32 $0xF7A, s1;
	s8 =	simm.s32 @!p0 $0x1BF5;
	p2 =	por !p2, p0  }
0x20: {  	[sflag:s8] =	ssyncset.s32 @!p0 $0xFFFFF086;
	s6 =	sadd.s32 @!p0 s3, s7;
	s7 =	simm.s32 @!p0 $0x108  }
0x21: {  	s3 =	sadd.s32 s3, s9;
	s6 =	sadd.s32 @!p0 $0x88, s6;
	s7 =	simm.s32 @p2 $0x1082  }
0x22: {  	[simem:s7], [sflag:s8] =	dma.local @!p0 [hbm:s6], $0xF7A  }
0x23: {  	s9 =	sor.u32 $0xD0000000, s2;
	s6 =	simm.s32 $0x108;
	_ =	swait.ge @!p0 [sflag:s8], $0x0  }
0x24: {  	s3 =	sadd.s32 $0x88, s3;
	s6 =	simm.s32 @!p1 $0x1082;
	[sflag:s4] =	ssyncset.s32 $0xFFFFF086  }
0x25: {  	[simem:s6], [sflag:s4] =	dma.local [hbm:s3], $0xF7A  }
0x26: {  	[smem:$0x3F9B] =	sst s1;
	(tag) =	ssettag s2;
	_ =	strace s9  }
0x27: {  	s1 =	sld [smem:$0x3FAB]  }
0x28: {  	s2 =	sld [smem:$0x3FAC]  }
0x29: {  	s4 =	sld [smem:$0x3FAE]  }
0x2a: {  	p0 =	seq.s32 s5, $0x0;
	s5 =	sld [smem:$0x3FAF]  }
0x2b: {  	s6 =	sld [smem:$0x3FB0]  }
0x2c: {  	s7 =	sld [smem:$0x3FB1]  }
0x2d: {  	s3 =	simm.s32 $0x108;
	s8 =	sld [smem:$0x3FB2]  }
0x2e: {  	s3 =	simm.s32 @!p0 $0x1082;
	s9 =	sld [smem:$0x3FB3]  }
0x2f: {  	lr =	sadd.s32 s0, s3;
	s0 =	sld [smem:$0x3FAA]  }
0x30: {  	s3 =	sld [smem:$0x3FAD]  }
0x31: {  	[smem:$0x3FB6] =	sst s10  }
0x32: {  	s10 =	sld [smem:$0x3FB4];
	_ =	sdelay $0x3  }
0x33: {  	p0 =	seq.s32 s10, $0x1;
	s10 =	sld [smem:$0x3FB6];
	_ =	sdelay $0x3  }
0x34: {  	[smem:$0x3FB6] =	sst s10  }
0x35: {  	s10 =	sld [smem:$0x3FB5];
	_ =	sdelay $0x3  }
0x36: {  	p1 =	seq.s32 s10, $0x1;
	s10 =	sld [smem:$0x3FB6];
	_ =	sdelay $0x3  }
0x37: {  	[smem:$0x3FB6] =	sst s10  }
0x38: {  	s10 =	sld [smem:$0x3FB7]  }
0x39: {  	_ = 	snop;
	(pc) =	sbr.ind lr, $3  }
0x3a: {  	_ = 	snop  }
0x3b: {  	_ = 	snop  }
0x3c: {  	p2 =	seq.s32 s10, $0x1;
	s10 =	sld [smem:$0x3FB6]  }
0x3d: {  	_ =	shalt  }
0x3e: {  	_ =	shalt  }
0x3f: {  	_ =	shalt  }
0x40: {  	_ =	shalt  }
0x41: {  	_ =	shalt  }
0x42: {  	_ =	shalt  }
0x43: {  	_ =	shalt  }
0x44: {  	_ =	shalt  }
0x45: {  	_ =	shalt  }
0x46: {  	_ =	shalt  }
0x47: {  	_ =	shalt  }
0x48: {  	_ =	shalt  }
0x49: {  	_ =	shalt  }
0x4a: {  	_ =	shalt  }
0x4b: {  	_ =	shalt  }
0x4c: {  	_ =	shalt  }
0x4d: {  	_ =	shalt  }
0x4e: {  	_ =	shalt  }
0x4f: {  	_ =	shalt  }
0x50: {  	_ =	shalt  }
0x51: {  	_ =	shalt  }
0x52: {  	_ =	shalt  }
0x53: {  	_ =	shalt  }
0x54: {  	_ =	shalt  }
0x55: {  	_ =	shalt  }
0x56: {  	_ =	shalt  }
0x57: {  	_ =	shalt  }
0x58: {  	_ =	shalt  }
0x59: {  	_ =	shalt  }
0x5a: {  	_ =	shalt  }
0x5b: {  	_ =	shalt  }
0x5c: {  	_ =	shalt  }
0x5d: {  	_ =	shalt  }
0x5e: {  	_ =	shalt  }
0x5f: {  	_ =	shalt  }
0x60: {  	_ =	shalt  }
0x61: {  	_ =	shalt  }
0x62: {  	_ =	shalt  }
0x63: {  	_ =	shalt  }
0x64: {  	_ =	shalt  }
0x65: {  	_ =	shalt  }
0x66: {  	_ =	shalt  }
0x67: {  	_ =	shalt  }
0x68: {  	_ =	shalt  }
0x69: {  	_ =	shalt  }
0x6a: {  	_ =	shalt  }
0x6b: {  	_ =	shalt  }
0x6c: {  	_ =	shalt  }
0x6d: {  	_ =	shalt  }
0x6e: {  	_ =	shalt  }
0x6f: {  	_ =	shalt  }
0x70: {  	_ =	shalt  }
0x71: {  	_ =	shalt  }
0x72: {  	_ =	shalt  }
0x73: {  	_ =	shalt  }
0x74: {  	_ =	shalt  }
0x75: {  	_ =	shalt  }
0x76: {  	_ =	shalt  }
0x77: {  	_ =	shalt  }
0x78: {  	_ =	shalt  }
0x79: {  	_ =	shalt  }
0x7a: {  	_ =	shalt  }
0x7b: {  	_ =	shalt  }
0x7c: {  	_ =	shalt  }
0x7d: {  	_ =	shalt  }
0x7e: {  	_ =	shalt  }
0x7f: {  	_ =	shalt  }
0x80: {  	_ =	shalt  }
0x81: {  	_ =	shalt  }
0x82: {  	_ =	shalt  }
0x83: {  	_ =	shalt  }
0x84: {  	_ =	shalt  }
0x85: {  	_ =	shalt  }
0x86: {  	_ =	shalt  }
0x87: {  	_ =	shalt  }
.Lfunc_end0:
.L_simem_size_0:
called_computation_lowered:
.L_overlay_start_0:
0x88: {  	s2 =	sld [smem:$0x3FD9]  }
0x89: {  	s3 =	sld [smem:$0x3FFE];
	_ =	sdelay $0x1  }
0x8a: {  	s1 =	srdreg.scid  }
0x8b: {  	s0 =	sand.u32 $0x1, s1  }
0x8c: {  	s14 =	sshll.u32 s0, $0xA;
	s2 =	sadd.s32 s3, s2  }
0x8d: {  	s2 =	sadd.s32 s2, s14  }
0x8e: {  	[smem:$0x3FC2] =	sst s2  }
0x8f: {  	_ = 	snop  }
0x90: {  	s2 =	sld [smem:$0x3FD0]  }
0x91: {  	s15 =	sld [smem:$0x3FC7]  }
0x92: {  	s4 =	sld [smem:$0x3FC6]  }
0x93: {  	s6 =	simm.s32 $0xA;
	s7 =	simm.s32 $0x10;
	s5 =	sld [smem:$0x3FC4]  }
0x94: {  	[smem:s7], [sflag:s6] =	dma.local [hbm:s2], $0x1  }
0x95: {  	_ =	swait.eq [sflag:s6], $0x1  }
0x96: {  	[sflag:s6] =	ssyncset.done $0x0  }
0x97: {  	s16 =	sld [smem:$0x10];
	[sflag:s6] =	ssyncadd.s32 $0xFFFFFFFF  }
0x98: {  	s17 =	sld [smem:$0x11];
	(tm) =	ssettm $0x1  }
0x99: {  	s18 =	sld [smem:$0x3FFB];
	_ =	sdelay $0x3  }
0x9a: {  	_ =	strace s18  }
0x9b: {  	s7 =	sld [smem:$0x3FFC];
	_ =	sdelay $0x3  }
0x9c: {  	_ =	strace s7  }
0x9d: {  	s7 =	sld [smem:$0x3FFD];
	_ =	sdelay $0x3  }
0x9e: {  	_ =	strace s7  }
0x9f: {  	_ =	strace $0x8FFFFFFF  }
0xa0: {  	s19 =	sld [smem:$0x3FDB];
	_ =	sdelay $0x1  }
0xa1: {  	s8 =	simm.s32 $_scs_section_size  }
0xa2: {  	s9 =	simm.s32 $_size__tile_overlayer_lowered;
	s10 =	simm.s32 $_tile_overlayer_lowered  }
0xa3: {  	s22 =	simm.s32 $0x1BFF;
	s21 =	sshll.u32 s10, $0x1;
	s7 =	sadd.s32 s8, s19  }
0xa4: {  	s11 =	simm.s32 $0x0;
	s20 =	sshll.u32 s9, $0x1;
	s9 =	sadd.s32 s21, s7  }
0xa5: {  	[timem:s11], [sflag:s22] =	dma.local [hbm:s9], s20  }
0xa6: {  	_ =	swait.ge [sflag:s22], s20  }
0xa7: {  	s8 =	ssub.s32 $0x0, s20;
	[sflag:s22] =	ssyncset.done $0x0  }
0xa8: {  	[sflag:s22] =	ssyncadd.s32 s8;
	_ =	sdelay $0x1  }
0xa9: {  	s23 =	simm.s32 $0x1B8B  }
0xaa: {  	_ =	swait.ge [sflag:s23], $0x1  }
0xab: {  	[sflag:s23] =	ssyncset.done $0x0  }
0xac: {  	s25 =	simm.s32 $0x1B8E;
	s24 =	sld [smem:$0x3FFE];
	[sflag:s23] =	ssyncadd.s32 $0xFFFFFFFF  }
0xad: {  	s26 =	simm.s32 $execute0_lowered;
	[smem:$0x3FD2] =	sst s25  }
0xae: {  	s9 =	sshll.u32 s26, $0x1;
	_ =	strace $0x80000046;
	[dreg:$0x1] =	wrdreg $0xFFFFFFFF  }
0xaf: {  	s28 =	simm.s32 $_size_execute0_lowered;
	s7 =	sadd.s32 s7, s9;
	[dreg:$0x0] =	wrdreg $0x0  }
0xb0: {  	s9 =	sshll.u32 s28, $0x1;
	[dreg:$0x2] =	wrdreg s7  }
0xb1: {  	[dreg:$0x3] =	wrdreg s9  }
0xb2: {  	[dreg:$0x4] =	wrdreg $0xC0  }
0xb3: {  	_ =	task [dreg:s11], $0x5FFFF  }
0xb4: {  	[dreg:$0x1] =	wrdreg $0xFFFFFFFF  }
0xb5: {  	[dreg:$0x0] =	wrdreg $0x60  }
0xb6: {  	[dreg:$0x2] =	wrdreg s16  }
0xb7: {  	[dreg:$0x3] =	wrdreg s24  }
0xb8: {  	[dreg:$0x4] =	wrdreg s15  }
0xb9: {  	[dreg:$0x5] =	wrdreg s4  }
0xba: {  	[dreg:$0x6] =	wrdreg s5  }
0xbb: {  	[dreg:$0x7] =	wrdreg s17  }
0xbc: {  	[dreg:$0x8] =	wrdreg $0x144200  }
0xbd: {  	[dreg:$0x9] =	wrdreg $0x194200  }
0xbe: {  	[dreg:$0xa] =	wrdreg $0x9  }
0xbf: {  	_ =	task.clear_ibuf [dreg:s11], $0xBFFFF;
	_ =	strace $0x90000046  }
0xc0: {  	s29 =	simm.s32 $0x9;
	_ =	strace $0x80000048  }
0xc1: {  	_ =	swait.ge [sflag:s29], $0x1  }
0xc2: {  	[sflag:s29] =	ssyncadd.s32 $0xFFFFFFFF  }
0xc3: {  	_ =	strace $0x90000048  }
0xc4: {  	_ =	sfence  }
0xc5: {  	s30 =	sld [smem:$0x0];
	_ =	sdelay $0x2  }
0xc6: {  	s31 =	sshll.u32 s1, $0xD;
	s1 =	sshrl.u32 s1, $0x2  }
0xc7: {  	s3 =	sand.u32 $0x4000, s31;
	s1 =	sadd.s32 s1, s30  }
0xc8: {  	s0 =	sor.u32 s3, s0;
	s1 =	sshll.u32 s1, $0x11  }
0xc9: {  	s0 =	sor.u32 s1, s0  }
0xca: {  	s0 =	sadd.s32 $0x8F2B, s0  }
0xcb: {  	[sflag:s0] =	ssyncadd.remote.s32 $0x1  }
0xcc: {  	_ =	sfence.sel $0xFFFF  }
0xcd: {  	[dreg:$0x0] =	wrdreg $0xFFFFFFFF;
	(pc) =	sbr.abs _section_cstart, $3  }
0xce: {  	[dreg:$0x1] =	wrdreg $0xFFFFFFFF  }
0xcf: {  	_ =	task.clear_ibuf [dreg:s11], $0x2FFFF;
	_ =	strace $0x9FFFFFFF  }
0xd0: {  	(tm) =	ssettm $0x7FFFFFFF  }
0xd1: {  	_ =	shalt  }
tec
execute0_lowered:
.L_overlay_start_1:
0x0: {  	(tag) =	ssettag $0x1  }
0x1: {  	s0 =	rddreg [dreg:$0x0]  }
0x2: {  	s1 =	rddreg [dreg:$0x1]  }
0x3: {  	s2 =	rddreg [dreg:$0x2]  }
0x4: {  	s5 =	rddreg [dreg:$0x3]  }
0x5: {  	s13 =	rddreg [dreg:$0x5]  }
0x6: {  	s3 =	rddreg [dreg:$0x6]  }
0x7: {  	s4 =	rddreg [dreg:$0x7]  }
0x8: {  	s7 =	srdreg.scid;
	s18 =	stileid.u32  }
0x9: {  	s6 =	simm.s32 $0x0;
	s12 =	sand.u32 $0x1, s7;
	s9 =	smul.u32 $0x280, s18  }
0xa: {  	[smem:$0x7FF] =	sst s6;
	s8 =	sshll.u32 s18, $0x1;
	s7 =	sadd.s32 $0x29A00, s1  }
0xb: {  	p0 =	seq.s32 s18, $0x0;
	s10 =	smul.u32 $0x2800, s12;
	s11 =	sor.u32 s12, s8  }
0xc: {  	_ =	strace $0x80000047;
	s8 =	sadd.s32 $0x33800, s1;
	s14 =	smul.u32 $0x27, s11  }
0xd: {  	s16 =	ssub.s32 $0x2, s12;
	s12 =	sadd.s32 $0x529800, s1;
	s11 =	smul.u32 $0x28, s11  }
0xe: {  	s17 =	sshrl.u32 s16, $0x1;
	s10 =	sadd.s32 s9, s10;
	s9 =	simm.s32 $0x28  }
0xf: {  	s24 =	ssub.s32 s16, s17;
	s15 =	sshll.u32 s10, $0x2;
	s10 =	sadd.s32 $0x2, s14  }
0x10: {  	s9 =	simm.s32 @!p0 $0x27;
	s10 =	smov.u32 @p0 s11;
	p0 =	sne.s32 s18, $0x0  }
0x11: {  	s11 =	simm.s32 $0x1;
	s23 =	sadd.s32 s15, s1;
	s13 =	sadd.s32 s13, s15  }
0x12: {  	s18 =	smul.u32 $0x5000, s18;
	s1 =	smax.u32 s24, $0x1;
	[dreg:$0x11] =	wrdreg s13  }
0x13: {  	s11 =	simm.s32 @!p0 $0x0;
	[dreg:$0x15] =	wrdreg s1  }
0x14: {  	s19 =	ssub.s32 s10, s11;
	s17 =	sadd.s32 s18, s3;
	s20 =	sadd.s32 s18, s4  }
0x15: {  	s25 =	sshll.u32 s19, $0x5;
	s19 =	simm.s32 $0x100;
	[dreg:$0x9] =	wrdreg s17  }
0x16: {  	[dreg:$0xb] =	wrdreg s20;
	s16 =	sand.u32 $0x1FFFFFE0, s25;
	s19 =	simm.s32 @!p0 $0x0  }
0x17: {  	s2 =	sadd.s32 s2, s16;
	[dreg:$0xa] =	wrdreg s19  }
0x18: {  	s26 =	sadd.s32 s5, s16;
	[dreg:$0xc] =	wrdreg s2  }
0x19: {  	s28 =	sor.u32 $0x10, s19;
	[dreg:$0xd] =	wrdreg s26  }
0x1a: {  	s30 =	sor.u32 $0x20, s19;
	[dreg:$0xe] =	wrdreg s28  }
0x1b: {  	s31 =	sor.u32 $0x30, s19;
	[dreg:$0xf] =	wrdreg s30  }
0x1c: {  	s15 =	sor.u32 $0x40, s19;
	[dreg:$0x10] =	wrdreg s31  }
0x1d: {  	s16 =	sadd.s32 $0x515800, s23;
	[dreg:$0x12] =	wrdreg s15  }
0x1e: {  	s18 =	sor.u32 $0x50, s19;
	[dreg:$0x14] =	wrdreg s16  }
0x1f: {  	s21 =	sor.u32 $0x60, s19;
	[dreg:$0x16] =	wrdreg s18  }
0x20: {  	s22 =	sor.u32 $0x70, s19;
	[dreg:$0x17] =	wrdreg s21  }
0x21: {  	s23 =	sor.u32 $0x80, s19;
	[dreg:$0x18] =	wrdreg s22  }
0x22: {  	s24 =	sor.u32 $0x90, s19;
	[dreg:$0x19] =	wrdreg s23  }
0x23: {  	s25 =	sor.u32 $0xA0, s19;
	[dreg:$0x1a] =	wrdreg s24  }
0x24: {  	s29 =	sshll.u32 s10, $0xC;
	[dreg:$0x1b] =	wrdreg s25;
	s26 =	sor.u32 $0xB0, s19  }
0x25: {  	s2 =	sand.u32 $0x1FFFF000, s29;
	s28 =	sor.u32 $0xC0, s19;
	[dreg:$0x1c] =	wrdreg s26  }
0x26: {  	s29 =	sor.u32 $0xD0, s19;
	s30 =	sor.u32 $0xE0, s19;
	[dreg:$0x1d] =	wrdreg s28  }
0x27: {  	s31 =	sor.u32 $0xF0, s19;
	s23 =	simm.s32 $0xD;
	[dreg:$0x1e] =	wrdreg s29  }
0x28: {  	s24 =	simm.s32 $0x80;
	s25 =	simm.s32 $0x10;
	[dreg:$0x1f] =	wrdreg s30  }
0x29: {  	s15 =	simm.s32 $0x9;
	s2 =	sadd.s32 s8, s2;
	[smem:$0x7FD] =	sst s31  }
0x2a: {  	v0 =	vimm.f32 $0.0e+00;
	s18 =	simm.s32 $0x8;
	s19 =	simm.s32 $0xA;
	[dreg:$0x13] =	wrdreg s2  }
.LBB2_1:
0x2b: {  	s1 =	simm.s32 $0x80;
	s2 =	simm.s32 $0x0  }
.LBB2_2:
0x2c: {  	p1 =	sne.s32 s1, $0x13F80;
	[tilespmem:s2+$0xF420] =	vst v0;
	s5 =	smov.u32 s1;
	s1 =	sadd.s32 $0x80, s1  }
.Ltmp0:
0x2d: {  	[tilespmem:s2+$0xF430] =	vst v0;
	(pc) =	sbr.rel @p1 .LBB2_2-.Ltmp0, $2  }
0x2e: {  	_ =	sdelay $0x2  }
0x2f: {  	s2 =	sshra.s32 s5, $0x2  }
0x30: {  	[tilespmem:s2+$0xF420] =	vst v0  }
0x31: {  	[tilespmem:s2+$0xF430] =	vst v0;
	s1 =	simm.s32 $0xF420  }
0x32: {  	[spmem:s17] =	stream.linear.scatter [tilespmem:s1], [sflag:$0xD], $0x5000, $0x38;
	[tilespmem:$0x1E420] =	vst v63  }
0x33: {  	_ =	swait.ge [sflag:s23], $0x5000  }
0x34: {  	[sflag:s23] =	ssyncset.done $0x0  }
0x35: {  	[sflag:s23] =	ssyncadd.s32 $0xFFFFB000  }
0x36: {  	[spmem:s20] =	stream.linear.scatter [tilespmem:s1], [sflag:$0xD], $0x5000, $0x38;
	[tilespmem:$0x1E420] =	vst v63  }
0x37: {  	_ =	swait.ge [sflag:s23], $0x5000  }
0x38: {  	[sflag:s23] =	ssyncset.done $0x0  }
0x39: {  	[sflag:s23] =	ssyncadd.s32 $0xFFFFB000  }
0x3a: {  	s29 =	simm.s32 $0xF400;
	s20 =	simm.s32 $0x0;
	s28 =	rddreg [dreg:$0x4]  }
0x3b: {  	[tilespmem:s29], [sflag:$0xD] =	stream.linear.gather [hbm4b:s28+s20], $0x20, $0x38;
	[tilespmem:$0x1E420] =	vst v63  }
0x3c: {  	_ =	swait.ge [sflag:s23], $0x20  }
0x3d: {  	[sflag:s23] =	ssyncset.done $0x0  }
0x3e: {  	[sflag:s23] =	ssyncadd.s32 $0xFFFFFFE0  }
0x3f: {  	[bflag:$0x0] =	sbarrier.arrive $0xFFFF  }
0x40: {  	s31 =	simm.s32 $0x400;
	v1 =	vld [tilespmem:$0xF400];
	s30 =	rddreg [dreg:$0xc]  }
0x41: {  	v2 =	vld [tilespmem:$0xF410];
	[tilespmem:s31], [sflag:$0xD] =	stream.linear.gather [hbm4b:s30+s20], $0x2800, $0x38  }
0x42: {  	_ =	swait.ge [sflag:s23], $0x2800  }
0x43: {  	[sflag:s23] =	ssyncset.done $0x0  }
0x44: {  	s5 =	simm.s32 $0x2C00;
	s2 =	rddreg [dreg:$0xd];
	[sflag:s23] =	ssyncadd.s32 $0xFFFFD800  }
0x45: {  	[tilespmem:s5], [sflag:$0xD] =	stream.linear.gather [hbm4b:s2+s20], $0x2800, $0x38;
	[tilespmem:$0x1E420] =	vst v63  }
0x46: {  	_ =	swait.ge [sflag:s23], $0x2800  }
0x47: {  	[sflag:s23] =	ssyncset.done $0x0  }
0x48: {  	s13 =	rddreg [dreg:$0xa];
	[sflag:s23] =	ssyncadd.s32 $0xFFFFD800  }
0x49: {  	v3 =	vld [tilespmem:s13+$0x400];
	_ =	sdelay $0x4  }
0x4a: {  	[tilespmem:$0x0] =	vst v3  }
0x4b: {  	v3 =	vld [tilespmem:s13+$0x2C00];
	_ =	sdelay $0x4  }
0x4c: {  	s14 =	rddreg [dreg:$0xe];
	[tilespmem:$0x200] =	vst v3  }
0x4d: {  	v3 =	vld [tilespmem:s14+$0x400];
	_ =	sdelay $0x4  }
0x4e: {  	[tilespmem:$0x10] =	vst v3  }
0x4f: {  	v3 =	vld [tilespmem:s14+$0x2C00];
	_ =	sdelay $0x4  }
0x50: {  	s16 =	rddreg [dreg:$0xf];
	[tilespmem:$0x210] =	vst v3  }
0x51: {  	v3 =	vld [tilespmem:s16+$0x400];
	_ =	sdelay $0x4  }
0x52: {  	[tilespmem:$0x20] =	vst v3  }
0x53: {  	v3 =	vld [tilespmem:s16+$0x2C00];
	_ =	sdelay $0x4  }
0x54: {  	s17 =	rddreg [dreg:$0x10];
	[tilespmem:$0x220] =	vst v3  }
0x55: {  	v3 =	vld [tilespmem:s17+$0x400];
	_ =	sdelay $0x4  }
0x56: {  	[tilespmem:$0x30] =	vst v3  }
0x57: {  	v3 =	vld [tilespmem:s17+$0x2C00];
	_ =	sdelay $0x4  }
0x58: {  	s21 =	rddreg [dreg:$0x12];
	[tilespmem:$0x230] =	vst v3  }
0x59: {  	v3 =	vld [tilespmem:s21+$0x400];
	_ =	sdelay $0x4  }
0x5a: {  	[tilespmem:$0x40] =	vst v3  }
0x5b: {  	v3 =	vld [tilespmem:s21+$0x2C00];
	_ =	sdelay $0x4  }
0x5c: {  	s22 =	rddreg [dreg:$0x16];
	[tilespmem:$0x240] =	vst v3  }
0x5d: {  	v3 =	vld [tilespmem:s22+$0x400];
	_ =	sdelay $0x4  }
0x5e: {  	[tilespmem:$0x50] =	vst v3  }
0x5f: {  	v3 =	vld [tilespmem:s22+$0x2C00];
	_ =	sdelay $0x4  }
0x60: {  	s26 =	rddreg [dreg:$0x17];
	[tilespmem:$0x250] =	vst v3  }
0x61: {  	v3 =	vld [tilespmem:s26+$0x400];
	_ =	sdelay $0x4  }
0x62: {  	[tilespmem:$0x60] =	vst v3  }
0x63: {  	v3 =	vld [tilespmem:s26+$0x2C00];
	_ =	sdelay $0x4  }
0x64: {  	s28 =	rddreg [dreg:$0x18];
	[tilespmem:$0x260] =	vst v3  }
0x65: {  	v3 =	vld [tilespmem:s28+$0x400];
	_ =	sdelay $0x4  }
0x66: {  	[tilespmem:$0x70] =	vst v3  }
0x67: {  	v3 =	vld [tilespmem:s28+$0x2C00];
	_ =	sdelay $0x4  }
0x68: {  	s29 =	rddreg [dreg:$0x19];
	[tilespmem:$0x270] =	vst v3  }
0x69: {  	v3 =	vld [tilespmem:s29+$0x400];
	_ =	sdelay $0x4  }
0x6a: {  	[tilespmem:$0x80] =	vst v3  }
0x6b: {  	v3 =	vld [tilespmem:s29+$0x2C00];
	_ =	sdelay $0x4  }
0x6c: {  	s30 =	rddreg [dreg:$0x1a];
	[tilespmem:$0x280] =	vst v3  }
0x6d: {  	v3 =	vld [tilespmem:s30+$0x400];
	_ =	sdelay $0x4  }
0x6e: {  	[tilespmem:$0x90] =	vst v3  }
0x6f: {  	v3 =	vld [tilespmem:s30+$0x2C00];
	_ =	sdelay $0x4  }
0x70: {  	s31 =	rddreg [dreg:$0x1b];
	[tilespmem:$0x290] =	vst v3  }
0x71: {  	v3 =	vld [tilespmem:s31+$0x400];
	_ =	sdelay $0x4  }
0x72: {  	[tilespmem:$0xA0] =	vst v3  }
0x73: {  	v3 =	vld [tilespmem:s31+$0x2C00];
	_ =	sdelay $0x4  }
0x74: {  	s2 =	rddreg [dreg:$0x1c];
	[tilespmem:$0x2A0] =	vst v3  }
0x75: {  	v3 =	vld [tilespmem:s2+$0x400];
	_ =	sdelay $0x4  }
0x76: {  	[tilespmem:$0xB0] =	vst v3  }
0x77: {  	v3 =	vld [tilespmem:s2+$0x2C00];
	_ =	sdelay $0x4  }
0x78: {  	s5 =	rddreg [dreg:$0x1d];
	[tilespmem:$0x2B0] =	vst v3  }
0x79: {  	v3 =	vld [tilespmem:s5+$0x400];
	_ =	sdelay $0x4  }
0x7a: {  	[tilespmem:$0xC0] =	vst v3  }
0x7b: {  	v3 =	vld [tilespmem:s5+$0x2C00];
	_ =	sdelay $0x4  }
0x7c: {  	s13 =	rddreg [dreg:$0x1e];
	[tilespmem:$0x2C0] =	vst v3  }
0x7d: {  	v3 =	vld [tilespmem:s13+$0x400];
	_ =	sdelay $0x4  }
0x7e: {  	[tilespmem:$0xD0] =	vst v3  }
0x7f: {  	v3 =	vld [tilespmem:s13+$0x2C00];
	_ =	sdelay $0x4  }
0x80: {  	s14 =	rddreg [dreg:$0x1f];
	[tilespmem:$0x2D0] =	vst v3  }
0x81: {  	v3 =	vld [tilespmem:s14+$0x400];
	_ =	sdelay $0x4  }
0x82: {  	[tilespmem:$0xE0] =	vst v3  }
0x83: {  	v3 =	vld [tilespmem:s14+$0x2C00];
	_ =	sdelay $0x2  }
0x84: {  	s16 =	sld [smem:$0x7FD];
	_ =	sdelay $0x1  }
0x85: {  	[tilespmem:$0x2E0] =	vst v3  }
0x86: {  	v3 =	vld [tilespmem:s16+$0x400];
	_ =	sdelay $0x4  }
0x87: {  	[tilespmem:$0xF0] =	vst v3  }
0x88: {  	v3 =	vld [tilespmem:s16+$0x2C00];
	_ =	sdelay $0x4  }
0x89: {  	s17 =	simm.s32 $0x5400;
	[tilespmem:$0x2F0] =	vst v3  }
0x8a: {  	[tilespmem:s17], [sflag:$0x1] =	stream.indirect.gather [hbm4b:s0+s24], $0x20, s20, s24, $0xb8;
	[tilespmem:$0x1E420] =	vst v63  }
0x8b: {  	s21 =	simm.s32 $0x200;
	s22 =	simm.s32 $0x9400  }
0x8c: {  	[tilespmem:s22], [sflag:$0x3] =	stream.indirect.gather [hbm4b:s7+s24], $0x20, s21, s24, $0xb8;
	[tilespmem:$0x1E420] =	vst v63  }
0x8d: {  	s26 =	simm.s32 $0x6400  }
0x8e: {  	[tilespmem:s26], [sflag:$0x1] =	stream.indirect.gather [hbm4b:s0+s24], $0x20, s24, s24, $0xb8;
	[tilespmem:$0x1E420] =	vst v63  }
0x8f: {  	s28 =	simm.s32 $0x280;
	s29 =	simm.s32 $0xA400  }
0x90: {  	[tilespmem:s29], [sflag:$0x3] =	stream.indirect.gather [hbm4b:s7+s24], $0x20, s28, s24, $0xb8;
	[tilespmem:$0x1E420] =	vst v63  }
0x91: {  	p1 =	por $0x0, $0x0;
	s30 =	rddreg [dreg:$0x13];
	s31 =	simm.s32 $0xD400  }
0x92: {  	[tilespmem:s31], [sflag:$0x5] =	stream.strided.gather [hbm4b:s30+s25], $0x1000, s24, s25, $0x38;
	[tilespmem:$0x1E420] =	vst v63  }
.LBB2_4:
0x93: {  	s22 =	sadd.s32 $0x1, s20;
	p2 =	seq.s32 s20, $0x0  }
0x94: {  	s26 =	sand.u32 $0x1, s20;
	p3 =	sge.u32 @!p2 s22, s9  }
0x95: {  	s1 =	sxor.u32 $0x1, s26;
	p2 =	por p3, p2  }
0x96: {  	s2 =	sadd.s32 @!p2 $0x7, s1  }
0x97: {  	_ =	swait.ge @!p2 [sflag:s2], $0x1000  }
0x98: {  	[sflag:s2] =	ssyncset.done @!p2 $0x0  }
0x99: {  	s5 =	sadd.s32 @!p2 $0x9, s1;
	[sflag:s2] =	ssyncadd.s32 @!p2 $0xFFFFF000  }
0x9a: {  	_ =	swait.ge @!p2 [sflag:s5], $0x1000  }
0x9b: {  	[sflag:s5] =	ssyncset.done @!p2 $0x0  }
0x9c: {  	[sflag:s5] =	ssyncadd.s32 @!p2 $0xFFFFF000  }
0x9d: {  	_ =	swait.ge @!p2 [sflag:s2], $0x1000  }
0x9e: {  	[sflag:s2] =	ssyncset.done @!p2 $0x0  }
0x9f: {  	[sflag:s2] =	ssyncadd.s32 @!p2 $0xFFFFF000  }
0xa0: {  	p3 =	sge.u32 s22, s9;
	_ =	swait.ge @!p2 [sflag:s5], $0x1000  }
.Ltmp1:
0xa1: {  	[sflag:s5] =	ssyncset.done @!p2 $0x0;
	(pc) =	sbr.rel @p3 .LBB2_6-.Ltmp1, $4  }
0xa2: {  	s2 =	sadd.s32 @!p2 $0xB, s1;
	[sflag:s5] =	ssyncadd.s32 @!p2 $0xFFFFF000  }
0xa3: {  	_ =	swait.ge @!p2 [sflag:s2], $0x1000  }
0xa4: {  	[sflag:s2] =	ssyncset.done @!p2 $0x0  }
0xa5: {  	[sflag:s2] =	ssyncadd.s32 @!p2 $0xFFFFF000  }
0xa6: {  	s2 =	sadd.s32 s11, s22  }
0xa7: {  	s5 =	sshll.u32 s2, $0x8  }
0xa8: {  	v3 =	vld [tilespmem:s5+$0x400];
	_ =	sdelay $0x3  }
0xa9: {  	s29 =	sshll.u32 s1, $0x8  }
0xaa: {  	[tilespmem:s29+$0x0] =	vst v3  }
0xab: {  	v3 =	vld [tilespmem:s5+$0x2C00];
	_ =	sdelay $0x4  }
0xac: {  	[tilespmem:s29+$0x200] =	vst v3  }
0xad: {  	v3 =	vld [tilespmem:s5+$0x410];
	_ =	sdelay $0x4  }
0xae: {  	[tilespmem:s29+$0x10] =	vst v3  }
0xaf: {  	v3 =	vld [tilespmem:s5+$0x2C10];
	_ =	sdelay $0x4  }
0xb0: {  	[tilespmem:s29+$0x210] =	vst v3  }
0xb1: {  	v3 =	vld [tilespmem:s5+$0x420];
	_ =	sdelay $0x4  }
0xb2: {  	[tilespmem:s29+$0x20] =	vst v3  }
0xb3: {  	v3 =	vld [tilespmem:s5+$0x2C20];
	_ =	sdelay $0x4  }
0xb4: {  	[tilespmem:s29+$0x220] =	vst v3  }
0xb5: {  	v3 =	vld [tilespmem:s5+$0x430];
	_ =	sdelay $0x4  }
0xb6: {  	[tilespmem:s29+$0x30] =	vst v3  }
0xb7: {  	v3 =	vld [tilespmem:s5+$0x2C30];
	_ =	sdelay $0x4  }
0xb8: {  	[tilespmem:s29+$0x230] =	vst v3  }
0xb9: {  	v3 =	vld [tilespmem:s5+$0x440];
	_ =	sdelay $0x4  }
0xba: {  	[tilespmem:s29+$0x40] =	vst v3  }
0xbb: {  	v3 =	vld [tilespmem:s5+$0x2C40];
	_ =	sdelay $0x4  }
0xbc: {  	[tilespmem:s29+$0x240] =	vst v3  }
0xbd: {  	v3 =	vld [tilespmem:s5+$0x450];
	_ =	sdelay $0x4  }
0xbe: {  	[tilespmem:s29+$0x50] =	vst v3  }
0xbf: {  	v3 =	vld [tilespmem:s5+$0x2C50];
	_ =	sdelay $0x4  }
0xc0: {  	[tilespmem:s29+$0x250] =	vst v3  }
0xc1: {  	v3 =	vld [tilespmem:s5+$0x460];
	_ =	sdelay $0x4  }
0xc2: {  	[tilespmem:s29+$0x60] =	vst v3  }
0xc3: {  	v3 =	vld [tilespmem:s5+$0x2C60];
	_ =	sdelay $0x4  }
0xc4: {  	[tilespmem:s29+$0x260] =	vst v3  }
0xc5: {  	v3 =	vld [tilespmem:s5+$0x470];
	_ =	sdelay $0x4  }
0xc6: {  	[tilespmem:s29+$0x70] =	vst v3  }
0xc7: {  	v3 =	vld [tilespmem:s5+$0x2C70];
	_ =	sdelay $0x4  }
0xc8: {  	[tilespmem:s29+$0x270] =	vst v3  }
0xc9: {  	v3 =	vld [tilespmem:s5+$0x480];
	_ =	sdelay $0x4  }
0xca: {  	[tilespmem:s29+$0x80] =	vst v3  }
0xcb: {  	v3 =	vld [tilespmem:s5+$0x2C80];
	_ =	sdelay $0x4  }
0xcc: {  	[tilespmem:s29+$0x280] =	vst v3  }
0xcd: {  	v3 =	vld [tilespmem:s5+$0x490];
	_ =	sdelay $0x4  }
0xce: {  	[tilespmem:s29+$0x90] =	vst v3  }
0xcf: {  	v3 =	vld [tilespmem:s5+$0x2C90];
	_ =	sdelay $0x4  }
0xd0: {  	[tilespmem:s29+$0x290] =	vst v3  }
0xd1: {  	v3 =	vld [tilespmem:s5+$0x4A0];
	_ =	sdelay $0x4  }
0xd2: {  	[tilespmem:s29+$0xA0] =	vst v3  }
0xd3: {  	v3 =	vld [tilespmem:s5+$0x2CA0];
	_ =	sdelay $0x4  }
0xd4: {  	[tilespmem:s29+$0x2A0] =	vst v3  }
0xd5: {  	v3 =	vld [tilespmem:s5+$0x4B0];
	_ =	sdelay $0x4  }
0xd6: {  	[tilespmem:s29+$0xB0] =	vst v3  }
0xd7: {  	v3 =	vld [tilespmem:s5+$0x2CB0];
	_ =	sdelay $0x4  }
0xd8: {  	[tilespmem:s29+$0x2B0] =	vst v3  }
0xd9: {  	v3 =	vld [tilespmem:s5+$0x4C0];
	_ =	sdelay $0x4  }
0xda: {  	[tilespmem:s29+$0xC0] =	vst v3  }
0xdb: {  	v3 =	vld [tilespmem:s5+$0x2CC0];
	_ =	sdelay $0x4  }
0xdc: {  	[tilespmem:s29+$0x2C0] =	vst v3  }
0xdd: {  	v3 =	vld [tilespmem:s5+$0x4D0];
	_ =	sdelay $0x4  }
0xde: {  	[tilespmem:s29+$0xD0] =	vst v3  }
0xdf: {  	v3 =	vld [tilespmem:s5+$0x2CD0];
	_ =	sdelay $0x4  }
0xe0: {  	[tilespmem:s29+$0x2D0] =	vst v3  }
0xe1: {  	v3 =	vld [tilespmem:s5+$0x4E0];
	_ =	sdelay $0x4  }
0xe2: {  	[tilespmem:s29+$0xE0] =	vst v3  }
0xe3: {  	v3 =	vld [tilespmem:s5+$0x2CE0];
	_ =	sdelay $0x4  }
0xe4: {  	[tilespmem:s29+$0x2E0] =	vst v3  }
0xe5: {  	v3 =	vld [tilespmem:s5+$0x4F0];
	_ =	sdelay $0x4  }
0xe6: {  	[tilespmem:s29+$0xF0] =	vst v3  }
0xe7: {  	v3 =	vld [tilespmem:s5+$0x2CF0];
	_ =	sdelay $0x3  }
0xe8: {  	s30 =	sshll.u32 s1, $0xD  }
0xe9: {  	s14 =	sadd.s32 $0x1, s1;
	s13 =	sor.u32 $0x5400, s30;
	[tilespmem:s29+$0x2F0] =	vst v3  }
0xea: {  	[tilespmem:s13], [sflag:s14] =	stream.indirect.gather [hbm4b:s0+s24], $0x20, s29, s24, $0xb8;
	[tilespmem:$0x1E420] =	vst v63  }
0xeb: {  	s17 =	sadd.s32 $0x3, s1;
	s31 =	sor.u32 $0x200, s29;
	s16 =	sor.u32 $0x9400, s30  }
0xec: {  	[tilespmem:s16], [sflag:s17] =	stream.indirect.gather [hbm4b:s7+s24], $0x20, s31, s24, $0xb8;
	[tilespmem:$0x1E420] =	vst v63  }
0xed: {  	s21 =	sor.u32 $0x80, s29;
	s28 =	sadd.s32 $0x6400, s30  }
0xee: {  	[tilespmem:s28], [sflag:s14] =	stream.indirect.gather [hbm4b:s0+s24], $0x20, s21, s24, $0xb8;
	[tilespmem:$0x1E420] =	vst v63  }
0xef: {  	s2 =	sor.u32 $0x280, s29;
	s5 =	sadd.s32 $0xA400, s30;
	s29 =	sadd.s32 s10, s22  }
0xf0: {  	[tilespmem:s5], [sflag:s17] =	stream.indirect.gather [hbm4b:s7+s24], $0x20, s2, s24, $0xb8;
	[tilespmem:$0x1E420] =	vst v63  }
0xf1: {  	s30 =	sshll.u32 s1, $0xC;
	s2 =	sshll.u32 s29, $0xC  }
0xf2: {  	s31 =	sadd.s32 $0x5, s1;
	s5 =	sadd.s32 $0xD400, s30;
	s2 =	sadd.s32 s8, s2  }
0xf3: {  	[tilespmem:s5], [sflag:s31] =	stream.strided.gather [hbm4b:s2+s25], $0x1000, s24, s25, $0x38;
	[tilespmem:$0x1E420] =	vst v63  }
.LBB2_6:
0xf4: {  	s1 =	sadd.s32 $0x1, s26  }
0xf5: {  	_ =	swait.ge [sflag:s1], $0x1000  }
0xf6: {  	[sflag:s1] =	ssyncset.done $0x0  }
0xf7: {  	s2 =	sadd.s32 $0x3, s26;
	[sflag:s1] =	ssyncadd.s32 $0xFFFFF000  }
0xf8: {  	_ =	swait.ge [sflag:s2], $0x1000  }
0xf9: {  	[sflag:s2] =	ssyncset.done $0x0  }
0xfa: {  	[sflag:s2] =	ssyncadd.s32 $0xFFFFF000  }
0xfb: {  	_ =	swait.ge [sflag:s1], $0x1000  }
0xfc: {  	[sflag:s1] =	ssyncset.done $0x0  }
0xfd: {  	[sflag:s1] =	ssyncadd.s32 $0xFFFFF000  }
0xfe: {  	_ =	swait.ge [sflag:s2], $0x1000  }
0xff: {  	[sflag:s2] =	ssyncset.done $0x0  }
0x100: {  	s17 =	sadd.s32 $0x5, s26;
	s1 =	simm.s32 $0x1;
	[sflag:s2] =	ssyncadd.s32 $0xFFFFF000  }
0x101: {  	s1 =	simm.s32 @!p1 $0x0;
	_ =	swait.ge [sflag:s17], $0x1000  }
0x102: {  	s5 =	sshll.u32 s1, $0xC;
	[sflag:s17] =	ssyncset.done $0x0  }
0x103: {  	s29 =	sadd.s32 $0xD420, s5;
	[sflag:s17] =	ssyncadd.s32 $0xFFFFF000  }
0x104: {  	v5 =	vld [tilespmem:s29+$0xFFFFFFF0]  }
0x105: {  	s1 =	sshll.u32 s1, $0xD  }
0x106: {  	s31 =	sor.u32 $0x9440, s1  }
0x107: {  	v3 =	vld [tilespmem:s31+$0xFFFFFFD0]  }
0x108: {  	s1 =	sor.u32 $0x5440, s1;
	v6 =	vld [tilespmem:s31+$0x30]  }
0x109: {  	v7 =	vld [tilespmem:s1+$0xFFFFFFE0];
	v4 =	vmul.f32 $1.442695020e+00, v5  }
0x10a: {  	v11 =	vld [tilespmem:s29+$0xFFFFFFE0]  }
0x10b: {  	v10 =	vld [tilespmem:s29+$0x10];
	(erf) = vpow2.f32 v4  }
0x10c: {  	v8 =	vld [tilespmem:s1+$0x30]  }
0x10d: {  	v12 =	vld [tilespmem:s31+$0xFFFFFFF0]  }
0x10e: {  	v4 =	vld [tilespmem:s31+$0xFFFFFFE0]  }
0x10f: {  	v14 =	vld [tilespmem:s1+$0xFFFFFFF0]  }
0x110: {  	v15 =	vld [tilespmem:s1+$0xFFFFFFC0];
	v13 =	vmul.f32 $1.442695020e+00, v11  }
0x111: {  	v16 =	vld [tilespmem:s29+$0x0]  }
0x112: {  	v19 =	vld [tilespmem:s31+$0xFFFFFFC0]  }
0x113: {  	v20 =	vld [tilespmem:s1+$0xFFFFFFD0];
	v18 =	vmul.f32 $1.442695020e+00, v10;
	v17 =	vadd.f32 v4, v7  }
0x114: {  	v24 =	vld [tilespmem:s1+$0x0];
	v22 =	vadd.f32 v12, v14;
	v23 =	vmul.f32 v6, v2;
	(erf) = vpow2.f32 v13;
	v13 =	vpop (erf)  }
0x115: {  	v21 =	vld [tilespmem:s31+$0x20];
	v12 =	vmul.f32 v12, v2;
	(erf) = vpow2.f32 v18;
	v17 =	vadd.f32 v13, v17  }
0x116: {  	v28 =	vld [tilespmem:s31+$0x0];
	v26 =	vmul.f32 v8, v2;
	v14 =	vmul.f32 v14, v2;
	v6 =	vadd.f32 v6, v8  }
0x117: {  	v31 =	vld [tilespmem:s31+$0x10];
	v8 =	vadd.f32 v19, v15;
	v25 =	vmul.f32 $1.442695020e+00, v16;
	(erf) = vrcp.f32 v17  }
0x118: {  	v27 =	vadd.f32 v3, v20;
	v20 =	vmul.f32 v20, v2;
	v18 =	vmul.f32 v4, v1;
	v4 =	vld [tilespmem:s1+$0x20]  }
0x119: {  	v9 =	vld [tilespmem:s1+$0x10];
	v15 =	vmul.f32 v15, v1;
	v32 =	vmul.f32 v24, v1;
	v22 =	vadd.f32 v13, v22  }
0x11a: {  	v34 =	vmul.f32 v3, v2;
	v7 =	vmul.f32 v7, v1  }
0x11b: {  	v39 =	vmul.f32 v28, v1;
	(erf) = vrcp.f32 v22  }
0x11c: {  	v42 =	vmul.f32 v31, v2;
	v19 =	vmul.f32 v19, v1;
	v7 =	vsub.f32 $0.0e+00, v7  }
0x11d: {  	s28 =	sadd.s32 $0x40, s29;
	v29 =	vpop (erf);
	v33 =	vmul.f32 v4, v1;
	v22 =	vmul.f32 v21, v1;
	v21 =	vadd.f32 v21, v4  }
0x11e: {  	s2 =	sadd.s32 $0x80, s1;
	v8 =	vadd.f32 v29, v8;
	v30 =	vpop (erf);
	v17 =	vmul.f32 v9, v2;
	v4 =	vld [tilespmem:s28+$0xFFFFFFF0];
	(erf) = vpow2.f32 v25  }
0x11f: {  	v55 =	vld [tilespmem:s2+$0xFFFFFFD0];
	v41 =	vmul.f32 v30, v2;
	v25 =	vmul.f32 v13, v1;
	v21 =	vadd.f32 v30, v21  }
0x120: {  	v3 =	vadd.f32 v30, v6;
	v13 =	vmul.f32 v13, v2;
	v36 =	vpop (erf);
	(erf) = vrcp.f32 v8  }
0x121: {  	v6 =	vmul.f32 v36, v25;
	(erf) = vrcp.f32 v21  }
0x122: {  	s30 =	sadd.s32 $0x80, s31;
	v37 =	vmul.f32 v36, v7;
	v7 =	vsub.f32 $0.0e+00, v14;
	v14 =	vmul.f32 v29, v1  }
0x123: {  	v8 =	vadd.f32 v29, v27;
	v27 =	vld [tilespmem:s30+$0x30];
	v21 =	vmul.f32 $1.442695020e+00, v4;
	v36 =	vmul.f32 v36, v18  }
0x124: {  	v40 =	vld [tilespmem:s2+$0xFFFFFFE0];
	v18 =	vmul.f32 v55, v2;
	(erf) = vrcp.f32 v3;
	v3 =	vpop (erf)  }
0x125: {  	v15 =	vsub.f32 $0.0e+00, v15;
	(erf) = vrcp.f32 v8;
	v38 =	vmul.f32 v3, v12;
	v12 =	vld [tilespmem:s30+$0xFFFFFFE0]  }
0x126: {  	v8 =	vadd.f32 v28, v24;
	v35 =	vmul.f32 v3, v7;
	v6 =	vadd.f32 v6, v5;
	v5 =	vld [tilespmem:s28+$0xFFFFFFE0]  }
0x127: {  	v9 =	vadd.f32 v31, v9;
	v28 =	vld [tilespmem:s2+$0x30];
	v24 =	vmul.f32 v29, v2;
	v13 =	vmul.f32 v3, v13;
	v7 =	vpop (erf)  }
0x128: {  	v47 =	vld [tilespmem:s2+$0x0];
	v3 =	vmul.f32 v27, v2;
	(erf) = vpow2.f32 v21;
	v29 =	vadd.f32 v7, v8  }
0x129: {  	v49 =	vadd.f32 v6, v13;
	v13 =	vld [tilespmem:s30+$0x0];
	v43 =	vadd.f32 v7, v9;
	v48 =	vmul.f32 v7, v2  }
0x12a: {  	v31 =	vld [tilespmem:s2+$0x10];
	v50 =	vmul.f32 v7, v1;
	v7 =	vsub.f32 $0.0e+00, v20;
	(erf) = vrcp.f32 v29  }
0x12b: {  	v6 =	vld [tilespmem:s28+$0x10];
	v9 =	vmul.f32 v12, v1;
	v20 =	vadd.f32 v12, v40;
	v60 =	vmul.f32 $1.442695020e+00, v5  }
0x12c: {  	v8 =	vld [tilespmem:s30+$0x10];
	v12 =	vmul.f32 v30, v1;
	v56 =	vadd.f32 v27, v28;
	v40 =	vmul.f32 v40, v1;
	v21 =	vpop (erf)  }
0x12d: {  	v25 =	vld [tilespmem:s30+$0xFFFFFFD0];
	v44 =	vmul.f32 v21, v15;
	v15 =	vsub.f32 $0.0e+00, v26;
	v45 =	vpop (erf);
	v29 =	vmul.f32 v21, v14  }
0x12e: {  	(erf) = vrcp.f32 v43;
	v27 =	vadd.f32 v13, v47;
	v47 =	vmul.f32 v47, v1;
	v43 =	vpop (erf)  }
0x12f: {  	v52 =	vld [tilespmem:s30+$0xFFFFFFF0];
	v46 =	vsub.f32 $0.0e+00, v17;
	v61 =	vmul.f32 v45, v12;
	v51 =	vmul.f32 v43, v15  }
0x130: {  	v15 =	vmul.f32 v21, v19;
	v30 =	vadd.f32 v29, v11;
	v11 =	vmul.f32 v31, v2  }
0x131: {  	v17 =	vpop (erf);
	v29 =	vld [tilespmem:s2+$0xFFFFFFF0];
	v19 =	vadd.f32 v8, v31;
	(erf) = vpow2.f32 v60;
	v31 =	vmul.f32 $1.442695020e+00, v6  }
0x132: {  	[tilespmem:s1+$0xFFFFFFF0] =	vst v35;
	v26 =	vld [tilespmem:s2+$0xFFFFFFC0];
	v35 =	vmul.f32 v43, v23;
	v23 =	vadd.f32 v25, v55;
	v25 =	vmul.f32 v25, v2  }
0x133: {  	v14 =	vmul.f32 v17, v34;
	v21 =	vmul.f32 v17, v7  }
0x134: {  	v53 =	vsub.f32 $0.0e+00, v33;
	v7 =	vld [tilespmem:s28+$0x0];
	v54 =	vmul.f32 v17, v24;
	v17 =	vmul.f32 v52, v2;
	v24 =	vpop (erf)  }
0x135: {  	v34 =	vmul.f32 v43, v41;
	(erf) = vpow2.f32 v31;
	v62 =	vadd.f32 v24, v20  }
0x136: {  	v63 =	vld [tilespmem:s30+$0x20];
	[tilespmem:s1+$0xFFFFFFE0] =	vst v37;
	v31 =	vadd.f32 v61, v10;
	v20 =	vmul.f32 v28, v2;
	v10 =	vadd.f32 v52, v29  }
0x137: {  	[tilespmem:s31+$0xFFFFFFE0] =	vst v36;
	v12 =	vld [tilespmem:s30+$0xFFFFFFC0];
	v33 =	vmul.f32 v26, v1;
	v36 =	vadd.f32 v30, v54;
	(erf) = vrcp.f32 v62  }
0x138: {  	v57 =	vld [tilespmem:s2+$0x20];
	[tilespmem:s31+$0xFFFFFFF0] =	vst v38;
	v30 =	vmul.f32 v24, v1;
	v28 =	vpop (erf);
	v29 =	vmul.f32 v29, v2;
	v61 =	vadd.f32 v24, v10  }
0x139: {  	v32 =	vsub.f32 $0.0e+00, v32;
	[tilespmem:s29+$0xFFFFFFF0] =	vst v49;
	v50 =	vmul.f32 v28, v50;
	v60 =	vmul.f32 $1.442695020e+00, v7;
	v59 =	vpop (erf)  }
0x13a: {  	v40 =	vsub.f32 $0.0e+00, v40;
	[tilespmem:s1+$0xFFFFFFC0] =	vst v44;
	v62 =	vmul.f32 v59, v46;
	(erf) = vrcp.f32 v61  }
0x13b: {  	[tilespmem:s1+$0x30] =	vst v51;
	v38 =	vadd.f32 v50, v16;
	v16 =	vmul.f32 v28, v32;
	(erf) = vpow2.f32 v60  }
0x13c: {  	v58 =	vadd.f32 v12, v26;
	v10 =	vmul.f32 v63, v1;
	v26 =	vmul.f32 v59, v42;
	[tilespmem:s1+$0x10] =	vst v62  }
0x13d: {  	v63 =	vadd.f32 v63, v57;
	v42 =	vmul.f32 v59, v48;
	v32 =	vpop (erf);
	[tilespmem:s1+$0x0] =	vst v16;
	v16 =	vmul.f32 v28, v39  }
0x13e: {  	s21 =	sshll.u32 s26, $0xC;
	v41 =	vadd.f32 v32, v23;
	v44 =	vadd.f32 v32, v58;
	v23 =	vpop (erf);
	[tilespmem:s31+$0x10] =	vst v26;
	v26 =	vmul.f32 v45, v53  }
0x13f: {  	s16 =	sshll.u32 s26, $0xD;
	s5 =	sadd.s32 $0xD400, s21;
	s21 =	sadd.s32 $0x40, s28;
	v39 =	vmul.f32 v45, v22;
	v28 =	vmul.f32 v57, v1;
	v43 =	vadd.f32 v23, v63;
	[tilespmem:s31+$0x0] =	vst v16  }
0x140: {  	s14 =	sadd.s32 $0x80, s2;
	s13 =	sadd.s32 $0x80, s30;
	s17 =	simm.s32 $0x4;
	v37 =	vadd.f32 v23, v56;
	v16 =	vsub.f32 $0.0e+00, v47;
	[tilespmem:s1+$0x20] =	vst v26;
	v22 =	vpop (erf);
	(erf) = vrcp.f32 v44  }
.LBB2_7:
0x141: {  	v44 =	vld [tilespmem:s21+$0xFFFFFFF0];
	s17 =	sadd.s32 $0x4, s17;
	v45 =	vmul.f32 v22, v30;
	(erf) = vrcp.f32 v43;
	v31 =	vadd.f32 v31, v34  }
0x142: {  	v34 =	vmul.f32 v22, v40;
	v30 =	vmul.f32 v13, v1;
	v13 =	vadd.f32 v38, v42;
	v26 =	vld [tilespmem:s13+$0xFFFFFFD0];
	p2 =	slt.u32 s17, $0xFC  }
0x143: {  	v29 =	vsub.f32 $0.0e+00, v29;
	v24 =	vmul.f32 v24, v2;
	v38 =	vld [tilespmem:s13+$0x30];
	v40 =	vpop (erf);
	(erf) = vrcp.f32 v37;
	[tilespmem:s31+$0x30] =	vst v35  }
0x144: {  	v42 =	vmul.f32 v32, v1;
	v43 =	vadd.f32 v45, v4;
	v35 =	vld [tilespmem:s14+$0x30];
	(erf) = vrcp.f32 v41;
	v41 =	vpop (erf);
	[tilespmem:s1+$0xFFFFFFD0] =	vst v21;
	s1 =	smov.u32 s2;
	s2 =	smov.u32 s14  }
0x145: {  	v21 =	vmul.f32 v40, v29;
	v17 =	vmul.f32 v40, v17;
	v45 =	vld [tilespmem:s14+$0xFFFFFFE0];
	v27 =	vadd.f32 v41, v27;
	[tilespmem:s31+$0xFFFFFFC0] =	vst v15  }
0x146: {  	v32 =	vmul.f32 v32, v2;
	v19 =	vadd.f32 v41, v19;
	v15 =	vld [tilespmem:s13+$0xFFFFFFE0];
	v29 =	vmul.f32 $1.442695020e+00, v44;
	[tilespmem:s31+$0xFFFFFFD0] =	vst v14;
	v4 =	vmovc v44  }
0x147: {  	v20 =	vsub.f32 $0.0e+00, v20;
	v37 =	vmul.f32 v8, v2;
	v14 =	vmul.f32 v40, v24;
	v44 =	vld [tilespmem:s14+$0x10];
	[tilespmem:s29+$0xFFFFFFE0] =	vst v36  }
0x148: {  	v12 =	vmul.f32 v12, v1;
	v24 =	vsub.f32 $0.0e+00, v33;
	v8 =	vld [tilespmem:s13+$0x10];
	v36 =	vmul.f32 v38, v2;
	[tilespmem:s31+$0x20] =	vst v39;
	s31 =	smov.u32 s30;
	s30 =	smov.u32 s13  }
0x149: {  	v40 =	vmul.f32 v23, v2;
	v39 =	vsub.f32 $0.0e+00, v11;
	v33 =	vld [tilespmem:s14+$0xFFFFFFC0];
	(erf) = vpow2.f32 v29;
	v11 =	vpop (erf);
	[tilespmem:s29+$0x10] =	vst v31  }
0x14a: {  	v43 =	vadd.f32 v43, v14;
	v29 =	vld [tilespmem:s21+$0xFFFFFFE0];
	v24 =	vmul.f32 v11, v24;
	(erf) = vrcp.f32 v27;
	v46 =	vpop (erf);
	[tilespmem:s29+$0x0] =	vst v13;
	s29 =	smov.u32 s28;
	s28 =	smov.u32 s21  }
0x14b: {  	v18 =	vsub.f32 $0.0e+00, v18;
	v14 =	vmul.f32 v11, v42;
	v47 =	vmul.f32 v15, v1;
	v48 =	vld [tilespmem:s14+$0x0];
	[tilespmem:s1+$0xFFFFFFF0] =	vst v21  }
0x14c: {  	v42 =	vmul.f32 v41, v2;
	v31 =	vadd.f32 v15, v45;
	v13 =	vld [tilespmem:s13+$0x0];
	[tilespmem:s1+$0xFFFFFFC0] =	vst v24;
	(erf) = vrcp.f32 v19;
	v49 =	vpop (erf)  }
0x14d: {  	v41 =	vmul.f32 v41, v1;
	v51 =	vadd.f32 v14, v5;
	v50 =	vld [tilespmem:s13+$0xFFFFFFF0];
	v19 =	vmul.f32 v49, v20;
	v20 =	vpop (erf)  }
0x14e: {  	v15 =	vmul.f32 v11, v12;
	v52 =	vld [tilespmem:s21+$0x10];
	v14 =	vmul.f32 v20, v25  }
0x14f: {  	v28 =	vsub.f32 $0.0e+00, v28;
	v23 =	vmul.f32 v23, v1;
	v54 =	vmul.f32 $1.442695020e+00, v29;
	v25 =	vld [tilespmem:s14+$0xFFFFFFF0];
	[tilespmem:s1+$0x30] =	vst v19;
	v5 =	vmovc v29  }
0x150: {  	v11 =	vmul.f32 v44, v2;
	v21 =	vmul.f32 v20, v18;
	v53 =	vld [tilespmem:s21+$0x0];
	[tilespmem:s1+$0xFFFFFFE0] =	vst v34  }
0x151: {  	v18 =	vmul.f32 v46, v23;
	v19 =	vadd.f32 v8, v44;
	v44 =	vmul.f32 v20, v32;
	v12 =	vld [tilespmem:s13+$0xFFFFFFC0];
	[tilespmem:s31+$0xFFFFFFF0] =	vst v17  }
0x152: {  	v27 =	vadd.f32 v13, v48;
	v23 =	vld [tilespmem:s14+$0xFFFFFFD0];
	v17 =	vmul.f32 v50, v2;
	(erf) = vpow2.f32 v54;
	v24 =	vpop (erf)  }
0x153: {  	v20 =	vmul.f32 v35, v2;
	v32 =	vadd.f32 v24, v31;
	v31 =	vmul.f32 $1.442695020e+00, v52;
	v54 =	vpop (erf)  }
0x154: {  	v56 =	vadd.f32 v38, v35;
	v29 =	vmul.f32 v25, v2;
	v55 =	vld [tilespmem:s13+$0x20];
	v38 =	vmul.f32 v54, v41  }
0x155: {  	v25 =	vadd.f32 v50, v25;
	v50 =	vld [tilespmem:s14+$0x20];
	(erf) = vpow2.f32 v31;
	v31 =	vadd.f32 v18, v6;
	v57 =	vpop (erf)  }
0x156: {  	v34 =	vmul.f32 v49, v40;
	v41 =	vmul.f32 v45, v1;
	v6 =	vmovc v52;
	v58 =	vadd.f32 v12, v33  }
0x157: {  	v35 =	vmul.f32 v49, v3;
	v3 =	vmovc v36;
	v45 =	vadd.f32 v26, v23;
	(erf) = vrcp.f32 v32  }
0x158: {  	v22 =	vmul.f32 v22, v9;
	v9 =	vmovc v47;
	v49 =	vmul.f32 $1.442695020e+00, v53;
	v25 =	vadd.f32 v24, v25  }
0x159: {  	v39 =	vmul.f32 v57, v39;
	v38 =	vadd.f32 v38, v7;
	v7 =	vmovc v53;
	v47 =	vmul.f32 v55, v1  }
0x15a: {  	v16 =	vmul.f32 v54, v16;
	v18 =	vmul.f32 v23, v2;
	v52 =	vadd.f32 v55, v50;
	[tilespmem:s31+$0xFFFFFFE0] =	vst v22  }
0x15b: {  	v36 =	vadd.f32 v51, v44;
	v33 =	vmul.f32 v33, v1;
	v32 =	vpop (erf);
	(erf) = vrcp.f32 v25;
	[tilespmem:s1+$0x10] =	vst v39  }
0x15c: {  	v40 =	vsub.f32 $0.0e+00, v41;
	v25 =	vmul.f32 v54, v30;
	(erf) = vpow2.f32 v49;
	[tilespmem:s1+$0x0] =	vst v16  }
.Ltmp2:
0x15d: {  	v30 =	vmul.f32 v24, v1;
	v41 =	vadd.f32 v32, v45;
	v16 =	vmul.f32 v57, v37;
	[tilespmem:s29+$0xFFFFFFF0] =	vst v43;
	(pc) =	sbr.rel @p2 .LBB2_7-.Ltmp2, $4  }
0x15e: {  	v39 =	vmul.f32 v46, v10;
	v44 =	vadd.f32 v32, v58;
	v45 =	vmul.f32 v48, v1;
	v23 =	vpop (erf)  }
0x15f: {  	v46 =	vmul.f32 v46, v28;
	v43 =	vadd.f32 v23, v52;
	v37 =	vadd.f32 v23, v56;
	[tilespmem:s31+$0x10] =	vst v16  }
0x160: {  	v42 =	vmul.f32 v57, v42;
	v28 =	vmul.f32 v50, v1;
	v16 =	vsub.f32 $0.0e+00, v45;
	v22 =	vpop (erf);
	[tilespmem:s31+$0x0] =	vst v25  }
0x161: {  	s21 =	sadd.s32 $0x40, s21;
	s13 =	sadd.s32 $0x80, s13;
	s14 =	sadd.s32 $0x80, s14;
	v10 =	vmov v47;
	v25 =	vmul.f32 v26, v2;
	(erf) = vrcp.f32 v44;
	[tilespmem:s1+$0x20] =	vst v46  }
0x162: {  	[tilespmem:s31+$0x30] =	vst v35  }
0x163: {  	(erf) = vrcp.f32 v43;
	[tilespmem:s1+$0xFFFFFFD0] =	vst v21  }
0x164: {  	[tilespmem:s31+$0x20] =	vst v39;
	v26 =	vpop (erf);
	(erf) = vrcp.f32 v37  }
0x165: {  	v61 =	vadd.f32 v31, v34;
	[tilespmem:s31+$0xFFFFFFC0] =	vst v15;
	v60 =	vpop (erf)  }
0x166: {  	v34 =	vadd.f32 v38, v42;
	v38 =	vmul.f32 v22, v30;
	[tilespmem:s31+$0xFFFFFFD0] =	vst v14;
	v27 =	vadd.f32 v60, v27  }
0x167: {  	v62 =	vsub.f32 $0.0e+00, v29;
	v40 =	vmul.f32 v22, v40;
	[tilespmem:s29+$0xFFFFFFE0] =	vst v36;
	(erf) = vrcp.f32 v41  }
0x168: {  	v13 =	vmul.f32 v13, v1;
	[tilespmem:s29+$0x10] =	vst v61;
	v19 =	vadd.f32 v60, v19;
	(erf) = vrcp.f32 v27  }
0x169: {  	v42 =	vmul.f32 v24, v2;
	[tilespmem:s29+$0x0] =	vst v34;
	v15 =	vmul.f32 v26, v62  }
0x16a: {  	v35 =	vsub.f32 $0.0e+00, v33;
	[tilespmem:s2+$0xFFFFFFE0] =	vst v40;
	v17 =	vmul.f32 v26, v17;
	(erf) = vrcp.f32 v19  }
0x16b: {  	v44 =	vmul.f32 v32, v1;
	v9 =	vmul.f32 v22, v9;
	v51 =	vsub.f32 $0.0e+00, v28;
	[tilespmem:s2+$0xFFFFFFF0] =	vst v15;
	v63 =	vpop (erf)  }
0x16c: {  	v20 =	vsub.f32 $0.0e+00, v20;
	v46 =	vmul.f32 v32, v2;
	[tilespmem:s30+$0xFFFFFFF0] =	vst v17;
	v36 =	vpop (erf);
	v27 =	vmul.f32 v63, v35  }
0x16d: {  	v8 =	vmul.f32 v8, v2;
	[tilespmem:s30+$0xFFFFFFE0] =	vst v9;
	v55 =	vmul.f32 v36, v51;
	v39 =	vpop (erf)  }
0x16e: {  	v12 =	vmul.f32 v12, v1;
	[tilespmem:s2+$0xFFFFFFC0] =	vst v27;
	v41 =	vmul.f32 v39, v20  }
0x16f: {  	v4 =	vadd.f32 v38, v4;
	v20 =	vmul.f32 v26, v42;
	v3 =	vmul.f32 v39, v3;
	[tilespmem:s2+$0x20] =	vst v55  }
0x170: {  	v49 =	vmul.f32 v23, v2;
	v62 =	vmul.f32 v36, v10;
	v43 =	vpop (erf);
	[tilespmem:s2+$0x30] =	vst v41  }
0x171: {  	v53 =	vsub.f32 $0.0e+00, v18;
	v56 =	vmul.f32 v23, v1;
	v4 =	vadd.f32 v4, v20;
	v45 =	vpop (erf);
	[tilespmem:s30+$0x30] =	vst v3  }
0x172: {  	v11 =	vsub.f32 $0.0e+00, v11;
	v52 =	vmul.f32 v60, v2;
	[tilespmem:s30+$0x20] =	vst v62;
	v48 =	vmul.f32 v45, v16  }
0x173: {  	v54 =	vmul.f32 v60, v1;
	v47 =	vpop (erf);
	[tilespmem:s28+$0xFFFFFFF0] =	vst v4;
	v4 =	vmul.f32 v43, v53  }
0x174: {  	v50 =	vmul.f32 v63, v44;
	v11 =	vmul.f32 v47, v11;
	[tilespmem:s2+$0x0] =	vst v48  }
0x175: {  	v12 =	vmul.f32 v63, v12;
	v58 =	vmul.f32 v36, v56;
	[tilespmem:s2+$0xFFFFFFD0] =	vst v4  }
0x176: {  	v57 =	vmul.f32 v43, v46;
	v3 =	vmul.f32 v43, v25;
	[tilespmem:s2+$0x10] =	vst v11  }
0x177: {  	v5 =	vadd.f32 v50, v5;
	v59 =	vmul.f32 v45, v54;
	v8 =	vmul.f32 v47, v8;
	[tilespmem:s30+$0xFFFFFFC0] =	vst v12  }
0x178: {  	v60 =	vadd.f32 v58, v6;
	v61 =	vmul.f32 v39, v49;
	v13 =	vmul.f32 v45, v13;
	[tilespmem:s30+$0xFFFFFFD0] =	vst v3  }
0x179: {  	v5 =	vadd.f32 v5, v57;
	v9 =	vmul.f32 v47, v52;
	v7 =	vadd.f32 v59, v7;
	[tilespmem:s30+$0x10] =	vst v8  }
0x17a: {  	v3 =	vadd.f32 v60, v61;
	[tilespmem:s30+$0x0] =	vst v13  }
0x17b: {  	[tilespmem:s28+$0xFFFFFFE0] =	vst v5;
	v63 =	vadd.f32 v7, v9  }
0x17c: {  	[tilespmem:s28+$0x10] =	vst v3  }
0x17d: {  	s13 =	sadd.s32 $0x7, s26;
	s29 =	sadd.s32 $0x5400, s16;
	s30 =	sshll.u32 s26, $0x8;
	[tilespmem:s28+$0x0] =	vst v63  }
0x17e: {  	[spmem:s3] =	stream.indirect.scatter.add.f32 [tilespmem:s29], [sflag:s13], $0x20, s30, s24, $0xb8;
	[tilespmem:$0x1E420] =	vst v63  }
0x17f: {  	s17 =	sadd.s32 $0x9, s26;
	s31 =	sadd.s32 $0x9400, s16;
	s14 =	sor.u32 $0x200, s30  }
0x180: {  	[spmem:s4] =	stream.indirect.scatter.add.f32 [tilespmem:s31], [sflag:s17], $0x20, s14, s24, $0xb8;
	[tilespmem:$0x1E420] =	vst v63  }
0x181: {  	s21 =	sadd.s32 $0x6400, s16;
	p2 =	sne.s32 s22, s9;
	s28 =	sor.u32 $0x80, s30  }
0x182: {  	[spmem:s3] =	stream.indirect.scatter.add.f32 [tilespmem:s21], [sflag:s13], $0x20, s28, s24, $0xb8;
	[tilespmem:$0x1E420] =	vst v63  }
.Ltmp3:
0x183: {  	s2 =	sor.u32 $0x280, s30;
	s30 =	sadd.s32 s10, s20;
	(pc) =	sbr.rel @p2 .LBB2_4-.Ltmp3, $4  }
0x184: {  	p1 =	por !p1, !p1;
	s29 =	sadd.s32 $0xA400, s16;
	s1 =	sshll.u32 s30, $0xC  }
0x185: {  	[spmem:s4] =	stream.indirect.scatter.add.f32 [tilespmem:s29], [sflag:s17], $0x20, s2, s24, $0xb8;
	[tilespmem:$0x1E420] =	vst v63  }
0x186: {  	s20 =	smov.u32 s22;
	s31 =	sadd.s32 $0xB, s26;
	s1 =	sadd.s32 s12, s1  }
0x187: {  	[hbm4b:s1+s25] =	stream.strided.scatter [tilespmem:s5], [sflag:s31], $0x1000, s24, s25, $0x38;
	[tilespmem:$0x1E420] =	vst v63  }
0x188: {  	s1 =	simm.s32 $0x7  }
0x189: {  	_ =	swait.ge [sflag:s1], $0x1000  }
0x18a: {  	[sflag:s1] =	ssyncset.done $0x0  }
0x18b: {  	[sflag:s1] =	ssyncadd.s32 $0xFFFFF000  }
0x18c: {  	_ =	swait.ge [sflag:s15], $0x1000  }
0x18d: {  	[sflag:s15] =	ssyncset.done $0x0  }
0x18e: {  	[sflag:s15] =	ssyncadd.s32 $0xFFFFF000  }
0x18f: {  	_ =	swait.ge [sflag:s1], $0x1000  }
0x190: {  	[sflag:s1] =	ssyncset.done $0x0  }
0x191: {  	[sflag:s1] =	ssyncadd.s32 $0xFFFFF000  }
0x192: {  	_ =	swait.ge [sflag:s15], $0x1000  }
0x193: {  	[sflag:s15] =	ssyncset.done $0x0  }
0x194: {  	s22 =	simm.s32 $0xB;
	[sflag:s15] =	ssyncadd.s32 $0xFFFFF000  }
0x195: {  	_ =	swait.ge [sflag:s22], $0x1000  }
0x196: {  	[sflag:s22] =	ssyncset.done $0x0  }
0x197: {  	[sflag:s22] =	ssyncadd.s32 $0xFFFFF000  }
0x198: {  	_ =	swait.ge [sflag:s18], $0x1000  }
0x199: {  	[sflag:s18] =	ssyncset.done $0x0  }
0x19a: {  	[sflag:s18] =	ssyncadd.s32 $0xFFFFF000  }
0x19b: {  	_ =	swait.ge [sflag:s19], $0x1000  }
0x19c: {  	[sflag:s19] =	ssyncset.done $0x0  }
0x19d: {  	[sflag:s19] =	ssyncadd.s32 $0xFFFFF000  }
0x19e: {  	_ =	swait.ge [sflag:s18], $0x1000  }
0x19f: {  	[sflag:s18] =	ssyncset.done $0x0  }
0x1a0: {  	[sflag:s18] =	ssyncadd.s32 $0xFFFFF000  }
0x1a1: {  	_ =	swait.ge [sflag:s19], $0x1000  }
0x1a2: {  	[sflag:s19] =	ssyncset.done $0x0  }
0x1a3: {  	s26 =	simm.s32 $0xC;
	[sflag:s19] =	ssyncadd.s32 $0xFFFFF000  }
0x1a4: {  	_ =	swait.ge [sflag:s26], $0x1000  }
0x1a5: {  	[sflag:s26] =	ssyncset.done $0x0  }
0x1a6: {  	[sflag:s26] =	ssyncadd.s32 $0xFFFFF000  }
0x1a7: {  	s28 =	stileid.u32;
	[bflag:$0x0] =	sbarrier.arrive $0xFFFF  }
0x1a8: {  	s1 =	sshll.u32 s28, $0x6;
	s17 =	rddreg [dreg:$0x9]  }
0x1a9: {  	s1 =	sor.u32 $0x1C0D, s1;
	s5 =	rddreg [dreg:$0x11];
	s2 =	sshrl.u32 s17, $0x3  }
0x1aa: {  	[hbm:s5], [sflag:s1] =	dma.local [spmem:s2], $0xA00  }
0x1ab: {  	_ =	swait.ge [sflag:s23], $0xA00  }
0x1ac: {  	[sflag:s23] =	ssyncset.done $0x0;
	s20 =	rddreg [dreg:$0xb]  }
0x1ad: {  	s30 =	rddreg [dreg:$0x14];
	[sflag:s23] =	ssyncadd.s32 $0xFFFFF600;
	s29 =	sshrl.u32 s20, $0x3  }
0x1ae: {  	[hbm:s30], [sflag:s1] =	dma.local [spmem:s29], $0xA00  }
0x1af: {  	_ =	swait.ge [sflag:s23], $0xA00  }
0x1b0: {  	s6 =	sadd.s32 $0x1, s6;
	s31 =	rddreg [dreg:$0x15]  }
0x1b1: {  	p1 =	sne.s32 s6, s31  }
.Ltmp4:
0x1b2: {  	_ = 	snop;
	(pc) =	sbr.rel @p1 .LBB2_1-.Ltmp4, $3  }
0x1b3: {  	_ =	sdelay $0x1  }
0x1b4: {  	[sflag:s23] =	ssyncset.done $0x0  }
0x1b5: {  	[sflag:s23] =	ssyncadd.s32 $0xFFFFF600  }
0x1b6: {  	_ =	sfence.sel $0x180000  }
0x1b7: {  	[bflag:$0x0] =	sbarrier.arrive $0xFFFF  }
0x1b8: {  	_ =	strace $0x90000047  }
0x1b9: {  	[bflag:$0x2] =	sbarrier.arrive $0xFFFF  }
0x1ba: {  	s0 =	rddreg [dreg:$0x8]  }
0x1bb: {  	s0 =	sadd.s32 @!p0 $0x100000, s0  }
0x1bc: {  	[sflag:s0] =	ssyncadd.tile.s32 @!p0 $0x1;
	_ =	shalt  }
.Lfunc_end2:
_tile_overlayer_lowered:
.L_overlay_start_2:
0x1bd: {  	(tag) =	ssettag $0x2  }
0x1be: {  	s0 =	rddreg [dreg:$0x0];
	s2 =	stileid.u32  }
0x1bf: {  	s1 =	rddreg [dreg:$0x1];
	p0 =	sne.s32 s2, $0x0  }
0x1c0: {  	s3 =	rddreg [dreg:$0x2];
	[bflag:$0x3] =	sbarrier.arrive $0xFFFF;
	s2 =	simm.s32 @!p0 $0x1C0D  }
0x1c1: {  	[timem:s3], [sflag:s2] =	dma.local @!p0 [hbm:s0], s1  }
0x1c2: {  	s0 =	simm.s32 @!p0 $0xD  }
0x1c3: {  	_ =	swait.ge @!p0 [sflag:s0], s1  }
0x1c4: {  	s1 =	ssub.s32 @!p0 $0x0, s1;
	[sflag:s0] =	ssyncset.done @!p0 $0x0  }
0x1c5: {  	[sflag:s0] =	ssyncadd.s32 @!p0 s1  }
0x1c6: {  	[bflag:$0x3] =	sbarrier.arrive $0xFFFF  }
0x1c7: {  	_ =	shalt  }

</sc_bundles>
